<compile_context>
chip_gen: v7x
topology: tpu7x:2x2x1
jax: 0.10.2.dev20260603
libtpu: 0.0.44.dev20260713+nightly
codegen_flags: <defaults>
</compile_context>

<pallas_src>
import jax
import jax.numpy as jnp
from jax import lax
from jax.experimental import pallas as pl
from jax.experimental.pallas import tpu as pltpu
from jax.experimental.pallas import tpu_sc as plsc

B, C, H, W = 4, 96, 96 * 4, 96 * 4
HW = H * W
NC, NS, L = 2, 16, 16
NW = NC * NS
ROWS_PER_W = (B * H) // NW
CH = 96
NCHUNK = W // CH
NQ = ROWS_PER_W * NCHUNK
NG = CH // L
NB = 4
CW = C // 2


def _sc_warp_kernel(table_hbm, trf_hbm, out_hbm,
                    flow_v, ibuf, wbuf, vbuf, obuf, gsem, osem, fsem):
  wid = lax.axis_index("s") * NC + lax.axis_index("c")
  b = wid // (NW // B)
  i_base = lax.rem(wid, NW // B) * ROWS_PER_W
  tb = b * HW

  iota = lax.iota(jnp.int32, L)
  iota_f = iota.astype(jnp.float32)

  def flow_off(k, z):
    return pl.multiple_of((b * 2 * H + z * H + (i_base + k)) * W, W)

  def fire_flow_prefetch(k):
    par = lax.rem(k, 2)
    pltpu.async_copy(trf_hbm.at[pl.ds(flow_off(k, 0), W)],
                     flow_v.at[par, 0], fsem)
    pltpu.async_copy(trf_hbm.at[pl.ds(flow_off(k, 1), W)],
                     flow_v.at[par, 1], fsem)

  def wait_flow_prefetch(k):
    par = lax.rem(k, 2)
    pltpu.make_async_copy(trf_hbm.at[pl.ds(flow_off(k, 0), W)],
                          flow_v.at[par, 0], fsem).wait()
    pltpu.make_async_copy(trf_hbm.at[pl.ds(flow_off(k, 1), W)],
                          flow_v.at[par, 1], fsem).wait()

  def compute_chunk(k, t, bufi):
    par = lax.rem(k, 2)
    i_f = (i_base + k).astype(jnp.float32)
    for g in range(NG):
      sl = pl.ds(g * L, L)
      jpos = t * CH + g * L
      fi = flow_v[par, 0, pl.ds(jpos, L)]
      fj = flow_v[par, 1, pl.ds(jpos, L)]
      loc_i = jnp.clip(i_f + fi, 0.0, float(H - 1))
      loc_j = jnp.clip(jpos.astype(jnp.float32) + iota_f + fj,
                       0.0, float(W - 1))
      i0 = jnp.minimum(loc_i.astype(jnp.int32), H - 2)
      j0 = jnp.minimum(loc_j.astype(jnp.int32), W - 2)
      wi = loc_i - i0.astype(jnp.float32)
      wj = loc_j - j0.astype(jnp.float32)
      base_idx = tb + i0 * W + j0
      ibuf[bufi, 0, sl] = base_idx
      ibuf[bufi, 1, sl] = base_idx + 1
      ibuf[bufi, 2, sl] = base_idx + W
      ibuf[bufi, 3, sl] = base_idx + (W + 1)
      wbuf[bufi, 0, sl] = (1.0 - wi) * (1.0 - wj)
      wbuf[bufi, 1, sl] = (1.0 - wi) * wj
      wbuf[bufi, 2, sl] = wi * (1.0 - wj)
      wbuf[bufi, 3, sl] = wi * wj

  def fire_gathers(bufi):
    for n in range(4):
      pltpu.async_copy(table_hbm.at[ibuf.at[bufi, n]], vbuf.at[bufi, n], gsem)

  def wait_gathers(bufi):
    for n in range(4):
      pltpu.make_async_copy(table_hbm.at[ibuf.at[bufi, n]],
                            vbuf.at[bufi, n], gsem).wait()

  def combine(bufi, obi):
    def group_body(g, _):
      base = g * L
      w00v = wbuf[bufi, 0, pl.ds(base, L)]
      w01v = wbuf[bufi, 1, pl.ds(base, L)]
      w10v = wbuf[bufi, 2, pl.ds(base, L)]
      w11v = wbuf[bufi, 3, pl.ds(base, L)]

      def lane_body(l, _):
        lsplat = jnp.full((L,), l, jnp.int32)
        w00 = jnp.take_along_axis(w00v, lsplat, axis=0,
                                  mode="promise_in_bounds")
        w01 = jnp.take_along_axis(w01v, lsplat, axis=0,
                                  mode="promise_in_bounds")
        w10 = jnp.take_along_axis(w10v, lsplat, axis=0,
                                  mode="promise_in_bounds")
        w11 = jnp.take_along_axis(w11v, lsplat, axis=0,
                                  mode="promise_in_bounds")
        p = base + l
        for cg in range(CW // L):
          sl = pl.ds(cg * L, L)
          acc_lo = jnp.zeros((L,), jnp.float32)
          acc_hi = jnp.zeros((L,), jnp.float32)
          for n, wn in ((0, w00), (1, w01), (2, w10), (3, w11)):
            wv = vbuf[bufi, n, p, sl]
            lo = lax.bitcast_convert_type(wv << 16, jnp.float32)
            hi = lax.bitcast_convert_type(
                wv & jnp.uint32(0xFFFF0000), jnp.float32)
            acc_lo = acc_lo + wn * lo
            acc_hi = acc_hi + wn * hi
          obuf[obi, p, sl] = acc_lo
          obuf[obi, p, pl.ds(CW + cg * L, L)] = acc_hi
        return 0

      lax.fori_loop(0, L, lane_body, 0, unroll=4)
      return 0

    lax.fori_loop(0, NG, group_body, 0)

  def out_slice(k, t):
    gbase = pl.multiple_of(tb + (i_base + k) * W + t * CH, CH)
    return out_hbm.at[pl.ds(gbase, CH)]

  def fire_write(k, t, obi):
    pltpu.async_copy(obuf.at[obi], out_slice(k, t), osem)

  def wait_write(k, t, obi):
    pltpu.make_async_copy(obuf.at[obi], out_slice(k, t), osem).wait()

  zero = jnp.int32(0)
  one = jnp.int32(1)
  pltpu.sync_copy(trf_hbm.at[pl.ds(flow_off(zero, 0), W)], flow_v.at[0, 0])
  pltpu.sync_copy(trf_hbm.at[pl.ds(flow_off(zero, 1), W)], flow_v.at[0, 1])
  compute_chunk(zero, zero, zero)
  fire_gathers(zero)
  fire_flow_prefetch(one)
  compute_chunk(zero, one, one)
  fire_gathers(one)

  def q_body(q, _):
    buf = lax.rem(q, NB)
    nq2 = q + 2
    nk2 = nq2 // NCHUNK
    nt2 = lax.rem(nq2, NCHUNK)
    k = q // NCHUNK
    t = lax.rem(q, NCHUNK)

    @pl.when(nq2 < NQ)
    def _stage_next():
      @pl.when(nt2 == 0)
      def _flow_ready():
        wait_flow_prefetch(nk2)

      nbuf = lax.rem(nq2, NB)
      compute_chunk(nk2, nt2, nbuf)
      fire_gathers(nbuf)

      @pl.when(jnp.logical_and(nt2 == 0, nk2 + 1 < ROWS_PER_W))
      def _flow_next():
        fire_flow_prefetch(nk2 + 1)

    wait_gathers(buf)
    combine(buf, lax.rem(q, 2))

    @pl.when(q >= 1)
    def _drain_prev_write():
      wait_write((q - 1) // NCHUNK, lax.rem(q - 1, NCHUNK),
                 lax.rem(q - 1, 2))

    fire_write(k, t, lax.rem(q, 2))
    return 0

  lax.fori_loop(0, NQ, q_body, 0)
  wait_write(jnp.int32(ROWS_PER_W - 1), jnp.int32(NCHUNK - 1),
             jnp.int32((NQ - 1) % 2))


@jax.jit
def kernel(vol, trf):
  lo = lax.bitcast_convert_type(
      vol[:, :CW].astype(jnp.bfloat16), jnp.uint16).astype(jnp.uint32)
  hi = lax.bitcast_convert_type(
      vol[:, CW:].astype(jnp.bfloat16), jnp.uint16).astype(jnp.uint32)
  packed = lo | (hi << 16)
  table = jnp.transpose(packed, (0, 2, 3, 1)).reshape(B * HW, CW)
  trf_flat = trf.reshape(B * 2 * H * W)

  mesh = plsc.VectorSubcoreMesh(core_axis_name="c", subcore_axis_name="s",
                                num_cores=NC, num_subcores=NS)
  f = pl.kernel(
      _sc_warp_kernel,
      out_type=jax.ShapeDtypeStruct((B * HW, C), jnp.float32),
      mesh=mesh,
      scratch_types=[
          pltpu.VMEM((2, 2, W), jnp.float32),
          pltpu.VMEM((NB, 4, CH), jnp.int32),
          pltpu.VMEM((NB, 4, CH), jnp.float32),
          pltpu.VMEM((NB, 4, CH, CW), jnp.uint32),
          pltpu.VMEM((2, CH, C), jnp.float32),
          pltpu.SemaphoreType.DMA,
          pltpu.SemaphoreType.DMA,
          pltpu.SemaphoreType.DMA,
      ],
      compiler_params=pltpu.CompilerParams(use_tc_tiling_on_sc=False),
  )
  out = f(table, trf_flat)
  return out.reshape(B, H, W, C)

# --- scband reference (transcript-rebuilt; emitter-appended) ---
"""Pipeline reference for scband-spatial-transformer-73727408603156 (READ-ONLY COPY).

The authoritative reference and input builder live on the scoring server;
editing this copy changes nothing except your own understanding.
"""

import jax, jax.numpy as jnp
import numpy as np


def setup_inputs(seed: int = 0) -> dict:
    key = jax.random.key(seed)
    k1, k2 = jax.random.split(key)
    vol = jax.random.normal(k1, (4, 96, 384, 384), dtype=jnp.float32)
    trf = jax.random.normal(k2, (4, 2, 384, 384), dtype=jnp.float32)
    return {"vol": vol, "trf": trf}


def _single_transform(vol, flow):
    # vol: [C, H, W] -> [H, W, C]; flow: [2, H, W] -> [H, W, 2]
    vol = jnp.transpose(vol, (1, 2, 0))
    flow = jnp.transpose(flow, (1, 2, 0))
    H, W, C = vol.shape
    gi, gj = jnp.meshgrid(jnp.arange(H, dtype=vol.dtype),
                          jnp.arange(W, dtype=vol.dtype), indexing='ij')
    # sample locations = identity grid + displacement ('ij' indexing, no swap)
    loc_i = jnp.clip(gi + flow[..., 0], 0.0, H - 1)
    loc_j = jnp.clip(gj + flow[..., 1], 0.0, W - 1)
    i0f = jnp.clip(jnp.floor(loc_i), 0.0, H - 2)
    j0f = jnp.clip(jnp.floor(loc_j), 0.0, W - 2)
    wi = (loc_i - i0f)[..., None]
    wj = (loc_j - j0f)[..., None]
    i0 = i0f.astype(jnp.int32)
    j0 = j0f.astype(jnp.int32)
    i1 = i0 + 1
    j1 = j0 + 1
    vol_flat = vol.reshape(H * W, C)

    def gather(ii, jj):
        return jnp.take(vol_flat, (ii * W + jj).reshape(-1), axis=0).reshape(H, W, C)

    v00 = gather(i0, j0)
    v01 = gather(i0, j1)
    v10 = gather(i1, j0)
    v11 = gather(i1, j1)
    out = (v00 * (1.0 - wi) * (1.0 - wj)
           + v01 * (1.0 - wi) * wj
           + v10 * wi * (1.0 - wj)
           + v11 * wi * wj)
    return out


def reference(vol, trf):
    # batched: vol [B, C, H, W], trf [B, 2, H, W] -> [B, H, W, C]
    return jax.vmap(_single_transform)(vol, trf)

if __name__ == "__main__":
    import jax
    _d = setup_inputs()
    print(jax.jit(kernel)(*tuple(_d.values())))

</pallas_src>

<mosaic_0001>
#map = affine_map<(d0, d1) -> (0, 0)>
#map1 = affine_map<(d0, d1) -> (0)>
module attributes {stable_mosaic.version = 14 : i64} {
  func.func @_sc_warp_kernel(%arg0: i32, %arg1: i32, %arg2: memref<589824x48xi32, #tpu.memory_space<hbm>>, %arg3: memref<1179648xf32, #tpu.memory_space<hbm>>, %arg4: memref<589824x96xf32, #tpu.memory_space<hbm>>, %arg5: memref<2x2x384xf32, #tpu.memory_space<vmem>>, %arg6: memref<4x4x96xi32, #tpu.memory_space<vmem>>, %arg7: memref<4x4x96xf32, #tpu.memory_space<vmem>>, %arg8: memref<4x4x96x48xi32, #tpu.memory_space<vmem>>, %arg9: memref<2x96x96xf32, #tpu.memory_space<vmem>>, %arg10: memref<!tpu.dma_semaphore, #tpu.memory_space<semaphore_mem>>, %arg11: memref<!tpu.dma_semaphore, #tpu.memory_space<semaphore_mem>>, %arg12: memref<!tpu.dma_semaphore, #tpu.memory_space<semaphore_mem>>) attributes {dimension_semantics = [#tpu.dimension_semantics<core_parallel>, #tpu.dimension_semantics<subcore_parallel>], iteration_bounds = array<i64: 2, 16>, scalar_prefetch = 0 : i64, scratch_operands = 8 : i64, tpu.core_type = #tpu.core_type<sc_vector_subcore>, window_params = [{transform_indices = #map}, {transform_indices = #map1}, {transform_indices = #map}]} {
    %mul3A = arith.constant 2 : i32
    %mul3A_0 = arith.muli %arg1, %mul3A : i32
    %add3A = arith.addi %mul3A_0, %arg0 : i32
    %jit3A = arith.constant 8 : i32
    %div3A = arith.divsi %add3A, %jit3A : i32
    %sign3A = arith.constant 0 : i32
    %sign3A_1 = arith.cmpi sgt, %add3A, %sign3A : i32
    %sign3A_2 = arith.extui %sign3A_1 : i1 to i32
    %sign3A_3 = arith.constant 0 : i32
    %sign3A_4 = arith.cmpi slt, %add3A, %sign3A_3 : i32
    %sign3A_5 = arith.extui %sign3A_4 : i1 to i32
    %sign3A_6 = arith.subi %sign3A_2, %sign3A_5 : i32
    %sign3A_7 = arith.constant 0 : i32
    %sign3A_8 = arith.cmpi sgt, %jit3A, %sign3A_7 : i32
    %sign3A_9 = arith.extui %sign3A_8 : i1 to i32
    %sign3A_10 = arith.constant 0 : i32
    %sign3A_11 = arith.cmpi slt, %jit3A, %sign3A_10 : i32
    %sign3A_12 = arith.extui %sign3A_11 : i1 to i32
    %sign3A_13 = arith.subi %sign3A_9, %sign3A_12 : i32
    %ne3A = arith.cmpi ne, %sign3A_6, %sign3A_13 : i32
    %rem3A = arith.remsi %add3A, %jit3A : i32
    %ne3A_14 = arith.constant 0 : i32
    %ne3A_15 = arith.cmpi ne, %rem3A, %ne3A_14 : i32
    %and3A = arith.andi %ne3A, %ne3A_15 : i1
    %sub3A = arith.constant 1 : i32
    %sub3A_16 = arith.subi %div3A, %sub3A : i32
    %select_n3A = arith.select %and3A, %sub3A_16, %div3A : i32
    %rem3A_17 = arith.constant 8 : i32
    %rem3A_18 = arith.remsi %add3A, %rem3A_17 : i32
    %mul3A_19 = arith.constant 48 : i32
    %mul3A_20 = arith.muli %rem3A_18, %mul3A_19 : i32
    %mul3A_21 = arith.constant 147456 : i32
    %mul3A_22 = arith.muli %select_n3A, %mul3A_21 : i32
    %iota3A = tpu.iota {dimensions = array<i32: 0>} : vector<16xi32>
    %convert_element_type3A = arith.sitofp %iota3A : vector<16xi32> to vector<16xf32>
    %mul3A_23 = arith.constant 2 : i32
    %mul3A_24 = arith.muli %select_n3A, %mul3A_23 : i32
    %mul3A_25 = arith.constant 384 : i32
    %mul3A_26 = arith.muli %mul3A_24, %mul3A_25 : i32
    %add3A_27 = arith.constant 0 : i32
    %add3A_28 = arith.addi %mul3A_26, %add3A_27 : i32
    %add3A_29 = arith.constant 0 : i32
    %add3A_30 = arith.addi %mul3A_20, %add3A_29 : i32
    %add3A_31 = arith.addi %add3A_28, %add3A_30 : i32
    %mul3A_32 = arith.constant 384 : i32
    %mul3A_33 = arith.muli %add3A_31, %mul3A_32 : i32
    %multiple_of3A = tpu.assume_multiple %mul3A_33, 384 : i32
    %run_scoped3A = arith.constant 0 : i32
    %run_scoped3A_34 = arith.constant 0 : i32
    "tpu.region"() ({
      %run_scoped3A_1945 = tpu.sem_alloc : memref<!tpu.dma_semaphore, #tpu.memory_space<semaphore_mem>>
      %dma_start3A_1946 = arith.constant 0 : i32
      %dma_start3A_1947 = tpu.memref_slice %arg5[%run_scoped3A, %run_scoped3A_34, %dma_start3A_1946] : memref<2x2x384xf32, #tpu.memory_space<vmem>> -> memref<1x1x384xf32, #tpu.memory_space<vmem>>
      %dma_start3A_1948 = tpu.memref_squeeze %dma_start3A_1947 : memref<1x1x384xf32, #tpu.memory_space<vmem>> -> memref<384xf32, #tpu.memory_space<vmem>>
      %dma_start3A_1949 = tpu.memref_slice %arg3[%multiple_of3A] : memref<1179648xf32, #tpu.memory_space<hbm>> -> memref<384xf32, #tpu.memory_space<hbm>>
      %dma_start3A_1950 = arith.constant 0 : i32
      %dma_start3A_1951 = tpu.memref_slice %arg5[%run_scoped3A, %run_scoped3A_34, %dma_start3A_1950] : memref<2x2x384xf32, #tpu.memory_space<vmem>> -> memref<1x1x384xf32, #tpu.memory_space<vmem>>
      %dma_start3A_1952 = tpu.memref_squeeze %dma_start3A_1951 : memref<1x1x384xf32, #tpu.memory_space<vmem>> -> memref<384xf32, #tpu.memory_space<vmem>>
      %dma_start3A_1953 = tpu.memref_slice %arg3[%multiple_of3A] : memref<1179648xf32, #tpu.memory_space<hbm>> -> memref<384xf32, #tpu.memory_space<hbm>>
      tpu.enqueue_dma source(%dma_start3A_1953 : memref<384xf32, #tpu.memory_space<hbm>>) target(%dma_start3A_1952 : memref<384xf32, #tpu.memory_space<vmem>>) target_semaphore(%run_scoped3A_1945 : memref<!tpu.dma_semaphore, #tpu.memory_space<semaphore_mem>>)
      %dma_wait3A_1954 = arith.constant 0 : i32
      %dma_wait3A_1955 = tpu.memref_slice %arg5[%run_scoped3A, %run_scoped3A_34, %dma_wait3A_1954] : memref<2x2x384xf32, #tpu.memory_space<vmem>> -> memref<1x1x384xf32, #tpu.memory_space<vmem>>
      %dma_wait3A_1956 = tpu.memref_squeeze %dma_wait3A_1955 : memref<1x1x384xf32, #tpu.memory_space<vmem>> -> memref<384xf32, #tpu.memory_space<vmem>>
      %dma_wait3A_1957 = tpu.memref_slice %arg3[%multiple_of3A] : memref<1179648xf32, #tpu.memory_space<hbm>> -> memref<384xf32, #tpu.memory_space<hbm>>
      %dma_wait3A_1958 = arith.constant 0 : i32
      %dma_wait3A_1959 = tpu.memref_slice %arg5[%run_scoped3A, %run_scoped3A_34, %dma_wait3A_1958] : memref<2x2x384xf32, #tpu.memory_space<vmem>> -> memref<1x1x384xf32, #tpu.memory_space<vmem>>
      %dma_wait3A_1960 = tpu.memref_squeeze %dma_wait3A_1959 : memref<1x1x384xf32, #tpu.memory_space<vmem>> -> memref<384xf32, #tpu.memory_space<vmem>>
      %dma_wait3A_1961 = tpu.memref_slice %arg3[%multiple_of3A] : memref<1179648xf32, #tpu.memory_space<hbm>> -> memref<384xf32, #tpu.memory_space<hbm>>
      tpu.wait_dma2 semaphore(%run_scoped3A_1945 : memref<!tpu.dma_semaphore, #tpu.memory_space<semaphore_mem>>) src(%dma_wait3A_1961 : memref<384xf32, #tpu.memory_space<hbm>>) dst(%dma_wait3A_1960 : memref<384xf32, #tpu.memory_space<vmem>>)
      tpu.yield
    }) : () -> ()
    %mul3A_35 = arith.constant 2 : i32
    %mul3A_36 = arith.muli %select_n3A, %mul3A_35 : i32
    %mul3A_37 = arith.constant 384 : i32
    %mul3A_38 = arith.muli %mul3A_36, %mul3A_37 : i32
    %add3A_39 = arith.constant 384 : i32
    %add3A_40 = arith.addi %mul3A_38, %add3A_39 : i32
    %add3A_41 = arith.constant 0 : i32
    %add3A_42 = arith.addi %mul3A_20, %add3A_41 : i32
    %add3A_43 = arith.addi %add3A_40, %add3A_42 : i32
    %mul3A_44 = arith.constant 384 : i32
    %mul3A_45 = arith.muli %add3A_43, %mul3A_44 : i32
    %multiple_of3A_46 = tpu.assume_multiple %mul3A_45, 384 : i32
    %run_scoped3A_47 = arith.constant 0 : i32
    %run_scoped3A_48 = arith.constant 1 : i32
    "tpu.region"() ({
      %run_scoped3A_1945 = tpu.sem_alloc : memref<!tpu.dma_semaphore, #tpu.memory_space<semaphore_mem>>
      %dma_start3A_1946 = arith.constant 0 : i32
      %dma_start3A_1947 = tpu.memref_slice %arg5[%run_scoped3A_47, %run_scoped3A_48, %dma_start3A_1946] : memref<2x2x384xf32, #tpu.memory_space<vmem>> -> memref<1x1x384xf32, #tpu.memory_space<vmem>>
      %dma_start3A_1948 = tpu.memref_squeeze %dma_start3A_1947 : memref<1x1x384xf32, #tpu.memory_space<vmem>> -> memref<384xf32, #tpu.memory_space<vmem>>
      %dma_start3A_1949 = tpu.memref_slice %arg3[%multiple_of3A_46] : memref<1179648xf32, #tpu.memory_space<hbm>> -> memref<384xf32, #tpu.memory_space<hbm>>
      %dma_start3A_1950 = arith.constant 0 : i32
      %dma_start3A_1951 = tpu.memref_slice %arg5[%run_scoped3A_47, %run_scoped3A_48, %dma_start3A_1950] : memref<2x2x384xf32, #tpu.memory_space<vmem>> -> memref<1x1x384xf32, #tpu.memory_space<vmem>>
      %dma_start3A_1952 = tpu.memref_squeeze %dma_start3A_1951 : memref<1x1x384xf32, #tpu.memory_space<vmem>> -> memref<384xf32, #tpu.memory_space<vmem>>
      %dma_start3A_1953 = tpu.memref_slice %arg3[%multiple_of3A_46] : memref<1179648xf32, #tpu.memory_space<hbm>> -> memref<384xf32, #tpu.memory_space<hbm>>
      tpu.enqueue_dma source(%dma_start3A_1953 : memref<384xf32, #tpu.memory_space<hbm>>) target(%dma_start3A_1952 : memref<384xf32, #tpu.memory_space<vmem>>) target_semaphore(%run_scoped3A_1945 : memref<!tpu.dma_semaphore, #tpu.memory_space<semaphore_mem>>)
      %dma_wait3A_1954 = arith.constant 0 : i32
      %dma_wait3A_1955 = tpu.memref_slice %arg5[%run_scoped3A_47, %run_scoped3A_48, %dma_wait3A_1954] : memref<2x2x384xf32, #tpu.memory_space<vmem>> -> memref<1x1x384xf32, #tpu.memory_space<vmem>>
      %dma_wait3A_1956 = tpu.memref_squeeze %dma_wait3A_1955 : memref<1x1x384xf32, #tpu.memory_space<vmem>> -> memref<384xf32, #tpu.memory_space<vmem>>
      %dma_wait3A_1957 = tpu.memref_slice %arg3[%multiple_of3A_46] : memref<1179648xf32, #tpu.memory_space<hbm>> -> memref<384xf32, #tpu.memory_space<hbm>>
      %dma_wait3A_1958 = arith.constant 0 : i32
      %dma_wait3A_1959 = tpu.memref_slice %arg5[%run_scoped3A_47, %run_scoped3A_48, %dma_wait3A_1958] : memref<2x2x384xf32, #tpu.memory_space<vmem>> -> memref<1x1x384xf32, #tpu.memory_space<vmem>>
      %dma_wait3A_1960 = tpu.memref_squeeze %dma_wait3A_1959 : memref<1x1x384xf32, #tpu.memory_space<vmem>> -> memref<384xf32, #tpu.memory_space<vmem>>
      %dma_wait3A_1961 = tpu.memref_slice %arg3[%multiple_of3A_46] : memref<1179648xf32, #tpu.memory_space<hbm>> -> memref<384xf32, #tpu.memory_space<hbm>>
      tpu.wait_dma2 semaphore(%run_scoped3A_1945 : memref<!tpu.dma_semaphore, #tpu.memory_space<semaphore_mem>>) src(%dma_wait3A_1961 : memref<384xf32, #tpu.memory_space<hbm>>) dst(%dma_wait3A_1960 : memref<384xf32, #tpu.memory_space<vmem>>)
      tpu.yield
    }) : () -> ()
    %rem3A_49 = arith.constant 0 : i32
    %rem3A_50 = arith.constant 2 : i32
    %rem3A_51 = arith.remsi %rem3A_49, %rem3A_50 : i32
    %add3A_52 = arith.constant 0 : i32
    %add3A_53 = arith.addi %mul3A_20, %add3A_52 : i32
    %convert_element_type3A_54 = arith.sitofp %add3A_53 : i32 to f32
    %mul3A_55 = arith.constant 0 : i32
    %mul3A_56 = arith.constant 96 : i32
    %mul3A_57 = arith.muli %mul3A_55, %mul3A_56 : i32
    %add3A_58 = arith.constant 0 : i32
    %add3A_59 = arith.addi %mul3A_57, %add3A_58 : i32
    %get3A = arith.constant 0 : i32
    %get3A_60 = arith.index_cast %rem3A_51 : i32 to index
    %get3A_61 = arith.index_cast %get3A : i32 to index
    %get3A_62 = arith.index_cast %add3A_59 : i32 to index
    %get3A_63 = tpu.vector_load %arg5[%get3A_60, %get3A_61, %get3A_62] {strides = array<i32>} : memref<2x2x384xf32, #tpu.memory_space<vmem>>, vector<1x1x16xf32>,
    %get3A_64 = vector.shape_cast %get3A_63 : vector<1x1x16xf32> to vector<16xf32>
    %get3A_65 = arith.constant 1 : i32
    %get3A_66 = arith.index_cast %rem3A_51 : i32 to index
    %get3A_67 = arith.index_cast %get3A_65 : i32 to index
    %get3A_68 = arith.index_cast %add3A_59 : i32 to index
    %get3A_69 = tpu.vector_load %arg5[%get3A_66, %get3A_67, %get3A_68] {strides = array<i32>} : memref<2x2x384xf32, #tpu.memory_space<vmem>>, vector<1x1x16xf32>,
    %get3A_70 = vector.shape_cast %get3A_69 : vector<1x1x16xf32> to vector<16xf32>
    %add3A_71 = vector.broadcast %convert_element_type3A_54 : f32 to vector<16xf32>
    %add3A_72 = arith.addf %add3A_71, %get3A_64 : vector<16xf32>
    %jit3A_73 = arith.constant 0.000000e+00 : f32
    %jit3A_74 = arith.constant 3.830000e+02 : f32
    %max3A = vector.broadcast %jit3A_73 : f32 to vector<16xf32>
    %max3A_75 = arith.maximumf %max3A, %add3A_72 : vector<16xf32>
    %min3A = vector.broadcast %jit3A_74 : f32 to vector<16xf32>
    %min3A_76 = arith.minimumf %min3A, %max3A_75 : vector<16xf32>
    %convert_element_type3A_77 = arith.sitofp %add3A_59 : i32 to f32
    %add3A_78 = vector.broadcast %convert_element_type3A_77 : f32 to vector<16xf32>
    %add3A_79 = arith.addf %add3A_78, %convert_element_type3A : vector<16xf32>
    %add3A_80 = arith.addf %add3A_79, %get3A_70 : vector<16xf32>
    %jit3A_81 = arith.constant 0.000000e+00 : f32
    %jit3A_82 = arith.constant 3.830000e+02 : f32
    %max3A_83 = vector.broadcast %jit3A_81 : f32 to vector<16xf32>
    %max3A_84 = arith.maximumf %max3A_83, %add3A_80 : vector<16xf32>
    %min3A_85 = vector.broadcast %jit3A_82 : f32 to vector<16xf32>
    %min3A_86 = arith.minimumf %min3A_85, %max3A_84 : vector<16xf32>
    %convert_element_type3A_87 = arith.fptosi %min3A_76 : vector<16xf32> to vector<16xi32>
    %min3A_88 = arith.constant 382 : i32
    %min3A_89 = vector.broadcast %min3A_88 : i32 to vector<16xi32>
    %min3A_90 = arith.minsi %convert_element_type3A_87, %min3A_89 : vector<16xi32>
    %convert_element_type3A_91 = arith.fptosi %min3A_86 : vector<16xf32> to vector<16xi32>
    %min3A_92 = arith.constant 382 : i32
    %min3A_93 = vector.broadcast %min3A_92 : i32 to vector<16xi32>
    %min3A_94 = arith.minsi %convert_element_type3A_91, %min3A_93 : vector<16xi32>
    %convert_element_type3A_95 = arith.sitofp %min3A_90 : vector<16xi32> to vector<16xf32>
    %sub3A_96 = arith.subf %min3A_76, %convert_element_type3A_95 : vector<16xf32>
    %convert_element_type3A_97 = arith.sitofp %min3A_94 : vector<16xi32> to vector<16xf32>
    %sub3A_98 = arith.subf %min3A_86, %convert_element_type3A_97 : vector<16xf32>
    %mul3A_99 = arith.constant 384 : i32
    %mul3A_100 = vector.broadcast %mul3A_99 : i32 to vector<16xi32>
    %mul3A_101 = arith.muli %min3A_90, %mul3A_100 : vector<16xi32>
    %add3A_102 = vector.broadcast %mul3A_22 : i32 to vector<16xi32>
    %add3A_103 = arith.addi %add3A_102, %mul3A_101 : vector<16xi32>
    %add3A_104 = arith.addi %add3A_103, %min3A_94 : vector<16xi32>
    %swap3A = arith.constant 0 : i32
    %swap3A_105 = arith.constant 0 : i32
    %swap3A_106 = arith.index_cast %swap3A : i32 to index
    %swap3A_107 = arith.index_cast %swap3A_105 : i32 to index
    %swap3A_108 = arith.constant 0 : index
    %swap3A_109 = tpu.vector_load %arg6[%swap3A_106, %swap3A_107, %swap3A_108] {strides = array<i32>} : memref<4x4x96xi32, #tpu.memory_space<vmem>>, vector<1x1x16xi32>,
    %swap3A_110 = vector.shape_cast %swap3A_109 : vector<1x1x16xi32> to vector<16xi32>
    %swap3A_111 = vector.shape_cast %add3A_104 : vector<16xi32> to vector<1x1x16xi32>
    tpu.vector_store %arg6[%swap3A_106, %swap3A_107, %swap3A_108], %swap3A_111 {strides = array<i32>} : memref<4x4x96xi32, #tpu.memory_space<vmem>>, vector<1x1x16xi32>,
    %add3A_112 = arith.constant 1 : i32
    %add3A_113 = vector.broadcast %add3A_112 : i32 to vector<16xi32>
    %add3A_114 = arith.addi %add3A_104, %add3A_113 : vector<16xi32>
    %swap3A_115 = arith.constant 0 : i32
    %swap3A_116 = arith.constant 1 : i32
    %swap3A_117 = arith.index_cast %swap3A_115 : i32 to index
    %swap3A_118 = arith.index_cast %swap3A_116 : i32 to index
    %swap3A_119 = arith.constant 0 : index
    %swap3A_120 = tpu.vector_load %arg6[%swap3A_117, %swap3A_118, %swap3A_119] {strides = array<i32>} : memref<4x4x96xi32, #tpu.memory_space<vmem>>, vector<1x1x16xi32>,
    %swap3A_121 = vector.shape_cast %swap3A_120 : vector<1x1x16xi32> to vector<16xi32>
    %swap3A_122 = vector.shape_cast %add3A_114 : vector<16xi32> to vector<1x1x16xi32>
    tpu.vector_store %arg6[%swap3A_117, %swap3A_118, %swap3A_119], %swap3A_122 {strides = array<i32>} : memref<4x4x96xi32, #tpu.memory_space<vmem>>, vector<1x1x16xi32>,
    %add3A_123 = arith.constant 384 : i32
    %add3A_124 = vector.broadcast %add3A_123 : i32 to vector<16xi32>
    %add3A_125 = arith.addi %add3A_104, %add3A_124 : vector<16xi32>
    %swap3A_126 = arith.constant 0 : i32
    %swap3A_127 = arith.constant 2 : i32
    %swap3A_128 = arith.index_cast %swap3A_126 : i32 to index
    %swap3A_129 = arith.index_cast %swap3A_127 : i32 to index
    %swap3A_130 = arith.constant 0 : index
    %swap3A_131 = tpu.vector_load %arg6[%swap3A_128, %swap3A_129, %swap3A_130] {strides = array<i32>} : memref<4x4x96xi32, #tpu.memory_space<vmem>>, vector<1x1x16xi32>,
    %swap3A_132 = vector.shape_cast %swap3A_131 : vector<1x1x16xi32> to vector<16xi32>
    %swap3A_133 = vector.shape_cast %add3A_125 : vector<16xi32> to vector<1x1x16xi32>
    tpu.vector_store %arg6[%swap3A_128, %swap3A_129, %swap3A_130], %swap3A_133 {strides = array<i32>} : memref<4x4x96xi32, #tpu.memory_space<vmem>>, vector<1x1x16xi32>,
    %add3A_134 = arith.constant 385 : i32
    %add3A_135 = vector.broadcast %add3A_134 : i32 to vector<16xi32>
    %add3A_136 = arith.addi %add3A_104, %add3A_135 : vector<16xi32>
    %swap3A_137 = arith.constant 0 : i32
    %swap3A_138 = arith.constant 3 : i32
    %swap3A_139 = arith.index_cast %swap3A_137 : i32 to index
    %swap3A_140 = arith.index_cast %swap3A_138 : i32 to index
    %swap3A_141 = arith.constant 0 : index
    %swap3A_142 = tpu.vector_load %arg6[%swap3A_139, %swap3A_140, %swap3A_141] {strides = array<i32>} : memref<4x4x96xi32, #tpu.memory_space<vmem>>, vector<1x1x16xi32>,
    %swap3A_143 = vector.shape_cast %swap3A_142 : vector<1x1x16xi32> to vector<16xi32>
    %swap3A_144 = vector.shape_cast %add3A_136 : vector<16xi32> to vector<1x1x16xi32>
    tpu.vector_store %arg6[%swap3A_139, %swap3A_140, %swap3A_141], %swap3A_144 {strides = array<i32>} : memref<4x4x96xi32, #tpu.memory_space<vmem>>, vector<1x1x16xi32>,
    %sub3A_145 = arith.constant 1.000000e+00 : f32
    %sub3A_146 = vector.broadcast %sub3A_145 : f32 to vector<16xf32>
    %sub3A_147 = arith.subf %sub3A_146, %sub3A_96 : vector<16xf32>
    %sub3A_148 = arith.constant 1.000000e+00 : f32
    %sub3A_149 = vector.broadcast %sub3A_148 : f32 to vector<16xf32>
    %sub3A_150 = arith.subf %sub3A_149, %sub3A_98 : vector<16xf32>
    %mul3A_151 = arith.mulf %sub3A_147, %sub3A_150 : vector<16xf32>
    %swap3A_152 = arith.constant 0 : i32
    %swap3A_153 = arith.constant 0 : i32
    %swap3A_154 = arith.index_cast %swap3A_152 : i32 to index
    %swap3A_155 = arith.index_cast %swap3A_153 : i32 to index
    %swap3A_156 = arith.constant 0 : index
    %swap3A_157 = tpu.vector_load %arg7[%swap3A_154, %swap3A_155, %swap3A_156] {strides = array<i32>} : memref<4x4x96xf32, #tpu.memory_space<vmem>>, vector<1x1x16xf32>,
    %swap3A_158 = vector.shape_cast %swap3A_157 : vector<1x1x16xf32> to vector<16xf32>
    %swap3A_159 = vector.shape_cast %mul3A_151 : vector<16xf32> to vector<1x1x16xf32>
    tpu.vector_store %arg7[%swap3A_154, %swap3A_155, %swap3A_156], %swap3A_159 {strides = array<i32>} : memref<4x4x96xf32, #tpu.memory_space<vmem>>, vector<1x1x16xf32>,
    %sub3A_160 = arith.constant 1.000000e+00 : f32
    %sub3A_161 = vector.broadcast %sub3A_160 : f32 to vector<16xf32>
    %sub3A_162 = arith.subf %sub3A_161, %sub3A_96 : vector<16xf32>
    %mul3A_163 = arith.mulf %sub3A_162, %sub3A_98 : vector<16xf32>
    %swap3A_164 = arith.constant 0 : i32
    %swap3A_165 = arith.constant 1 : i32
    %swap3A_166 = arith.index_cast %swap3A_164 : i32 to index
    %swap3A_167 = arith.index_cast %swap3A_165 : i32 to index
    %swap3A_168 = arith.constant 0 : index
    %swap3A_169 = tpu.vector_load %arg7[%swap3A_166, %swap3A_167, %swap3A_168] {strides = array<i32>} : memref<4x4x96xf32, #tpu.memory_space<vmem>>, vector<1x1x16xf32>,
    %swap3A_170 = vector.shape_cast %swap3A_169 : vector<1x1x16xf32> to vector<16xf32>
    %swap3A_171 = vector.shape_cast %mul3A_163 : vector<16xf32> to vector<1x1x16xf32>
    tpu.vector_store %arg7[%swap3A_166, %swap3A_167, %swap3A_168], %swap3A_171 {strides = array<i32>} : memref<4x4x96xf32, #tpu.memory_space<vmem>>, vector<1x1x16xf32>,
    %sub3A_172 = arith.constant 1.000000e+00 : f32
    %sub3A_173 = vector.broadcast %sub3A_172 : f32 to vector<16xf32>
    %sub3A_174 = arith.subf %sub3A_173, %sub3A_98 : vector<16xf32>
    %mul3A_175 = arith.mulf %sub3A_96, %sub3A_174 : vector<16xf32>
    %swap3A_176 = arith.constant 0 : i32
    %swap3A_177 = arith.constant 2 : i32
    %swap3A_178 = arith.index_cast %swap3A_176 : i32 to index
    %swap3A_179 = arith.index_cast %swap3A_177 : i32 to index
    %swap3A_180 = arith.constant 0 : index
    %swap3A_181 = tpu.vector_load %arg7[%swap3A_178, %swap3A_179, %swap3A_180] {strides = array<i32>} : memref<4x4x96xf32, #tpu.memory_space<vmem>>, vector<1x1x16xf32>,
    %swap3A_182 = vector.shape_cast %swap3A_181 : vector<1x1x16xf32> to vector<16xf32>
    %swap3A_183 = vector.shape_cast %mul3A_175 : vector<16xf32> to vector<1x1x16xf32>
    tpu.vector_store %arg7[%swap3A_178, %swap3A_179, %swap3A_180], %swap3A_183 {strides = array<i32>} : memref<4x4x96xf32, #tpu.memory_space<vmem>>, vector<1x1x16xf32>,
    %mul3A_184 = arith.mulf %sub3A_96, %sub3A_98 : vector<16xf32>
    %swap3A_185 = arith.constant 0 : i32
    %swap3A_186 = arith.constant 3 : i32
    %swap3A_187 = arith.index_cast %swap3A_185 : i32 to index
    %swap3A_188 = arith.index_cast %swap3A_186 : i32 to index
    %swap3A_189 = arith.constant 0 : index
    %swap3A_190 = tpu.vector_load %arg7[%swap3A_187, %swap3A_188, %swap3A_189] {strides = array<i32>} : memref<4x4x96xf32, #tpu.memory_space<vmem>>, vector<1x1x16xf32>,
    %swap3A_191 = vector.shape_cast %swap3A_190 : vector<1x1x16xf32> to vector<16xf32>
    %swap3A_192 = vector.shape_cast %mul3A_184 : vector<16xf32> to vector<1x1x16xf32>
    tpu.vector_store %arg7[%swap3A_187, %swap3A_188, %swap3A_189], %swap3A_192 {strides = array<i32>} : memref<4x4x96xf32, #tpu.memory_space<vmem>>, vector<1x1x16xf32>,
    %mul3A_193 = arith.constant 0 : i32
    %mul3A_194 = arith.constant 96 : i32
    %mul3A_195 = arith.muli %mul3A_193, %mul3A_194 : i32
    %add3A_196 = arith.constant 16 : i32
    %add3A_197 = arith.addi %mul3A_195, %add3A_196 : i32
    %get3A_198 = arith.constant 0 : i32
    %get3A_199 = arith.index_cast %rem3A_51 : i32 to index
    %get3A_200 = arith.index_cast %get3A_198 : i32 to index
    %get3A_201 = arith.index_cast %add3A_197 : i32 to index
    %get3A_202 = tpu.vector_load %arg5[%get3A_199, %get3A_200, %get3A_201] {strides = array<i32>} : memref<2x2x384xf32, #tpu.memory_space<vmem>>, vector<1x1x16xf32>,
    %get3A_203 = vector.shape_cast %get3A_202 : vector<1x1x16xf32> to vector<16xf32>
    %get3A_204 = arith.constant 1 : i32
    %get3A_205 = arith.index_cast %rem3A_51 : i32 to index
    %get3A_206 = arith.index_cast %get3A_204 : i32 to index
    %get3A_207 = arith.index_cast %add3A_197 : i32 to index
    %get3A_208 = tpu.vector_load %arg5[%get3A_205, %get3A_206, %get3A_207] {strides = array<i32>} : memref<2x2x384xf32, #tpu.memory_space<vmem>>, vector<1x1x16xf32>,
    %get3A_209 = vector.shape_cast %get3A_208 : vector<1x1x16xf32> to vector<16xf32>
    %add3A_210 = vector.broadcast %convert_element_type3A_54 : f32 to vector<16xf32>
    %add3A_211 = arith.addf %add3A_210, %get3A_203 : vector<16xf32>
    %jit3A_212 = arith.constant 0.000000e+00 : f32
    %jit3A_213 = arith.constant 3.830000e+02 : f32
    %max3A_214 = vector.broadcast %jit3A_212 : f32 to vector<16xf32>
    %max3A_215 = arith.maximumf %max3A_214, %add3A_211 : vector<16xf32>
    %min3A_216 = vector.broadcast %jit3A_213 : f32 to vector<16xf32>
    %min3A_217 = arith.minimumf %min3A_216, %max3A_215 : vector<16xf32>
    %convert_element_type3A_218 = arith.sitofp %add3A_197 : i32 to f32
    %add3A_219 = vector.broadcast %convert_element_type3A_218 : f32 to vector<16xf32>
    %add3A_220 = arith.addf %add3A_219, %convert_element_type3A : vector<16xf32>
    %add3A_221 = arith.addf %add3A_220, %get3A_209 : vector<16xf32>
    %jit3A_222 = arith.constant 0.000000e+00 : f32
    %jit3A_223 = arith.constant 3.830000e+02 : f32
    %max3A_224 = vector.broadcast %jit3A_222 : f32 to vector<16xf32>
    %max3A_225 = arith.maximumf %max3A_224, %add3A_221 : vector<16xf32>
    %min3A_226 = vector.broadcast %jit3A_223 : f32 to vector<16xf32>
    %min3A_227 = arith.minimumf %min3A_226, %max3A_225 : vector<16xf32>
    %convert_element_type3A_228 = arith.fptosi %min3A_217 : vector<16xf32> to vector<16xi32>
    %min3A_229 = arith.constant 382 : i32
    %min3A_230 = vector.broadcast %min3A_229 : i32 to vector<16xi32>
    %min3A_231 = arith.minsi %convert_element_type3A_228, %min3A_230 : vector<16xi32>
    %convert_element_type3A_232 = arith.fptosi %min3A_227 : vector<16xf32> to vector<16xi32>
    %min3A_233 = arith.constant 382 : i32
    %min3A_234 = vector.broadcast %min3A_233 : i32 to vector<16xi32>
    %min3A_235 = arith.minsi %convert_element_type3A_232, %min3A_234 : vector<16xi32>
    %convert_element_type3A_236 = arith.sitofp %min3A_231 : vector<16xi32> to vector<16xf32>
    %sub3A_237 = arith.subf %min3A_217, %convert_element_type3A_236 : vector<16xf32>
    %convert_element_type3A_238 = arith.sitofp %min3A_235 : vector<16xi32> to vector<16xf32>
    %sub3A_239 = arith.subf %min3A_227, %convert_element_type3A_238 : vector<16xf32>
    %mul3A_240 = arith.constant 384 : i32
    %mul3A_241 = vector.broadcast %mul3A_240 : i32 to vector<16xi32>
    %mul3A_242 = arith.muli %min3A_231, %mul3A_241 : vector<16xi32>
    %add3A_243 = vector.broadcast %mul3A_22 : i32 to vector<16xi32>
    %add3A_244 = arith.addi %add3A_243, %mul3A_242 : vector<16xi32>
    %add3A_245 = arith.addi %add3A_244, %min3A_235 : vector<16xi32>
    %swap3A_246 = arith.constant 0 : i32
    %swap3A_247 = arith.constant 0 : i32
    %swap3A_248 = arith.index_cast %swap3A_246 : i32 to index
    %swap3A_249 = arith.index_cast %swap3A_247 : i32 to index
    %swap3A_250 = arith.constant 16 : index
    %swap3A_251 = tpu.vector_load %arg6[%swap3A_248, %swap3A_249, %swap3A_250] {strides = array<i32>} : memref<4x4x96xi32, #tpu.memory_space<vmem>>, vector<1x1x16xi32>,
    %swap3A_252 = vector.shape_cast %swap3A_251 : vector<1x1x16xi32> to vector<16xi32>
    %swap3A_253 = vector.shape_cast %add3A_245 : vector<16xi32> to vector<1x1x16xi32>
    tpu.vector_store %arg6[%swap3A_248, %swap3A_249, %swap3A_250], %swap3A_253 {strides = array<i32>} : memref<4x4x96xi32, #tpu.memory_space<vmem>>, vector<1x1x16xi32>,
    %add3A_254 = arith.constant 1 : i32
    %add3A_255 = vector.broadcast %add3A_254 : i32 to vector<16xi32>
    %add3A_256 = arith.addi %add3A_245, %add3A_255 : vector<16xi32>
    %swap3A_257 = arith.constant 0 : i32
    %swap3A_258 = arith.constant 1 : i32
    %swap3A_259 = arith.index_cast %swap3A_257 : i32 to index
    %swap3A_260 = arith.index_cast %swap3A_258 : i32 to index
    %swap3A_261 = arith.constant 16 : index
    %swap3A_262 = tpu.vector_load %arg6[%swap3A_259, %swap3A_260, %swap3A_261] {strides = array<i32>} : memref<4x4x96xi32, #tpu.memory_space<vmem>>, vector<1x1x16xi32>,
    %swap3A_263 = vector.shape_cast %swap3A_262 : vector<1x1x16xi32> to vector<16xi32>
    %swap3A_264 = vector.shape_cast %add3A_256 : vector<16xi32> to vector<1x1x16xi32>
    tpu.vector_store %arg6[%swap3A_259, %swap3A_260, %swap3A_261], %swap3A_264 {strides = array<i32>} : memref<4x4x96xi32, #tpu.memory_space<vmem>>, vector<1x1x16xi32>,
    %add3A_265 = arith.constant 384 : i32
    %add3A_266 = vector.broadcast %add3A_265 : i32 to vector<16xi32>
    %add3A_267 = arith.addi %add3A_245, %add3A_266 : vector<16xi32>
    %swap3A_268 = arith.constant 0 : i32
    %swap3A_269 = arith.constant 2 : i32
    %swap3A_270 = arith.index_cast %swap3A_268 : i32 to index
    %swap3A_271 = arith.index_cast %swap3A_269 : i32 to index
    %swap3A_272 = arith.constant 16 : index
    %swap3A_273 = tpu.vector_load %arg6[%swap3A_270, %swap3A_271, %swap3A_272] {strides = array<i32>} : memref<4x4x96xi32, #tpu.memory_space<vmem>>, vector<1x1x16xi32>,
    %swap3A_274 = vector.shape_cast %swap3A_273 : vector<1x1x16xi32> to vector<16xi32>
    %swap3A_275 = vector.shape_cast %add3A_267 : vector<16xi32> to vector<1x1x16xi32>
    tpu.vector_store %arg6[%swap3A_270, %swap3A_271, %swap3A_272], %swap3A_275 {strides = array<i32>} : memref<4x4x96xi32, #tpu.memory_space<vmem>>, vector<1x1x16xi32>,
    %add3A_276 = arith.constant 385 : i32
    %add3A_277 = vector.broadcast %add3A_276 : i32 to vector<16xi32>
    %add3A_278 = arith.addi %add3A_245, %add3A_277 : vector<16xi32>
    %swap3A_279 = arith.constant 0 : i32
    %swap3A_280 = arith.constant 3 : i32
    %swap3A_281 = arith.index_cast %swap3A_279 : i32 to index
    %swap3A_282 = arith.index_cast %swap3A_280 : i32 to index
    %swap3A_283 = arith.constant 16 : index
    %swap3A_284 = tpu.vector_load %arg6[%swap3A_281, %swap3A_282, %swap3A_283] {strides = array<i32>} : memref<4x4x96xi32, #tpu.memory_space<vmem>>, vector<1x1x16xi32>,
    %swap3A_285 = vector.shape_cast %swap3A_284 : vector<1x1x16xi32> to vector<16xi32>
    %swap3A_286 = vector.shape_cast %add3A_278 : vector<16xi32> to vector<1x1x16xi32>
    tpu.vector_store %arg6[%swap3A_281, %swap3A_282, %swap3A_283], %swap3A_286 {strides = array<i32>} : memref<4x4x96xi32, #tpu.memory_space<vmem>>, vector<1x1x16xi32>,
    %sub3A_287 = arith.constant 1.000000e+00 : f32
    %sub3A_288 = vector.broadcast %sub3A_287 : f32 to vector<16xf32>
    %sub3A_289 = arith.subf %sub3A_288, %sub3A_237 : vector<16xf32>
    %sub3A_290 = arith.constant 1.000000e+00 : f32
    %sub3A_291 = vector.broadcast %sub3A_290 : f32 to vector<16xf32>
    %sub3A_292 = arith.subf %sub3A_291, %sub3A_239 : vector<16xf32>
    %mul3A_293 = arith.mulf %sub3A_289, %sub3A_292 : vector<16xf32>
    %swap3A_294 = arith.constant 0 : i32
    %swap3A_295 = arith.constant 0 : i32
    %swap3A_296 = arith.index_cast %swap3A_294 : i32 to index
    %swap3A_297 = arith.index_cast %swap3A_295 : i32 to index
    %swap3A_298 = arith.constant 16 : index
    %swap3A_299 = tpu.vector_load %arg7[%swap3A_296, %swap3A_297, %swap3A_298] {strides = array<i32>} : memref<4x4x96xf32, #tpu.memory_space<vmem>>, vector<1x1x16xf32>,
    %swap3A_300 = vector.shape_cast %swap3A_299 : vector<1x1x16xf32> to vector<16xf32>
    %swap3A_301 = vector.shape_cast %mul3A_293 : vector<16xf32> to vector<1x1x16xf32>
    tpu.vector_store %arg7[%swap3A_296, %swap3A_297, %swap3A_298], %swap3A_301 {strides = array<i32>} : memref<4x4x96xf32, #tpu.memory_space<vmem>>, vector<1x1x16xf32>,
    %sub3A_302 = arith.constant 1.000000e+00 : f32
    %sub3A_303 = vector.broadcast %sub3A_302 : f32 to vector<16xf32>
    %sub3A_304 = arith.subf %sub3A_303, %sub3A_237 : vector<16xf32>
    %mul3A_305 = arith.mulf %sub3A_304, %sub3A_239 : vector<16xf32>
    %swap3A_306 = arith.constant 0 : i32
    %swap3A_307 = arith.constant 1 : i32
    %swap3A_308 = arith.index_cast %swap3A_306 : i32 to index
    %swap3A_309 = arith.index_cast %swap3A_307 : i32 to index
    %swap3A_310 = arith.constant 16 : index
    %swap3A_311 = tpu.vector_load %arg7[%swap3A_308, %swap3A_309, %swap3A_310] {strides = array<i32>} : memref<4x4x96xf32, #tpu.memory_space<vmem>>, vector<1x1x16xf32>,
    %swap3A_312 = vector.shape_cast %swap3A_311 : vector<1x1x16xf32> to vector<16xf32>
    %swap3A_313 = vector.shape_cast %mul3A_305 : vector<16xf32> to vector<1x1x16xf32>
    tpu.vector_store %arg7[%swap3A_308, %swap3A_309, %swap3A_310], %swap3A_313 {strides = array<i32>} : memref<4x4x96xf32, #tpu.memory_space<vmem>>, vector<1x1x16xf32>,
    %sub3A_314 = arith.constant 1.000000e+00 : f32
    %sub3A_315 = vector.broadcast %sub3A_314 : f32 to vector<16xf32>
    %sub3A_316 = arith.subf %sub3A_315, %sub3A_239 : vector<16xf32>
    %mul3A_317 = arith.mulf %sub3A_237, %sub3A_316 : vector<16xf32>
    %swap3A_318 = arith.constant 0 : i32
    %swap3A_319 = arith.constant 2 : i32
    %swap3A_320 = arith.index_cast %swap3A_318 : i32 to index
    %swap3A_321 = arith.index_cast %swap3A_319 : i32 to index
    %swap3A_322 = arith.constant 16 : index
    %swap3A_323 = tpu.vector_load %arg7[%swap3A_320, %swap3A_321, %swap3A_322] {strides = array<i32>} : memref<4x4x96xf32, #tpu.memory_space<vmem>>, vector<1x1x16xf32>,
    %swap3A_324 = vector.shape_cast %swap3A_323 : vector<1x1x16xf32> to vector<16xf32>
    %swap3A_325 = vector.shape_cast %mul3A_317 : vector<16xf32> to vector<1x1x16xf32>
    tpu.vector_store %arg7[%swap3A_320, %swap3A_321, %swap3A_322], %swap3A_325 {strides = array<i32>} : memref<4x4x96xf32, #tpu.memory_space<vmem>>, vector<1x1x16xf32>,
    %mul3A_326 = arith.mulf %sub3A_237, %sub3A_239 : vector<16xf32>
    %swap3A_327 = arith.constant 0 : i32
    %swap3A_328 = arith.constant 3 : i32
    %swap3A_329 = arith.index_cast %swap3A_327 : i32 to index
    %swap3A_330 = arith.index_cast %swap3A_328 : i32 to index
    %swap3A_331 = arith.constant 16 : index
    %swap3A_332 = tpu.vector_load %arg7[%swap3A_329, %swap3A_330, %swap3A_331] {strides = array<i32>} : memref<4x4x96xf32, #tpu.memory_space<vmem>>, vector<1x1x16xf32>,
    %swap3A_333 = vector.shape_cast %swap3A_332 : vector<1x1x16xf32> to vector<16xf32>
    %swap3A_334 = vector.shape_cast %mul3A_326 : vector<16xf32> to vector<1x1x16xf32>
    tpu.vector_store %arg7[%swap3A_329, %swap3A_330, %swap3A_331], %swap3A_334 {strides = array<i32>} : memref<4x4x96xf32, #tpu.memory_space<vmem>>, vector<1x1x16xf32>,
    %mul3A_335 = arith.constant 0 : i32
    %mul3A_336 = arith.constant 96 : i32
    %mul3A_337 = arith.muli %mul3A_335, %mul3A_336 : i32
    %add3A_338 = arith.constant 32 : i32
    %add3A_339 = arith.addi %mul3A_337, %add3A_338 : i32
    %get3A_340 = arith.constant 0 : i32
    %get3A_341 = arith.index_cast %rem3A_51 : i32 to index
    %get3A_342 = arith.index_cast %get3A_340 : i32 to index
    %get3A_343 = arith.index_cast %add3A_339 : i32 to index
    %get3A_344 = tpu.vector_load %arg5[%get3A_341, %get3A_342, %get3A_343] {strides = array<i32>} : memref<2x2x384xf32, #tpu.memory_space<vmem>>, vector<1x1x16xf32>,
    %get3A_345 = vector.shape_cast %get3A_344 : vector<1x1x16xf32> to vector<16xf32>
    %get3A_346 = arith.constant 1 : i32
    %get3A_347 = arith.index_cast %rem3A_51 : i32 to index
    %get3A_348 = arith.index_cast %get3A_346 : i32 to index
    %get3A_349 = arith.index_cast %add3A_339 : i32 to index
    %get3A_350 = tpu.vector_load %arg5[%get3A_347, %get3A_348, %get3A_349] {strides = array<i32>} : memref<2x2x384xf32, #tpu.memory_space<vmem>>, vector<1x1x16xf32>,
    %get3A_351 = vector.shape_cast %get3A_350 : vector<1x1x16xf32> to vector<16xf32>
    %add3A_352 = vector.broadcast %convert_element_type3A_54 : f32 to vector<16xf32>
    %add3A_353 = arith.addf %add3A_352, %get3A_345 : vector<16xf32>
    %jit3A_354 = arith.constant 0.000000e+00 : f32
    %jit3A_355 = arith.constant 3.830000e+02 : f32
    %max3A_356 = vector.broadcast %jit3A_354 : f32 to vector<16xf32>
    %max3A_357 = arith.maximumf %max3A_356, %add3A_353 : vector<16xf32>
    %min3A_358 = vector.broadcast %jit3A_355 : f32 to vector<16xf32>
    %min3A_359 = arith.minimumf %min3A_358, %max3A_357 : vector<16xf32>
    %convert_element_type3A_360 = arith.sitofp %add3A_339 : i32 to f32
    %add3A_361 = vector.broadcast %convert_element_type3A_360 : f32 to vector<16xf32>
    %add3A_362 = arith.addf %add3A_361, %convert_element_type3A : vector<16xf32>
    %add3A_363 = arith.addf %add3A_362, %get3A_351 : vector<16xf32>
    %jit3A_364 = arith.constant 0.000000e+00 : f32
    %jit3A_365 = arith.constant 3.830000e+02 : f32
    %max3A_366 = vector.broadcast %jit3A_364 : f32 to vector<16xf32>
    %max3A_367 = arith.maximumf %max3A_366, %add3A_363 : vector<16xf32>
    %min3A_368 = vector.broadcast %jit3A_365 : f32 to vector<16xf32>
    %min3A_369 = arith.minimumf %min3A_368, %max3A_367 : vector<16xf32>
    %convert_element_type3A_370 = arith.fptosi %min3A_359 : vector<16xf32> to vector<16xi32>
    %min3A_371 = arith.constant 382 : i32
    %min3A_372 = vector.broadcast %min3A_371 : i32 to vector<16xi32>
    %min3A_373 = arith.minsi %convert_element_type3A_370, %min3A_372 : vector<16xi32>
    %convert_element_type3A_374 = arith.fptosi %min3A_369 : vector<16xf32> to vector<16xi32>
    %min3A_375 = arith.constant 382 : i32
    %min3A_376 = vector.broadcast %min3A_375 : i32 to vector<16xi32>
    %min3A_377 = arith.minsi %convert_element_type3A_374, %min3A_376 : vector<16xi32>
    %convert_element_type3A_378 = arith.sitofp %min3A_373 : vector<16xi32> to vector<16xf32>
    %sub3A_379 = arith.subf %min3A_359, %convert_element_type3A_378 : vector<16xf32>
    %convert_element_type3A_380 = arith.sitofp %min3A_377 : vector<16xi32> to vector<16xf32>
    %sub3A_381 = arith.subf %min3A_369, %convert_element_type3A_380 : vector<16xf32>
    %mul3A_382 = arith.constant 384 : i32
    %mul3A_383 = vector.broadcast %mul3A_382 : i32 to vector<16xi32>
    %mul3A_384 = arith.muli %min3A_373, %mul3A_383 : vector<16xi32>
    %add3A_385 = vector.broadcast %mul3A_22 : i32 to vector<16xi32>
    %add3A_386 = arith.addi %add3A_385, %mul3A_384 : vector<16xi32>
    %add3A_387 = arith.addi %add3A_386, %min3A_377 : vector<16xi32>
    %swap3A_388 = arith.constant 0 : i32
    %swap3A_389 = arith.constant 0 : i32
    %swap3A_390 = arith.index_cast %swap3A_388 : i32 to index
    %swap3A_391 = arith.index_cast %swap3A_389 : i32 to index
    %swap3A_392 = arith.constant 32 : index
    %swap3A_393 = tpu.vector_load %arg6[%swap3A_390, %swap3A_391, %swap3A_392] {strides = array<i32>} : memref<4x4x96xi32, #tpu.memory_space<vmem>>, vector<1x1x16xi32>,
    %swap3A_394 = vector.shape_cast %swap3A_393 : vector<1x1x16xi32> to vector<16xi32>
    %swap3A_395 = vector.shape_cast %add3A_387 : vector<16xi32> to vector<1x1x16xi32>
    tpu.vector_store %arg6[%swap3A_390, %swap3A_391, %swap3A_392], %swap3A_395 {strides = array<i32>} : memref<4x4x96xi32, #tpu.memory_space<vmem>>, vector<1x1x16xi32>,
    %add3A_396 = arith.constant 1 : i32
    %add3A_397 = vector.broadcast %add3A_396 : i32 to vector<16xi32>
    %add3A_398 = arith.addi %add3A_387, %add3A_397 : vector<16xi32>
    %swap3A_399 = arith.constant 0 : i32
    %swap3A_400 = arith.constant 1 : i32
    %swap3A_401 = arith.index_cast %swap3A_399 : i32 to index
    %swap3A_402 = arith.index_cast %swap3A_400 : i32 to index
    %swap3A_403 = arith.constant 32 : index
    %swap3A_404 = tpu.vector_load %arg6[%swap3A_401, %swap3A_402, %swap3A_403] {strides = array<i32>} : memref<4x4x96xi32, #tpu.memory_space<vmem>>, vector<1x1x16xi32>,
    %swap3A_405 = vector.shape_cast %swap3A_404 : vector<1x1x16xi32> to vector<16xi32>
    %swap3A_406 = vector.shape_cast %add3A_398 : vector<16xi32> to vector<1x1x16xi32>
    tpu.vector_store %arg6[%swap3A_401, %swap3A_402, %swap3A_403], %swap3A_406 {strides = array<i32>} : memref<4x4x96xi32, #tpu.memory_space<vmem>>, vector<1x1x16xi32>,
    %add3A_407 = arith.constant 384 : i32
    %add3A_408 = vector.broadcast %add3A_407 : i32 to vector<16xi32>
    %add3A_409 = arith.addi %add3A_387, %add3A_408 : vector<16xi32>
    %swap3A_410 = arith.constant 0 : i32
    %swap3A_411 = arith.constant 2 : i32
    %swap3A_412 = arith.index_cast %swap3A_410 : i32 to index
    %swap3A_413 = arith.index_cast %swap3A_411 : i32 to index
    %swap3A_414 = arith.constant 32 : index
    %swap3A_415 = tpu.vector_load %arg6[%swap3A_412, %swap3A_413, %swap3A_414] {strides = array<i32>} : memref<4x4x96xi32, #tpu.memory_space<vmem>>, vector<1x1x16xi32>,
    %swap3A_416 = vector.shape_cast %swap3A_415 : vector<1x1x16xi32> to vector<16xi32>
    %swap3A_417 = vector.shape_cast %add3A_409 : vector<16xi32> to vector<1x1x16xi32>
    tpu.vector_store %arg6[%swap3A_412, %swap3A_413, %swap3A_414], %swap3A_417 {strides = array<i32>} : memref<4x4x96xi32, #tpu.memory_space<vmem>>, vector<1x1x16xi32>,
    %add3A_418 = arith.constant 385 : i32
    %add3A_419 = vector.broadcast %add3A_418 : i32 to vector<16xi32>
    %add3A_420 = arith.addi %add3A_387, %add3A_419 : vector<16xi32>
    %swap3A_421 = arith.constant 0 : i32
    %swap3A_422 = arith.constant 3 : i32
    %swap3A_423 = arith.index_cast %swap3A_421 : i32 to index
    %swap3A_424 = arith.index_cast %swap3A_422 : i32 to index
    %swap3A_425 = arith.constant 32 : index
    %swap3A_426 = tpu.vector_load %arg6[%swap3A_423, %swap3A_424, %swap3A_425] {strides = array<i32>} : memref<4x4x96xi32, #tpu.memory_space<vmem>>, vector<1x1x16xi32>,
    %swap3A_427 = vector.shape_cast %swap3A_426 : vector<1x1x16xi32> to vector<16xi32>
    %swap3A_428 = vector.shape_cast %add3A_420 : vector<16xi32> to vector<1x1x16xi32>
    tpu.vector_store %arg6[%swap3A_423, %swap3A_424, %swap3A_425], %swap3A_428 {strides = array<i32>} : memref<4x4x96xi32, #tpu.memory_space<vmem>>, vector<1x1x16xi32>,
    %sub3A_429 = arith.constant 1.000000e+00 : f32
    %sub3A_430 = vector.broadcast %sub3A_429 : f32 to vector<16xf32>
    %sub3A_431 = arith.subf %sub3A_430, %sub3A_379 : vector<16xf32>
    %sub3A_432 = arith.constant 1.000000e+00 : f32
    %sub3A_433 = vector.broadcast %sub3A_432 : f32 to vector<16xf32>
    %sub3A_434 = arith.subf %sub3A_433, %sub3A_381 : vector<16xf32>
    %mul3A_435 = arith.mulf %sub3A_431, %sub3A_434 : vector<16xf32>
    %swap3A_436 = arith.constant 0 : i32
    %swap3A_437 = arith.constant 0 : i32
    %swap3A_438 = arith.index_cast %swap3A_436 : i32 to index
    %swap3A_439 = arith.index_cast %swap3A_437 : i32 to index
    %swap3A_440 = arith.constant 32 : index
    %swap3A_441 = tpu.vector_load %arg7[%swap3A_438, %swap3A_439, %swap3A_440] {strides = array<i32>} : memref<4x4x96xf32, #tpu.memory_space<vmem>>, vector<1x1x16xf32>,
    %swap3A_442 = vector.shape_cast %swap3A_441 : vector<1x1x16xf32> to vector<16xf32>
    %swap3A_443 = vector.shape_cast %mul3A_435 : vector<16xf32> to vector<1x1x16xf32>
    tpu.vector_store %arg7[%swap3A_438, %swap3A_439, %swap3A_440], %swap3A_443 {strides = array<i32>} : memref<4x4x96xf32, #tpu.memory_space<vmem>>, vector<1x1x16xf32>,
    %sub3A_444 = arith.constant 1.000000e+00 : f32
    %sub3A_445 = vector.broadcast %sub3A_444 : f32 to vector<16xf32>
    %sub3A_446 = arith.subf %sub3A_445, %sub3A_379 : vector<16xf32>
    %mul3A_447 = arith.mulf %sub3A_446, %sub3A_381 : vector<16xf32>
    %swap3A_448 = arith.constant 0 : i32
    %swap3A_449 = arith.constant 1 : i32
    %swap3A_450 = arith.index_cast %swap3A_448 : i32 to index
    %swap3A_451 = arith.index_cast %swap3A_449 : i32 to index
    %swap3A_452 = arith.constant 32 : index
    %swap3A_453 = tpu.vector_load %arg7[%swap3A_450, %swap3A_451, %swap3A_452] {strides = array<i32>} : memref<4x4x96xf32, #tpu.memory_space<vmem>>, vector<1x1x16xf32>,
    %swap3A_454 = vector.shape_cast %swap3A_453 : vector<1x1x16xf32> to vector<16xf32>
    %swap3A_455 = vector.shape_cast %mul3A_447 : vector<16xf32> to vector<1x1x16xf32>
    tpu.vector_store %arg7[%swap3A_450, %swap3A_451, %swap3A_452], %swap3A_455 {strides = array<i32>} : memref<4x4x96xf32, #tpu.memory_space<vmem>>, vector<1x1x16xf32>,
    %sub3A_456 = arith.constant 1.000000e+00 : f32
    %sub3A_457 = vector.broadcast %sub3A_456 : f32 to vector<16xf32>
    %sub3A_458 = arith.subf %sub3A_457, %sub3A_381 : vector<16xf32>
    %mul3A_459 = arith.mulf %sub3A_379, %sub3A_458 : vector<16xf32>
    %swap3A_460 = arith.constant 0 : i32
    %swap3A_461 = arith.constant 2 : i32
    %swap3A_462 = arith.index_cast %swap3A_460 : i32 to index
    %swap3A_463 = arith.index_cast %swap3A_461 : i32 to index
    %swap3A_464 = arith.constant 32 : index
    %swap3A_465 = tpu.vector_load %arg7[%swap3A_462, %swap3A_463, %swap3A_464] {strides = array<i32>} : memref<4x4x96xf32, #tpu.memory_space<vmem>>, vector<1x1x16xf32>,
    %swap3A_466 = vector.shape_cast %swap3A_465 : vector<1x1x16xf32> to vector<16xf32>
    %swap3A_467 = vector.shape_cast %mul3A_459 : vector<16xf32> to vector<1x1x16xf32>
    tpu.vector_store %arg7[%swap3A_462, %swap3A_463, %swap3A_464], %swap3A_467 {strides = array<i32>} : memref<4x4x96xf32, #tpu.memory_space<vmem>>, vector<1x1x16xf32>,
    %mul3A_468 = arith.mulf %sub3A_379, %sub3A_381 : vector<16xf32>
    %swap3A_469 = arith.constant 0 : i32
    %swap3A_470 = arith.constant 3 : i32
    %swap3A_471 = arith.index_cast %swap3A_469 : i32 to index
    %swap3A_472 = arith.index_cast %swap3A_470 : i32 to index
    %swap3A_473 = arith.constant 32 : index
    %swap3A_474 = tpu.vector_load %arg7[%swap3A_471, %swap3A_472, %swap3A_473] {strides = array<i32>} : memref<4x4x96xf32, #tpu.memory_space<vmem>>, vector<1x1x16xf32>,
    %swap3A_475 = vector.shape_cast %swap3A_474 : vector<1x1x16xf32> to vector<16xf32>
    %swap3A_476 = vector.shape_cast %mul3A_468 : vector<16xf32> to vector<1x1x16xf32>
    tpu.vector_store %arg7[%swap3A_471, %swap3A_472, %swap3A_473], %swap3A_476 {strides = array<i32>} : memref<4x4x96xf32, #tpu.memory_space<vmem>>, vector<1x1x16xf32>,
    %mul3A_477 = arith.constant 0 : i32
    %mul3A_478 = arith.constant 96 : i32
    %mul3A_479 = arith.muli %mul3A_477, %mul3A_478 : i32
    %add3A_480 = arith.constant 48 : i32
    %add3A_481 = arith.addi %mul3A_479, %add3A_480 : i32
    %get3A_482 = arith.constant 0 : i32
    %get3A_483 = arith.index_cast %rem3A_51 : i32 to index
    %get3A_484 = arith.index_cast %get3A_482 : i32 to index
    %get3A_485 = arith.index_cast %add3A_481 : i32 to index
    %get3A_486 = tpu.vector_load %arg5[%get3A_483, %get3A_484, %get3A_485] {strides = array<i32>} : memref<2x2x384xf32, #tpu.memory_space<vmem>>, vector<1x1x16xf32>,
    %get3A_487 = vector.shape_cast %get3A_486 : vector<1x1x16xf32> to vector<16xf32>
    %get3A_488 = arith.constant 1 : i32
    %get3A_489 = arith.index_cast %rem3A_51 : i32 to index
    %get3A_490 = arith.index_cast %get3A_488 : i32 to index
    %get3A_491 = arith.index_cast %add3A_481 : i32 to index
    %get3A_492 = tpu.vector_load %arg5[%get3A_489, %get3A_490, %get3A_491] {strides = array<i32>} : memref<2x2x384xf32, #tpu.memory_space<vmem>>, vector<1x1x16xf32>,
    %get3A_493 = vector.shape_cast %get3A_492 : vector<1x1x16xf32> to vector<16xf32>
    %add3A_494 = vector.broadcast %convert_element_type3A_54 : f32 to vector<16xf32>
    %add3A_495 = arith.addf %add3A_494, %get3A_487 : vector<16xf32>
    %jit3A_496 = arith.constant 0.000000e+00 : f32
    %jit3A_497 = arith.constant 3.830000e+02 : f32
    %max3A_498 = vector.broadcast %jit3A_496 : f32 to vector<16xf32>
    %max3A_499 = arith.maximumf %max3A_498, %add3A_495 : vector<16xf32>
    %min3A_500 = vector.broadcast %jit3A_497 : f32 to vector<16xf32>
    %min3A_501 = arith.minimumf %min3A_500, %max3A_499 : vector<16xf32>
    %convert_element_type3A_502 = arith.sitofp %add3A_481 : i32 to f32
    %add3A_503 = vector.broadcast %convert_element_type3A_502 : f32 to vector<16xf32>
    %add3A_504 = arith.addf %add3A_503, %convert_element_type3A : vector<16xf32>
    %add3A_505 = arith.addf %add3A_504, %get3A_493 : vector<16xf32>
    %jit3A_506 = arith.constant 0.000000e+00 : f32
    %jit3A_507 = arith.constant 3.830000e+02 : f32
    %max3A_508 = vector.broadcast %jit3A_506 : f32 to vector<16xf32>
    %max3A_509 = arith.maximumf %max3A_508, %add3A_505 : vector<16xf32>
    %min3A_510 = vector.broadcast %jit3A_507 : f32 to vector<16xf32>
    %min3A_511 = arith.minimumf %min3A_510, %max3A_509 : vector<16xf32>
    %convert_element_type3A_512 = arith.fptosi %min3A_501 : vector<16xf32> to vector<16xi32>
    %min3A_513 = arith.constant 382 : i32
    %min3A_514 = vector.broadcast %min3A_513 : i32 to vector<16xi32>
    %min3A_515 = arith.minsi %convert_element_type3A_512, %min3A_514 : vector<16xi32>
    %convert_element_type3A_516 = arith.fptosi %min3A_511 : vector<16xf32> to vector<16xi32>
    %min3A_517 = arith.constant 382 : i32
    %min3A_518 = vector.broadcast %min3A_517 : i32 to vector<16xi32>
    %min3A_519 = arith.minsi %convert_element_type3A_516, %min3A_518 : vector<16xi32>
    %convert_element_type3A_520 = arith.sitofp %min3A_515 : vector<16xi32> to vector<16xf32>
    %sub3A_521 = arith.subf %min3A_501, %convert_element_type3A_520 : vector<16xf32>
    %convert_element_type3A_522 = arith.sitofp %min3A_519 : vector<16xi32> to vector<16xf32>
    %sub3A_523 = arith.subf %min3A_511, %convert_element_type3A_522 : vector<16xf32>
    %mul3A_524 = arith.constant 384 : i32
    %mul3A_525 = vector.broadcast %mul3A_524 : i32 to vector<16xi32>
    %mul3A_526 = arith.muli %min3A_515, %mul3A_525 : vector<16xi32>
    %add3A_527 = vector.broadcast %mul3A_22 : i32 to vector<16xi32>
    %add3A_528 = arith.addi %add3A_527, %mul3A_526 : vector<16xi32>
    %add3A_529 = arith.addi %add3A_528, %min3A_519 : vector<16xi32>
    %swap3A_530 = arith.constant 0 : i32
    %swap3A_531 = arith.constant 0 : i32
    %swap3A_532 = arith.index_cast %swap3A_530 : i32 to index
    %swap3A_533 = arith.index_cast %swap3A_531 : i32 to index
    %swap3A_534 = arith.constant 48 : index
    %swap3A_535 = tpu.vector_load %arg6[%swap3A_532, %swap3A_533, %swap3A_534] {strides = array<i32>} : memref<4x4x96xi32, #tpu.memory_space<vmem>>, vector<1x1x16xi32>,
    %swap3A_536 = vector.shape_cast %swap3A_535 : vector<1x1x16xi32> to vector<16xi32>
    %swap3A_537 = vector.shape_cast %add3A_529 : vector<16xi32> to vector<1x1x16xi32>
    tpu.vector_store %arg6[%swap3A_532, %swap3A_533, %swap3A_534], %swap3A_537 {strides = array<i32>} : memref<4x4x96xi32, #tpu.memory_space<vmem>>, vector<1x1x16xi32>,
    %add3A_538 = arith.constant 1 : i32
    %add3A_539 = vector.broadcast %add3A_538 : i32 to vector<16xi32>
    %add3A_540 = arith.addi %add3A_529, %add3A_539 : vector<16xi32>
    %swap3A_541 = arith.constant 0 : i32
    %swap3A_542 = arith.constant 1 : i32
    %swap3A_543 = arith.index_cast %swap3A_541 : i32 to index
    %swap3A_544 = arith.index_cast %swap3A_542 : i32 to index
    %swap3A_545 = arith.constant 48 : index
    %swap3A_546 = tpu.vector_load %arg6[%swap3A_543, %swap3A_544, %swap3A_545] {strides = array<i32>} : memref<4x4x96xi32, #tpu.memory_space<vmem>>, vector<1x1x16xi32>,
    %swap3A_547 = vector.shape_cast %swap3A_546 : vector<1x1x16xi32> to vector<16xi32>
    %swap3A_548 = vector.shape_cast %add3A_540 : vector<16xi32> to vector<1x1x16xi32>
    tpu.vector_store %arg6[%swap3A_543, %swap3A_544, %swap3A_545], %swap3A_548 {strides = array<i32>} : memref<4x4x96xi32, #tpu.memory_space<vmem>>, vector<1x1x16xi32>,
    %add3A_549 = arith.constant 384 : i32
    %add3A_550 = vector.broadcast %add3A_549 : i32 to vector<16xi32>
    %add3A_551 = arith.addi %add3A_529, %add3A_550 : vector<16xi32>
    %swap3A_552 = arith.constant 0 : i32
    %swap3A_553 = arith.constant 2 : i32
    %swap3A_554 = arith.index_cast %swap3A_552 : i32 to index
    %swap3A_555 = arith.index_cast %swap3A_553 : i32 to index
    %swap3A_556 = arith.constant 48 : index
    %swap3A_557 = tpu.vector_load %arg6[%swap3A_554, %swap3A_555, %swap3A_556] {strides = array<i32>} : memref<4x4x96xi32, #tpu.memory_space<vmem>>, vector<1x1x16xi32>,
    %swap3A_558 = vector.shape_cast %swap3A_557 : vector<1x1x16xi32> to vector<16xi32>
    %swap3A_559 = vector.shape_cast %add3A_551 : vector<16xi32> to vector<1x1x16xi32>
    tpu.vector_store %arg6[%swap3A_554, %swap3A_555, %swap3A_556], %swap3A_559 {strides = array<i32>} : memref<4x4x96xi32, #tpu.memory_space<vmem>>, vector<1x1x16xi32>,
    %add3A_560 = arith.constant 385 : i32
    %add3A_561 = vector.broadcast %add3A_560 : i32 to vector<16xi32>
    %add3A_562 = arith.addi %add3A_529, %add3A_561 : vector<16xi32>
    %swap3A_563 = arith.constant 0 : i32
    %swap3A_564 = arith.constant 3 : i32
    %swap3A_565 = arith.index_cast %swap3A_563 : i32 to index
    %swap3A_566 = arith.index_cast %swap3A_564 : i32 to index
    %swap3A_567 = arith.constant 48 : index
    %swap3A_568 = tpu.vector_load %arg6[%swap3A_565, %swap3A_566, %swap3A_567] {strides = array<i32>} : memref<4x4x96xi32, #tpu.memory_space<vmem>>, vector<1x1x16xi32>,
    %swap3A_569 = vector.shape_cast %swap3A_568 : vector<1x1x16xi32> to vector<16xi32>
    %swap3A_570 = vector.shape_cast %add3A_562 : vector<16xi32> to vector<1x1x16xi32>
    tpu.vector_store %arg6[%swap3A_565, %swap3A_566, %swap3A_567], %swap3A_570 {strides = array<i32>} : memref<4x4x96xi32, #tpu.memory_space<vmem>>, vector<1x1x16xi32>,
    %sub3A_571 = arith.constant 1.000000e+00 : f32
    %sub3A_572 = vector.broadcast %sub3A_571 : f32 to vector<16xf32>
    %sub3A_573 = arith.subf %sub3A_572, %sub3A_521 : vector<16xf32>
    %sub3A_574 = arith.constant 1.000000e+00 : f32
    %sub3A_575 = vector.broadcast %sub3A_574 : f32 to vector<16xf32>
    %sub3A_576 = arith.subf %sub3A_575, %sub3A_523 : vector<16xf32>
    %mul3A_577 = arith.mulf %sub3A_573, %sub3A_576 : vector<16xf32>
    %swap3A_578 = arith.constant 0 : i32
    %swap3A_579 = arith.constant 0 : i32
    %swap3A_580 = arith.index_cast %swap3A_578 : i32 to index
    %swap3A_581 = arith.index_cast %swap3A_579 : i32 to index
    %swap3A_582 = arith.constant 48 : index
    %swap3A_583 = tpu.vector_load %arg7[%swap3A_580, %swap3A_581, %swap3A_582] {strides = array<i32>} : memref<4x4x96xf32, #tpu.memory_space<vmem>>, vector<1x1x16xf32>,
    %swap3A_584 = vector.shape_cast %swap3A_583 : vector<1x1x16xf32> to vector<16xf32>
    %swap3A_585 = vector.shape_cast %mul3A_577 : vector<16xf32> to vector<1x1x16xf32>
    tpu.vector_store %arg7[%swap3A_580, %swap3A_581, %swap3A_582], %swap3A_585 {strides = array<i32>} : memref<4x4x96xf32, #tpu.memory_space<vmem>>, vector<1x1x16xf32>,
    %sub3A_586 = arith.constant 1.000000e+00 : f32
    %sub3A_587 = vector.broadcast %sub3A_586 : f32 to vector<16xf32>
    %sub3A_588 = arith.subf %sub3A_587, %sub3A_521 : vector<16xf32>
    %mul3A_589 = arith.mulf %sub3A_588, %sub3A_523 : vector<16xf32>
    %swap3A_590 = arith.constant 0 : i32
    %swap3A_591 = arith.constant 1 : i32
    %swap3A_592 = arith.index_cast %swap3A_590 : i32 to index
    %swap3A_593 = arith.index_cast %swap3A_591 : i32 to index
    %swap3A_594 = arith.constant 48 : index
    %swap3A_595 = tpu.vector_load %arg7[%swap3A_592, %swap3A_593, %swap3A_594] {strides = array<i32>} : memref<4x4x96xf32, #tpu.memory_space<vmem>>, vector<1x1x16xf32>,
    %swap3A_596 = vector.shape_cast %swap3A_595 : vector<1x1x16xf32> to vector<16xf32>
    %swap3A_597 = vector.shape_cast %mul3A_589 : vector<16xf32> to vector<1x1x16xf32>
    tpu.vector_store %arg7[%swap3A_592, %swap3A_593, %swap3A_594], %swap3A_597 {strides = array<i32>} : memref<4x4x96xf32, #tpu.memory_space<vmem>>, vector<1x1x16xf32>,
    %sub3A_598 = arith.constant 1.000000e+00 : f32
    %sub3A_599 = vector.broadcast %sub3A_598 : f32 to vector<16xf32>
    %sub3A_600 = arith.subf %sub3A_599, %sub3A_523 : vector<16xf32>
    %mul3A_601 = arith.mulf %sub3A_521, %sub3A_600 : vector<16xf32>
    %swap3A_602 = arith.constant 0 : i32
    %swap3A_603 = arith.constant 2 : i32
    %swap3A_604 = arith.index_cast %swap3A_602 : i32 to index
    %swap3A_605 = arith.index_cast %swap3A_603 : i32 to index
    %swap3A_606 = arith.constant 48 : index
    %swap3A_607 = tpu.vector_load %arg7[%swap3A_604, %swap3A_605, %swap3A_606] {strides = array<i32>} : memref<4x4x96xf32, #tpu.memory_space<vmem>>, vector<1x1x16xf32>,
    %swap3A_608 = vector.shape_cast %swap3A_607 : vector<1x1x16xf32> to vector<16xf32>
    %swap3A_609 = vector.shape_cast %mul3A_601 : vector<16xf32> to vector<1x1x16xf32>
    tpu.vector_store %arg7[%swap3A_604, %swap3A_605, %swap3A_606], %swap3A_609 {strides = array<i32>} : memref<4x4x96xf32, #tpu.memory_space<vmem>>, vector<1x1x16xf32>,
    %mul3A_610 = arith.mulf %sub3A_521, %sub3A_523 : vector<16xf32>
    %swap3A_611 = arith.constant 0 : i32
    %swap3A_612 = arith.constant 3 : i32
    %swap3A_613 = arith.index_cast %swap3A_611 : i32 to index
    %swap3A_614 = arith.index_cast %swap3A_612 : i32 to index
    %swap3A_615 = arith.constant 48 : index
    %swap3A_616 = tpu.vector_load %arg7[%swap3A_613, %swap3A_614, %swap3A_615] {strides = array<i32>} : memref<4x4x96xf32, #tpu.memory_space<vmem>>, vector<1x1x16xf32>,
    %swap3A_617 = vector.shape_cast %swap3A_616 : vector<1x1x16xf32> to vector<16xf32>
    %swap3A_618 = vector.shape_cast %mul3A_610 : vector<16xf32> to vector<1x1x16xf32>
    tpu.vector_store %arg7[%swap3A_613, %swap3A_614, %swap3A_615], %swap3A_618 {strides = array<i32>} : memref<4x4x96xf32, #tpu.memory_space<vmem>>, vector<1x1x16xf32>,
    %mul3A_619 = arith.constant 0 : i32
    %mul3A_620 = arith.constant 96 : i32
    %mul3A_621 = arith.muli %mul3A_619, %mul3A_620 : i32
    %add3A_622 = arith.constant 64 : i32
    %add3A_623 = arith.addi %mul3A_621, %add3A_622 : i32
    %get3A_624 = arith.constant 0 : i32
    %get3A_625 = arith.index_cast %rem3A_51 : i32 to index
    %get3A_626 = arith.index_cast %get3A_624 : i32 to index
    %get3A_627 = arith.index_cast %add3A_623 : i32 to index
    %get3A_628 = tpu.vector_load %arg5[%get3A_625, %get3A_626, %get3A_627] {strides = array<i32>} : memref<2x2x384xf32, #tpu.memory_space<vmem>>, vector<1x1x16xf32>,
    %get3A_629 = vector.shape_cast %get3A_628 : vector<1x1x16xf32> to vector<16xf32>
    %get3A_630 = arith.constant 1 : i32
    %get3A_631 = arith.index_cast %rem3A_51 : i32 to index
    %get3A_632 = arith.index_cast %get3A_630 : i32 to index
    %get3A_633 = arith.index_cast %add3A_623 : i32 to index
    %get3A_634 = tpu.vector_load %arg5[%get3A_631, %get3A_632, %get3A_633] {strides = array<i32>} : memref<2x2x384xf32, #tpu.memory_space<vmem>>, vector<1x1x16xf32>,
    %get3A_635 = vector.shape_cast %get3A_634 : vector<1x1x16xf32> to vector<16xf32>
    %add3A_636 = vector.broadcast %convert_element_type3A_54 : f32 to vector<16xf32>
    %add3A_637 = arith.addf %add3A_636, %get3A_629 : vector<16xf32>
    %jit3A_638 = arith.constant 0.000000e+00 : f32
    %jit3A_639 = arith.constant 3.830000e+02 : f32
    %max3A_640 = vector.broadcast %jit3A_638 : f32 to vector<16xf32>
    %max3A_641 = arith.maximumf %max3A_640, %add3A_637 : vector<16xf32>
    %min3A_642 = vector.broadcast %jit3A_639 : f32 to vector<16xf32>
    %min3A_643 = arith.minimumf %min3A_642, %max3A_641 : vector<16xf32>
    %convert_element_type3A_644 = arith.sitofp %add3A_623 : i32 to f32
    %add3A_645 = vector.broadcast %convert_element_type3A_644 : f32 to vector<16xf32>
    %add3A_646 = arith.addf %add3A_645, %convert_element_type3A : vector<16xf32>
    %add3A_647 = arith.addf %add3A_646, %get3A_635 : vector<16xf32>
    %jit3A_648 = arith.constant 0.000000e+00 : f32
    %jit3A_649 = arith.constant 3.830000e+02 : f32
    %max3A_650 = vector.broadcast %jit3A_648 : f32 to vector<16xf32>
    %max3A_651 = arith.maximumf %max3A_650, %add3A_647 : vector<16xf32>
    %min3A_652 = vector.broadcast %jit3A_649 : f32 to vector<16xf32>
    %min3A_653 = arith.minimumf %min3A_652, %max3A_651 : vector<16xf32>
    %convert_element_type3A_654 = arith.fptosi %min3A_643 : vector<16xf32> to vector<16xi32>
    %min3A_655 = arith.constant 382 : i32
    %min3A_656 = vector.broadcast %min3A_655 : i32 to vector<16xi32>
    %min3A_657 = arith.minsi %convert_element_type3A_654, %min3A_656 : vector<16xi32>
    %convert_element_type3A_658 = arith.fptosi %min3A_653 : vector<16xf32> to vector<16xi32>
    %min3A_659 = arith.constant 382 : i32
    %min3A_660 = vector.broadcast %min3A_659 : i32 to vector<16xi32>
    %min3A_661 = arith.minsi %convert_element_type3A_658, %min3A_660 : vector<16xi32>
    %convert_element_type3A_662 = arith.sitofp %min3A_657 : vector<16xi32> to vector<16xf32>
    %sub3A_663 = arith.subf %min3A_643, %convert_element_type3A_662 : vector<16xf32>
    %convert_element_type3A_664 = arith.sitofp %min3A_661 : vector<16xi32> to vector<16xf32>
    %sub3A_665 = arith.subf %min3A_653, %convert_element_type3A_664 : vector<16xf32>
    %mul3A_666 = arith.constant 384 : i32
    %mul3A_667 = vector.broadcast %mul3A_666 : i32 to vector<16xi32>
    %mul3A_668 = arith.muli %min3A_657, %mul3A_667 : vector<16xi32>
    %add3A_669 = vector.broadcast %mul3A_22 : i32 to vector<16xi32>
    %add3A_670 = arith.addi %add3A_669, %mul3A_668 : vector<16xi32>
    %add3A_671 = arith.addi %add3A_670, %min3A_661 : vector<16xi32>
    %swap3A_672 = arith.constant 0 : i32
    %swap3A_673 = arith.constant 0 : i32
    %swap3A_674 = arith.index_cast %swap3A_672 : i32 to index
    %swap3A_675 = arith.index_cast %swap3A_673 : i32 to index
    %swap3A_676 = arith.constant 64 : index
    %swap3A_677 = tpu.vector_load %arg6[%swap3A_674, %swap3A_675, %swap3A_676] {strides = array<i32>} : memref<4x4x96xi32, #tpu.memory_space<vmem>>, vector<1x1x16xi32>,
    %swap3A_678 = vector.shape_cast %swap3A_677 : vector<1x1x16xi32> to vector<16xi32>
    %swap3A_679 = vector.shape_cast %add3A_671 : vector<16xi32> to vector<1x1x16xi32>
    tpu.vector_store %arg6[%swap3A_674, %swap3A_675, %swap3A_676], %swap3A_679 {strides = array<i32>} : memref<4x4x96xi32, #tpu.memory_space<vmem>>, vector<1x1x16xi32>,
    %add3A_680 = arith.constant 1 : i32
    %add3A_681 = vector.broadcast %add3A_680 : i32 to vector<16xi32>
    %add3A_682 = arith.addi %add3A_671, %add3A_681 : vector<16xi32>
    %swap3A_683 = arith.constant 0 : i32
    %swap3A_684 = arith.constant 1 : i32
    %swap3A_685 = arith.index_cast %swap3A_683 : i32 to index
    %swap3A_686 = arith.index_cast %swap3A_684 : i32 to index
    %swap3A_687 = arith.constant 64 : index
    %swap3A_688 = tpu.vector_load %arg6[%swap3A_685, %swap3A_686, %swap3A_687] {strides = array<i32>} : memref<4x4x96xi32, #tpu.memory_space<vmem>>, vector<1x1x16xi32>,
    %swap3A_689 = vector.shape_cast %swap3A_688 : vector<1x1x16xi32> to vector<16xi32>
    %swap3A_690 = vector.shape_cast %add3A_682 : vector<16xi32> to vector<1x1x16xi32>
    tpu.vector_store %arg6[%swap3A_685, %swap3A_686, %swap3A_687], %swap3A_690 {strides = array<i32>} : memref<4x4x96xi32, #tpu.memory_space<vmem>>, vector<1x1x16xi32>,
    %add3A_691 = arith.constant 384 : i32
    %add3A_692 = vector.broadcast %add3A_691 : i32 to vector<16xi32>
    %add3A_693 = arith.addi %add3A_671, %add3A_692 : vector<16xi32>
    %swap3A_694 = arith.constant 0 : i32
    %swap3A_695 = arith.constant 2 : i32
    %swap3A_696 = arith.index_cast %swap3A_694 : i32 to index
    %swap3A_697 = arith.index_cast %swap3A_695 : i32 to index
    %swap3A_698 = arith.constant 64 : index
    %swap3A_699 = tpu.vector_load %arg6[%swap3A_696, %swap3A_697, %swap3A_698] {strides = array<i32>} : memref<4x4x96xi32, #tpu.memory_space<vmem>>, vector<1x1x16xi32>,
    %swap3A_700 = vector.shape_cast %swap3A_699 : vector<1x1x16xi32> to vector<16xi32>
    %swap3A_701 = vector.shape_cast %add3A_693 : vector<16xi32> to vector<1x1x16xi32>
    tpu.vector_store %arg6[%swap3A_696, %swap3A_697, %swap3A_698], %swap3A_701 {strides = array<i32>} : memref<4x4x96xi32, #tpu.memory_space<vmem>>, vector<1x1x16xi32>,
    %add3A_702 = arith.constant 385 : i32
    %add3A_703 = vector.broadcast %add3A_702 : i32 to vector<16xi32>
    %add3A_704 = arith.addi %add3A_671, %add3A_703 : vector<16xi32>
    %swap3A_705 = arith.constant 0 : i32
    %swap3A_706 = arith.constant 3 : i32
    %swap3A_707 = arith.index_cast %swap3A_705 : i32 to index
    %swap3A_708 = arith.index_cast %swap3A_706 : i32 to index
    %swap3A_709 = arith.constant 64 : index
    %swap3A_710 = tpu.vector_load %arg6[%swap3A_707, %swap3A_708, %swap3A_709] {strides = array<i32>} : memref<4x4x96xi32, #tpu.memory_space<vmem>>, vector<1x1x16xi32>,
    %swap3A_711 = vector.shape_cast %swap3A_710 : vector<1x1x16xi32> to vector<16xi32>
    %swap3A_712 = vector.shape_cast %add3A_704 : vector<16xi32> to vector<1x1x16xi32>
    tpu.vector_store %arg6[%swap3A_707, %swap3A_708, %swap3A_709], %swap3A_712 {strides = array<i32>} : memref<4x4x96xi32, #tpu.memory_space<vmem>>, vector<1x1x16xi32>,
    %sub3A_713 = arith.constant 1.000000e+00 : f32
    %sub3A_714 = vector.broadcast %sub3A_713 : f32 to vector<16xf32>
    %sub3A_715 = arith.subf %sub3A_714, %sub3A_663 : vector<16xf32>
    %sub3A_716 = arith.constant 1.000000e+00 : f32
    %sub3A_717 = vector.broadcast %sub3A_716 : f32 to vector<16xf32>
    %sub3A_718 = arith.subf %sub3A_717, %sub3A_665 : vector<16xf32>
    %mul3A_719 = arith.mulf %sub3A_715, %sub3A_718 : vector<16xf32>
    %swap3A_720 = arith.constant 0 : i32
    %swap3A_721 = arith.constant 0 : i32
    %swap3A_722 = arith.index_cast %swap3A_720 : i32 to index
    %swap3A_723 = arith.index_cast %swap3A_721 : i32 to index
    %swap3A_724 = arith.constant 64 : index
    %swap3A_725 = tpu.vector_load %arg7[%swap3A_722, %swap3A_723, %swap3A_724] {strides = array<i32>} : memref<4x4x96xf32, #tpu.memory_space<vmem>>, vector<1x1x16xf32>,
    %swap3A_726 = vector.shape_cast %swap3A_725 : vector<1x1x16xf32> to vector<16xf32>
    %swap3A_727 = vector.shape_cast %mul3A_719 : vector<16xf32> to vector<1x1x16xf32>
    tpu.vector_store %arg7[%swap3A_722, %swap3A_723, %swap3A_724], %swap3A_727 {strides = array<i32>} : memref<4x4x96xf32, #tpu.memory_space<vmem>>, vector<1x1x16xf32>,
    %sub3A_728 = arith.constant 1.000000e+00 : f32
    %sub3A_729 = vector.broadcast %sub3A_728 : f32 to vector<16xf32>
    %sub3A_730 = arith.subf %sub3A_729, %sub3A_663 : vector<16xf32>
    %mul3A_731 = arith.mulf %sub3A_730, %sub3A_665 : vector<16xf32>
    %swap3A_732 = arith.constant 0 : i32
    %swap3A_733 = arith.constant 1 : i32
    %swap3A_734 = arith.index_cast %swap3A_732 : i32 to index
    %swap3A_735 = arith.index_cast %swap3A_733 : i32 to index
    %swap3A_736 = arith.constant 64 : index
    %swap3A_737 = tpu.vector_load %arg7[%swap3A_734, %swap3A_735, %swap3A_736] {strides = array<i32>} : memref<4x4x96xf32, #tpu.memory_space<vmem>>, vector<1x1x16xf32>,
    %swap3A_738 = vector.shape_cast %swap3A_737 : vector<1x1x16xf32> to vector<16xf32>
    %swap3A_739 = vector.shape_cast %mul3A_731 : vector<16xf32> to vector<1x1x16xf32>
    tpu.vector_store %arg7[%swap3A_734, %swap3A_735, %swap3A_736], %swap3A_739 {strides = array<i32>} : memref<4x4x96xf32, #tpu.memory_space<vmem>>, vector<1x1x16xf32>,
    %sub3A_740 = arith.constant 1.000000e+00 : f32
    %sub3A_741 = vector.broadcast %sub3A_740 : f32 to vector<16xf32>
    %sub3A_742 = arith.subf %sub3A_741, %sub3A_665 : vector<16xf32>
    %mul3A_743 = arith.mulf %sub3A_663, %sub3A_742 : vector<16xf32>
    %swap3A_744 = arith.constant 0 : i32
    %swap3A_745 = arith.constant 2 : i32
    %swap3A_746 = arith.index_cast %swap3A_744 : i32 to index
    %swap3A_747 = arith.index_cast %swap3A_745 : i32 to index
    %swap3A_748 = arith.constant 64 : index
    %swap3A_749 = tpu.vector_load %arg7[%swap3A_746, %swap3A_747, %swap3A_748] {strides = array<i32>} : memref<4x4x96xf32, #tpu.memory_space<vmem>>, vector<1x1x16xf32>,
    %swap3A_750 = vector.shape_cast %swap3A_749 : vector<1x1x16xf32> to vector<16xf32>
    %swap3A_751 = vector.shape_cast %mul3A_743 : vector<16xf32> to vector<1x1x16xf32>
    tpu.vector_store %arg7[%swap3A_746, %swap3A_747, %swap3A_748], %swap3A_751 {strides = array<i32>} : memref<4x4x96xf32, #tpu.memory_space<vmem>>, vector<1x1x16xf32>,
    %mul3A_752 = arith.mulf %sub3A_663, %sub3A_665 : vector<16xf32>
    %swap3A_753 = arith.constant 0 : i32
    %swap3A_754 = arith.constant 3 : i32
    %swap3A_755 = arith.index_cast %swap3A_753 : i32 to index
    %swap3A_756 = arith.index_cast %swap3A_754 : i32 to index
    %swap3A_757 = arith.constant 64 : index
    %swap3A_758 = tpu.vector_load %arg7[%swap3A_755, %swap3A_756, %swap3A_757] {strides = array<i32>} : memref<4x4x96xf32, #tpu.memory_space<vmem>>, vector<1x1x16xf32>,
    %swap3A_759 = vector.shape_cast %swap3A_758 : vector<1x1x16xf32> to vector<16xf32>
    %swap3A_760 = vector.shape_cast %mul3A_752 : vector<16xf32> to vector<1x1x16xf32>
    tpu.vector_store %arg7[%swap3A_755, %swap3A_756, %swap3A_757], %swap3A_760 {strides = array<i32>} : memref<4x4x96xf32, #tpu.memory_space<vmem>>, vector<1x1x16xf32>,
    %mul3A_761 = arith.constant 0 : i32
    %mul3A_762 = arith.constant 96 : i32
    %mul3A_763 = arith.muli %mul3A_761, %mul3A_762 : i32
    %add3A_764 = arith.constant 80 : i32
    %add3A_765 = arith.addi %mul3A_763, %add3A_764 : i32
    %get3A_766 = arith.constant 0 : i32
    %get3A_767 = arith.index_cast %rem3A_51 : i32 to index
    %get3A_768 = arith.index_cast %get3A_766 : i32 to index
    %get3A_769 = arith.index_cast %add3A_765 : i32 to index
    %get3A_770 = tpu.vector_load %arg5[%get3A_767, %get3A_768, %get3A_769] {strides = array<i32>} : memref<2x2x384xf32, #tpu.memory_space<vmem>>, vector<1x1x16xf32>,
    %get3A_771 = vector.shape_cast %get3A_770 : vector<1x1x16xf32> to vector<16xf32>
    %get3A_772 = arith.constant 1 : i32
    %get3A_773 = arith.index_cast %rem3A_51 : i32 to index
    %get3A_774 = arith.index_cast %get3A_772 : i32 to index
    %get3A_775 = arith.index_cast %add3A_765 : i32 to index
    %get3A_776 = tpu.vector_load %arg5[%get3A_773, %get3A_774, %get3A_775] {strides = array<i32>} : memref<2x2x384xf32, #tpu.memory_space<vmem>>, vector<1x1x16xf32>,
    %get3A_777 = vector.shape_cast %get3A_776 : vector<1x1x16xf32> to vector<16xf32>
    %add3A_778 = vector.broadcast %convert_element_type3A_54 : f32 to vector<16xf32>
    %add3A_779 = arith.addf %add3A_778, %get3A_771 : vector<16xf32>
    %jit3A_780 = arith.constant 0.000000e+00 : f32
    %jit3A_781 = arith.constant 3.830000e+02 : f32
    %max3A_782 = vector.broadcast %jit3A_780 : f32 to vector<16xf32>
    %max3A_783 = arith.maximumf %max3A_782, %add3A_779 : vector<16xf32>
    %min3A_784 = vector.broadcast %jit3A_781 : f32 to vector<16xf32>
    %min3A_785 = arith.minimumf %min3A_784, %max3A_783 : vector<16xf32>
    %convert_element_type3A_786 = arith.sitofp %add3A_765 : i32 to f32
    %add3A_787 = vector.broadcast %convert_element_type3A_786 : f32 to vector<16xf32>
    %add3A_788 = arith.addf %add3A_787, %convert_element_type3A : vector<16xf32>
    %add3A_789 = arith.addf %add3A_788, %get3A_777 : vector<16xf32>
    %jit3A_790 = arith.constant 0.000000e+00 : f32
    %jit3A_791 = arith.constant 3.830000e+02 : f32
    %max3A_792 = vector.broadcast %jit3A_790 : f32 to vector<16xf32>
    %max3A_793 = arith.maximumf %max3A_792, %add3A_789 : vector<16xf32>
    %min3A_794 = vector.broadcast %jit3A_791 : f32 to vector<16xf32>
    %min3A_795 = arith.minimumf %min3A_794, %max3A_793 : vector<16xf32>
    %convert_element_type3A_796 = arith.fptosi %min3A_785 : vector<16xf32> to vector<16xi32>
    %min3A_797 = arith.constant 382 : i32
    %min3A_798 = vector.broadcast %min3A_797 : i32 to vector<16xi32>
    %min3A_799 = arith.minsi %convert_element_type3A_796, %min3A_798 : vector<16xi32>
    %convert_element_type3A_800 = arith.fptosi %min3A_795 : vector<16xf32> to vector<16xi32>
    %min3A_801 = arith.constant 382 : i32
    %min3A_802 = vector.broadcast %min3A_801 : i32 to vector<16xi32>
    %min3A_803 = arith.minsi %convert_element_type3A_800, %min3A_802 : vector<16xi32>
    %convert_element_type3A_804 = arith.sitofp %min3A_799 : vector<16xi32> to vector<16xf32>
    %sub3A_805 = arith.subf %min3A_785, %convert_element_type3A_804 : vector<16xf32>
    %convert_element_type3A_806 = arith.sitofp %min3A_803 : vector<16xi32> to vector<16xf32>
    %sub3A_807 = arith.subf %min3A_795, %convert_element_type3A_806 : vector<16xf32>
    %mul3A_808 = arith.constant 384 : i32
    %mul3A_809 = vector.broadcast %mul3A_808 : i32 to vector<16xi32>
    %mul3A_810 = arith.muli %min3A_799, %mul3A_809 : vector<16xi32>
    %add3A_811 = vector.broadcast %mul3A_22 : i32 to vector<16xi32>
    %add3A_812 = arith.addi %add3A_811, %mul3A_810 : vector<16xi32>
    %add3A_813 = arith.addi %add3A_812, %min3A_803 : vector<16xi32>
    %swap3A_814 = arith.constant 0 : i32
    %swap3A_815 = arith.constant 0 : i32
    %swap3A_816 = arith.index_cast %swap3A_814 : i32 to index
    %swap3A_817 = arith.index_cast %swap3A_815 : i32 to index
    %swap3A_818 = arith.constant 80 : index
    %swap3A_819 = tpu.vector_load %arg6[%swap3A_816, %swap3A_817, %swap3A_818] {strides = array<i32>} : memref<4x4x96xi32, #tpu.memory_space<vmem>>, vector<1x1x16xi32>,
    %swap3A_820 = vector.shape_cast %swap3A_819 : vector<1x1x16xi32> to vector<16xi32>
    %swap3A_821 = vector.shape_cast %add3A_813 : vector<16xi32> to vector<1x1x16xi32>
    tpu.vector_store %arg6[%swap3A_816, %swap3A_817, %swap3A_818], %swap3A_821 {strides = array<i32>} : memref<4x4x96xi32, #tpu.memory_space<vmem>>, vector<1x1x16xi32>,
    %add3A_822 = arith.constant 1 : i32
    %add3A_823 = vector.broadcast %add3A_822 : i32 to vector<16xi32>
    %add3A_824 = arith.addi %add3A_813, %add3A_823 : vector<16xi32>
    %swap3A_825 = arith.constant 0 : i32
    %swap3A_826 = arith.constant 1 : i32
    %swap3A_827 = arith.index_cast %swap3A_825 : i32 to index
    %swap3A_828 = arith.index_cast %swap3A_826 : i32 to index
    %swap3A_829 = arith.constant 80 : index
    %swap3A_830 = tpu.vector_load %arg6[%swap3A_827, %swap3A_828, %swap3A_829] {strides = array<i32>} : memref<4x4x96xi32, #tpu.memory_space<vmem>>, vector<1x1x16xi32>,
    %swap3A_831 = vector.shape_cast %swap3A_830 : vector<1x1x16xi32> to vector<16xi32>
    %swap3A_832 = vector.shape_cast %add3A_824 : vector<16xi32> to vector<1x1x16xi32>
    tpu.vector_store %arg6[%swap3A_827, %swap3A_828, %swap3A_829], %swap3A_832 {strides = array<i32>} : memref<4x4x96xi32, #tpu.memory_space<vmem>>, vector<1x1x16xi32>,
    %add3A_833 = arith.constant 384 : i32
    %add3A_834 = vector.broadcast %add3A_833 : i32 to vector<16xi32>
    %add3A_835 = arith.addi %add3A_813, %add3A_834 : vector<16xi32>
    %swap3A_836 = arith.constant 0 : i32
    %swap3A_837 = arith.constant 2 : i32
    %swap3A_838 = arith.index_cast %swap3A_836 : i32 to index
    %swap3A_839 = arith.index_cast %swap3A_837 : i32 to index
    %swap3A_840 = arith.constant 80 : index
    %swap3A_841 = tpu.vector_load %arg6[%swap3A_838, %swap3A_839, %swap3A_840] {strides = array<i32>} : memref<4x4x96xi32, #tpu.memory_space<vmem>>, vector<1x1x16xi32>,
    %swap3A_842 = vector.shape_cast %swap3A_841 : vector<1x1x16xi32> to vector<16xi32>
    %swap3A_843 = vector.shape_cast %add3A_835 : vector<16xi32> to vector<1x1x16xi32>
    tpu.vector_store %arg6[%swap3A_838, %swap3A_839, %swap3A_840], %swap3A_843 {strides = array<i32>} : memref<4x4x96xi32, #tpu.memory_space<vmem>>, vector<1x1x16xi32>,
    %add3A_844 = arith.constant 385 : i32
    %add3A_845 = vector.broadcast %add3A_844 : i32 to vector<16xi32>
    %add3A_846 = arith.addi %add3A_813, %add3A_845 : vector<16xi32>
    %swap3A_847 = arith.constant 0 : i32
    %swap3A_848 = arith.constant 3 : i32
    %swap3A_849 = arith.index_cast %swap3A_847 : i32 to index
    %swap3A_850 = arith.index_cast %swap3A_848 : i32 to index
    %swap3A_851 = arith.constant 80 : index
    %swap3A_852 = tpu.vector_load %arg6[%swap3A_849, %swap3A_850, %swap3A_851] {strides = array<i32>} : memref<4x4x96xi32, #tpu.memory_space<vmem>>, vector<1x1x16xi32>,
    %swap3A_853 = vector.shape_cast %swap3A_852 : vector<1x1x16xi32> to vector<16xi32>
    %swap3A_854 = vector.shape_cast %add3A_846 : vector<16xi32> to vector<1x1x16xi32>
    tpu.vector_store %arg6[%swap3A_849, %swap3A_850, %swap3A_851], %swap3A_854 {strides = array<i32>} : memref<4x4x96xi32, #tpu.memory_space<vmem>>, vector<1x1x16xi32>,
    %sub3A_855 = arith.constant 1.000000e+00 : f32
    %sub3A_856 = vector.broadcast %sub3A_855 : f32 to vector<16xf32>
    %sub3A_857 = arith.subf %sub3A_856, %sub3A_805 : vector<16xf32>
    %sub3A_858 = arith.constant 1.000000e+00 : f32
    %sub3A_859 = vector.broadcast %sub3A_858 : f32 to vector<16xf32>
    %sub3A_860 = arith.subf %sub3A_859, %sub3A_807 : vector<16xf32>
    %mul3A_861 = arith.mulf %sub3A_857, %sub3A_860 : vector<16xf32>
    %swap3A_862 = arith.constant 0 : i32
    %swap3A_863 = arith.constant 0 : i32
    %swap3A_864 = arith.index_cast %swap3A_862 : i32 to index
    %swap3A_865 = arith.index_cast %swap3A_863 : i32 to index
    %swap3A_866 = arith.constant 80 : index
    %swap3A_867 = tpu.vector_load %arg7[%swap3A_864, %swap3A_865, %swap3A_866] {strides = array<i32>} : memref<4x4x96xf32, #tpu.memory_space<vmem>>, vector<1x1x16xf32>,
    %swap3A_868 = vector.shape_cast %swap3A_867 : vector<1x1x16xf32> to vector<16xf32>
    %swap3A_869 = vector.shape_cast %mul3A_861 : vector<16xf32> to vector<1x1x16xf32>
    tpu.vector_store %arg7[%swap3A_864, %swap3A_865, %swap3A_866], %swap3A_869 {strides = array<i32>} : memref<4x4x96xf32, #tpu.memory_space<vmem>>, vector<1x1x16xf32>,
    %sub3A_870 = arith.constant 1.000000e+00 : f32
    %sub3A_871 = vector.broadcast %sub3A_870 : f32 to vector<16xf32>
    %sub3A_872 = arith.subf %sub3A_871, %sub3A_805 : vector<16xf32>
    %mul3A_873 = arith.mulf %sub3A_872, %sub3A_807 : vector<16xf32>
    %swap3A_874 = arith.constant 0 : i32
    %swap3A_875 = arith.constant 1 : i32
    %swap3A_876 = arith.index_cast %swap3A_874 : i32 to index
    %swap3A_877 = arith.index_cast %swap3A_875 : i32 to index
    %swap3A_878 = arith.constant 80 : index
    %swap3A_879 = tpu.vector_load %arg7[%swap3A_876, %swap3A_877, %swap3A_878] {strides = array<i32>} : memref<4x4x96xf32, #tpu.memory_space<vmem>>, vector<1x1x16xf32>,
    %swap3A_880 = vector.shape_cast %swap3A_879 : vector<1x1x16xf32> to vector<16xf32>
    %swap3A_881 = vector.shape_cast %mul3A_873 : vector<16xf32> to vector<1x1x16xf32>
    tpu.vector_store %arg7[%swap3A_876, %swap3A_877, %swap3A_878], %swap3A_881 {strides = array<i32>} : memref<4x4x96xf32, #tpu.memory_space<vmem>>, vector<1x1x16xf32>,
    %sub3A_882 = arith.constant 1.000000e+00 : f32
    %sub3A_883 = vector.broadcast %sub3A_882 : f32 to vector<16xf32>
    %sub3A_884 = arith.subf %sub3A_883, %sub3A_807 : vector<16xf32>
    %mul3A_885 = arith.mulf %sub3A_805, %sub3A_884 : vector<16xf32>
    %swap3A_886 = arith.constant 0 : i32
    %swap3A_887 = arith.constant 2 : i32
    %swap3A_888 = arith.index_cast %swap3A_886 : i32 to index
    %swap3A_889 = arith.index_cast %swap3A_887 : i32 to index
    %swap3A_890 = arith.constant 80 : index
    %swap3A_891 = tpu.vector_load %arg7[%swap3A_888, %swap3A_889, %swap3A_890] {strides = array<i32>} : memref<4x4x96xf32, #tpu.memory_space<vmem>>, vector<1x1x16xf32>,
    %swap3A_892 = vector.shape_cast %swap3A_891 : vector<1x1x16xf32> to vector<16xf32>
    %swap3A_893 = vector.shape_cast %mul3A_885 : vector<16xf32> to vector<1x1x16xf32>
    tpu.vector_store %arg7[%swap3A_888, %swap3A_889, %swap3A_890], %swap3A_893 {strides = array<i32>} : memref<4x4x96xf32, #tpu.memory_space<vmem>>, vector<1x1x16xf32>,
    %mul3A_894 = arith.mulf %sub3A_805, %sub3A_807 : vector<16xf32>
    %swap3A_895 = arith.constant 0 : i32
    %swap3A_896 = arith.constant 3 : i32
    %swap3A_897 = arith.index_cast %swap3A_895 : i32 to index
    %swap3A_898 = arith.index_cast %swap3A_896 : i32 to index
    %swap3A_899 = arith.constant 80 : index
    %swap3A_900 = tpu.vector_load %arg7[%swap3A_897, %swap3A_898, %swap3A_899] {strides = array<i32>} : memref<4x4x96xf32, #tpu.memory_space<vmem>>, vector<1x1x16xf32>,
    %swap3A_901 = vector.shape_cast %swap3A_900 : vector<1x1x16xf32> to vector<16xf32>
    %swap3A_902 = vector.shape_cast %mul3A_894 : vector<16xf32> to vector<1x1x16xf32>
    tpu.vector_store %arg7[%swap3A_897, %swap3A_898, %swap3A_899], %swap3A_902 {strides = array<i32>} : memref<4x4x96xf32, #tpu.memory_space<vmem>>, vector<1x1x16xf32>,
    %dma_start3A = arith.constant 0 : i32
    %dma_start3A_903 = arith.constant 0 : i32
    %dma_start3A_904 = arith.constant 0 : i32
    %dma_start3A_905 = arith.constant 0 : i32
    %dma_start3A_906 = arith.constant 0 : i32
    %dma_start3A_907 = arith.constant 0 : i32
    %dma_start3A_908 = tpu.memref_slice %arg8[%dma_start3A_904, %dma_start3A_905, %dma_start3A_906, %dma_start3A_907] : memref<4x4x96x48xi32, #tpu.memory_space<vmem>> -> memref<1x1x96x48xi32, #tpu.memory_space<vmem>>
    %dma_start3A_909 = tpu.memref_squeeze %dma_start3A_908 : memref<1x1x96x48xi32, #tpu.memory_space<vmem>> -> memref<96x48xi32, #tpu.memory_space<vmem>>
    %dma_start3A_910 = arith.constant 0 : i32
    %dma_start3A_911 = tpu.memref_slice %arg6[%dma_start3A, %dma_start3A_903, %dma_start3A_910] : memref<4x4x96xi32, #tpu.memory_space<vmem>> -> memref<1x1x96xi32, #tpu.memory_space<vmem>>
    %dma_start3A_912 = tpu.memref_squeeze %dma_start3A_911 : memref<1x1x96xi32, #tpu.memory_space<vmem>> -> memref<96xi32, #tpu.memory_space<vmem>>
    %dma_start3A_913 = arith.constant 0 : i32
    %dma_start3A_914 = arith.constant 0 : i32
    %dma_start3A_915 = tpu.memref_slice %arg2[%dma_start3A_913, %dma_start3A_914] : memref<589824x48xi32, #tpu.memory_space<hbm>> -> memref<589824x48xi32, #tpu.memory_space<hbm>>
    tpu.enqueue_indirect_dma source(%dma_start3A_915 : memref<589824x48xi32, #tpu.memory_space<hbm>>) target(%dma_start3A_909 : memref<96x48xi32, #tpu.memory_space<vmem>>) offsets(%dma_start3A_912 : memref<96xi32, #tpu.memory_space<vmem>>) semaphore(%arg10 : memref<!tpu.dma_semaphore, #tpu.memory_space<semaphore_mem>>)
    %dma_start3A_916 = arith.constant 0 : i32
    %dma_start3A_917 = arith.constant 1 : i32
    %dma_start3A_918 = arith.constant 0 : i32
    %dma_start3A_919 = arith.constant 1 : i32
    %dma_start3A_920 = arith.constant 0 : i32
    %dma_start3A_921 = arith.constant 0 : i32
    %dma_start3A_922 = tpu.memref_slice %arg8[%dma_start3A_918, %dma_start3A_919, %dma_start3A_920, %dma_start3A_921] : memref<4x4x96x48xi32, #tpu.memory_space<vmem>> -> memref<1x1x96x48xi32, #tpu.memory_space<vmem>>
    %dma_start3A_923 = tpu.memref_squeeze %dma_start3A_922 : memref<1x1x96x48xi32, #tpu.memory_space<vmem>> -> memref<96x48xi32, #tpu.memory_space<vmem>>
    %dma_start3A_924 = arith.constant 0 : i32
    %dma_start3A_925 = tpu.memref_slice %arg6[%dma_start3A_916, %dma_start3A_917, %dma_start3A_924] : memref<4x4x96xi32, #tpu.memory_space<vmem>> -> memref<1x1x96xi32, #tpu.memory_space<vmem>>
    %dma_start3A_926 = tpu.memref_squeeze %dma_start3A_925 : memref<1x1x96xi32, #tpu.memory_space<vmem>> -> memref<96xi32, #tpu.memory_space<vmem>>
    %dma_start3A_927 = arith.constant 0 : i32
    %dma_start3A_928 = arith.constant 0 : i32
    %dma_start3A_929 = tpu.memref_slice %arg2[%dma_start3A_927, %dma_start3A_928] : memref<589824x48xi32, #tpu.memory_space<hbm>> -> memref<589824x48xi32, #tpu.memory_space<hbm>>
    tpu.enqueue_indirect_dma source(%dma_start3A_929 : memref<589824x48xi32, #tpu.memory_space<hbm>>) target(%dma_start3A_923 : memref<96x48xi32, #tpu.memory_space<vmem>>) offsets(%dma_start3A_926 : memref<96xi32, #tpu.memory_space<vmem>>) semaphore(%arg10 : memref<!tpu.dma_semaphore, #tpu.memory_space<semaphore_mem>>)
    %dma_start3A_930 = arith.constant 0 : i32
    %dma_start3A_931 = arith.constant 2 : i32
    %dma_start3A_932 = arith.constant 0 : i32
    %dma_start3A_933 = arith.constant 2 : i32
    %dma_start3A_934 = arith.constant 0 : i32
    %dma_start3A_935 = arith.constant 0 : i32
    %dma_start3A_936 = tpu.memref_slice %arg8[%dma_start3A_932, %dma_start3A_933, %dma_start3A_934, %dma_start3A_935] : memref<4x4x96x48xi32, #tpu.memory_space<vmem>> -> memref<1x1x96x48xi32, #tpu.memory_space<vmem>>
    %dma_start3A_937 = tpu.memref_squeeze %dma_start3A_936 : memref<1x1x96x48xi32, #tpu.memory_space<vmem>> -> memref<96x48xi32, #tpu.memory_space<vmem>>
    %dma_start3A_938 = arith.constant 0 : i32
    %dma_start3A_939 = tpu.memref_slice %arg6[%dma_start3A_930, %dma_start3A_931, %dma_start3A_938] : memref<4x4x96xi32, #tpu.memory_space<vmem>> -> memref<1x1x96xi32, #tpu.memory_space<vmem>>
    %dma_start3A_940 = tpu.memref_squeeze %dma_start3A_939 : memref<1x1x96xi32, #tpu.memory_space<vmem>> -> memref<96xi32, #tpu.memory_space<vmem>>
    %dma_start3A_941 = arith.constant 0 : i32
    %dma_start3A_942 = arith.constant 0 : i32
    %dma_start3A_943 = tpu.memref_slice %arg2[%dma_start3A_941, %dma_start3A_942] : memref<589824x48xi32, #tpu.memory_space<hbm>> -> memref<589824x48xi32, #tpu.memory_space<hbm>>
    tpu.enqueue_indirect_dma source(%dma_start3A_943 : memref<589824x48xi32, #tpu.memory_space<hbm>>) target(%dma_start3A_937 : memref<96x48xi32, #tpu.memory_space<vmem>>) offsets(%dma_start3A_940 : memref<96xi32, #tpu.memory_space<vmem>>) semaphore(%arg10 : memref<!tpu.dma_semaphore, #tpu.memory_space<semaphore_mem>>)
    %dma_start3A_944 = arith.constant 0 : i32
    %dma_start3A_945 = arith.constant 3 : i32
    %dma_start3A_946 = arith.constant 0 : i32
    %dma_start3A_947 = arith.constant 3 : i32
    %dma_start3A_948 = arith.constant 0 : i32
    %dma_start3A_949 = arith.constant 0 : i32
    %dma_start3A_950 = tpu.memref_slice %arg8[%dma_start3A_946, %dma_start3A_947, %dma_start3A_948, %dma_start3A_949] : memref<4x4x96x48xi32, #tpu.memory_space<vmem>> -> memref<1x1x96x48xi32, #tpu.memory_space<vmem>>
    %dma_start3A_951 = tpu.memref_squeeze %dma_start3A_950 : memref<1x1x96x48xi32, #tpu.memory_space<vmem>> -> memref<96x48xi32, #tpu.memory_space<vmem>>
    %dma_start3A_952 = arith.constant 0 : i32
    %dma_start3A_953 = tpu.memref_slice %arg6[%dma_start3A_944, %dma_start3A_945, %dma_start3A_952] : memref<4x4x96xi32, #tpu.memory_space<vmem>> -> memref<1x1x96xi32, #tpu.memory_space<vmem>>
    %dma_start3A_954 = tpu.memref_squeeze %dma_start3A_953 : memref<1x1x96xi32, #tpu.memory_space<vmem>> -> memref<96xi32, #tpu.memory_space<vmem>>
    %dma_start3A_955 = arith.constant 0 : i32
    %dma_start3A_956 = arith.constant 0 : i32
    %dma_start3A_957 = tpu.memref_slice %arg2[%dma_start3A_955, %dma_start3A_956] : memref<589824x48xi32, #tpu.memory_space<hbm>> -> memref<589824x48xi32, #tpu.memory_space<hbm>>
    tpu.enqueue_indirect_dma source(%dma_start3A_957 : memref<589824x48xi32, #tpu.memory_space<hbm>>) target(%dma_start3A_951 : memref<96x48xi32, #tpu.memory_space<vmem>>) offsets(%dma_start3A_954 : memref<96xi32, #tpu.memory_space<vmem>>) semaphore(%arg10 : memref<!tpu.dma_semaphore, #tpu.memory_space<semaphore_mem>>)
    %rem3A_958 = arith.constant 1 : i32
    %rem3A_959 = arith.constant 2 : i32
    %rem3A_960 = arith.remsi %rem3A_958, %rem3A_959 : i32
    %mul3A_961 = arith.constant 2 : i32
    %mul3A_962 = arith.muli %select_n3A, %mul3A_961 : i32
    %mul3A_963 = arith.constant 384 : i32
    %mul3A_964 = arith.muli %mul3A_962, %mul3A_963 : i32
    %add3A_965 = arith.constant 0 : i32
    %add3A_966 = arith.addi %mul3A_964, %add3A_965 : i32
    %add3A_967 = arith.constant 1 : i32
    %add3A_968 = arith.addi %mul3A_20, %add3A_967 : i32
    %add3A_969 = arith.addi %add3A_966, %add3A_968 : i32
    %mul3A_970 = arith.constant 384 : i32
    %mul3A_971 = arith.muli %add3A_969, %mul3A_970 : i32
    %multiple_of3A_972 = tpu.assume_multiple %mul3A_971, 384 : i32
    %dma_start3A_973 = arith.constant 0 : i32
    %dma_start3A_974 = arith.constant 0 : i32
    %dma_start3A_975 = tpu.memref_slice %arg5[%rem3A_960, %dma_start3A_973, %dma_start3A_974] : memref<2x2x384xf32, #tpu.memory_space<vmem>> -> memref<1x1x384xf32, #tpu.memory_space<vmem>>
    %dma_start3A_976 = tpu.memref_squeeze %dma_start3A_975 : memref<1x1x384xf32, #tpu.memory_space<vmem>> -> memref<384xf32, #tpu.memory_space<vmem>>
    %dma_start3A_977 = tpu.memref_slice %arg3[%multiple_of3A_972] : memref<1179648xf32, #tpu.memory_space<hbm>> -> memref<384xf32, #tpu.memory_space<hbm>>
    %dma_start3A_978 = arith.constant 0 : i32
    %dma_start3A_979 = tpu.memref_slice %arg5[%rem3A_960, %dma_start3A_973, %dma_start3A_978] : memref<2x2x384xf32, #tpu.memory_space<vmem>> -> memref<1x1x384xf32, #tpu.memory_space<vmem>>
    %dma_start3A_980 = tpu.memref_squeeze %dma_start3A_979 : memref<1x1x384xf32, #tpu.memory_space<vmem>> -> memref<384xf32, #tpu.memory_space<vmem>>
    %dma_start3A_981 = tpu.memref_slice %arg3[%multiple_of3A_972] : memref<1179648xf32, #tpu.memory_space<hbm>> -> memref<384xf32, #tpu.memory_space<hbm>>
    tpu.enqueue_dma source(%dma_start3A_981 : memref<384xf32, #tpu.memory_space<hbm>>) target(%dma_start3A_980 : memref<384xf32, #tpu.memory_space<vmem>>) target_semaphore(%arg12 : memref<!tpu.dma_semaphore, #tpu.memory_space<semaphore_mem>>)
    %mul3A_982 = arith.constant 2 : i32
    %mul3A_983 = arith.muli %select_n3A, %mul3A_982 : i32
    %mul3A_984 = arith.constant 384 : i32
    %mul3A_985 = arith.muli %mul3A_983, %mul3A_984 : i32
    %add3A_986 = arith.constant 384 : i32
    %add3A_987 = arith.addi %mul3A_985, %add3A_986 : i32
    %add3A_988 = arith.constant 1 : i32
    %add3A_989 = arith.addi %mul3A_20, %add3A_988 : i32
    %add3A_990 = arith.addi %add3A_987, %add3A_989 : i32
    %mul3A_991 = arith.constant 384 : i32
    %mul3A_992 = arith.muli %add3A_990, %mul3A_991 : i32
    %multiple_of3A_993 = tpu.assume_multiple %mul3A_992, 384 : i32
    %dma_start3A_994 = arith.constant 1 : i32
    %dma_start3A_995 = arith.constant 0 : i32
    %dma_start3A_996 = tpu.memref_slice %arg5[%rem3A_960, %dma_start3A_994, %dma_start3A_995] : memref<2x2x384xf32, #tpu.memory_space<vmem>> -> memref<1x1x384xf32, #tpu.memory_space<vmem>>
    %dma_start3A_997 = tpu.memref_squeeze %dma_start3A_996 : memref<1x1x384xf32, #tpu.memory_space<vmem>> -> memref<384xf32, #tpu.memory_space<vmem>>
    %dma_start3A_998 = tpu.memref_slice %arg3[%multiple_of3A_993] : memref<1179648xf32, #tpu.memory_space<hbm>> -> memref<384xf32, #tpu.memory_space<hbm>>
    %dma_start3A_999 = arith.constant 0 : i32
    %dma_start3A_1000 = tpu.memref_slice %arg5[%rem3A_960, %dma_start3A_994, %dma_start3A_999] : memref<2x2x384xf32, #tpu.memory_space<vmem>> -> memref<1x1x384xf32, #tpu.memory_space<vmem>>
    %dma_start3A_1001 = tpu.memref_squeeze %dma_start3A_1000 : memref<1x1x384xf32, #tpu.memory_space<vmem>> -> memref<384xf32, #tpu.memory_space<vmem>>
    %dma_start3A_1002 = tpu.memref_slice %arg3[%multiple_of3A_993] : memref<1179648xf32, #tpu.memory_space<hbm>> -> memref<384xf32, #tpu.memory_space<hbm>>
    tpu.enqueue_dma source(%dma_start3A_1002 : memref<384xf32, #tpu.memory_space<hbm>>) target(%dma_start3A_1001 : memref<384xf32, #tpu.memory_space<vmem>>) target_semaphore(%arg12 : memref<!tpu.dma_semaphore, #tpu.memory_space<semaphore_mem>>)
    %rem3A_1003 = arith.constant 0 : i32
    %rem3A_1004 = arith.constant 2 : i32
    %rem3A_1005 = arith.remsi %rem3A_1003, %rem3A_1004 : i32
    %add3A_1006 = arith.constant 0 : i32
    %add3A_1007 = arith.addi %mul3A_20, %add3A_1006 : i32
    %convert_element_type3A_1008 = arith.sitofp %add3A_1007 : i32 to f32
    %mul3A_1009 = arith.constant 1 : i32
    %mul3A_1010 = arith.constant 96 : i32
    %mul3A_1011 = arith.muli %mul3A_1009, %mul3A_1010 : i32
    %add3A_1012 = arith.constant 0 : i32
    %add3A_1013 = arith.addi %mul3A_1011, %add3A_1012 : i32
    %get3A_1014 = arith.constant 0 : i32
    %get3A_1015 = arith.index_cast %rem3A_1005 : i32 to index
    %get3A_1016 = arith.index_cast %get3A_1014 : i32 to index
    %get3A_1017 = arith.index_cast %add3A_1013 : i32 to index
    %get3A_1018 = tpu.vector_load %arg5[%get3A_1015, %get3A_1016, %get3A_1017] {strides = array<i32>} : memref<2x2x384xf32, #tpu.memory_space<vmem>>, vector<1x1x16xf32>,
    %get3A_1019 = vector.shape_cast %get3A_1018 : vector<1x1x16xf32> to vector<16xf32>
    %get3A_1020 = arith.constant 1 : i32
    %get3A_1021 = arith.index_cast %rem3A_1005 : i32 to index
    %get3A_1022 = arith.index_cast %get3A_1020 : i32 to index
    %get3A_1023 = arith.index_cast %add3A_1013 : i32 to index
    %get3A_1024 = tpu.vector_load %arg5[%get3A_1021, %get3A_1022, %get3A_1023] {strides = array<i32>} : memref<2x2x384xf32, #tpu.memory_space<vmem>>, vector<1x1x16xf32>,
    %get3A_1025 = vector.shape_cast %get3A_1024 : vector<1x1x16xf32> to vector<16xf32>
    %add3A_1026 = vector.broadcast %convert_element_type3A_1008 : f32 to vector<16xf32>
    %add3A_1027 = arith.addf %add3A_1026, %get3A_1019 : vector<16xf32>
    %jit3A_1028 = arith.constant 0.000000e+00 : f32
    %jit3A_1029 = arith.constant 3.830000e+02 : f32
    %max3A_1030 = vector.broadcast %jit3A_1028 : f32 to vector<16xf32>
    %max3A_1031 = arith.maximumf %max3A_1030, %add3A_1027 : vector<16xf32>
    %min3A_1032 = vector.broadcast %jit3A_1029 : f32 to vector<16xf32>
    %min3A_1033 = arith.minimumf %min3A_1032, %max3A_1031 : vector<16xf32>
    %convert_element_type3A_1034 = arith.sitofp %add3A_1013 : i32 to f32
    %add3A_1035 = vector.broadcast %convert_element_type3A_1034 : f32 to vector<16xf32>
    %add3A_1036 = arith.addf %add3A_1035, %convert_element_type3A : vector<16xf32>
    %add3A_1037 = arith.addf %add3A_1036, %get3A_1025 : vector<16xf32>
    %jit3A_1038 = arith.constant 0.000000e+00 : f32
    %jit3A_1039 = arith.constant 3.830000e+02 : f32
    %max3A_1040 = vector.broadcast %jit3A_1038 : f32 to vector<16xf32>
    %max3A_1041 = arith.maximumf %max3A_1040, %add3A_1037 : vector<16xf32>
    %min3A_1042 = vector.broadcast %jit3A_1039 : f32 to vector<16xf32>
    %min3A_1043 = arith.minimumf %min3A_1042, %max3A_1041 : vector<16xf32>
    %convert_element_type3A_1044 = arith.fptosi %min3A_1033 : vector<16xf32> to vector<16xi32>
    %min3A_1045 = arith.constant 382 : i32
    %min3A_1046 = vector.broadcast %min3A_1045 : i32 to vector<16xi32>
    %min3A_1047 = arith.minsi %convert_element_type3A_1044, %min3A_1046 : vector<16xi32>
    %convert_element_type3A_1048 = arith.fptosi %min3A_1043 : vector<16xf32> to vector<16xi32>
    %min3A_1049 = arith.constant 382 : i32
    %min3A_1050 = vector.broadcast %min3A_1049 : i32 to vector<16xi32>
    %min3A_1051 = arith.minsi %convert_element_type3A_1048, %min3A_1050 : vector<16xi32>
    %convert_element_type3A_1052 = arith.sitofp %min3A_1047 : vector<16xi32> to vector<16xf32>
    %sub3A_1053 = arith.subf %min3A_1033, %convert_element_type3A_1052 : vector<16xf32>
    %convert_element_type3A_1054 = arith.sitofp %min3A_1051 : vector<16xi32> to vector<16xf32>
    %sub3A_1055 = arith.subf %min3A_1043, %convert_element_type3A_1054 : vector<16xf32>
    %mul3A_1056 = arith.constant 384 : i32
    %mul3A_1057 = vector.broadcast %mul3A_1056 : i32 to vector<16xi32>
    %mul3A_1058 = arith.muli %min3A_1047, %mul3A_1057 : vector<16xi32>
    %add3A_1059 = vector.broadcast %mul3A_22 : i32 to vector<16xi32>
    %add3A_1060 = arith.addi %add3A_1059, %mul3A_1058 : vector<16xi32>
    %add3A_1061 = arith.addi %add3A_1060, %min3A_1051 : vector<16xi32>
    %swap3A_1062 = arith.constant 1 : i32
    %swap3A_1063 = arith.constant 0 : i32
    %swap3A_1064 = arith.index_cast %swap3A_1062 : i32 to index
    %swap3A_1065 = arith.index_cast %swap3A_1063 : i32 to index
    %swap3A_1066 = arith.constant 0 : index
    %swap3A_1067 = tpu.vector_load %arg6[%swap3A_1064, %swap3A_1065, %swap3A_1066] {strides = array<i32>} : memref<4x4x96xi32, #tpu.memory_space<vmem>>, vector<1x1x16xi32>,
    %swap3A_1068 = vector.shape_cast %swap3A_1067 : vector<1x1x16xi32> to vector<16xi32>
    %swap3A_1069 = vector.shape_cast %add3A_1061 : vector<16xi32> to vector<1x1x16xi32>
    tpu.vector_store %arg6[%swap3A_1064, %swap3A_1065, %swap3A_1066], %swap3A_1069 {strides = array<i32>} : memref<4x4x96xi32, #tpu.memory_space<vmem>>, vector<1x1x16xi32>,
    %add3A_1070 = arith.constant 1 : i32
    %add3A_1071 = vector.broadcast %add3A_1070 : i32 to vector<16xi32>
    %add3A_1072 = arith.addi %add3A_1061, %add3A_1071 : vector<16xi32>
    %swap3A_1073 = arith.constant 1 : i32
    %swap3A_1074 = arith.constant 1 : i32
    %swap3A_1075 = arith.index_cast %swap3A_1073 : i32 to index
    %swap3A_1076 = arith.index_cast %swap3A_1074 : i32 to index
    %swap3A_1077 = arith.constant 0 : index
    %swap3A_1078 = tpu.vector_load %arg6[%swap3A_1075, %swap3A_1076, %swap3A_1077] {strides = array<i32>} : memref<4x4x96xi32, #tpu.memory_space<vmem>>, vector<1x1x16xi32>,
    %swap3A_1079 = vector.shape_cast %swap3A_1078 : vector<1x1x16xi32> to vector<16xi32>
    %swap3A_1080 = vector.shape_cast %add3A_1072 : vector<16xi32> to vector<1x1x16xi32>
    tpu.vector_store %arg6[%swap3A_1075, %swap3A_1076, %swap3A_1077], %swap3A_1080 {strides = array<i32>} : memref<4x4x96xi32, #tpu.memory_space<vmem>>, vector<1x1x16xi32>,
    %add3A_1081 = arith.constant 384 : i32
    %add3A_1082 = vector.broadcast %add3A_1081 : i32 to vector<16xi32>
    %add3A_1083 = arith.addi %add3A_1061, %add3A_1082 : vector<16xi32>
    %swap3A_1084 = arith.constant 1 : i32
    %swap3A_1085 = arith.constant 2 : i32
    %swap3A_1086 = arith.index_cast %swap3A_1084 : i32 to index
    %swap3A_1087 = arith.index_cast %swap3A_1085 : i32 to index
    %swap3A_1088 = arith.constant 0 : index
    %swap3A_1089 = tpu.vector_load %arg6[%swap3A_1086, %swap3A_1087, %swap3A_1088] {strides = array<i32>} : memref<4x4x96xi32, #tpu.memory_space<vmem>>, vector<1x1x16xi32>,
    %swap3A_1090 = vector.shape_cast %swap3A_1089 : vector<1x1x16xi32> to vector<16xi32>
    %swap3A_1091 = vector.shape_cast %add3A_1083 : vector<16xi32> to vector<1x1x16xi32>
    tpu.vector_store %arg6[%swap3A_1086, %swap3A_1087, %swap3A_1088], %swap3A_1091 {strides = array<i32>} : memref<4x4x96xi32, #tpu.memory_space<vmem>>, vector<1x1x16xi32>,
    %add3A_1092 = arith.constant 385 : i32
    %add3A_1093 = vector.broadcast %add3A_1092 : i32 to vector<16xi32>
    %add3A_1094 = arith.addi %add3A_1061, %add3A_1093 : vector<16xi32>
    %swap3A_1095 = arith.constant 1 : i32
    %swap3A_1096 = arith.constant 3 : i32
    %swap3A_1097 = arith.index_cast %swap3A_1095 : i32 to index
    %swap3A_1098 = arith.index_cast %swap3A_1096 : i32 to index
    %swap3A_1099 = arith.constant 0 : index
    %swap3A_1100 = tpu.vector_load %arg6[%swap3A_1097, %swap3A_1098, %swap3A_1099] {strides = array<i32>} : memref<4x4x96xi32, #tpu.memory_space<vmem>>, vector<1x1x16xi32>,
    %swap3A_1101 = vector.shape_cast %swap3A_1100 : vector<1x1x16xi32> to vector<16xi32>
    %swap3A_1102 = vector.shape_cast %add3A_1094 : vector<16xi32> to vector<1x1x16xi32>
    tpu.vector_store %arg6[%swap3A_1097, %swap3A_1098, %swap3A_1099], %swap3A_1102 {strides = array<i32>} : memref<4x4x96xi32, #tpu.memory_space<vmem>>, vector<1x1x16xi32>,
    %sub3A_1103 = arith.constant 1.000000e+00 : f32
    %sub3A_1104 = vector.broadcast %sub3A_1103 : f32 to vector<16xf32>
    %sub3A_1105 = arith.subf %sub3A_1104, %sub3A_1053 : vector<16xf32>
    %sub3A_1106 = arith.constant 1.000000e+00 : f32
    %sub3A_1107 = vector.broadcast %sub3A_1106 : f32 to vector<16xf32>
    %sub3A_1108 = arith.subf %sub3A_1107, %sub3A_1055 : vector<16xf32>
    %mul3A_1109 = arith.mulf %sub3A_1105, %sub3A_1108 : vector<16xf32>
    %swap3A_1110 = arith.constant 1 : i32
    %swap3A_1111 = arith.constant 0 : i32
    %swap3A_1112 = arith.index_cast %swap3A_1110 : i32 to index
    %swap3A_1113 = arith.index_cast %swap3A_1111 : i32 to index
    %swap3A_1114 = arith.constant 0 : index
    %swap3A_1115 = tpu.vector_load %arg7[%swap3A_1112, %swap3A_1113, %swap3A_1114] {strides = array<i32>} : memref<4x4x96xf32, #tpu.memory_space<vmem>>, vector<1x1x16xf32>,
    %swap3A_1116 = vector.shape_cast %swap3A_1115 : vector<1x1x16xf32> to vector<16xf32>
    %swap3A_1117 = vector.shape_cast %mul3A_1109 : vector<16xf32> to vector<1x1x16xf32>
    tpu.vector_store %arg7[%swap3A_1112, %swap3A_1113, %swap3A_1114], %swap3A_1117 {strides = array<i32>} : memref<4x4x96xf32, #tpu.memory_space<vmem>>, vector<1x1x16xf32>,
    %sub3A_1118 = arith.constant 1.000000e+00 : f32
    %sub3A_1119 = vector.broadcast %sub3A_1118 : f32 to vector<16xf32>
    %sub3A_1120 = arith.subf %sub3A_1119, %sub3A_1053 : vector<16xf32>
    %mul3A_1121 = arith.mulf %sub3A_1120, %sub3A_1055 : vector<16xf32>
    %swap3A_1122 = arith.constant 1 : i32
    %swap3A_1123 = arith.constant 1 : i32
    %swap3A_1124 = arith.index_cast %swap3A_1122 : i32 to index
    %swap3A_1125 = arith.index_cast %swap3A_1123 : i32 to index
    %swap3A_1126 = arith.constant 0 : index
    %swap3A_1127 = tpu.vector_load %arg7[%swap3A_1124, %swap3A_1125, %swap3A_1126] {strides = array<i32>} : memref<4x4x96xf32, #tpu.memory_space<vmem>>, vector<1x1x16xf32>,
    %swap3A_1128 = vector.shape_cast %swap3A_1127 : vector<1x1x16xf32> to vector<16xf32>
    %swap3A_1129 = vector.shape_cast %mul3A_1121 : vector<16xf32> to vector<1x1x16xf32>
    tpu.vector_store %arg7[%swap3A_1124, %swap3A_1125, %swap3A_1126], %swap3A_1129 {strides = array<i32>} : memref<4x4x96xf32, #tpu.memory_space<vmem>>, vector<1x1x16xf32>,
    %sub3A_1130 = arith.constant 1.000000e+00 : f32
    %sub3A_1131 = vector.broadcast %sub3A_1130 : f32 to vector<16xf32>
    %sub3A_1132 = arith.subf %sub3A_1131, %sub3A_1055 : vector<16xf32>
    %mul3A_1133 = arith.mulf %sub3A_1053, %sub3A_1132 : vector<16xf32>
    %swap3A_1134 = arith.constant 1 : i32
    %swap3A_1135 = arith.constant 2 : i32
    %swap3A_1136 = arith.index_cast %swap3A_1134 : i32 to index
    %swap3A_1137 = arith.index_cast %swap3A_1135 : i32 to index
    %swap3A_1138 = arith.constant 0 : index
    %swap3A_1139 = tpu.vector_load %arg7[%swap3A_1136, %swap3A_1137, %swap3A_1138] {strides = array<i32>} : memref<4x4x96xf32, #tpu.memory_space<vmem>>, vector<1x1x16xf32>,
    %swap3A_1140 = vector.shape_cast %swap3A_1139 : vector<1x1x16xf32> to vector<16xf32>
    %swap3A_1141 = vector.shape_cast %mul3A_1133 : vector<16xf32> to vector<1x1x16xf32>
    tpu.vector_store %arg7[%swap3A_1136, %swap3A_1137, %swap3A_1138], %swap3A_1141 {strides = array<i32>} : memref<4x4x96xf32, #tpu.memory_space<vmem>>, vector<1x1x16xf32>,
    %mul3A_1142 = arith.mulf %sub3A_1053, %sub3A_1055 : vector<16xf32>
    %swap3A_1143 = arith.constant 1 : i32
    %swap3A_1144 = arith.constant 3 : i32
    %swap3A_1145 = arith.index_cast %swap3A_1143 : i32 to index
    %swap3A_1146 = arith.index_cast %swap3A_1144 : i32 to index
    %swap3A_1147 = arith.constant 0 : index
    %swap3A_1148 = tpu.vector_load %arg7[%swap3A_1145, %swap3A_1146, %swap3A_1147] {strides = array<i32>} : memref<4x4x96xf32, #tpu.memory_space<vmem>>, vector<1x1x16xf32>,
    %swap3A_1149 = vector.shape_cast %swap3A_1148 : vector<1x1x16xf32> to vector<16xf32>
    %swap3A_1150 = vector.shape_cast %mul3A_1142 : vector<16xf32> to vector<1x1x16xf32>
    tpu.vector_store %arg7[%swap3A_1145, %swap3A_1146, %swap3A_1147], %swap3A_1150 {strides = array<i32>} : memref<4x4x96xf32, #tpu.memory_space<vmem>>, vector<1x1x16xf32>,
    %mul3A_1151 = arith.constant 1 : i32
    %mul3A_1152 = arith.constant 96 : i32
    %mul3A_1153 = arith.muli %mul3A_1151, %mul3A_1152 : i32
    %add3A_1154 = arith.constant 16 : i32
    %add3A_1155 = arith.addi %mul3A_1153, %add3A_1154 : i32
    %get3A_1156 = arith.constant 0 : i32
    %get3A_1157 = arith.index_cast %rem3A_1005 : i32 to index
    %get3A_1158 = arith.index_cast %get3A_1156 : i32 to index
    %get3A_1159 = arith.index_cast %add3A_1155 : i32 to index
    %get3A_1160 = tpu.vector_load %arg5[%get3A_1157, %get3A_1158, %get3A_1159] {strides = array<i32>} : memref<2x2x384xf32, #tpu.memory_space<vmem>>, vector<1x1x16xf32>,
    %get3A_1161 = vector.shape_cast %get3A_1160 : vector<1x1x16xf32> to vector<16xf32>
    %get3A_1162 = arith.constant 1 : i32
    %get3A_1163 = arith.index_cast %rem3A_1005 : i32 to index
    %get3A_1164 = arith.index_cast %get3A_1162 : i32 to index
    %get3A_1165 = arith.index_cast %add3A_1155 : i32 to index
    %get3A_1166 = tpu.vector_load %arg5[%get3A_1163, %get3A_1164, %get3A_1165] {strides = array<i32>} : memref<2x2x384xf32, #tpu.memory_space<vmem>>, vector<1x1x16xf32>,
    %get3A_1167 = vector.shape_cast %get3A_1166 : vector<1x1x16xf32> to vector<16xf32>
    %add3A_1168 = vector.broadcast %convert_element_type3A_1008 : f32 to vector<16xf32>
    %add3A_1169 = arith.addf %add3A_1168, %get3A_1161 : vector<16xf32>
    %jit3A_1170 = arith.constant 0.000000e+00 : f32
    %jit3A_1171 = arith.constant 3.830000e+02 : f32
    %max3A_1172 = vector.broadcast %jit3A_1170 : f32 to vector<16xf32>
    %max3A_1173 = arith.maximumf %max3A_1172, %add3A_1169 : vector<16xf32>
    %min3A_1174 = vector.broadcast %jit3A_1171 : f32 to vector<16xf32>
    %min3A_1175 = arith.minimumf %min3A_1174, %max3A_1173 : vector<16xf32>
    %convert_element_type3A_1176 = arith.sitofp %add3A_1155 : i32 to f32
    %add3A_1177 = vector.broadcast %convert_element_type3A_1176 : f32 to vector<16xf32>
    %add3A_1178 = arith.addf %add3A_1177, %convert_element_type3A : vector<16xf32>
    %add3A_1179 = arith.addf %add3A_1178, %get3A_1167 : vector<16xf32>
    %jit3A_1180 = arith.constant 0.000000e+00 : f32
    %jit3A_1181 = arith.constant 3.830000e+02 : f32
    %max3A_1182 = vector.broadcast %jit3A_1180 : f32 to vector<16xf32>
    %max3A_1183 = arith.maximumf %max3A_1182, %add3A_1179 : vector<16xf32>
    %min3A_1184 = vector.broadcast %jit3A_1181 : f32 to vector<16xf32>
    %min3A_1185 = arith.minimumf %min3A_1184, %max3A_1183 : vector<16xf32>
    %convert_element_type3A_1186 = arith.fptosi %min3A_1175 : vector<16xf32> to vector<16xi32>
    %min3A_1187 = arith.constant 382 : i32
    %min3A_1188 = vector.broadcast %min3A_1187 : i32 to vector<16xi32>
    %min3A_1189 = arith.minsi %convert_element_type3A_1186, %min3A_1188 : vector<16xi32>
    %convert_element_type3A_1190 = arith.fptosi %min3A_1185 : vector<16xf32> to vector<16xi32>
    %min3A_1191 = arith.constant 382 : i32
    %min3A_1192 = vector.broadcast %min3A_1191 : i32 to vector<16xi32>
    %min3A_1193 = arith.minsi %convert_element_type3A_1190, %min3A_1192 : vector<16xi32>
    %convert_element_type3A_1194 = arith.sitofp %min3A_1189 : vector<16xi32> to vector<16xf32>
    %sub3A_1195 = arith.subf %min3A_1175, %convert_element_type3A_1194 : vector<16xf32>
    %convert_element_type3A_1196 = arith.sitofp %min3A_1193 : vector<16xi32> to vector<16xf32>
    %sub3A_1197 = arith.subf %min3A_1185, %convert_element_type3A_1196 : vector<16xf32>
    %mul3A_1198 = arith.constant 384 : i32
    %mul3A_1199 = vector.broadcast %mul3A_1198 : i32 to vector<16xi32>
    %mul3A_1200 = arith.muli %min3A_1189, %mul3A_1199 : vector<16xi32>
    %add3A_1201 = vector.broadcast %mul3A_22 : i32 to vector<16xi32>
    %add3A_1202 = arith.addi %add3A_1201, %mul3A_1200 : vector<16xi32>
    %add3A_1203 = arith.addi %add3A_1202, %min3A_1193 : vector<16xi32>
    %swap3A_1204 = arith.constant 1 : i32
    %swap3A_1205 = arith.constant 0 : i32
    %swap3A_1206 = arith.index_cast %swap3A_1204 : i32 to index
    %swap3A_1207 = arith.index_cast %swap3A_1205 : i32 to index
    %swap3A_1208 = arith.constant 16 : index
    %swap3A_1209 = tpu.vector_load %arg6[%swap3A_1206, %swap3A_1207, %swap3A_1208] {strides = array<i32>} : memref<4x4x96xi32, #tpu.memory_space<vmem>>, vector<1x1x16xi32>,
    %swap3A_1210 = vector.shape_cast %swap3A_1209 : vector<1x1x16xi32> to vector<16xi32>
    %swap3A_1211 = vector.shape_cast %add3A_1203 : vector<16xi32> to vector<1x1x16xi32>
    tpu.vector_store %arg6[%swap3A_1206, %swap3A_1207, %swap3A_1208], %swap3A_1211 {strides = array<i32>} : memref<4x4x96xi32, #tpu.memory_space<vmem>>, vector<1x1x16xi32>,
    %add3A_1212 = arith.constant 1 : i32
    %add3A_1213 = vector.broadcast %add3A_1212 : i32 to vector<16xi32>
    %add3A_1214 = arith.addi %add3A_1203, %add3A_1213 : vector<16xi32>
    %swap3A_1215 = arith.constant 1 : i32
    %swap3A_1216 = arith.constant 1 : i32
    %swap3A_1217 = arith.index_cast %swap3A_1215 : i32 to index
    %swap3A_1218 = arith.index_cast %swap3A_1216 : i32 to index
    %swap3A_1219 = arith.constant 16 : index
    %swap3A_1220 = tpu.vector_load %arg6[%swap3A_1217, %swap3A_1218, %swap3A_1219] {strides = array<i32>} : memref<4x4x96xi32, #tpu.memory_space<vmem>>, vector<1x1x16xi32>,
    %swap3A_1221 = vector.shape_cast %swap3A_1220 : vector<1x1x16xi32> to vector<16xi32>
    %swap3A_1222 = vector.shape_cast %add3A_1214 : vector<16xi32> to vector<1x1x16xi32>
    tpu.vector_store %arg6[%swap3A_1217, %swap3A_1218, %swap3A_1219], %swap3A_1222 {strides = array<i32>} : memref<4x4x96xi32, #tpu.memory_space<vmem>>, vector<1x1x16xi32>,
    %add3A_1223 = arith.constant 384 : i32
    %add3A_1224 = vector.broadcast %add3A_1223 : i32 to vector<16xi32>
    %add3A_1225 = arith.addi %add3A_1203, %add3A_1224 : vector<16xi32>
    %swap3A_1226 = arith.constant 1 : i32
    %swap3A_1227 = arith.constant 2 : i32
    %swap3A_1228 = arith.index_cast %swap3A_1226 : i32 to index
    %swap3A_1229 = arith.index_cast %swap3A_1227 : i32 to index
    %swap3A_1230 = arith.constant 16 : index
    %swap3A_1231 = tpu.vector_load %arg6[%swap3A_1228, %swap3A_1229, %swap3A_1230] {strides = array<i32>} : memref<4x4x96xi32, #tpu.memory_space<vmem>>, vector<1x1x16xi32>,
    %swap3A_1232 = vector.shape_cast %swap3A_1231 : vector<1x1x16xi32> to vector<16xi32>
    %swap3A_1233 = vector.shape_cast %add3A_1225 : vector<16xi32> to vector<1x1x16xi32>
    tpu.vector_store %arg6[%swap3A_1228, %swap3A_1229, %swap3A_1230], %swap3A_1233 {strides = array<i32>} : memref<4x4x96xi32, #tpu.memory_space<vmem>>, vector<1x1x16xi32>,
    %add3A_1234 = arith.constant 385 : i32
    %add3A_1235 = vector.broadcast %add3A_1234 : i32 to vector<16xi32>
    %add3A_1236 = arith.addi %add3A_1203, %add3A_1235 : vector<16xi32>
    %swap3A_1237 = arith.constant 1 : i32
    %swap3A_1238 = arith.constant 3 : i32
    %swap3A_1239 = arith.index_cast %swap3A_1237 : i32 to index
    %swap3A_1240 = arith.index_cast %swap3A_1238 : i32 to index
    %swap3A_1241 = arith.constant 16 : index
    %swap3A_1242 = tpu.vector_load %arg6[%swap3A_1239, %swap3A_1240, %swap3A_1241] {strides = array<i32>} : memref<4x4x96xi32, #tpu.memory_space<vmem>>, vector<1x1x16xi32>,
    %swap3A_1243 = vector.shape_cast %swap3A_1242 : vector<1x1x16xi32> to vector<16xi32>
    %swap3A_1244 = vector.shape_cast %add3A_1236 : vector<16xi32> to vector<1x1x16xi32>
    tpu.vector_store %arg6[%swap3A_1239, %swap3A_1240, %swap3A_1241], %swap3A_1244 {strides = array<i32>} : memref<4x4x96xi32, #tpu.memory_space<vmem>>, vector<1x1x16xi32>,
    %sub3A_1245 = arith.constant 1.000000e+00 : f32
    %sub3A_1246 = vector.broadcast %sub3A_1245 : f32 to vector<16xf32>
    %sub3A_1247 = arith.subf %sub3A_1246, %sub3A_1195 : vector<16xf32>
    %sub3A_1248 = arith.constant 1.000000e+00 : f32
    %sub3A_1249 = vector.broadcast %sub3A_1248 : f32 to vector<16xf32>
    %sub3A_1250 = arith.subf %sub3A_1249, %sub3A_1197 : vector<16xf32>
    %mul3A_1251 = arith.mulf %sub3A_1247, %sub3A_1250 : vector<16xf32>
    %swap3A_1252 = arith.constant 1 : i32
    %swap3A_1253 = arith.constant 0 : i32
    %swap3A_1254 = arith.index_cast %swap3A_1252 : i32 to index
    %swap3A_1255 = arith.index_cast %swap3A_1253 : i32 to index
    %swap3A_1256 = arith.constant 16 : index
    %swap3A_1257 = tpu.vector_load %arg7[%swap3A_1254, %swap3A_1255, %swap3A_1256] {strides = array<i32>} : memref<4x4x96xf32, #tpu.memory_space<vmem>>, vector<1x1x16xf32>,
    %swap3A_1258 = vector.shape_cast %swap3A_1257 : vector<1x1x16xf32> to vector<16xf32>
    %swap3A_1259 = vector.shape_cast %mul3A_1251 : vector<16xf32> to vector<1x1x16xf32>
    tpu.vector_store %arg7[%swap3A_1254, %swap3A_1255, %swap3A_1256], %swap3A_1259 {strides = array<i32>} : memref<4x4x96xf32, #tpu.memory_space<vmem>>, vector<1x1x16xf32>,
    %sub3A_1260 = arith.constant 1.000000e+00 : f32
    %sub3A_1261 = vector.broadcast %sub3A_1260 : f32 to vector<16xf32>
    %sub3A_1262 = arith.subf %sub3A_1261, %sub3A_1195 : vector<16xf32>
    %mul3A_1263 = arith.mulf %sub3A_1262, %sub3A_1197 : vector<16xf32>
    %swap3A_1264 = arith.constant 1 : i32
    %swap3A_1265 = arith.constant 1 : i32
    %swap3A_1266 = arith.index_cast %swap3A_1264 : i32 to index
    %swap3A_1267 = arith.index_cast %swap3A_1265 : i32 to index
    %swap3A_1268 = arith.constant 16 : index
    %swap3A_1269 = tpu.vector_load %arg7[%swap3A_1266, %swap3A_1267, %swap3A_1268] {strides = array<i32>} : memref<4x4x96xf32, #tpu.memory_space<vmem>>, vector<1x1x16xf32>,
    %swap3A_1270 = vector.shape_cast %swap3A_1269 : vector<1x1x16xf32> to vector<16xf32>
    %swap3A_1271 = vector.shape_cast %mul3A_1263 : vector<16xf32> to vector<1x1x16xf32>
    tpu.vector_store %arg7[%swap3A_1266, %swap3A_1267, %swap3A_1268], %swap3A_1271 {strides = array<i32>} : memref<4x4x96xf32, #tpu.memory_space<vmem>>, vector<1x1x16xf32>,
    %sub3A_1272 = arith.constant 1.000000e+00 : f32
    %sub3A_1273 = vector.broadcast %sub3A_1272 : f32 to vector<16xf32>
    %sub3A_1274 = arith.subf %sub3A_1273, %sub3A_1197 : vector<16xf32>
    %mul3A_1275 = arith.mulf %sub3A_1195, %sub3A_1274 : vector<16xf32>
    %swap3A_1276 = arith.constant 1 : i32
    %swap3A_1277 = arith.constant 2 : i32
    %swap3A_1278 = arith.index_cast %swap3A_1276 : i32 to index
    %swap3A_1279 = arith.index_cast %swap3A_1277 : i32 to index
    %swap3A_1280 = arith.constant 16 : index
    %swap3A_1281 = tpu.vector_load %arg7[%swap3A_1278, %swap3A_1279, %swap3A_1280] {strides = array<i32>} : memref<4x4x96xf32, #tpu.memory_space<vmem>>, vector<1x1x16xf32>,
    %swap3A_1282 = vector.shape_cast %swap3A_1281 : vector<1x1x16xf32> to vector<16xf32>
    %swap3A_1283 = vector.shape_cast %mul3A_1275 : vector<16xf32> to vector<1x1x16xf32>
    tpu.vector_store %arg7[%swap3A_1278, %swap3A_1279, %swap3A_1280], %swap3A_1283 {strides = array<i32>} : memref<4x4x96xf32, #tpu.memory_space<vmem>>, vector<1x1x16xf32>,
    %mul3A_1284 = arith.mulf %sub3A_1195, %sub3A_1197 : vector<16xf32>
    %swap3A_1285 = arith.constant 1 : i32
    %swap3A_1286 = arith.constant 3 : i32
    %swap3A_1287 = arith.index_cast %swap3A_1285 : i32 to index
    %swap3A_1288 = arith.index_cast %swap3A_1286 : i32 to index
    %swap3A_1289 = arith.constant 16 : index
    %swap3A_1290 = tpu.vector_load %arg7[%swap3A_1287, %swap3A_1288, %swap3A_1289] {strides = array<i32>} : memref<4x4x96xf32, #tpu.memory_space<vmem>>, vector<1x1x16xf32>,
    %swap3A_1291 = vector.shape_cast %swap3A_1290 : vector<1x1x16xf32> to vector<16xf32>
    %swap3A_1292 = vector.shape_cast %mul3A_1284 : vector<16xf32> to vector<1x1x16xf32>
    tpu.vector_store %arg7[%swap3A_1287, %swap3A_1288, %swap3A_1289], %swap3A_1292 {strides = array<i32>} : memref<4x4x96xf32, #tpu.memory_space<vmem>>, vector<1x1x16xf32>,
    %mul3A_1293 = arith.constant 1 : i32
    %mul3A_1294 = arith.constant 96 : i32
    %mul3A_1295 = arith.muli %mul3A_1293, %mul3A_1294 : i32
    %add3A_1296 = arith.constant 32 : i32
    %add3A_1297 = arith.addi %mul3A_1295, %add3A_1296 : i32
    %get3A_1298 = arith.constant 0 : i32
    %get3A_1299 = arith.index_cast %rem3A_1005 : i32 to index
    %get3A_1300 = arith.index_cast %get3A_1298 : i32 to index
    %get3A_1301 = arith.index_cast %add3A_1297 : i32 to index
    %get3A_1302 = tpu.vector_load %arg5[%get3A_1299, %get3A_1300, %get3A_1301] {strides = array<i32>} : memref<2x2x384xf32, #tpu.memory_space<vmem>>, vector<1x1x16xf32>,
    %get3A_1303 = vector.shape_cast %get3A_1302 : vector<1x1x16xf32> to vector<16xf32>
    %get3A_1304 = arith.constant 1 : i32
    %get3A_1305 = arith.index_cast %rem3A_1005 : i32 to index
    %get3A_1306 = arith.index_cast %get3A_1304 : i32 to index
    %get3A_1307 = arith.index_cast %add3A_1297 : i32 to index
    %get3A_1308 = tpu.vector_load %arg5[%get3A_1305, %get3A_1306, %get3A_1307] {strides = array<i32>} : memref<2x2x384xf32, #tpu.memory_space<vmem>>, vector<1x1x16xf32>,
    %get3A_1309 = vector.shape_cast %get3A_1308 : vector<1x1x16xf32> to vector<16xf32>
    %add3A_1310 = vector.broadcast %convert_element_type3A_1008 : f32 to vector<16xf32>
    %add3A_1311 = arith.addf %add3A_1310, %get3A_1303 : vector<16xf32>
    %jit3A_1312 = arith.constant 0.000000e+00 : f32
    %jit3A_1313 = arith.constant 3.830000e+02 : f32
    %max3A_1314 = vector.broadcast %jit3A_1312 : f32 to vector<16xf32>
    %max3A_1315 = arith.maximumf %max3A_1314, %add3A_1311 : vector<16xf32>
    %min3A_1316 = vector.broadcast %jit3A_1313 : f32 to vector<16xf32>
    %min3A_1317 = arith.minimumf %min3A_1316, %max3A_1315 : vector<16xf32>
    %convert_element_type3A_1318 = arith.sitofp %add3A_1297 : i32 to f32
    %add3A_1319 = vector.broadcast %convert_element_type3A_1318 : f32 to vector<16xf32>
    %add3A_1320 = arith.addf %add3A_1319, %convert_element_type3A : vector<16xf32>
    %add3A_1321 = arith.addf %add3A_1320, %get3A_1309 : vector<16xf32>
    %jit3A_1322 = arith.constant 0.000000e+00 : f32
    %jit3A_1323 = arith.constant 3.830000e+02 : f32
    %max3A_1324 = vector.broadcast %jit3A_1322 : f32 to vector<16xf32>
    %max3A_1325 = arith.maximumf %max3A_1324, %add3A_1321 : vector<16xf32>
    %min3A_1326 = vector.broadcast %jit3A_1323 : f32 to vector<16xf32>
    %min3A_1327 = arith.minimumf %min3A_1326, %max3A_1325 : vector<16xf32>
    %convert_element_type3A_1328 = arith.fptosi %min3A_1317 : vector<16xf32> to vector<16xi32>
    %min3A_1329 = arith.constant 382 : i32
    %min3A_1330 = vector.broadcast %min3A_1329 : i32 to vector<16xi32>
    %min3A_1331 = arith.minsi %convert_element_type3A_1328, %min3A_1330 : vector<16xi32>
    %convert_element_type3A_1332 = arith.fptosi %min3A_1327 : vector<16xf32> to vector<16xi32>
    %min3A_1333 = arith.constant 382 : i32
    %min3A_1334 = vector.broadcast %min3A_1333 : i32 to vector<16xi32>
    %min3A_1335 = arith.minsi %convert_element_type3A_1332, %min3A_1334 : vector<16xi32>
    %convert_element_type3A_1336 = arith.sitofp %min3A_1331 : vector<16xi32> to vector<16xf32>
    %sub3A_1337 = arith.subf %min3A_1317, %convert_element_type3A_1336 : vector<16xf32>
    %convert_element_type3A_1338 = arith.sitofp %min3A_1335 : vector<16xi32> to vector<16xf32>
    %sub3A_1339 = arith.subf %min3A_1327, %convert_element_type3A_1338 : vector<16xf32>
    %mul3A_1340 = arith.constant 384 : i32
    %mul3A_1341 = vector.broadcast %mul3A_1340 : i32 to vector<16xi32>
    %mul3A_1342 = arith.muli %min3A_1331, %mul3A_1341 : vector<16xi32>
    %add3A_1343 = vector.broadcast %mul3A_22 : i32 to vector<16xi32>
    %add3A_1344 = arith.addi %add3A_1343, %mul3A_1342 : vector<16xi32>
    %add3A_1345 = arith.addi %add3A_1344, %min3A_1335 : vector<16xi32>
    %swap3A_1346 = arith.constant 1 : i32
    %swap3A_1347 = arith.constant 0 : i32
    %swap3A_1348 = arith.index_cast %swap3A_1346 : i32 to index
    %swap3A_1349 = arith.index_cast %swap3A_1347 : i32 to index
    %swap3A_1350 = arith.constant 32 : index
    %swap3A_1351 = tpu.vector_load %arg6[%swap3A_1348, %swap3A_1349, %swap3A_1350] {strides = array<i32>} : memref<4x4x96xi32, #tpu.memory_space<vmem>>, vector<1x1x16xi32>,
    %swap3A_1352 = vector.shape_cast %swap3A_1351 : vector<1x1x16xi32> to vector<16xi32>
    %swap3A_1353 = vector.shape_cast %add3A_1345 : vector<16xi32> to vector<1x1x16xi32>
    tpu.vector_store %arg6[%swap3A_1348, %swap3A_1349, %swap3A_1350], %swap3A_1353 {strides = array<i32>} : memref<4x4x96xi32, #tpu.memory_space<vmem>>, vector<1x1x16xi32>,
    %add3A_1354 = arith.constant 1 : i32
    %add3A_1355 = vector.broadcast %add3A_1354 : i32 to vector<16xi32>
    %add3A_1356 = arith.addi %add3A_1345, %add3A_1355 : vector<16xi32>
    %swap3A_1357 = arith.constant 1 : i32
    %swap3A_1358 = arith.constant 1 : i32
    %swap3A_1359 = arith.index_cast %swap3A_1357 : i32 to index
    %swap3A_1360 = arith.index_cast %swap3A_1358 : i32 to index
    %swap3A_1361 = arith.constant 32 : index
    %swap3A_1362 = tpu.vector_load %arg6[%swap3A_1359, %swap3A_1360, %swap3A_1361] {strides = array<i32>} : memref<4x4x96xi32, #tpu.memory_space<vmem>>, vector<1x1x16xi32>,
    %swap3A_1363 = vector.shape_cast %swap3A_1362 : vector<1x1x16xi32> to vector<16xi32>
    %swap3A_1364 = vector.shape_cast %add3A_1356 : vector<16xi32> to vector<1x1x16xi32>
    tpu.vector_store %arg6[%swap3A_1359, %swap3A_1360, %swap3A_1361], %swap3A_1364 {strides = array<i32>} : memref<4x4x96xi32, #tpu.memory_space<vmem>>, vector<1x1x16xi32>,
    %add3A_1365 = arith.constant 384 : i32
    %add3A_1366 = vector.broadcast %add3A_1365 : i32 to vector<16xi32>
    %add3A_1367 = arith.addi %add3A_1345, %add3A_1366 : vector<16xi32>
    %swap3A_1368 = arith.constant 1 : i32
    %swap3A_1369 = arith.constant 2 : i32
    %swap3A_1370 = arith.index_cast %swap3A_1368 : i32 to index
    %swap3A_1371 = arith.index_cast %swap3A_1369 : i32 to index
    %swap3A_1372 = arith.constant 32 : index
    %swap3A_1373 = tpu.vector_load %arg6[%swap3A_1370, %swap3A_1371, %swap3A_1372] {strides = array<i32>} : memref<4x4x96xi32, #tpu.memory_space<vmem>>, vector<1x1x16xi32>,
    %swap3A_1374 = vector.shape_cast %swap3A_1373 : vector<1x1x16xi32> to vector<16xi32>
    %swap3A_1375 = vector.shape_cast %add3A_1367 : vector<16xi32> to vector<1x1x16xi32>
    tpu.vector_store %arg6[%swap3A_1370, %swap3A_1371, %swap3A_1372], %swap3A_1375 {strides = array<i32>} : memref<4x4x96xi32, #tpu.memory_space<vmem>>, vector<1x1x16xi32>,
    %add3A_1376 = arith.constant 385 : i32
    %add3A_1377 = vector.broadcast %add3A_1376 : i32 to vector<16xi32>
    %add3A_1378 = arith.addi %add3A_1345, %add3A_1377 : vector<16xi32>
    %swap3A_1379 = arith.constant 1 : i32
    %swap3A_1380 = arith.constant 3 : i32
    %swap3A_1381 = arith.index_cast %swap3A_1379 : i32 to index
    %swap3A_1382 = arith.index_cast %swap3A_1380 : i32 to index
    %swap3A_1383 = arith.constant 32 : index
    %swap3A_1384 = tpu.vector_load %arg6[%swap3A_1381, %swap3A_1382, %swap3A_1383] {strides = array<i32>} : memref<4x4x96xi32, #tpu.memory_space<vmem>>, vector<1x1x16xi32>,
    %swap3A_1385 = vector.shape_cast %swap3A_1384 : vector<1x1x16xi32> to vector<16xi32>
    %swap3A_1386 = vector.shape_cast %add3A_1378 : vector<16xi32> to vector<1x1x16xi32>
    tpu.vector_store %arg6[%swap3A_1381, %swap3A_1382, %swap3A_1383], %swap3A_1386 {strides = array<i32>} : memref<4x4x96xi32, #tpu.memory_space<vmem>>, vector<1x1x16xi32>,
    %sub3A_1387 = arith.constant 1.000000e+00 : f32
    %sub3A_1388 = vector.broadcast %sub3A_1387 : f32 to vector<16xf32>
    %sub3A_1389 = arith.subf %sub3A_1388, %sub3A_1337 : vector<16xf32>
    %sub3A_1390 = arith.constant 1.000000e+00 : f32
    %sub3A_1391 = vector.broadcast %sub3A_1390 : f32 to vector<16xf32>
    %sub3A_1392 = arith.subf %sub3A_1391, %sub3A_1339 : vector<16xf32>
    %mul3A_1393 = arith.mulf %sub3A_1389, %sub3A_1392 : vector<16xf32>
    %swap3A_1394 = arith.constant 1 : i32
    %swap3A_1395 = arith.constant 0 : i32
    %swap3A_1396 = arith.index_cast %swap3A_1394 : i32 to index
    %swap3A_1397 = arith.index_cast %swap3A_1395 : i32 to index
    %swap3A_1398 = arith.constant 32 : index
    %swap3A_1399 = tpu.vector_load %arg7[%swap3A_1396, %swap3A_1397, %swap3A_1398] {strides = array<i32>} : memref<4x4x96xf32, #tpu.memory_space<vmem>>, vector<1x1x16xf32>,
    %swap3A_1400 = vector.shape_cast %swap3A_1399 : vector<1x1x16xf32> to vector<16xf32>
    %swap3A_1401 = vector.shape_cast %mul3A_1393 : vector<16xf32> to vector<1x1x16xf32>
    tpu.vector_store %arg7[%swap3A_1396, %swap3A_1397, %swap3A_1398], %swap3A_1401 {strides = array<i32>} : memref<4x4x96xf32, #tpu.memory_space<vmem>>, vector<1x1x16xf32>,
    %sub3A_1402 = arith.constant 1.000000e+00 : f32
    %sub3A_1403 = vector.broadcast %sub3A_1402 : f32 to vector<16xf32>
    %sub3A_1404 = arith.subf %sub3A_1403, %sub3A_1337 : vector<16xf32>
    %mul3A_1405 = arith.mulf %sub3A_1404, %sub3A_1339 : vector<16xf32>
    %swap3A_1406 = arith.constant 1 : i32
    %swap3A_1407 = arith.constant 1 : i32
    %swap3A_1408 = arith.index_cast %swap3A_1406 : i32 to index
    %swap3A_1409 = arith.index_cast %swap3A_1407 : i32 to index
    %swap3A_1410 = arith.constant 32 : index
    %swap3A_1411 = tpu.vector_load %arg7[%swap3A_1408, %swap3A_1409, %swap3A_1410] {strides = array<i32>} : memref<4x4x96xf32, #tpu.memory_space<vmem>>, vector<1x1x16xf32>,
    %swap3A_1412 = vector.shape_cast %swap3A_1411 : vector<1x1x16xf32> to vector<16xf32>
    %swap3A_1413 = vector.shape_cast %mul3A_1405 : vector<16xf32> to vector<1x1x16xf32>
    tpu.vector_store %arg7[%swap3A_1408, %swap3A_1409, %swap3A_1410], %swap3A_1413 {strides = array<i32>} : memref<4x4x96xf32, #tpu.memory_space<vmem>>, vector<1x1x16xf32>,
    %sub3A_1414 = arith.constant 1.000000e+00 : f32
    %sub3A_1415 = vector.broadcast %sub3A_1414 : f32 to vector<16xf32>
    %sub3A_1416 = arith.subf %sub3A_1415, %sub3A_1339 : vector<16xf32>
    %mul3A_1417 = arith.mulf %sub3A_1337, %sub3A_1416 : vector<16xf32>
    %swap3A_1418 = arith.constant 1 : i32
    %swap3A_1419 = arith.constant 2 : i32
    %swap3A_1420 = arith.index_cast %swap3A_1418 : i32 to index
    %swap3A_1421 = arith.index_cast %swap3A_1419 : i32 to index
    %swap3A_1422 = arith.constant 32 : index
    %swap3A_1423 = tpu.vector_load %arg7[%swap3A_1420, %swap3A_1421, %swap3A_1422] {strides = array<i32>} : memref<4x4x96xf32, #tpu.memory_space<vmem>>, vector<1x1x16xf32>,
    %swap3A_1424 = vector.shape_cast %swap3A_1423 : vector<1x1x16xf32> to vector<16xf32>
    %swap3A_1425 = vector.shape_cast %mul3A_1417 : vector<16xf32> to vector<1x1x16xf32>
    tpu.vector_store %arg7[%swap3A_1420, %swap3A_1421, %swap3A_1422], %swap3A_1425 {strides = array<i32>} : memref<4x4x96xf32, #tpu.memory_space<vmem>>, vector<1x1x16xf32>,
    %mul3A_1426 = arith.mulf %sub3A_1337, %sub3A_1339 : vector<16xf32>
    %swap3A_1427 = arith.constant 1 : i32
    %swap3A_1428 = arith.constant 3 : i32
    %swap3A_1429 = arith.index_cast %swap3A_1427 : i32 to index
    %swap3A_1430 = arith.index_cast %swap3A_1428 : i32 to index
    %swap3A_1431 = arith.constant 32 : index
    %swap3A_1432 = tpu.vector_load %arg7[%swap3A_1429, %swap3A_1430, %swap3A_1431] {strides = array<i32>} : memref<4x4x96xf32, #tpu.memory_space<vmem>>, vector<1x1x16xf32>,
    %swap3A_1433 = vector.shape_cast %swap3A_1432 : vector<1x1x16xf32> to vector<16xf32>
    %swap3A_1434 = vector.shape_cast %mul3A_1426 : vector<16xf32> to vector<1x1x16xf32>
    tpu.vector_store %arg7[%swap3A_1429, %swap3A_1430, %swap3A_1431], %swap3A_1434 {strides = array<i32>} : memref<4x4x96xf32, #tpu.memory_space<vmem>>, vector<1x1x16xf32>,
    %mul3A_1435 = arith.constant 1 : i32
    %mul3A_1436 = arith.constant 96 : i32
    %mul3A_1437 = arith.muli %mul3A_1435, %mul3A_1436 : i32
    %add3A_1438 = arith.constant 48 : i32
    %add3A_1439 = arith.addi %mul3A_1437, %add3A_1438 : i32
    %get3A_1440 = arith.constant 0 : i32
    %get3A_1441 = arith.index_cast %rem3A_1005 : i32 to index
    %get3A_1442 = arith.index_cast %get3A_1440 : i32 to index
    %get3A_1443 = arith.index_cast %add3A_1439 : i32 to index
    %get3A_1444 = tpu.vector_load %arg5[%get3A_1441, %get3A_1442, %get3A_1443] {strides = array<i32>} : memref<2x2x384xf32, #tpu.memory_space<vmem>>, vector<1x1x16xf32>,
    %get3A_1445 = vector.shape_cast %get3A_1444 : vector<1x1x16xf32> to vector<16xf32>
    %get3A_1446 = arith.constant 1 : i32
    %get3A_1447 = arith.index_cast %rem3A_1005 : i32 to index
    %get3A_1448 = arith.index_cast %get3A_1446 : i32 to index
    %get3A_1449 = arith.index_cast %add3A_1439 : i32 to index
    %get3A_1450 = tpu.vector_load %arg5[%get3A_1447, %get3A_1448, %get3A_1449] {strides = array<i32>} : memref<2x2x384xf32, #tpu.memory_space<vmem>>, vector<1x1x16xf32>,
    %get3A_1451 = vector.shape_cast %get3A_1450 : vector<1x1x16xf32> to vector<16xf32>
    %add3A_1452 = vector.broadcast %convert_element_type3A_1008 : f32 to vector<16xf32>
    %add3A_1453 = arith.addf %add3A_1452, %get3A_1445 : vector<16xf32>
    %jit3A_1454 = arith.constant 0.000000e+00 : f32
    %jit3A_1455 = arith.constant 3.830000e+02 : f32
    %max3A_1456 = vector.broadcast %jit3A_1454 : f32 to vector<16xf32>
    %max3A_1457 = arith.maximumf %max3A_1456, %add3A_1453 : vector<16xf32>
    %min3A_1458 = vector.broadcast %jit3A_1455 : f32 to vector<16xf32>
    %min3A_1459 = arith.minimumf %min3A_1458, %max3A_1457 : vector<16xf32>
    %convert_element_type3A_1460 = arith.sitofp %add3A_1439 : i32 to f32
    %add3A_1461 = vector.broadcast %convert_element_type3A_1460 : f32 to vector<16xf32>
    %add3A_1462 = arith.addf %add3A_1461, %convert_element_type3A : vector<16xf32>
    %add3A_1463 = arith.addf %add3A_1462, %get3A_1451 : vector<16xf32>
    %jit3A_1464 = arith.constant 0.000000e+00 : f32
    %jit3A_1465 = arith.constant 3.830000e+02 : f32
    %max3A_1466 = vector.broadcast %jit3A_1464 : f32 to vector<16xf32>
    %max3A_1467 = arith.maximumf %max3A_1466, %add3A_1463 : vector<16xf32>
    %min3A_1468 = vector.broadcast %jit3A_1465 : f32 to vector<16xf32>
    %min3A_1469 = arith.minimumf %min3A_1468, %max3A_1467 : vector<16xf32>
    %convert_element_type3A_1470 = arith.fptosi %min3A_1459 : vector<16xf32> to vector<16xi32>
    %min3A_1471 = arith.constant 382 : i32
    %min3A_1472 = vector.broadcast %min3A_1471 : i32 to vector<16xi32>
    %min3A_1473 = arith.minsi %convert_element_type3A_1470, %min3A_1472 : vector<16xi32>
    %convert_element_type3A_1474 = arith.fptosi %min3A_1469 : vector<16xf32> to vector<16xi32>
    %min3A_1475 = arith.constant 382 : i32
    %min3A_1476 = vector.broadcast %min3A_1475 : i32 to vector<16xi32>
    %min3A_1477 = arith.minsi %convert_element_type3A_1474, %min3A_1476 : vector<16xi32>
    %convert_element_type3A_1478 = arith.sitofp %min3A_1473 : vector<16xi32> to vector<16xf32>
    %sub3A_1479 = arith.subf %min3A_1459, %convert_element_type3A_1478 : vector<16xf32>
    %convert_element_type3A_1480 = arith.sitofp %min3A_1477 : vector<16xi32> to vector<16xf32>
    %sub3A_1481 = arith.subf %min3A_1469, %convert_element_type3A_1480 : vector<16xf32>
    %mul3A_1482 = arith.constant 384 : i32
    %mul3A_1483 = vector.broadcast %mul3A_1482 : i32 to vector<16xi32>
    %mul3A_1484 = arith.muli %min3A_1473, %mul3A_1483 : vector<16xi32>
    %add3A_1485 = vector.broadcast %mul3A_22 : i32 to vector<16xi32>
    %add3A_1486 = arith.addi %add3A_1485, %mul3A_1484 : vector<16xi32>
    %add3A_1487 = arith.addi %add3A_1486, %min3A_1477 : vector<16xi32>
    %swap3A_1488 = arith.constant 1 : i32
    %swap3A_1489 = arith.constant 0 : i32
    %swap3A_1490 = arith.index_cast %swap3A_1488 : i32 to index
    %swap3A_1491 = arith.index_cast %swap3A_1489 : i32 to index
    %swap3A_1492 = arith.constant 48 : index
    %swap3A_1493 = tpu.vector_load %arg6[%swap3A_1490, %swap3A_1491, %swap3A_1492] {strides = array<i32>} : memref<4x4x96xi32, #tpu.memory_space<vmem>>, vector<1x1x16xi32>,
    %swap3A_1494 = vector.shape_cast %swap3A_1493 : vector<1x1x16xi32> to vector<16xi32>
    %swap3A_1495 = vector.shape_cast %add3A_1487 : vector<16xi32> to vector<1x1x16xi32>
    tpu.vector_store %arg6[%swap3A_1490, %swap3A_1491, %swap3A_1492], %swap3A_1495 {strides = array<i32>} : memref<4x4x96xi32, #tpu.memory_space<vmem>>, vector<1x1x16xi32>,
    %add3A_1496 = arith.constant 1 : i32
    %add3A_1497 = vector.broadcast %add3A_1496 : i32 to vector<16xi32>
    %add3A_1498 = arith.addi %add3A_1487, %add3A_1497 : vector<16xi32>
    %swap3A_1499 = arith.constant 1 : i32
    %swap3A_1500 = arith.constant 1 : i32
    %swap3A_1501 = arith.index_cast %swap3A_1499 : i32 to index
    %swap3A_1502 = arith.index_cast %swap3A_1500 : i32 to index
    %swap3A_1503 = arith.constant 48 : index
    %swap3A_1504 = tpu.vector_load %arg6[%swap3A_1501, %swap3A_1502, %swap3A_1503] {strides = array<i32>} : memref<4x4x96xi32, #tpu.memory_space<vmem>>, vector<1x1x16xi32>,
    %swap3A_1505 = vector.shape_cast %swap3A_1504 : vector<1x1x16xi32> to vector<16xi32>
    %swap3A_1506 = vector.shape_cast %add3A_1498 : vector<16xi32> to vector<1x1x16xi32>
    tpu.vector_store %arg6[%swap3A_1501, %swap3A_1502, %swap3A_1503], %swap3A_1506 {strides = array<i32>} : memref<4x4x96xi32, #tpu.memory_space<vmem>>, vector<1x1x16xi32>,
    %add3A_1507 = arith.constant 384 : i32
    %add3A_1508 = vector.broadcast %add3A_1507 : i32 to vector<16xi32>
    %add3A_1509 = arith.addi %add3A_1487, %add3A_1508 : vector<16xi32>
    %swap3A_1510 = arith.constant 1 : i32
    %swap3A_1511 = arith.constant 2 : i32
    %swap3A_1512 = arith.index_cast %swap3A_1510 : i32 to index
    %swap3A_1513 = arith.index_cast %swap3A_1511 : i32 to index
    %swap3A_1514 = arith.constant 48 : index
    %swap3A_1515 = tpu.vector_load %arg6[%swap3A_1512, %swap3A_1513, %swap3A_1514] {strides = array<i32>} : memref<4x4x96xi32, #tpu.memory_space<vmem>>, vector<1x1x16xi32>,
    %swap3A_1516 = vector.shape_cast %swap3A_1515 : vector<1x1x16xi32> to vector<16xi32>
    %swap3A_1517 = vector.shape_cast %add3A_1509 : vector<16xi32> to vector<1x1x16xi32>
    tpu.vector_store %arg6[%swap3A_1512, %swap3A_1513, %swap3A_1514], %swap3A_1517 {strides = array<i32>} : memref<4x4x96xi32, #tpu.memory_space<vmem>>, vector<1x1x16xi32>,
    %add3A_1518 = arith.constant 385 : i32
    %add3A_1519 = vector.broadcast %add3A_1518 : i32 to vector<16xi32>
    %add3A_1520 = arith.addi %add3A_1487, %add3A_1519 : vector<16xi32>
    %swap3A_1521 = arith.constant 1 : i32
    %swap3A_1522 = arith.constant 3 : i32
    %swap3A_1523 = arith.index_cast %swap3A_1521 : i32 to index
    %swap3A_1524 = arith.index_cast %swap3A_1522 : i32 to index
    %swap3A_1525 = arith.constant 48 : index
    %swap3A_1526 = tpu.vector_load %arg6[%swap3A_1523, %swap3A_1524, %swap3A_1525] {strides = array<i32>} : memref<4x4x96xi32, #tpu.memory_space<vmem>>, vector<1x1x16xi32>,
    %swap3A_1527 = vector.shape_cast %swap3A_1526 : vector<1x1x16xi32> to vector<16xi32>
    %swap3A_1528 = vector.shape_cast %add3A_1520 : vector<16xi32> to vector<1x1x16xi32>
    tpu.vector_store %arg6[%swap3A_1523, %swap3A_1524, %swap3A_1525], %swap3A_1528 {strides = array<i32>} : memref<4x4x96xi32, #tpu.memory_space<vmem>>, vector<1x1x16xi32>,
    %sub3A_1529 = arith.constant 1.000000e+00 : f32
    %sub3A_1530 = vector.broadcast %sub3A_1529 : f32 to vector<16xf32>
    %sub3A_1531 = arith.subf %sub3A_1530, %sub3A_1479 : vector<16xf32>
    %sub3A_1532 = arith.constant 1.000000e+00 : f32
    %sub3A_1533 = vector.broadcast %sub3A_1532 : f32 to vector<16xf32>
    %sub3A_1534 = arith.subf %sub3A_1533, %sub3A_1481 : vector<16xf32>
    %mul3A_1535 = arith.mulf %sub3A_1531, %sub3A_1534 : vector<16xf32>
    %swap3A_1536 = arith.constant 1 : i32
    %swap3A_1537 = arith.constant 0 : i32
    %swap3A_1538 = arith.index_cast %swap3A_1536 : i32 to index
    %swap3A_1539 = arith.index_cast %swap3A_1537 : i32 to index
    %swap3A_1540 = arith.constant 48 : index
    %swap3A_1541 = tpu.vector_load %arg7[%swap3A_1538, %swap3A_1539, %swap3A_1540] {strides = array<i32>} : memref<4x4x96xf32, #tpu.memory_space<vmem>>, vector<1x1x16xf32>,
    %swap3A_1542 = vector.shape_cast %swap3A_1541 : vector<1x1x16xf32> to vector<16xf32>
    %swap3A_1543 = vector.shape_cast %mul3A_1535 : vector<16xf32> to vector<1x1x16xf32>
    tpu.vector_store %arg7[%swap3A_1538, %swap3A_1539, %swap3A_1540], %swap3A_1543 {strides = array<i32>} : memref<4x4x96xf32, #tpu.memory_space<vmem>>, vector<1x1x16xf32>,
    %sub3A_1544 = arith.constant 1.000000e+00 : f32
    %sub3A_1545 = vector.broadcast %sub3A_1544 : f32 to vector<16xf32>
    %sub3A_1546 = arith.subf %sub3A_1545, %sub3A_1479 : vector<16xf32>
    %mul3A_1547 = arith.mulf %sub3A_1546, %sub3A_1481 : vector<16xf32>
    %swap3A_1548 = arith.constant 1 : i32
    %swap3A_1549 = arith.constant 1 : i32
    %swap3A_1550 = arith.index_cast %swap3A_1548 : i32 to index
    %swap3A_1551 = arith.index_cast %swap3A_1549 : i32 to index
    %swap3A_1552 = arith.constant 48 : index
    %swap3A_1553 = tpu.vector_load %arg7[%swap3A_1550, %swap3A_1551, %swap3A_1552] {strides = array<i32>} : memref<4x4x96xf32, #tpu.memory_space<vmem>>, vector<1x1x16xf32>,
    %swap3A_1554 = vector.shape_cast %swap3A_1553 : vector<1x1x16xf32> to vector<16xf32>
    %swap3A_1555 = vector.shape_cast %mul3A_1547 : vector<16xf32> to vector<1x1x16xf32>
    tpu.vector_store %arg7[%swap3A_1550, %swap3A_1551, %swap3A_1552], %swap3A_1555 {strides = array<i32>} : memref<4x4x96xf32, #tpu.memory_space<vmem>>, vector<1x1x16xf32>,
    %sub3A_1556 = arith.constant 1.000000e+00 : f32
    %sub3A_1557 = vector.broadcast %sub3A_1556 : f32 to vector<16xf32>
    %sub3A_1558 = arith.subf %sub3A_1557, %sub3A_1481 : vector<16xf32>
    %mul3A_1559 = arith.mulf %sub3A_1479, %sub3A_1558 : vector<16xf32>
    %swap3A_1560 = arith.constant 1 : i32
    %swap3A_1561 = arith.constant 2 : i32
    %swap3A_1562 = arith.index_cast %swap3A_1560 : i32 to index
    %swap3A_1563 = arith.index_cast %swap3A_1561 : i32 to index
    %swap3A_1564 = arith.constant 48 : index
    %swap3A_1565 = tpu.vector_load %arg7[%swap3A_1562, %swap3A_1563, %swap3A_1564] {strides = array<i32>} : memref<4x4x96xf32, #tpu.memory_space<vmem>>, vector<1x1x16xf32>,
    %swap3A_1566 = vector.shape_cast %swap3A_1565 : vector<1x1x16xf32> to vector<16xf32>
    %swap3A_1567 = vector.shape_cast %mul3A_1559 : vector<16xf32> to vector<1x1x16xf32>
    tpu.vector_store %arg7[%swap3A_1562, %swap3A_1563, %swap3A_1564], %swap3A_1567 {strides = array<i32>} : memref<4x4x96xf32, #tpu.memory_space<vmem>>, vector<1x1x16xf32>,
    %mul3A_1568 = arith.mulf %sub3A_1479, %sub3A_1481 : vector<16xf32>
    %swap3A_1569 = arith.constant 1 : i32
    %swap3A_1570 = arith.constant 3 : i32
    %swap3A_1571 = arith.index_cast %swap3A_1569 : i32 to index
    %swap3A_1572 = arith.index_cast %swap3A_1570 : i32 to index
    %swap3A_1573 = arith.constant 48 : index
    %swap3A_1574 = tpu.vector_load %arg7[%swap3A_1571, %swap3A_1572, %swap3A_1573] {strides = array<i32>} : memref<4x4x96xf32, #tpu.memory_space<vmem>>, vector<1x1x16xf32>,
    %swap3A_1575 = vector.shape_cast %swap3A_1574 : vector<1x1x16xf32> to vector<16xf32>
    %swap3A_1576 = vector.shape_cast %mul3A_1568 : vector<16xf32> to vector<1x1x16xf32>
    tpu.vector_store %arg7[%swap3A_1571, %swap3A_1572, %swap3A_1573], %swap3A_1576 {strides = array<i32>} : memref<4x4x96xf32, #tpu.memory_space<vmem>>, vector<1x1x16xf32>,
    %mul3A_1577 = arith.constant 1 : i32
    %mul3A_1578 = arith.constant 96 : i32
    %mul3A_1579 = arith.muli %mul3A_1577, %mul3A_1578 : i32
    %add3A_1580 = arith.constant 64 : i32
    %add3A_1581 = arith.addi %mul3A_1579, %add3A_1580 : i32
    %get3A_1582 = arith.constant 0 : i32
    %get3A_1583 = arith.index_cast %rem3A_1005 : i32 to index
    %get3A_1584 = arith.index_cast %get3A_1582 : i32 to index
    %get3A_1585 = arith.index_cast %add3A_1581 : i32 to index
    %get3A_1586 = tpu.vector_load %arg5[%get3A_1583, %get3A_1584, %get3A_1585] {strides = array<i32>} : memref<2x2x384xf32, #tpu.memory_space<vmem>>, vector<1x1x16xf32>,
    %get3A_1587 = vector.shape_cast %get3A_1586 : vector<1x1x16xf32> to vector<16xf32>
    %get3A_1588 = arith.constant 1 : i32
    %get3A_1589 = arith.index_cast %rem3A_1005 : i32 to index
    %get3A_1590 = arith.index_cast %get3A_1588 : i32 to index
    %get3A_1591 = arith.index_cast %add3A_1581 : i32 to index
    %get3A_1592 = tpu.vector_load %arg5[%get3A_1589, %get3A_1590, %get3A_1591] {strides = array<i32>} : memref<2x2x384xf32, #tpu.memory_space<vmem>>, vector<1x1x16xf32>,
    %get3A_1593 = vector.shape_cast %get3A_1592 : vector<1x1x16xf32> to vector<16xf32>
    %add3A_1594 = vector.broadcast %convert_element_type3A_1008 : f32 to vector<16xf32>
    %add3A_1595 = arith.addf %add3A_1594, %get3A_1587 : vector<16xf32>
    %jit3A_1596 = arith.constant 0.000000e+00 : f32
    %jit3A_1597 = arith.constant 3.830000e+02 : f32
    %max3A_1598 = vector.broadcast %jit3A_1596 : f32 to vector<16xf32>
    %max3A_1599 = arith.maximumf %max3A_1598, %add3A_1595 : vector<16xf32>
    %min3A_1600 = vector.broadcast %jit3A_1597 : f32 to vector<16xf32>
    %min3A_1601 = arith.minimumf %min3A_1600, %max3A_1599 : vector<16xf32>
    %convert_element_type3A_1602 = arith.sitofp %add3A_1581 : i32 to f32
    %add3A_1603 = vector.broadcast %convert_element_type3A_1602 : f32 to vector<16xf32>
    %add3A_1604 = arith.addf %add3A_1603, %convert_element_type3A : vector<16xf32>
    %add3A_1605 = arith.addf %add3A_1604, %get3A_1593 : vector<16xf32>
    %jit3A_1606 = arith.constant 0.000000e+00 : f32
    %jit3A_1607 = arith.constant 3.830000e+02 : f32
    %max3A_1608 = vector.broadcast %jit3A_1606 : f32 to vector<16xf32>
    %max3A_1609 = arith.maximumf %max3A_1608, %add3A_1605 : vector<16xf32>
    %min3A_1610 = vector.broadcast %jit3A_1607 : f32 to vector<16xf32>
    %min3A_1611 = arith.minimumf %min3A_1610, %max3A_1609 : vector<16xf32>
    %convert_element_type3A_1612 = arith.fptosi %min3A_1601 : vector<16xf32> to vector<16xi32>
    %min3A_1613 = arith.constant 382 : i32
    %min3A_1614 = vector.broadcast %min3A_1613 : i32 to vector<16xi32>
    %min3A_1615 = arith.minsi %convert_element_type3A_1612, %min3A_1614 : vector<16xi32>
    %convert_element_type3A_1616 = arith.fptosi %min3A_1611 : vector<16xf32> to vector<16xi32>
    %min3A_1617 = arith.constant 382 : i32
    %min3A_1618 = vector.broadcast %min3A_1617 : i32 to vector<16xi32>
    %min3A_1619 = arith.minsi %convert_element_type3A_1616, %min3A_1618 : vector<16xi32>
    %convert_element_type3A_1620 = arith.sitofp %min3A_1615 : vector<16xi32> to vector<16xf32>
    %sub3A_1621 = arith.subf %min3A_1601, %convert_element_type3A_1620 : vector<16xf32>
    %convert_element_type3A_1622 = arith.sitofp %min3A_1619 : vector<16xi32> to vector<16xf32>
    %sub3A_1623 = arith.subf %min3A_1611, %convert_element_type3A_1622 : vector<16xf32>
    %mul3A_1624 = arith.constant 384 : i32
    %mul3A_1625 = vector.broadcast %mul3A_1624 : i32 to vector<16xi32>
    %mul3A_1626 = arith.muli %min3A_1615, %mul3A_1625 : vector<16xi32>
    %add3A_1627 = vector.broadcast %mul3A_22 : i32 to vector<16xi32>
    %add3A_1628 = arith.addi %add3A_1627, %mul3A_1626 : vector<16xi32>
    %add3A_1629 = arith.addi %add3A_1628, %min3A_1619 : vector<16xi32>
    %swap3A_1630 = arith.constant 1 : i32
    %swap3A_1631 = arith.constant 0 : i32
    %swap3A_1632 = arith.index_cast %swap3A_1630 : i32 to index
    %swap3A_1633 = arith.index_cast %swap3A_1631 : i32 to index
    %swap3A_1634 = arith.constant 64 : index
    %swap3A_1635 = tpu.vector_load %arg6[%swap3A_1632, %swap3A_1633, %swap3A_1634] {strides = array<i32>} : memref<4x4x96xi32, #tpu.memory_space<vmem>>, vector<1x1x16xi32>,
    %swap3A_1636 = vector.shape_cast %swap3A_1635 : vector<1x1x16xi32> to vector<16xi32>
    %swap3A_1637 = vector.shape_cast %add3A_1629 : vector<16xi32> to vector<1x1x16xi32>
    tpu.vector_store %arg6[%swap3A_1632, %swap3A_1633, %swap3A_1634], %swap3A_1637 {strides = array<i32>} : memref<4x4x96xi32, #tpu.memory_space<vmem>>, vector<1x1x16xi32>,
    %add3A_1638 = arith.constant 1 : i32
    %add3A_1639 = vector.broadcast %add3A_1638 : i32 to vector<16xi32>
    %add3A_1640 = arith.addi %add3A_1629, %add3A_1639 : vector<16xi32>
    %swap3A_1641 = arith.constant 1 : i32
    %swap3A_1642 = arith.constant 1 : i32
    %swap3A_1643 = arith.index_cast %swap3A_1641 : i32 to index
    %swap3A_1644 = arith.index_cast %swap3A_1642 : i32 to index
    %swap3A_1645 = arith.constant 64 : index
    %swap3A_1646 = tpu.vector_load %arg6[%swap3A_1643, %swap3A_1644, %swap3A_1645] {strides = array<i32>} : memref<4x4x96xi32, #tpu.memory_space<vmem>>, vector<1x1x16xi32>,
    %swap3A_1647 = vector.shape_cast %swap3A_1646 : vector<1x1x16xi32> to vector<16xi32>
    %swap3A_1648 = vector.shape_cast %add3A_1640 : vector<16xi32> to vector<1x1x16xi32>
    tpu.vector_store %arg6[%swap3A_1643, %swap3A_1644, %swap3A_1645], %swap3A_1648 {strides = array<i32>} : memref<4x4x96xi32, #tpu.memory_space<vmem>>, vector<1x1x16xi32>,
    %add3A_1649 = arith.constant 384 : i32
    %add3A_1650 = vector.broadcast %add3A_1649 : i32 to vector<16xi32>
    %add3A_1651 = arith.addi %add3A_1629, %add3A_1650 : vector<16xi32>
    %swap3A_1652 = arith.constant 1 : i32
    %swap3A_1653 = arith.constant 2 : i32
    %swap3A_1654 = arith.index_cast %swap3A_1652 : i32 to index
    %swap3A_1655 = arith.index_cast %swap3A_1653 : i32 to index
    %swap3A_1656 = arith.constant 64 : index
    %swap3A_1657 = tpu.vector_load %arg6[%swap3A_1654, %swap3A_1655, %swap3A_1656] {strides = array<i32>} : memref<4x4x96xi32, #tpu.memory_space<vmem>>, vector<1x1x16xi32>,
    %swap3A_1658 = vector.shape_cast %swap3A_1657 : vector<1x1x16xi32> to vector<16xi32>
    %swap3A_1659 = vector.shape_cast %add3A_1651 : vector<16xi32> to vector<1x1x16xi32>
    tpu.vector_store %arg6[%swap3A_1654, %swap3A_1655, %swap3A_1656], %swap3A_1659 {strides = array<i32>} : memref<4x4x96xi32, #tpu.memory_space<vmem>>, vector<1x1x16xi32>,
    %add3A_1660 = arith.constant 385 : i32
    %add3A_1661 = vector.broadcast %add3A_1660 : i32 to vector<16xi32>
    %add3A_1662 = arith.addi %add3A_1629, %add3A_1661 : vector<16xi32>
    %swap3A_1663 = arith.constant 1 : i32
    %swap3A_1664 = arith.constant 3 : i32
    %swap3A_1665 = arith.index_cast %swap3A_1663 : i32 to index
    %swap3A_1666 = arith.index_cast %swap3A_1664 : i32 to index
    %swap3A_1667 = arith.constant 64 : index
    %swap3A_1668 = tpu.vector_load %arg6[%swap3A_1665, %swap3A_1666, %swap3A_1667] {strides = array<i32>} : memref<4x4x96xi32, #tpu.memory_space<vmem>>, vector<1x1x16xi32>,
    %swap3A_1669 = vector.shape_cast %swap3A_1668 : vector<1x1x16xi32> to vector<16xi32>
    %swap3A_1670 = vector.shape_cast %add3A_1662 : vector<16xi32> to vector<1x1x16xi32>
    tpu.vector_store %arg6[%swap3A_1665, %swap3A_1666, %swap3A_1667], %swap3A_1670 {strides = array<i32>} : memref<4x4x96xi32, #tpu.memory_space<vmem>>, vector<1x1x16xi32>,
    %sub3A_1671 = arith.constant 1.000000e+00 : f32
    %sub3A_1672 = vector.broadcast %sub3A_1671 : f32 to vector<16xf32>
    %sub3A_1673 = arith.subf %sub3A_1672, %sub3A_1621 : vector<16xf32>
    %sub3A_1674 = arith.constant 1.000000e+00 : f32
    %sub3A_1675 = vector.broadcast %sub3A_1674 : f32 to vector<16xf32>
    %sub3A_1676 = arith.subf %sub3A_1675, %sub3A_1623 : vector<16xf32>
    %mul3A_1677 = arith.mulf %sub3A_1673, %sub3A_1676 : vector<16xf32>
    %swap3A_1678 = arith.constant 1 : i32
    %swap3A_1679 = arith.constant 0 : i32
    %swap3A_1680 = arith.index_cast %swap3A_1678 : i32 to index
    %swap3A_1681 = arith.index_cast %swap3A_1679 : i32 to index
    %swap3A_1682 = arith.constant 64 : index
    %swap3A_1683 = tpu.vector_load %arg7[%swap3A_1680, %swap3A_1681, %swap3A_1682] {strides = array<i32>} : memref<4x4x96xf32, #tpu.memory_space<vmem>>, vector<1x1x16xf32>,
    %swap3A_1684 = vector.shape_cast %swap3A_1683 : vector<1x1x16xf32> to vector<16xf32>
    %swap3A_1685 = vector.shape_cast %mul3A_1677 : vector<16xf32> to vector<1x1x16xf32>
    tpu.vector_store %arg7[%swap3A_1680, %swap3A_1681, %swap3A_1682], %swap3A_1685 {strides = array<i32>} : memref<4x4x96xf32, #tpu.memory_space<vmem>>, vector<1x1x16xf32>,
    %sub3A_1686 = arith.constant 1.000000e+00 : f32
    %sub3A_1687 = vector.broadcast %sub3A_1686 : f32 to vector<16xf32>
    %sub3A_1688 = arith.subf %sub3A_1687, %sub3A_1621 : vector<16xf32>
    %mul3A_1689 = arith.mulf %sub3A_1688, %sub3A_1623 : vector<16xf32>
    %swap3A_1690 = arith.constant 1 : i32
    %swap3A_1691 = arith.constant 1 : i32
    %swap3A_1692 = arith.index_cast %swap3A_1690 : i32 to index
    %swap3A_1693 = arith.index_cast %swap3A_1691 : i32 to index
    %swap3A_1694 = arith.constant 64 : index
    %swap3A_1695 = tpu.vector_load %arg7[%swap3A_1692, %swap3A_1693, %swap3A_1694] {strides = array<i32>} : memref<4x4x96xf32, #tpu.memory_space<vmem>>, vector<1x1x16xf32>,
    %swap3A_1696 = vector.shape_cast %swap3A_1695 : vector<1x1x16xf32> to vector<16xf32>
    %swap3A_1697 = vector.shape_cast %mul3A_1689 : vector<16xf32> to vector<1x1x16xf32>
    tpu.vector_store %arg7[%swap3A_1692, %swap3A_1693, %swap3A_1694], %swap3A_1697 {strides = array<i32>} : memref<4x4x96xf32, #tpu.memory_space<vmem>>, vector<1x1x16xf32>,
    %sub3A_1698 = arith.constant 1.000000e+00 : f32
    %sub3A_1699 = vector.broadcast %sub3A_1698 : f32 to vector<16xf32>
    %sub3A_1700 = arith.subf %sub3A_1699, %sub3A_1623 : vector<16xf32>
    %mul3A_1701 = arith.mulf %sub3A_1621, %sub3A_1700 : vector<16xf32>
    %swap3A_1702 = arith.constant 1 : i32
    %swap3A_1703 = arith.constant 2 : i32
    %swap3A_1704 = arith.index_cast %swap3A_1702 : i32 to index
    %swap3A_1705 = arith.index_cast %swap3A_1703 : i32 to index
    %swap3A_1706 = arith.constant 64 : index
    %swap3A_1707 = tpu.vector_load %arg7[%swap3A_1704, %swap3A_1705, %swap3A_1706] {strides = array<i32>} : memref<4x4x96xf32, #tpu.memory_space<vmem>>, vector<1x1x16xf32>,
    %swap3A_1708 = vector.shape_cast %swap3A_1707 : vector<1x1x16xf32> to vector<16xf32>
    %swap3A_1709 = vector.shape_cast %mul3A_1701 : vector<16xf32> to vector<1x1x16xf32>
    tpu.vector_store %arg7[%swap3A_1704, %swap3A_1705, %swap3A_1706], %swap3A_1709 {strides = array<i32>} : memref<4x4x96xf32, #tpu.memory_space<vmem>>, vector<1x1x16xf32>,
    %mul3A_1710 = arith.mulf %sub3A_1621, %sub3A_1623 : vector<16xf32>
    %swap3A_1711 = arith.constant 1 : i32
    %swap3A_1712 = arith.constant 3 : i32
    %swap3A_1713 = arith.index_cast %swap3A_1711 : i32 to index
    %swap3A_1714 = arith.index_cast %swap3A_1712 : i32 to index
    %swap3A_1715 = arith.constant 64 : index
    %swap3A_1716 = tpu.vector_load %arg7[%swap3A_1713, %swap3A_1714, %swap3A_1715] {strides = array<i32>} : memref<4x4x96xf32, #tpu.memory_space<vmem>>, vector<1x1x16xf32>,
    %swap3A_1717 = vector.shape_cast %swap3A_1716 : vector<1x1x16xf32> to vector<16xf32>
    %swap3A_1718 = vector.shape_cast %mul3A_1710 : vector<16xf32> to vector<1x1x16xf32>
    tpu.vector_store %arg7[%swap3A_1713, %swap3A_1714, %swap3A_1715], %swap3A_1718 {strides = array<i32>} : memref<4x4x96xf32, #tpu.memory_space<vmem>>, vector<1x1x16xf32>,
    %mul3A_1719 = arith.constant 1 : i32
    %mul3A_1720 = arith.constant 96 : i32
    %mul3A_1721 = arith.muli %mul3A_1719, %mul3A_1720 : i32
    %add3A_1722 = arith.constant 80 : i32
    %add3A_1723 = arith.addi %mul3A_1721, %add3A_1722 : i32
    %get3A_1724 = arith.constant 0 : i32
    %get3A_1725 = arith.index_cast %rem3A_1005 : i32 to index
    %get3A_1726 = arith.index_cast %get3A_1724 : i32 to index
    %get3A_1727 = arith.index_cast %add3A_1723 : i32 to index
    %get3A_1728 = tpu.vector_load %arg5[%get3A_1725, %get3A_1726, %get3A_1727] {strides = array<i32>} : memref<2x2x384xf32, #tpu.memory_space<vmem>>, vector<1x1x16xf32>,
    %get3A_1729 = vector.shape_cast %get3A_1728 : vector<1x1x16xf32> to vector<16xf32>
    %get3A_1730 = arith.constant 1 : i32
    %get3A_1731 = arith.index_cast %rem3A_1005 : i32 to index
    %get3A_1732 = arith.index_cast %get3A_1730 : i32 to index
    %get3A_1733 = arith.index_cast %add3A_1723 : i32 to index
    %get3A_1734 = tpu.vector_load %arg5[%get3A_1731, %get3A_1732, %get3A_1733] {strides = array<i32>} : memref<2x2x384xf32, #tpu.memory_space<vmem>>, vector<1x1x16xf32>,
    %get3A_1735 = vector.shape_cast %get3A_1734 : vector<1x1x16xf32> to vector<16xf32>
    %add3A_1736 = vector.broadcast %convert_element_type3A_1008 : f32 to vector<16xf32>
    %add3A_1737 = arith.addf %add3A_1736, %get3A_1729 : vector<16xf32>
    %jit3A_1738 = arith.constant 0.000000e+00 : f32
    %jit3A_1739 = arith.constant 3.830000e+02 : f32
    %max3A_1740 = vector.broadcast %jit3A_1738 : f32 to vector<16xf32>
    %max3A_1741 = arith.maximumf %max3A_1740, %add3A_1737 : vector<16xf32>
    %min3A_1742 = vector.broadcast %jit3A_1739 : f32 to vector<16xf32>
    %min3A_1743 = arith.minimumf %min3A_1742, %max3A_1741 : vector<16xf32>
    %convert_element_type3A_1744 = arith.sitofp %add3A_1723 : i32 to f32
    %add3A_1745 = vector.broadcast %convert_element_type3A_1744 : f32 to vector<16xf32>
    %add3A_1746 = arith.addf %add3A_1745, %convert_element_type3A : vector<16xf32>
    %add3A_1747 = arith.addf %add3A_1746, %get3A_1735 : vector<16xf32>
    %jit3A_1748 = arith.constant 0.000000e+00 : f32
    %jit3A_1749 = arith.constant 3.830000e+02 : f32
    %max3A_1750 = vector.broadcast %jit3A_1748 : f32 to vector<16xf32>
    %max3A_1751 = arith.maximumf %max3A_1750, %add3A_1747 : vector<16xf32>
    %min3A_1752 = vector.broadcast %jit3A_1749 : f32 to vector<16xf32>
    %min3A_1753 = arith.minimumf %min3A_1752, %max3A_1751 : vector<16xf32>
    %convert_element_type3A_1754 = arith.fptosi %min3A_1743 : vector<16xf32> to vector<16xi32>
    %min3A_1755 = arith.constant 382 : i32
    %min3A_1756 = vector.broadcast %min3A_1755 : i32 to vector<16xi32>
    %min3A_1757 = arith.minsi %convert_element_type3A_1754, %min3A_1756 : vector<16xi32>
    %convert_element_type3A_1758 = arith.fptosi %min3A_1753 : vector<16xf32> to vector<16xi32>
    %min3A_1759 = arith.constant 382 : i32
    %min3A_1760 = vector.broadcast %min3A_1759 : i32 to vector<16xi32>
    %min3A_1761 = arith.minsi %convert_element_type3A_1758, %min3A_1760 : vector<16xi32>
    %convert_element_type3A_1762 = arith.sitofp %min3A_1757 : vector<16xi32> to vector<16xf32>
    %sub3A_1763 = arith.subf %min3A_1743, %convert_element_type3A_1762 : vector<16xf32>
    %convert_element_type3A_1764 = arith.sitofp %min3A_1761 : vector<16xi32> to vector<16xf32>
    %sub3A_1765 = arith.subf %min3A_1753, %convert_element_type3A_1764 : vector<16xf32>
    %mul3A_1766 = arith.constant 384 : i32
    %mul3A_1767 = vector.broadcast %mul3A_1766 : i32 to vector<16xi32>
    %mul3A_1768 = arith.muli %min3A_1757, %mul3A_1767 : vector<16xi32>
    %add3A_1769 = vector.broadcast %mul3A_22 : i32 to vector<16xi32>
    %add3A_1770 = arith.addi %add3A_1769, %mul3A_1768 : vector<16xi32>
    %add3A_1771 = arith.addi %add3A_1770, %min3A_1761 : vector<16xi32>
    %swap3A_1772 = arith.constant 1 : i32
    %swap3A_1773 = arith.constant 0 : i32
    %swap3A_1774 = arith.index_cast %swap3A_1772 : i32 to index
    %swap3A_1775 = arith.index_cast %swap3A_1773 : i32 to index
    %swap3A_1776 = arith.constant 80 : index
    %swap3A_1777 = tpu.vector_load %arg6[%swap3A_1774, %swap3A_1775, %swap3A_1776] {strides = array<i32>} : memref<4x4x96xi32, #tpu.memory_space<vmem>>, vector<1x1x16xi32>,
    %swap3A_1778 = vector.shape_cast %swap3A_1777 : vector<1x1x16xi32> to vector<16xi32>
    %swap3A_1779 = vector.shape_cast %add3A_1771 : vector<16xi32> to vector<1x1x16xi32>
    tpu.vector_store %arg6[%swap3A_1774, %swap3A_1775, %swap3A_1776], %swap3A_1779 {strides = array<i32>} : memref<4x4x96xi32, #tpu.memory_space<vmem>>, vector<1x1x16xi32>,
    %add3A_1780 = arith.constant 1 : i32
    %add3A_1781 = vector.broadcast %add3A_1780 : i32 to vector<16xi32>
    %add3A_1782 = arith.addi %add3A_1771, %add3A_1781 : vector<16xi32>
    %swap3A_1783 = arith.constant 1 : i32
    %swap3A_1784 = arith.constant 1 : i32
    %swap3A_1785 = arith.index_cast %swap3A_1783 : i32 to index
    %swap3A_1786 = arith.index_cast %swap3A_1784 : i32 to index
    %swap3A_1787 = arith.constant 80 : index
    %swap3A_1788 = tpu.vector_load %arg6[%swap3A_1785, %swap3A_1786, %swap3A_1787] {strides = array<i32>} : memref<4x4x96xi32, #tpu.memory_space<vmem>>, vector<1x1x16xi32>,
    %swap3A_1789 = vector.shape_cast %swap3A_1788 : vector<1x1x16xi32> to vector<16xi32>
    %swap3A_1790 = vector.shape_cast %add3A_1782 : vector<16xi32> to vector<1x1x16xi32>
    tpu.vector_store %arg6[%swap3A_1785, %swap3A_1786, %swap3A_1787], %swap3A_1790 {strides = array<i32>} : memref<4x4x96xi32, #tpu.memory_space<vmem>>, vector<1x1x16xi32>,
    %add3A_1791 = arith.constant 384 : i32
    %add3A_1792 = vector.broadcast %add3A_1791 : i32 to vector<16xi32>
    %add3A_1793 = arith.addi %add3A_1771, %add3A_1792 : vector<16xi32>
    %swap3A_1794 = arith.constant 1 : i32
    %swap3A_1795 = arith.constant 2 : i32
    %swap3A_1796 = arith.index_cast %swap3A_1794 : i32 to index
    %swap3A_1797 = arith.index_cast %swap3A_1795 : i32 to index
    %swap3A_1798 = arith.constant 80 : index
    %swap3A_1799 = tpu.vector_load %arg6[%swap3A_1796, %swap3A_1797, %swap3A_1798] {strides = array<i32>} : memref<4x4x96xi32, #tpu.memory_space<vmem>>, vector<1x1x16xi32>,
    %swap3A_1800 = vector.shape_cast %swap3A_1799 : vector<1x1x16xi32> to vector<16xi32>
    %swap3A_1801 = vector.shape_cast %add3A_1793 : vector<16xi32> to vector<1x1x16xi32>
    tpu.vector_store %arg6[%swap3A_1796, %swap3A_1797, %swap3A_1798], %swap3A_1801 {strides = array<i32>} : memref<4x4x96xi32, #tpu.memory_space<vmem>>, vector<1x1x16xi32>,
    %add3A_1802 = arith.constant 385 : i32
    %add3A_1803 = vector.broadcast %add3A_1802 : i32 to vector<16xi32>
    %add3A_1804 = arith.addi %add3A_1771, %add3A_1803 : vector<16xi32>
    %swap3A_1805 = arith.constant 1 : i32
    %swap3A_1806 = arith.constant 3 : i32
    %swap3A_1807 = arith.index_cast %swap3A_1805 : i32 to index
    %swap3A_1808 = arith.index_cast %swap3A_1806 : i32 to index
    %swap3A_1809 = arith.constant 80 : index
    %swap3A_1810 = tpu.vector_load %arg6[%swap3A_1807, %swap3A_1808, %swap3A_1809] {strides = array<i32>} : memref<4x4x96xi32, #tpu.memory_space<vmem>>, vector<1x1x16xi32>,
    %swap3A_1811 = vector.shape_cast %swap3A_1810 : vector<1x1x16xi32> to vector<16xi32>
    %swap3A_1812 = vector.shape_cast %add3A_1804 : vector<16xi32> to vector<1x1x16xi32>
    tpu.vector_store %arg6[%swap3A_1807, %swap3A_1808, %swap3A_1809], %swap3A_1812 {strides = array<i32>} : memref<4x4x96xi32, #tpu.memory_space<vmem>>, vector<1x1x16xi32>,
    %sub3A_1813 = arith.constant 1.000000e+00 : f32
    %sub3A_1814 = vector.broadcast %sub3A_1813 : f32 to vector<16xf32>
    %sub3A_1815 = arith.subf %sub3A_1814, %sub3A_1763 : vector<16xf32>
    %sub3A_1816 = arith.constant 1.000000e+00 : f32
    %sub3A_1817 = vector.broadcast %sub3A_1816 : f32 to vector<16xf32>
    %sub3A_1818 = arith.subf %sub3A_1817, %sub3A_1765 : vector<16xf32>
    %mul3A_1819 = arith.mulf %sub3A_1815, %sub3A_1818 : vector<16xf32>
    %swap3A_1820 = arith.constant 1 : i32
    %swap3A_1821 = arith.constant 0 : i32
    %swap3A_1822 = arith.index_cast %swap3A_1820 : i32 to index
    %swap3A_1823 = arith.index_cast %swap3A_1821 : i32 to index
    %swap3A_1824 = arith.constant 80 : index
    %swap3A_1825 = tpu.vector_load %arg7[%swap3A_1822, %swap3A_1823, %swap3A_1824] {strides = array<i32>} : memref<4x4x96xf32, #tpu.memory_space<vmem>>, vector<1x1x16xf32>,
    %swap3A_1826 = vector.shape_cast %swap3A_1825 : vector<1x1x16xf32> to vector<16xf32>
    %swap3A_1827 = vector.shape_cast %mul3A_1819 : vector<16xf32> to vector<1x1x16xf32>
    tpu.vector_store %arg7[%swap3A_1822, %swap3A_1823, %swap3A_1824], %swap3A_1827 {strides = array<i32>} : memref<4x4x96xf32, #tpu.memory_space<vmem>>, vector<1x1x16xf32>,
    %sub3A_1828 = arith.constant 1.000000e+00 : f32
    %sub3A_1829 = vector.broadcast %sub3A_1828 : f32 to vector<16xf32>
    %sub3A_1830 = arith.subf %sub3A_1829, %sub3A_1763 : vector<16xf32>
    %mul3A_1831 = arith.mulf %sub3A_1830, %sub3A_1765 : vector<16xf32>
    %swap3A_1832 = arith.constant 1 : i32
    %swap3A_1833 = arith.constant 1 : i32
    %swap3A_1834 = arith.index_cast %swap3A_1832 : i32 to index
    %swap3A_1835 = arith.index_cast %swap3A_1833 : i32 to index
    %swap3A_1836 = arith.constant 80 : index
    %swap3A_1837 = tpu.vector_load %arg7[%swap3A_1834, %swap3A_1835, %swap3A_1836] {strides = array<i32>} : memref<4x4x96xf32, #tpu.memory_space<vmem>>, vector<1x1x16xf32>,
    %swap3A_1838 = vector.shape_cast %swap3A_1837 : vector<1x1x16xf32> to vector<16xf32>
    %swap3A_1839 = vector.shape_cast %mul3A_1831 : vector<16xf32> to vector<1x1x16xf32>
    tpu.vector_store %arg7[%swap3A_1834, %swap3A_1835, %swap3A_1836], %swap3A_1839 {strides = array<i32>} : memref<4x4x96xf32, #tpu.memory_space<vmem>>, vector<1x1x16xf32>,
    %sub3A_1840 = arith.constant 1.000000e+00 : f32
    %sub3A_1841 = vector.broadcast %sub3A_1840 : f32 to vector<16xf32>
    %sub3A_1842 = arith.subf %sub3A_1841, %sub3A_1765 : vector<16xf32>
    %mul3A_1843 = arith.mulf %sub3A_1763, %sub3A_1842 : vector<16xf32>
    %swap3A_1844 = arith.constant 1 : i32
    %swap3A_1845 = arith.constant 2 : i32
    %swap3A_1846 = arith.index_cast %swap3A_1844 : i32 to index
    %swap3A_1847 = arith.index_cast %swap3A_1845 : i32 to index
    %swap3A_1848 = arith.constant 80 : index
    %swap3A_1849 = tpu.vector_load %arg7[%swap3A_1846, %swap3A_1847, %swap3A_1848] {strides = array<i32>} : memref<4x4x96xf32, #tpu.memory_space<vmem>>, vector<1x1x16xf32>,
    %swap3A_1850 = vector.shape_cast %swap3A_1849 : vector<1x1x16xf32> to vector<16xf32>
    %swap3A_1851 = vector.shape_cast %mul3A_1843 : vector<16xf32> to vector<1x1x16xf32>
    tpu.vector_store %arg7[%swap3A_1846, %swap3A_1847, %swap3A_1848], %swap3A_1851 {strides = array<i32>} : memref<4x4x96xf32, #tpu.memory_space<vmem>>, vector<1x1x16xf32>,
    %mul3A_1852 = arith.mulf %sub3A_1763, %sub3A_1765 : vector<16xf32>
    %swap3A_1853 = arith.constant 1 : i32
    %swap3A_1854 = arith.constant 3 : i32
    %swap3A_1855 = arith.index_cast %swap3A_1853 : i32 to index
    %swap3A_1856 = arith.index_cast %swap3A_1854 : i32 to index
    %swap3A_1857 = arith.constant 80 : index
    %swap3A_1858 = tpu.vector_load %arg7[%swap3A_1855, %swap3A_1856, %swap3A_1857] {strides = array<i32>} : memref<4x4x96xf32, #tpu.memory_space<vmem>>, vector<1x1x16xf32>,
    %swap3A_1859 = vector.shape_cast %swap3A_1858 : vector<1x1x16xf32> to vector<16xf32>
    %swap3A_1860 = vector.shape_cast %mul3A_1852 : vector<16xf32> to vector<1x1x16xf32>
    tpu.vector_store %arg7[%swap3A_1855, %swap3A_1856, %swap3A_1857], %swap3A_1860 {strides = array<i32>} : memref<4x4x96xf32, #tpu.memory_space<vmem>>, vector<1x1x16xf32>,
    %dma_start3A_1861 = arith.constant 1 : i32
    %dma_start3A_1862 = arith.constant 0 : i32
    %dma_start3A_1863 = arith.constant 1 : i32
    %dma_start3A_1864 = arith.constant 0 : i32
    %dma_start3A_1865 = arith.constant 0 : i32
    %dma_start3A_1866 = arith.constant 0 : i32
    %dma_start3A_1867 = tpu.memref_slice %arg8[%dma_start3A_1863, %dma_start3A_1864, %dma_start3A_1865, %dma_start3A_1866] : memref<4x4x96x48xi32, #tpu.memory_space<vmem>> -> memref<1x1x96x48xi32, #tpu.memory_space<vmem>>
    %dma_start3A_1868 = tpu.memref_squeeze %dma_start3A_1867 : memref<1x1x96x48xi32, #tpu.memory_space<vmem>> -> memref<96x48xi32, #tpu.memory_space<vmem>>
    %dma_start3A_1869 = arith.constant 0 : i32
    %dma_start3A_1870 = tpu.memref_slice %arg6[%dma_start3A_1861, %dma_start3A_1862, %dma_start3A_1869] : memref<4x4x96xi32, #tpu.memory_space<vmem>> -> memref<1x1x96xi32, #tpu.memory_space<vmem>>
    %dma_start3A_1871 = tpu.memref_squeeze %dma_start3A_1870 : memref<1x1x96xi32, #tpu.memory_space<vmem>> -> memref<96xi32, #tpu.memory_space<vmem>>
    %dma_start3A_1872 = arith.constant 0 : i32
    %dma_start3A_1873 = arith.constant 0 : i32
    %dma_start3A_1874 = tpu.memref_slice %arg2[%dma_start3A_1872, %dma_start3A_1873] : memref<589824x48xi32, #tpu.memory_space<hbm>> -> memref<589824x48xi32, #tpu.memory_space<hbm>>
    tpu.enqueue_indirect_dma source(%dma_start3A_1874 : memref<589824x48xi32, #tpu.memory_space<hbm>>) target(%dma_start3A_1868 : memref<96x48xi32, #tpu.memory_space<vmem>>) offsets(%dma_start3A_1871 : memref<96xi32, #tpu.memory_space<vmem>>) semaphore(%arg10 : memref<!tpu.dma_semaphore, #tpu.memory_space<semaphore_mem>>)
    %dma_start3A_1875 = arith.constant 1 : i32
    %dma_start3A_1876 = arith.constant 1 : i32
    %dma_start3A_1877 = arith.constant 1 : i32
    %dma_start3A_1878 = arith.constant 1 : i32
    %dma_start3A_1879 = arith.constant 0 : i32
    %dma_start3A_1880 = arith.constant 0 : i32
    %dma_start3A_1881 = tpu.memref_slice %arg8[%dma_start3A_1877, %dma_start3A_1878, %dma_start3A_1879, %dma_start3A_1880] : memref<4x4x96x48xi32, #tpu.memory_space<vmem>> -> memref<1x1x96x48xi32, #tpu.memory_space<vmem>>
    %dma_start3A_1882 = tpu.memref_squeeze %dma_start3A_1881 : memref<1x1x96x48xi32, #tpu.memory_space<vmem>> -> memref<96x48xi32, #tpu.memory_space<vmem>>
    %dma_start3A_1883 = arith.constant 0 : i32
    %dma_start3A_1884 = tpu.memref_slice %arg6[%dma_start3A_1875, %dma_start3A_1876, %dma_start3A_1883] : memref<4x4x96xi32, #tpu.memory_space<vmem>> -> memref<1x1x96xi32, #tpu.memory_space<vmem>>
    %dma_start3A_1885 = tpu.memref_squeeze %dma_start3A_1884 : memref<1x1x96xi32, #tpu.memory_space<vmem>> -> memref<96xi32, #tpu.memory_space<vmem>>
    %dma_start3A_1886 = arith.constant 0 : i32
    %dma_start3A_1887 = arith.constant 0 : i32
    %dma_start3A_1888 = tpu.memref_slice %arg2[%dma_start3A_1886, %dma_start3A_1887] : memref<589824x48xi32, #tpu.memory_space<hbm>> -> memref<589824x48xi32, #tpu.memory_space<hbm>>
    tpu.enqueue_indirect_dma source(%dma_start3A_1888 : memref<589824x48xi32, #tpu.memory_space<hbm>>) target(%dma_start3A_1882 : memref<96x48xi32, #tpu.memory_space<vmem>>) offsets(%dma_start3A_1885 : memref<96xi32, #tpu.memory_space<vmem>>) semaphore(%arg10 : memref<!tpu.dma_semaphore, #tpu.memory_space<semaphore_mem>>)
    %dma_start3A_1889 = arith.constant 1 : i32
    %dma_start3A_1890 = arith.constant 2 : i32
    %dma_start3A_1891 = arith.constant 1 : i32
    %dma_start3A_1892 = arith.constant 2 : i32
    %dma_start3A_1893 = arith.constant 0 : i32
    %dma_start3A_1894 = arith.constant 0 : i32
    %dma_start3A_1895 = tpu.memref_slice %arg8[%dma_start3A_1891, %dma_start3A_1892, %dma_start3A_1893, %dma_start3A_1894] : memref<4x4x96x48xi32, #tpu.memory_space<vmem>> -> memref<1x1x96x48xi32, #tpu.memory_space<vmem>>
    %dma_start3A_1896 = tpu.memref_squeeze %dma_start3A_1895 : memref<1x1x96x48xi32, #tpu.memory_space<vmem>> -> memref<96x48xi32, #tpu.memory_space<vmem>>
    %dma_start3A_1897 = arith.constant 0 : i32
    %dma_start3A_1898 = tpu.memref_slice %arg6[%dma_start3A_1889, %dma_start3A_1890, %dma_start3A_1897] : memref<4x4x96xi32, #tpu.memory_space<vmem>> -> memref<1x1x96xi32, #tpu.memory_space<vmem>>
    %dma_start3A_1899 = tpu.memref_squeeze %dma_start3A_1898 : memref<1x1x96xi32, #tpu.memory_space<vmem>> -> memref<96xi32, #tpu.memory_space<vmem>>
    %dma_start3A_1900 = arith.constant 0 : i32
    %dma_start3A_1901 = arith.constant 0 : i32
    %dma_start3A_1902 = tpu.memref_slice %arg2[%dma_start3A_1900, %dma_start3A_1901] : memref<589824x48xi32, #tpu.memory_space<hbm>> -> memref<589824x48xi32, #tpu.memory_space<hbm>>
    tpu.enqueue_indirect_dma source(%dma_start3A_1902 : memref<589824x48xi32, #tpu.memory_space<hbm>>) target(%dma_start3A_1896 : memref<96x48xi32, #tpu.memory_space<vmem>>) offsets(%dma_start3A_1899 : memref<96xi32, #tpu.memory_space<vmem>>) semaphore(%arg10 : memref<!tpu.dma_semaphore, #tpu.memory_space<semaphore_mem>>)
    %dma_start3A_1903 = arith.constant 1 : i32
    %dma_start3A_1904 = arith.constant 3 : i32
    %dma_start3A_1905 = arith.constant 1 : i32
    %dma_start3A_1906 = arith.constant 3 : i32
    %dma_start3A_1907 = arith.constant 0 : i32
    %dma_start3A_1908 = arith.constant 0 : i32
    %dma_start3A_1909 = tpu.memref_slice %arg8[%dma_start3A_1905, %dma_start3A_1906, %dma_start3A_1907, %dma_start3A_1908] : memref<4x4x96x48xi32, #tpu.memory_space<vmem>> -> memref<1x1x96x48xi32, #tpu.memory_space<vmem>>
    %dma_start3A_1910 = tpu.memref_squeeze %dma_start3A_1909 : memref<1x1x96x48xi32, #tpu.memory_space<vmem>> -> memref<96x48xi32, #tpu.memory_space<vmem>>
    %dma_start3A_1911 = arith.constant 0 : i32
    %dma_start3A_1912 = tpu.memref_slice %arg6[%dma_start3A_1903, %dma_start3A_1904, %dma_start3A_1911] : memref<4x4x96xi32, #tpu.memory_space<vmem>> -> memref<1x1x96xi32, #tpu.memory_space<vmem>>
    %dma_start3A_1913 = tpu.memref_squeeze %dma_start3A_1912 : memref<1x1x96xi32, #tpu.memory_space<vmem>> -> memref<96xi32, #tpu.memory_space<vmem>>
    %dma_start3A_1914 = arith.constant 0 : i32
    %dma_start3A_1915 = arith.constant 0 : i32
    %dma_start3A_1916 = tpu.memref_slice %arg2[%dma_start3A_1914, %dma_start3A_1915] : memref<589824x48xi32, #tpu.memory_space<hbm>> -> memref<589824x48xi32, #tpu.memory_space<hbm>>
    tpu.enqueue_indirect_dma source(%dma_start3A_1916 : memref<589824x48xi32, #tpu.memory_space<hbm>>) target(%dma_start3A_1910 : memref<96x48xi32, #tpu.memory_space<vmem>>) offsets(%dma_start3A_1913 : memref<96xi32, #tpu.memory_space<vmem>>) semaphore(%arg10 : memref<!tpu.dma_semaphore, #tpu.memory_space<semaphore_mem>>)
    %scan3A = arith.constant 0 : i32
    %scan3A_1917 = arith.constant 0 : i32
    %scan3A_1918 = arith.constant 192 : i32
    %scan3A_1919 = arith.addi %scan3A_1917, %scan3A_1918 : i32
    %scan3A_1920 = arith.constant 1 : i32
    %scan3A_1921 = scf.for %scan3A_1945 = %scan3A_1917 to %scan3A_1919 step %scan3A_1920 iter_args(%scan3A_1946 = %scan3A) -> (i32)  : i32 {
      %rem3A_1947 = arith.constant 4 : i32
      %rem3A_1948 = arith.remsi %scan3A_1945, %rem3A_1947 : i32
      %add3A_1949 = arith.constant 2 : i32
      %add3A_1950 = arith.addi %scan3A_1945, %add3A_1949 : i32
      %jit3A_1951 = arith.constant 4 : i32
      %div3A_1952 = arith.divsi %add3A_1950, %jit3A_1951 : i32
      %sign3A_1953 = arith.constant 0 : i32
      %sign3A_1954 = arith.cmpi sgt, %add3A_1950, %sign3A_1953 : i32
      %sign3A_1955 = arith.extui %sign3A_1954 : i1 to i32
      %sign3A_1956 = arith.constant 0 : i32
      %sign3A_1957 = arith.cmpi slt, %add3A_1950, %sign3A_1956 : i32
      %sign3A_1958 = arith.extui %sign3A_1957 : i1 to i32
      %sign3A_1959 = arith.subi %sign3A_1955, %sign3A_1958 : i32
      %sign3A_1960 = arith.constant 0 : i32
      %sign3A_1961 = arith.cmpi sgt, %jit3A_1951, %sign3A_1960 : i32
      %sign3A_1962 = arith.extui %sign3A_1961 : i1 to i32
      %sign3A_1963 = arith.constant 0 : i32
      %sign3A_1964 = arith.cmpi slt, %jit3A_1951, %sign3A_1963 : i32
      %sign3A_1965 = arith.extui %sign3A_1964 : i1 to i32
      %sign3A_1966 = arith.subi %sign3A_1962, %sign3A_1965 : i32
      %ne3A_1967 = arith.cmpi ne, %sign3A_1959, %sign3A_1966 : i32
      %rem3A_1968 = arith.remsi %add3A_1950, %jit3A_1951 : i32
      %ne3A_1969 = arith.constant 0 : i32
      %ne3A_1970 = arith.cmpi ne, %rem3A_1968, %ne3A_1969 : i32
      %and3A_1971 = arith.andi %ne3A_1967, %ne3A_1970 : i1
      %sub3A_1972 = arith.constant 1 : i32
      %sub3A_1973 = arith.subi %div3A_1952, %sub3A_1972 : i32
      %select_n3A_1974 = arith.select %and3A_1971, %sub3A_1973, %div3A_1952 : i32
      %rem3A_1975 = arith.constant 4 : i32
      %rem3A_1976 = arith.remsi %add3A_1950, %rem3A_1975 : i32
      %jit3A_1977 = arith.constant 4 : i32
      %div3A_1978 = arith.divsi %scan3A_1945, %jit3A_1977 : i32
      %sign3A_1979 = arith.constant 0 : i32
      %sign3A_1980 = arith.cmpi sgt, %scan3A_1945, %sign3A_1979 : i32
      %sign3A_1981 = arith.extui %sign3A_1980 : i1 to i32
      %sign3A_1982 = arith.constant 0 : i32
      %sign3A_1983 = arith.cmpi slt, %scan3A_1945, %sign3A_1982 : i32
      %sign3A_1984 = arith.extui %sign3A_1983 : i1 to i32
      %sign3A_1985 = arith.subi %sign3A_1981, %sign3A_1984 : i32
      %sign3A_1986 = arith.constant 0 : i32
      %sign3A_1987 = arith.cmpi sgt, %jit3A_1977, %sign3A_1986 : i32
      %sign3A_1988 = arith.extui %sign3A_1987 : i1 to i32
      %sign3A_1989 = arith.constant 0 : i32
      %sign3A_1990 = arith.cmpi slt, %jit3A_1977, %sign3A_1989 : i32
      %sign3A_1991 = arith.extui %sign3A_1990 : i1 to i32
      %sign3A_1992 = arith.subi %sign3A_1988, %sign3A_1991 : i32
      %ne3A_1993 = arith.cmpi ne, %sign3A_1985, %sign3A_1992 : i32
      %rem3A_1994 = arith.remsi %scan3A_1945, %jit3A_1977 : i32
      %ne3A_1995 = arith.constant 0 : i32
      %ne3A_1996 = arith.cmpi ne, %rem3A_1994, %ne3A_1995 : i32
      %and3A_1997 = arith.andi %ne3A_1993, %ne3A_1996 : i1
      %sub3A_1998 = arith.constant 1 : i32
      %sub3A_1999 = arith.subi %div3A_1978, %sub3A_1998 : i32
      %select_n3A_2000 = arith.select %and3A_1997, %sub3A_1999, %div3A_1978 : i32
      %rem3A_2001 = arith.constant 4 : i32
      %rem3A_2002 = arith.remsi %scan3A_1945, %rem3A_2001 : i32
      %lt3A = arith.constant 192 : i32
      %lt3A_2003 = arith.cmpi slt, %add3A_1950, %lt3A : i32
      %convert_element_type3A_2004 = arith.extui %lt3A_2003 : i1 to i32
      %cond3A = arith.constant 0 : i32
      %cond3A_2005 = arith.cmpi ne, %convert_element_type3A_2004, %cond3A : i32
      scf.if %cond3A_2005 {
        %eq3A = arith.constant 0 : i32
        %eq3A_2090 = arith.cmpi eq, %rem3A_1976, %eq3A : i32
        %convert_element_type3A_2091 = arith.extui %eq3A_2090 : i1 to i32
        %cond3A_2092 = arith.constant 0 : i32
        %cond3A_2093 = arith.cmpi ne, %convert_element_type3A_2091, %cond3A_2092 : i32
        scf.if %cond3A_2093 {
          %rem3A_2956 = arith.constant 2 : i32
          %rem3A_2957 = arith.remsi %select_n3A_1974, %rem3A_2956 : i32
          %mul3A_2958 = arith.constant 2 : i32
          %mul3A_2959 = arith.muli %select_n3A, %mul3A_2958 : i32
          %mul3A_2960 = arith.constant 384 : i32
          %mul3A_2961 = arith.muli %mul3A_2959, %mul3A_2960 : i32
          %add3A_2962 = arith.constant 0 : i32
          %add3A_2963 = arith.addi %mul3A_2961, %add3A_2962 : i32
          %add3A_2964 = arith.addi %mul3A_20, %select_n3A_1974 : i32
          %add3A_2965 = arith.addi %add3A_2963, %add3A_2964 : i32
          %mul3A_2966 = arith.constant 384 : i32
          %mul3A_2967 = arith.muli %add3A_2965, %mul3A_2966 : i32
          %multiple_of3A_2968 = tpu.assume_multiple %mul3A_2967, 384 : i32
          %dma_wait3A_2969 = arith.constant 0 : i32
          %dma_wait3A_2970 = arith.constant 0 : i32
          %dma_wait3A_2971 = tpu.memref_slice %arg5[%rem3A_2957, %dma_wait3A_2969, %dma_wait3A_2970] : memref<2x2x384xf32, #tpu.memory_space<vmem>> -> memref<1x1x384xf32, #tpu.memory_space<vmem>>
          %dma_wait3A_2972 = tpu.memref_squeeze %dma_wait3A_2971 : memref<1x1x384xf32, #tpu.memory_space<vmem>> -> memref<384xf32, #tpu.memory_space<vmem>>
          %dma_wait3A_2973 = tpu.memref_slice %arg3[%multiple_of3A_2968] : memref<1179648xf32, #tpu.memory_space<hbm>> -> memref<384xf32, #tpu.memory_space<hbm>>
          %dma_wait3A_2974 = arith.constant 0 : i32
          %dma_wait3A_2975 = tpu.memref_slice %arg5[%rem3A_2957, %dma_wait3A_2969, %dma_wait3A_2974] : memref<2x2x384xf32, #tpu.memory_space<vmem>> -> memref<1x1x384xf32, #tpu.memory_space<vmem>>
          %dma_wait3A_2976 = tpu.memref_squeeze %dma_wait3A_2975 : memref<1x1x384xf32, #tpu.memory_space<vmem>> -> memref<384xf32, #tpu.memory_space<vmem>>
          %dma_wait3A_2977 = tpu.memref_slice %arg3[%multiple_of3A_2968] : memref<1179648xf32, #tpu.memory_space<hbm>> -> memref<384xf32, #tpu.memory_space<hbm>>
          tpu.wait_dma2 semaphore(%arg12 : memref<!tpu.dma_semaphore, #tpu.memory_space<semaphore_mem>>) src(%dma_wait3A_2977 : memref<384xf32, #tpu.memory_space<hbm>>) dst(%dma_wait3A_2976 : memref<384xf32, #tpu.memory_space<vmem>>)
          %mul3A_2978 = arith.constant 2 : i32
          %mul3A_2979 = arith.muli %select_n3A, %mul3A_2978 : i32
          %mul3A_2980 = arith.constant 384 : i32
          %mul3A_2981 = arith.muli %mul3A_2979, %mul3A_2980 : i32
          %add3A_2982 = arith.constant 384 : i32
          %add3A_2983 = arith.addi %mul3A_2981, %add3A_2982 : i32
          %add3A_2984 = arith.addi %mul3A_20, %select_n3A_1974 : i32
          %add3A_2985 = arith.addi %add3A_2983, %add3A_2984 : i32
          %mul3A_2986 = arith.constant 384 : i32
          %mul3A_2987 = arith.muli %add3A_2985, %mul3A_2986 : i32
          %multiple_of3A_2988 = tpu.assume_multiple %mul3A_2987, 384 : i32
          %dma_wait3A_2989 = arith.constant 1 : i32
          %dma_wait3A_2990 = arith.constant 0 : i32
          %dma_wait3A_2991 = tpu.memref_slice %arg5[%rem3A_2957, %dma_wait3A_2989, %dma_wait3A_2990] : memref<2x2x384xf32, #tpu.memory_space<vmem>> -> memref<1x1x384xf32, #tpu.memory_space<vmem>>
          %dma_wait3A_2992 = tpu.memref_squeeze %dma_wait3A_2991 : memref<1x1x384xf32, #tpu.memory_space<vmem>> -> memref<384xf32, #tpu.memory_space<vmem>>
          %dma_wait3A_2993 = tpu.memref_slice %arg3[%multiple_of3A_2988] : memref<1179648xf32, #tpu.memory_space<hbm>> -> memref<384xf32, #tpu.memory_space<hbm>>
          %dma_wait3A_2994 = arith.constant 0 : i32
          %dma_wait3A_2995 = tpu.memref_slice %arg5[%rem3A_2957, %dma_wait3A_2989, %dma_wait3A_2994] : memref<2x2x384xf32, #tpu.memory_space<vmem>> -> memref<1x1x384xf32, #tpu.memory_space<vmem>>
          %dma_wait3A_2996 = tpu.memref_squeeze %dma_wait3A_2995 : memref<1x1x384xf32, #tpu.memory_space<vmem>> -> memref<384xf32, #tpu.memory_space<vmem>>
          %dma_wait3A_2997 = tpu.memref_slice %arg3[%multiple_of3A_2988] : memref<1179648xf32, #tpu.memory_space<hbm>> -> memref<384xf32, #tpu.memory_space<hbm>>
          tpu.wait_dma2 semaphore(%arg12 : memref<!tpu.dma_semaphore, #tpu.memory_space<semaphore_mem>>) src(%dma_wait3A_2997 : memref<384xf32, #tpu.memory_space<hbm>>) dst(%dma_wait3A_2996 : memref<384xf32, #tpu.memory_space<vmem>>)
        } else {
        }
        %rem3A_2094 = arith.constant 4 : i32
        %rem3A_2095 = arith.remsi %add3A_1950, %rem3A_2094 : i32
        %rem3A_2096 = arith.constant 2 : i32
        %rem3A_2097 = arith.remsi %select_n3A_1974, %rem3A_2096 : i32
        %add3A_2098 = arith.addi %mul3A_20, %select_n3A_1974 : i32
        %convert_element_type3A_2099 = arith.sitofp %add3A_2098 : i32 to f32
        %mul3A_2100 = arith.constant 96 : i32
        %mul3A_2101 = arith.muli %rem3A_1976, %mul3A_2100 : i32
        %add3A_2102 = arith.constant 0 : i32
        %add3A_2103 = arith.addi %mul3A_2101, %add3A_2102 : i32
        %get3A_2104 = arith.constant 0 : i32
        %get3A_2105 = arith.index_cast %rem3A_2097 : i32 to index
        %get3A_2106 = arith.index_cast %get3A_2104 : i32 to index
        %get3A_2107 = arith.index_cast %add3A_2103 : i32 to index
        %get3A_2108 = tpu.vector_load %arg5[%get3A_2105, %get3A_2106, %get3A_2107] {strides = array<i32>} : memref<2x2x384xf32, #tpu.memory_space<vmem>>, vector<1x1x16xf32>,
        %get3A_2109 = vector.shape_cast %get3A_2108 : vector<1x1x16xf32> to vector<16xf32>
        %get3A_2110 = arith.constant 1 : i32
        %get3A_2111 = arith.index_cast %rem3A_2097 : i32 to index
        %get3A_2112 = arith.index_cast %get3A_2110 : i32 to index
        %get3A_2113 = arith.index_cast %add3A_2103 : i32 to index
        %get3A_2114 = tpu.vector_load %arg5[%get3A_2111, %get3A_2112, %get3A_2113] {strides = array<i32>} : memref<2x2x384xf32, #tpu.memory_space<vmem>>, vector<1x1x16xf32>,
        %get3A_2115 = vector.shape_cast %get3A_2114 : vector<1x1x16xf32> to vector<16xf32>
        %add3A_2116 = vector.broadcast %convert_element_type3A_2099 : f32 to vector<16xf32>
        %add3A_2117 = arith.addf %add3A_2116, %get3A_2109 : vector<16xf32>
        %jit3A_2118 = arith.constant 0.000000e+00 : f32
        %jit3A_2119 = arith.constant 3.830000e+02 : f32
        %max3A_2120 = vector.broadcast %jit3A_2118 : f32 to vector<16xf32>
        %max3A_2121 = arith.maximumf %max3A_2120, %add3A_2117 : vector<16xf32>
        %min3A_2122 = vector.broadcast %jit3A_2119 : f32 to vector<16xf32>
        %min3A_2123 = arith.minimumf %min3A_2122, %max3A_2121 : vector<16xf32>
        %convert_element_type3A_2124 = arith.sitofp %add3A_2103 : i32 to f32
        %add3A_2125 = vector.broadcast %convert_element_type3A_2124 : f32 to vector<16xf32>
        %add3A_2126 = arith.addf %add3A_2125, %convert_element_type3A : vector<16xf32>
        %add3A_2127 = arith.addf %add3A_2126, %get3A_2115 : vector<16xf32>
        %jit3A_2128 = arith.constant 0.000000e+00 : f32
        %jit3A_2129 = arith.constant 3.830000e+02 : f32
        %max3A_2130 = vector.broadcast %jit3A_2128 : f32 to vector<16xf32>
        %max3A_2131 = arith.maximumf %max3A_2130, %add3A_2127 : vector<16xf32>
        %min3A_2132 = vector.broadcast %jit3A_2129 : f32 to vector<16xf32>
        %min3A_2133 = arith.minimumf %min3A_2132, %max3A_2131 : vector<16xf32>
        %convert_element_type3A_2134 = arith.fptosi %min3A_2123 : vector<16xf32> to vector<16xi32>
        %min3A_2135 = arith.constant 382 : i32
        %min3A_2136 = vector.broadcast %min3A_2135 : i32 to vector<16xi32>
        %min3A_2137 = arith.minsi %convert_element_type3A_2134, %min3A_2136 : vector<16xi32>
        %convert_element_type3A_2138 = arith.fptosi %min3A_2133 : vector<16xf32> to vector<16xi32>
        %min3A_2139 = arith.constant 382 : i32
        %min3A_2140 = vector.broadcast %min3A_2139 : i32 to vector<16xi32>
        %min3A_2141 = arith.minsi %convert_element_type3A_2138, %min3A_2140 : vector<16xi32>
        %convert_element_type3A_2142 = arith.sitofp %min3A_2137 : vector<16xi32> to vector<16xf32>
        %sub3A_2143 = arith.subf %min3A_2123, %convert_element_type3A_2142 : vector<16xf32>
        %convert_element_type3A_2144 = arith.sitofp %min3A_2141 : vector<16xi32> to vector<16xf32>
        %sub3A_2145 = arith.subf %min3A_2133, %convert_element_type3A_2144 : vector<16xf32>
        %mul3A_2146 = arith.constant 384 : i32
        %mul3A_2147 = vector.broadcast %mul3A_2146 : i32 to vector<16xi32>
        %mul3A_2148 = arith.muli %min3A_2137, %mul3A_2147 : vector<16xi32>
        %add3A_2149 = vector.broadcast %mul3A_22 : i32 to vector<16xi32>
        %add3A_2150 = arith.addi %add3A_2149, %mul3A_2148 : vector<16xi32>
        %add3A_2151 = arith.addi %add3A_2150, %min3A_2141 : vector<16xi32>
        %swap3A_2152 = arith.constant 0 : i32
        %swap3A_2153 = arith.index_cast %rem3A_2095 : i32 to index
        %swap3A_2154 = arith.index_cast %swap3A_2152 : i32 to index
        %swap3A_2155 = arith.constant 0 : index
        %swap3A_2156 = tpu.vector_load %arg6[%swap3A_2153, %swap3A_2154, %swap3A_2155] {strides = array<i32>} : memref<4x4x96xi32, #tpu.memory_space<vmem>>, vector<1x1x16xi32>,
        %swap3A_2157 = vector.shape_cast %swap3A_2156 : vector<1x1x16xi32> to vector<16xi32>
        %swap3A_2158 = vector.shape_cast %add3A_2151 : vector<16xi32> to vector<1x1x16xi32>
        tpu.vector_store %arg6[%swap3A_2153, %swap3A_2154, %swap3A_2155], %swap3A_2158 {strides = array<i32>} : memref<4x4x96xi32, #tpu.memory_space<vmem>>, vector<1x1x16xi32>,
        %add3A_2159 = arith.constant 1 : i32
        %add3A_2160 = vector.broadcast %add3A_2159 : i32 to vector<16xi32>
        %add3A_2161 = arith.addi %add3A_2151, %add3A_2160 : vector<16xi32>
        %swap3A_2162 = arith.constant 1 : i32
        %swap3A_2163 = arith.index_cast %rem3A_2095 : i32 to index
        %swap3A_2164 = arith.index_cast %swap3A_2162 : i32 to index
        %swap3A_2165 = arith.constant 0 : index
        %swap3A_2166 = tpu.vector_load %arg6[%swap3A_2163, %swap3A_2164, %swap3A_2165] {strides = array<i32>} : memref<4x4x96xi32, #tpu.memory_space<vmem>>, vector<1x1x16xi32>,
        %swap3A_2167 = vector.shape_cast %swap3A_2166 : vector<1x1x16xi32> to vector<16xi32>
        %swap3A_2168 = vector.shape_cast %add3A_2161 : vector<16xi32> to vector<1x1x16xi32>
        tpu.vector_store %arg6[%swap3A_2163, %swap3A_2164, %swap3A_2165], %swap3A_2168 {strides = array<i32>} : memref<4x4x96xi32, #tpu.memory_space<vmem>>, vector<1x1x16xi32>,
        %add3A_2169 = arith.constant 384 : i32
        %add3A_2170 = vector.broadcast %add3A_2169 : i32 to vector<16xi32>
        %add3A_2171 = arith.addi %add3A_2151, %add3A_2170 : vector<16xi32>
        %swap3A_2172 = arith.constant 2 : i32
        %swap3A_2173 = arith.index_cast %rem3A_2095 : i32 to index
        %swap3A_2174 = arith.index_cast %swap3A_2172 : i32 to index
        %swap3A_2175 = arith.constant 0 : index
        %swap3A_2176 = tpu.vector_load %arg6[%swap3A_2173, %swap3A_2174, %swap3A_2175] {strides = array<i32>} : memref<4x4x96xi32, #tpu.memory_space<vmem>>, vector<1x1x16xi32>,
        %swap3A_2177 = vector.shape_cast %swap3A_2176 : vector<1x1x16xi32> to vector<16xi32>
        %swap3A_2178 = vector.shape_cast %add3A_2171 : vector<16xi32> to vector<1x1x16xi32>
        tpu.vector_store %arg6[%swap3A_2173, %swap3A_2174, %swap3A_2175], %swap3A_2178 {strides = array<i32>} : memref<4x4x96xi32, #tpu.memory_space<vmem>>, vector<1x1x16xi32>,
        %add3A_2179 = arith.constant 385 : i32
        %add3A_2180 = vector.broadcast %add3A_2179 : i32 to vector<16xi32>
        %add3A_2181 = arith.addi %add3A_2151, %add3A_2180 : vector<16xi32>
        %swap3A_2182 = arith.constant 3 : i32
        %swap3A_2183 = arith.index_cast %rem3A_2095 : i32 to index
        %swap3A_2184 = arith.index_cast %swap3A_2182 : i32 to index
        %swap3A_2185 = arith.constant 0 : index
        %swap3A_2186 = tpu.vector_load %arg6[%swap3A_2183, %swap3A_2184, %swap3A_2185] {strides = array<i32>} : memref<4x4x96xi32, #tpu.memory_space<vmem>>, vector<1x1x16xi32>,
        %swap3A_2187 = vector.shape_cast %swap3A_2186 : vector<1x1x16xi32> to vector<16xi32>
        %swap3A_2188 = vector.shape_cast %add3A_2181 : vector<16xi32> to vector<1x1x16xi32>
        tpu.vector_store %arg6[%swap3A_2183, %swap3A_2184, %swap3A_2185], %swap3A_2188 {strides = array<i32>} : memref<4x4x96xi32, #tpu.memory_space<vmem>>, vector<1x1x16xi32>,
        %sub3A_2189 = arith.constant 1.000000e+00 : f32
        %sub3A_2190 = vector.broadcast %sub3A_2189 : f32 to vector<16xf32>
        %sub3A_2191 = arith.subf %sub3A_2190, %sub3A_2143 : vector<16xf32>
        %sub3A_2192 = arith.constant 1.000000e+00 : f32
        %sub3A_2193 = vector.broadcast %sub3A_2192 : f32 to vector<16xf32>
        %sub3A_2194 = arith.subf %sub3A_2193, %sub3A_2145 : vector<16xf32>
        %mul3A_2195 = arith.mulf %sub3A_2191, %sub3A_2194 : vector<16xf32>
        %swap3A_2196 = arith.constant 0 : i32
        %swap3A_2197 = arith.index_cast %rem3A_2095 : i32 to index
        %swap3A_2198 = arith.index_cast %swap3A_2196 : i32 to index
        %swap3A_2199 = arith.constant 0 : index
        %swap3A_2200 = tpu.vector_load %arg7[%swap3A_2197, %swap3A_2198, %swap3A_2199] {strides = array<i32>} : memref<4x4x96xf32, #tpu.memory_space<vmem>>, vector<1x1x16xf32>,
        %swap3A_2201 = vector.shape_cast %swap3A_2200 : vector<1x1x16xf32> to vector<16xf32>
        %swap3A_2202 = vector.shape_cast %mul3A_2195 : vector<16xf32> to vector<1x1x16xf32>
        tpu.vector_store %arg7[%swap3A_2197, %swap3A_2198, %swap3A_2199], %swap3A_2202 {strides = array<i32>} : memref<4x4x96xf32, #tpu.memory_space<vmem>>, vector<1x1x16xf32>,
        %sub3A_2203 = arith.constant 1.000000e+00 : f32
        %sub3A_2204 = vector.broadcast %sub3A_2203 : f32 to vector<16xf32>
        %sub3A_2205 = arith.subf %sub3A_2204, %sub3A_2143 : vector<16xf32>
        %mul3A_2206 = arith.mulf %sub3A_2205, %sub3A_2145 : vector<16xf32>
        %swap3A_2207 = arith.constant 1 : i32
        %swap3A_2208 = arith.index_cast %rem3A_2095 : i32 to index
        %swap3A_2209 = arith.index_cast %swap3A_2207 : i32 to index
        %swap3A_2210 = arith.constant 0 : index
        %swap3A_2211 = tpu.vector_load %arg7[%swap3A_2208, %swap3A_2209, %swap3A_2210] {strides = array<i32>} : memref<4x4x96xf32, #tpu.memory_space<vmem>>, vector<1x1x16xf32>,
        %swap3A_2212 = vector.shape_cast %swap3A_2211 : vector<1x1x16xf32> to vector<16xf32>
        %swap3A_2213 = vector.shape_cast %mul3A_2206 : vector<16xf32> to vector<1x1x16xf32>
        tpu.vector_store %arg7[%swap3A_2208, %swap3A_2209, %swap3A_2210], %swap3A_2213 {strides = array<i32>} : memref<4x4x96xf32, #tpu.memory_space<vmem>>, vector<1x1x16xf32>,
        %sub3A_2214 = arith.constant 1.000000e+00 : f32
        %sub3A_2215 = vector.broadcast %sub3A_2214 : f32 to vector<16xf32>
        %sub3A_2216 = arith.subf %sub3A_2215, %sub3A_2145 : vector<16xf32>
        %mul3A_2217 = arith.mulf %sub3A_2143, %sub3A_2216 : vector<16xf32>
        %swap3A_2218 = arith.constant 2 : i32
        %swap3A_2219 = arith.index_cast %rem3A_2095 : i32 to index
        %swap3A_2220 = arith.index_cast %swap3A_2218 : i32 to index
        %swap3A_2221 = arith.constant 0 : index
        %swap3A_2222 = tpu.vector_load %arg7[%swap3A_2219, %swap3A_2220, %swap3A_2221] {strides = array<i32>} : memref<4x4x96xf32, #tpu.memory_space<vmem>>, vector<1x1x16xf32>,
        %swap3A_2223 = vector.shape_cast %swap3A_2222 : vector<1x1x16xf32> to vector<16xf32>
        %swap3A_2224 = vector.shape_cast %mul3A_2217 : vector<16xf32> to vector<1x1x16xf32>
        tpu.vector_store %arg7[%swap3A_2219, %swap3A_2220, %swap3A_2221], %swap3A_2224 {strides = array<i32>} : memref<4x4x96xf32, #tpu.memory_space<vmem>>, vector<1x1x16xf32>,
        %mul3A_2225 = arith.mulf %sub3A_2143, %sub3A_2145 : vector<16xf32>
        %swap3A_2226 = arith.constant 3 : i32
        %swap3A_2227 = arith.index_cast %rem3A_2095 : i32 to index
        %swap3A_2228 = arith.index_cast %swap3A_2226 : i32 to index
        %swap3A_2229 = arith.constant 0 : index
        %swap3A_2230 = tpu.vector_load %arg7[%swap3A_2227, %swap3A_2228, %swap3A_2229] {strides = array<i32>} : memref<4x4x96xf32, #tpu.memory_space<vmem>>, vector<1x1x16xf32>,
        %swap3A_2231 = vector.shape_cast %swap3A_2230 : vector<1x1x16xf32> to vector<16xf32>
        %swap3A_2232 = vector.shape_cast %mul3A_2225 : vector<16xf32> to vector<1x1x16xf32>
        tpu.vector_store %arg7[%swap3A_2227, %swap3A_2228, %swap3A_2229], %swap3A_2232 {strides = array<i32>} : memref<4x4x96xf32, #tpu.memory_space<vmem>>, vector<1x1x16xf32>,
        %mul3A_2233 = arith.constant 96 : i32
        %mul3A_2234 = arith.muli %rem3A_1976, %mul3A_2233 : i32
        %add3A_2235 = arith.constant 16 : i32
        %add3A_2236 = arith.addi %mul3A_2234, %add3A_2235 : i32
        %get3A_2237 = arith.constant 0 : i32
        %get3A_2238 = arith.index_cast %rem3A_2097 : i32 to index
        %get3A_2239 = arith.index_cast %get3A_2237 : i32 to index
        %get3A_2240 = arith.index_cast %add3A_2236 : i32 to index
        %get3A_2241 = tpu.vector_load %arg5[%get3A_2238, %get3A_2239, %get3A_2240] {strides = array<i32>} : memref<2x2x384xf32, #tpu.memory_space<vmem>>, vector<1x1x16xf32>,
        %get3A_2242 = vector.shape_cast %get3A_2241 : vector<1x1x16xf32> to vector<16xf32>
        %get3A_2243 = arith.constant 1 : i32
        %get3A_2244 = arith.index_cast %rem3A_2097 : i32 to index
        %get3A_2245 = arith.index_cast %get3A_2243 : i32 to index
        %get3A_2246 = arith.index_cast %add3A_2236 : i32 to index
        %get3A_2247 = tpu.vector_load %arg5[%get3A_2244, %get3A_2245, %get3A_2246] {strides = array<i32>} : memref<2x2x384xf32, #tpu.memory_space<vmem>>, vector<1x1x16xf32>,
        %get3A_2248 = vector.shape_cast %get3A_2247 : vector<1x1x16xf32> to vector<16xf32>
        %add3A_2249 = vector.broadcast %convert_element_type3A_2099 : f32 to vector<16xf32>
        %add3A_2250 = arith.addf %add3A_2249, %get3A_2242 : vector<16xf32>
        %jit3A_2251 = arith.constant 0.000000e+00 : f32
        %jit3A_2252 = arith.constant 3.830000e+02 : f32
        %max3A_2253 = vector.broadcast %jit3A_2251 : f32 to vector<16xf32>
        %max3A_2254 = arith.maximumf %max3A_2253, %add3A_2250 : vector<16xf32>
        %min3A_2255 = vector.broadcast %jit3A_2252 : f32 to vector<16xf32>
        %min3A_2256 = arith.minimumf %min3A_2255, %max3A_2254 : vector<16xf32>
        %convert_element_type3A_2257 = arith.sitofp %add3A_2236 : i32 to f32
        %add3A_2258 = vector.broadcast %convert_element_type3A_2257 : f32 to vector<16xf32>
        %add3A_2259 = arith.addf %add3A_2258, %convert_element_type3A : vector<16xf32>
        %add3A_2260 = arith.addf %add3A_2259, %get3A_2248 : vector<16xf32>
        %jit3A_2261 = arith.constant 0.000000e+00 : f32
        %jit3A_2262 = arith.constant 3.830000e+02 : f32
        %max3A_2263 = vector.broadcast %jit3A_2261 : f32 to vector<16xf32>
        %max3A_2264 = arith.maximumf %max3A_2263, %add3A_2260 : vector<16xf32>
        %min3A_2265 = vector.broadcast %jit3A_2262 : f32 to vector<16xf32>
        %min3A_2266 = arith.minimumf %min3A_2265, %max3A_2264 : vector<16xf32>
        %convert_element_type3A_2267 = arith.fptosi %min3A_2256 : vector<16xf32> to vector<16xi32>
        %min3A_2268 = arith.constant 382 : i32
        %min3A_2269 = vector.broadcast %min3A_2268 : i32 to vector<16xi32>
        %min3A_2270 = arith.minsi %convert_element_type3A_2267, %min3A_2269 : vector<16xi32>
        %convert_element_type3A_2271 = arith.fptosi %min3A_2266 : vector<16xf32> to vector<16xi32>
        %min3A_2272 = arith.constant 382 : i32
        %min3A_2273 = vector.broadcast %min3A_2272 : i32 to vector<16xi32>
        %min3A_2274 = arith.minsi %convert_element_type3A_2271, %min3A_2273 : vector<16xi32>
        %convert_element_type3A_2275 = arith.sitofp %min3A_2270 : vector<16xi32> to vector<16xf32>
        %sub3A_2276 = arith.subf %min3A_2256, %convert_element_type3A_2275 : vector<16xf32>
        %convert_element_type3A_2277 = arith.sitofp %min3A_2274 : vector<16xi32> to vector<16xf32>
        %sub3A_2278 = arith.subf %min3A_2266, %convert_element_type3A_2277 : vector<16xf32>
        %mul3A_2279 = arith.constant 384 : i32
        %mul3A_2280 = vector.broadcast %mul3A_2279 : i32 to vector<16xi32>
        %mul3A_2281 = arith.muli %min3A_2270, %mul3A_2280 : vector<16xi32>
        %add3A_2282 = vector.broadcast %mul3A_22 : i32 to vector<16xi32>
        %add3A_2283 = arith.addi %add3A_2282, %mul3A_2281 : vector<16xi32>
        %add3A_2284 = arith.addi %add3A_2283, %min3A_2274 : vector<16xi32>
        %swap3A_2285 = arith.constant 0 : i32
        %swap3A_2286 = arith.index_cast %rem3A_2095 : i32 to index
        %swap3A_2287 = arith.index_cast %swap3A_2285 : i32 to index
        %swap3A_2288 = arith.constant 16 : index
        %swap3A_2289 = tpu.vector_load %arg6[%swap3A_2286, %swap3A_2287, %swap3A_2288] {strides = array<i32>} : memref<4x4x96xi32, #tpu.memory_space<vmem>>, vector<1x1x16xi32>,
        %swap3A_2290 = vector.shape_cast %swap3A_2289 : vector<1x1x16xi32> to vector<16xi32>
        %swap3A_2291 = vector.shape_cast %add3A_2284 : vector<16xi32> to vector<1x1x16xi32>
        tpu.vector_store %arg6[%swap3A_2286, %swap3A_2287, %swap3A_2288], %swap3A_2291 {strides = array<i32>} : memref<4x4x96xi32, #tpu.memory_space<vmem>>, vector<1x1x16xi32>,
        %add3A_2292 = arith.constant 1 : i32
        %add3A_2293 = vector.broadcast %add3A_2292 : i32 to vector<16xi32>
        %add3A_2294 = arith.addi %add3A_2284, %add3A_2293 : vector<16xi32>
        %swap3A_2295 = arith.constant 1 : i32
        %swap3A_2296 = arith.index_cast %rem3A_2095 : i32 to index
        %swap3A_2297 = arith.index_cast %swap3A_2295 : i32 to index
        %swap3A_2298 = arith.constant 16 : index
        %swap3A_2299 = tpu.vector_load %arg6[%swap3A_2296, %swap3A_2297, %swap3A_2298] {strides = array<i32>} : memref<4x4x96xi32, #tpu.memory_space<vmem>>, vector<1x1x16xi32>,
        %swap3A_2300 = vector.shape_cast %swap3A_2299 : vector<1x1x16xi32> to vector<16xi32>
        %swap3A_2301 = vector.shape_cast %add3A_2294 : vector<16xi32> to vector<1x1x16xi32>
        tpu.vector_store %arg6[%swap3A_2296, %swap3A_2297, %swap3A_2298], %swap3A_2301 {strides = array<i32>} : memref<4x4x96xi32, #tpu.memory_space<vmem>>, vector<1x1x16xi32>,
        %add3A_2302 = arith.constant 384 : i32
        %add3A_2303 = vector.broadcast %add3A_2302 : i32 to vector<16xi32>
        %add3A_2304 = arith.addi %add3A_2284, %add3A_2303 : vector<16xi32>
        %swap3A_2305 = arith.constant 2 : i32
        %swap3A_2306 = arith.index_cast %rem3A_2095 : i32 to index
        %swap3A_2307 = arith.index_cast %swap3A_2305 : i32 to index
        %swap3A_2308 = arith.constant 16 : index
        %swap3A_2309 = tpu.vector_load %arg6[%swap3A_2306, %swap3A_2307, %swap3A_2308] {strides = array<i32>} : memref<4x4x96xi32, #tpu.memory_space<vmem>>, vector<1x1x16xi32>,
        %swap3A_2310 = vector.shape_cast %swap3A_2309 : vector<1x1x16xi32> to vector<16xi32>
        %swap3A_2311 = vector.shape_cast %add3A_2304 : vector<16xi32> to vector<1x1x16xi32>
        tpu.vector_store %arg6[%swap3A_2306, %swap3A_2307, %swap3A_2308], %swap3A_2311 {strides = array<i32>} : memref<4x4x96xi32, #tpu.memory_space<vmem>>, vector<1x1x16xi32>,
        %add3A_2312 = arith.constant 385 : i32
        %add3A_2313 = vector.broadcast %add3A_2312 : i32 to vector<16xi32>
        %add3A_2314 = arith.addi %add3A_2284, %add3A_2313 : vector<16xi32>
        %swap3A_2315 = arith.constant 3 : i32
        %swap3A_2316 = arith.index_cast %rem3A_2095 : i32 to index
        %swap3A_2317 = arith.index_cast %swap3A_2315 : i32 to index
        %swap3A_2318 = arith.constant 16 : index
        %swap3A_2319 = tpu.vector_load %arg6[%swap3A_2316, %swap3A_2317, %swap3A_2318] {strides = array<i32>} : memref<4x4x96xi32, #tpu.memory_space<vmem>>, vector<1x1x16xi32>,
        %swap3A_2320 = vector.shape_cast %swap3A_2319 : vector<1x1x16xi32> to vector<16xi32>
        %swap3A_2321 = vector.shape_cast %add3A_2314 : vector<16xi32> to vector<1x1x16xi32>
        tpu.vector_store %arg6[%swap3A_2316, %swap3A_2317, %swap3A_2318], %swap3A_2321 {strides = array<i32>} : memref<4x4x96xi32, #tpu.memory_space<vmem>>, vector<1x1x16xi32>,
        %sub3A_2322 = arith.constant 1.000000e+00 : f32
        %sub3A_2323 = vector.broadcast %sub3A_2322 : f32 to vector<16xf32>
        %sub3A_2324 = arith.subf %sub3A_2323, %sub3A_2276 : vector<16xf32>
        %sub3A_2325 = arith.constant 1.000000e+00 : f32
        %sub3A_2326 = vector.broadcast %sub3A_2325 : f32 to vector<16xf32>
        %sub3A_2327 = arith.subf %sub3A_2326, %sub3A_2278 : vector<16xf32>
        %mul3A_2328 = arith.mulf %sub3A_2324, %sub3A_2327 : vector<16xf32>
        %swap3A_2329 = arith.constant 0 : i32
        %swap3A_2330 = arith.index_cast %rem3A_2095 : i32 to index
        %swap3A_2331 = arith.index_cast %swap3A_2329 : i32 to index
        %swap3A_2332 = arith.constant 16 : index
        %swap3A_2333 = tpu.vector_load %arg7[%swap3A_2330, %swap3A_2331, %swap3A_2332] {strides = array<i32>} : memref<4x4x96xf32, #tpu.memory_space<vmem>>, vector<1x1x16xf32>,
        %swap3A_2334 = vector.shape_cast %swap3A_2333 : vector<1x1x16xf32> to vector<16xf32>
        %swap3A_2335 = vector.shape_cast %mul3A_2328 : vector<16xf32> to vector<1x1x16xf32>
        tpu.vector_store %arg7[%swap3A_2330, %swap3A_2331, %swap3A_2332], %swap3A_2335 {strides = array<i32>} : memref<4x4x96xf32, #tpu.memory_space<vmem>>, vector<1x1x16xf32>,
        %sub3A_2336 = arith.constant 1.000000e+00 : f32
        %sub3A_2337 = vector.broadcast %sub3A_2336 : f32 to vector<16xf32>
        %sub3A_2338 = arith.subf %sub3A_2337, %sub3A_2276 : vector<16xf32>
        %mul3A_2339 = arith.mulf %sub3A_2338, %sub3A_2278 : vector<16xf32>
        %swap3A_2340 = arith.constant 1 : i32
        %swap3A_2341 = arith.index_cast %rem3A_2095 : i32 to index
        %swap3A_2342 = arith.index_cast %swap3A_2340 : i32 to index
        %swap3A_2343 = arith.constant 16 : index
        %swap3A_2344 = tpu.vector_load %arg7[%swap3A_2341, %swap3A_2342, %swap3A_2343] {strides = array<i32>} : memref<4x4x96xf32, #tpu.memory_space<vmem>>, vector<1x1x16xf32>,
        %swap3A_2345 = vector.shape_cast %swap3A_2344 : vector<1x1x16xf32> to vector<16xf32>
        %swap3A_2346 = vector.shape_cast %mul3A_2339 : vector<16xf32> to vector<1x1x16xf32>
        tpu.vector_store %arg7[%swap3A_2341, %swap3A_2342, %swap3A_2343], %swap3A_2346 {strides = array<i32>} : memref<4x4x96xf32, #tpu.memory_space<vmem>>, vector<1x1x16xf32>,
        %sub3A_2347 = arith.constant 1.000000e+00 : f32
        %sub3A_2348 = vector.broadcast %sub3A_2347 : f32 to vector<16xf32>
        %sub3A_2349 = arith.subf %sub3A_2348, %sub3A_2278 : vector<16xf32>
        %mul3A_2350 = arith.mulf %sub3A_2276, %sub3A_2349 : vector<16xf32>
        %swap3A_2351 = arith.constant 2 : i32
        %swap3A_2352 = arith.index_cast %rem3A_2095 : i32 to index
        %swap3A_2353 = arith.index_cast %swap3A_2351 : i32 to index
        %swap3A_2354 = arith.constant 16 : index
        %swap3A_2355 = tpu.vector_load %arg7[%swap3A_2352, %swap3A_2353, %swap3A_2354] {strides = array<i32>} : memref<4x4x96xf32, #tpu.memory_space<vmem>>, vector<1x1x16xf32>,
        %swap3A_2356 = vector.shape_cast %swap3A_2355 : vector<1x1x16xf32> to vector<16xf32>
        %swap3A_2357 = vector.shape_cast %mul3A_2350 : vector<16xf32> to vector<1x1x16xf32>
        tpu.vector_store %arg7[%swap3A_2352, %swap3A_2353, %swap3A_2354], %swap3A_2357 {strides = array<i32>} : memref<4x4x96xf32, #tpu.memory_space<vmem>>, vector<1x1x16xf32>,
        %mul3A_2358 = arith.mulf %sub3A_2276, %sub3A_2278 : vector<16xf32>
        %swap3A_2359 = arith.constant 3 : i32
        %swap3A_2360 = arith.index_cast %rem3A_2095 : i32 to index
        %swap3A_2361 = arith.index_cast %swap3A_2359 : i32 to index
        %swap3A_2362 = arith.constant 16 : index
        %swap3A_2363 = tpu.vector_load %arg7[%swap3A_2360, %swap3A_2361, %swap3A_2362] {strides = array<i32>} : memref<4x4x96xf32, #tpu.memory_space<vmem>>, vector<1x1x16xf32>,
        %swap3A_2364 = vector.shape_cast %swap3A_2363 : vector<1x1x16xf32> to vector<16xf32>
        %swap3A_2365 = vector.shape_cast %mul3A_2358 : vector<16xf32> to vector<1x1x16xf32>
        tpu.vector_store %arg7[%swap3A_2360, %swap3A_2361, %swap3A_2362], %swap3A_2365 {strides = array<i32>} : memref<4x4x96xf32, #tpu.memory_space<vmem>>, vector<1x1x16xf32>,
        %mul3A_2366 = arith.constant 96 : i32
        %mul3A_2367 = arith.muli %rem3A_1976, %mul3A_2366 : i32
        %add3A_2368 = arith.constant 32 : i32
        %add3A_2369 = arith.addi %mul3A_2367, %add3A_2368 : i32
        %get3A_2370 = arith.constant 0 : i32
        %get3A_2371 = arith.index_cast %rem3A_2097 : i32 to index
        %get3A_2372 = arith.index_cast %get3A_2370 : i32 to index
        %get3A_2373 = arith.index_cast %add3A_2369 : i32 to index
        %get3A_2374 = tpu.vector_load %arg5[%get3A_2371, %get3A_2372, %get3A_2373] {strides = array<i32>} : memref<2x2x384xf32, #tpu.memory_space<vmem>>, vector<1x1x16xf32>,
        %get3A_2375 = vector.shape_cast %get3A_2374 : vector<1x1x16xf32> to vector<16xf32>
        %get3A_2376 = arith.constant 1 : i32
        %get3A_2377 = arith.index_cast %rem3A_2097 : i32 to index
        %get3A_2378 = arith.index_cast %get3A_2376 : i32 to index
        %get3A_2379 = arith.index_cast %add3A_2369 : i32 to index
        %get3A_2380 = tpu.vector_load %arg5[%get3A_2377, %get3A_2378, %get3A_2379] {strides = array<i32>} : memref<2x2x384xf32, #tpu.memory_space<vmem>>, vector<1x1x16xf32>,
        %get3A_2381 = vector.shape_cast %get3A_2380 : vector<1x1x16xf32> to vector<16xf32>
        %add3A_2382 = vector.broadcast %convert_element_type3A_2099 : f32 to vector<16xf32>
        %add3A_2383 = arith.addf %add3A_2382, %get3A_2375 : vector<16xf32>
        %jit3A_2384 = arith.constant 0.000000e+00 : f32
        %jit3A_2385 = arith.constant 3.830000e+02 : f32
        %max3A_2386 = vector.broadcast %jit3A_2384 : f32 to vector<16xf32>
        %max3A_2387 = arith.maximumf %max3A_2386, %add3A_2383 : vector<16xf32>
        %min3A_2388 = vector.broadcast %jit3A_2385 : f32 to vector<16xf32>
        %min3A_2389 = arith.minimumf %min3A_2388, %max3A_2387 : vector<16xf32>
        %convert_element_type3A_2390 = arith.sitofp %add3A_2369 : i32 to f32
        %add3A_2391 = vector.broadcast %convert_element_type3A_2390 : f32 to vector<16xf32>
        %add3A_2392 = arith.addf %add3A_2391, %convert_element_type3A : vector<16xf32>
        %add3A_2393 = arith.addf %add3A_2392, %get3A_2381 : vector<16xf32>
        %jit3A_2394 = arith.constant 0.000000e+00 : f32
        %jit3A_2395 = arith.constant 3.830000e+02 : f32
        %max3A_2396 = vector.broadcast %jit3A_2394 : f32 to vector<16xf32>
        %max3A_2397 = arith.maximumf %max3A_2396, %add3A_2393 : vector<16xf32>
        %min3A_2398 = vector.broadcast %jit3A_2395 : f32 to vector<16xf32>
        %min3A_2399 = arith.minimumf %min3A_2398, %max3A_2397 : vector<16xf32>
        %convert_element_type3A_2400 = arith.fptosi %min3A_2389 : vector<16xf32> to vector<16xi32>
        %min3A_2401 = arith.constant 382 : i32
        %min3A_2402 = vector.broadcast %min3A_2401 : i32 to vector<16xi32>
        %min3A_2403 = arith.minsi %convert_element_type3A_2400, %min3A_2402 : vector<16xi32>
        %convert_element_type3A_2404 = arith.fptosi %min3A_2399 : vector<16xf32> to vector<16xi32>
        %min3A_2405 = arith.constant 382 : i32
        %min3A_2406 = vector.broadcast %min3A_2405 : i32 to vector<16xi32>
        %min3A_2407 = arith.minsi %convert_element_type3A_2404, %min3A_2406 : vector<16xi32>
        %convert_element_type3A_2408 = arith.sitofp %min3A_2403 : vector<16xi32> to vector<16xf32>
        %sub3A_2409 = arith.subf %min3A_2389, %convert_element_type3A_2408 : vector<16xf32>
        %convert_element_type3A_2410 = arith.sitofp %min3A_2407 : vector<16xi32> to vector<16xf32>
        %sub3A_2411 = arith.subf %min3A_2399, %convert_element_type3A_2410 : vector<16xf32>
        %mul3A_2412 = arith.constant 384 : i32
        %mul3A_2413 = vector.broadcast %mul3A_2412 : i32 to vector<16xi32>
        %mul3A_2414 = arith.muli %min3A_2403, %mul3A_2413 : vector<16xi32>
        %add3A_2415 = vector.broadcast %mul3A_22 : i32 to vector<16xi32>
        %add3A_2416 = arith.addi %add3A_2415, %mul3A_2414 : vector<16xi32>
        %add3A_2417 = arith.addi %add3A_2416, %min3A_2407 : vector<16xi32>
        %swap3A_2418 = arith.constant 0 : i32
        %swap3A_2419 = arith.index_cast %rem3A_2095 : i32 to index
        %swap3A_2420 = arith.index_cast %swap3A_2418 : i32 to index
        %swap3A_2421 = arith.constant 32 : index
        %swap3A_2422 = tpu.vector_load %arg6[%swap3A_2419, %swap3A_2420, %swap3A_2421] {strides = array<i32>} : memref<4x4x96xi32, #tpu.memory_space<vmem>>, vector<1x1x16xi32>,
        %swap3A_2423 = vector.shape_cast %swap3A_2422 : vector<1x1x16xi32> to vector<16xi32>
        %swap3A_2424 = vector.shape_cast %add3A_2417 : vector<16xi32> to vector<1x1x16xi32>
        tpu.vector_store %arg6[%swap3A_2419, %swap3A_2420, %swap3A_2421], %swap3A_2424 {strides = array<i32>} : memref<4x4x96xi32, #tpu.memory_space<vmem>>, vector<1x1x16xi32>,
        %add3A_2425 = arith.constant 1 : i32
        %add3A_2426 = vector.broadcast %add3A_2425 : i32 to vector<16xi32>
        %add3A_2427 = arith.addi %add3A_2417, %add3A_2426 : vector<16xi32>
        %swap3A_2428 = arith.constant 1 : i32
        %swap3A_2429 = arith.index_cast %rem3A_2095 : i32 to index
        %swap3A_2430 = arith.index_cast %swap3A_2428 : i32 to index
        %swap3A_2431 = arith.constant 32 : index
        %swap3A_2432 = tpu.vector_load %arg6[%swap3A_2429, %swap3A_2430, %swap3A_2431] {strides = array<i32>} : memref<4x4x96xi32, #tpu.memory_space<vmem>>, vector<1x1x16xi32>,
        %swap3A_2433 = vector.shape_cast %swap3A_2432 : vector<1x1x16xi32> to vector<16xi32>
        %swap3A_2434 = vector.shape_cast %add3A_2427 : vector<16xi32> to vector<1x1x16xi32>
        tpu.vector_store %arg6[%swap3A_2429, %swap3A_2430, %swap3A_2431], %swap3A_2434 {strides = array<i32>} : memref<4x4x96xi32, #tpu.memory_space<vmem>>, vector<1x1x16xi32>,
        %add3A_2435 = arith.constant 384 : i32
        %add3A_2436 = vector.broadcast %add3A_2435 : i32 to vector<16xi32>
        %add3A_2437 = arith.addi %add3A_2417, %add3A_2436 : vector<16xi32>
        %swap3A_2438 = arith.constant 2 : i32
        %swap3A_2439 = arith.index_cast %rem3A_2095 : i32 to index
        %swap3A_2440 = arith.index_cast %swap3A_2438 : i32 to index
        %swap3A_2441 = arith.constant 32 : index
        %swap3A_2442 = tpu.vector_load %arg6[%swap3A_2439, %swap3A_2440, %swap3A_2441] {strides = array<i32>} : memref<4x4x96xi32, #tpu.memory_space<vmem>>, vector<1x1x16xi32>,
        %swap3A_2443 = vector.shape_cast %swap3A_2442 : vector<1x1x16xi32> to vector<16xi32>
        %swap3A_2444 = vector.shape_cast %add3A_2437 : vector<16xi32> to vector<1x1x16xi32>
        tpu.vector_store %arg6[%swap3A_2439, %swap3A_2440, %swap3A_2441], %swap3A_2444 {strides = array<i32>} : memref<4x4x96xi32, #tpu.memory_space<vmem>>, vector<1x1x16xi32>,
        %add3A_2445 = arith.constant 385 : i32
        %add3A_2446 = vector.broadcast %add3A_2445 : i32 to vector<16xi32>
        %add3A_2447 = arith.addi %add3A_2417, %add3A_2446 : vector<16xi32>
        %swap3A_2448 = arith.constant 3 : i32
        %swap3A_2449 = arith.index_cast %rem3A_2095 : i32 to index
        %swap3A_2450 = arith.index_cast %swap3A_2448 : i32 to index
        %swap3A_2451 = arith.constant 32 : index
        %swap3A_2452 = tpu.vector_load %arg6[%swap3A_2449, %swap3A_2450, %swap3A_2451] {strides = array<i32>} : memref<4x4x96xi32, #tpu.memory_space<vmem>>, vector<1x1x16xi32>,
        %swap3A_2453 = vector.shape_cast %swap3A_2452 : vector<1x1x16xi32> to vector<16xi32>
        %swap3A_2454 = vector.shape_cast %add3A_2447 : vector<16xi32> to vector<1x1x16xi32>
        tpu.vector_store %arg6[%swap3A_2449, %swap3A_2450, %swap3A_2451], %swap3A_2454 {strides = array<i32>} : memref<4x4x96xi32, #tpu.memory_space<vmem>>, vector<1x1x16xi32>,
        %sub3A_2455 = arith.constant 1.000000e+00 : f32
        %sub3A_2456 = vector.broadcast %sub3A_2455 : f32 to vector<16xf32>
        %sub3A_2457 = arith.subf %sub3A_2456, %sub3A_2409 : vector<16xf32>
        %sub3A_2458 = arith.constant 1.000000e+00 : f32
        %sub3A_2459 = vector.broadcast %sub3A_2458 : f32 to vector<16xf32>
        %sub3A_2460 = arith.subf %sub3A_2459, %sub3A_2411 : vector<16xf32>
        %mul3A_2461 = arith.mulf %sub3A_2457, %sub3A_2460 : vector<16xf32>
        %swap3A_2462 = arith.constant 0 : i32
        %swap3A_2463 = arith.index_cast %rem3A_2095 : i32 to index
        %swap3A_2464 = arith.index_cast %swap3A_2462 : i32 to index
        %swap3A_2465 = arith.constant 32 : index
        %swap3A_2466 = tpu.vector_load %arg7[%swap3A_2463, %swap3A_2464, %swap3A_2465] {strides = array<i32>} : memref<4x4x96xf32, #tpu.memory_space<vmem>>, vector<1x1x16xf32>,
        %swap3A_2467 = vector.shape_cast %swap3A_2466 : vector<1x1x16xf32> to vector<16xf32>
        %swap3A_2468 = vector.shape_cast %mul3A_2461 : vector<16xf32> to vector<1x1x16xf32>
        tpu.vector_store %arg7[%swap3A_2463, %swap3A_2464, %swap3A_2465], %swap3A_2468 {strides = array<i32>} : memref<4x4x96xf32, #tpu.memory_space<vmem>>, vector<1x1x16xf32>,
        %sub3A_2469 = arith.constant 1.000000e+00 : f32
        %sub3A_2470 = vector.broadcast %sub3A_2469 : f32 to vector<16xf32>
        %sub3A_2471 = arith.subf %sub3A_2470, %sub3A_2409 : vector<16xf32>
        %mul3A_2472 = arith.mulf %sub3A_2471, %sub3A_2411 : vector<16xf32>
        %swap3A_2473 = arith.constant 1 : i32
        %swap3A_2474 = arith.index_cast %rem3A_2095 : i32 to index
        %swap3A_2475 = arith.index_cast %swap3A_2473 : i32 to index
        %swap3A_2476 = arith.constant 32 : index
        %swap3A_2477 = tpu.vector_load %arg7[%swap3A_2474, %swap3A_2475, %swap3A_2476] {strides = array<i32>} : memref<4x4x96xf32, #tpu.memory_space<vmem>>, vector<1x1x16xf32>,
        %swap3A_2478 = vector.shape_cast %swap3A_2477 : vector<1x1x16xf32> to vector<16xf32>
        %swap3A_2479 = vector.shape_cast %mul3A_2472 : vector<16xf32> to vector<1x1x16xf32>
        tpu.vector_store %arg7[%swap3A_2474, %swap3A_2475, %swap3A_2476], %swap3A_2479 {strides = array<i32>} : memref<4x4x96xf32, #tpu.memory_space<vmem>>, vector<1x1x16xf32>,
        %sub3A_2480 = arith.constant 1.000000e+00 : f32
        %sub3A_2481 = vector.broadcast %sub3A_2480 : f32 to vector<16xf32>
        %sub3A_2482 = arith.subf %sub3A_2481, %sub3A_2411 : vector<16xf32>
        %mul3A_2483 = arith.mulf %sub3A_2409, %sub3A_2482 : vector<16xf32>
        %swap3A_2484 = arith.constant 2 : i32
        %swap3A_2485 = arith.index_cast %rem3A_2095 : i32 to index
        %swap3A_2486 = arith.index_cast %swap3A_2484 : i32 to index
        %swap3A_2487 = arith.constant 32 : index
        %swap3A_2488 = tpu.vector_load %arg7[%swap3A_2485, %swap3A_2486, %swap3A_2487] {strides = array<i32>} : memref<4x4x96xf32, #tpu.memory_space<vmem>>, vector<1x1x16xf32>,
        %swap3A_2489 = vector.shape_cast %swap3A_2488 : vector<1x1x16xf32> to vector<16xf32>
        %swap3A_2490 = vector.shape_cast %mul3A_2483 : vector<16xf32> to vector<1x1x16xf32>
        tpu.vector_store %arg7[%swap3A_2485, %swap3A_2486, %swap3A_2487], %swap3A_2490 {strides = array<i32>} : memref<4x4x96xf32, #tpu.memory_space<vmem>>, vector<1x1x16xf32>,
        %mul3A_2491 = arith.mulf %sub3A_2409, %sub3A_2411 : vector<16xf32>
        %swap3A_2492 = arith.constant 3 : i32
        %swap3A_2493 = arith.index_cast %rem3A_2095 : i32 to index
        %swap3A_2494 = arith.index_cast %swap3A_2492 : i32 to index
        %swap3A_2495 = arith.constant 32 : index
        %swap3A_2496 = tpu.vector_load %arg7[%swap3A_2493, %swap3A_2494, %swap3A_2495] {strides = array<i32>} : memref<4x4x96xf32, #tpu.memory_space<vmem>>, vector<1x1x16xf32>,
        %swap3A_2497 = vector.shape_cast %swap3A_2496 : vector<1x1x16xf32> to vector<16xf32>
        %swap3A_2498 = vector.shape_cast %mul3A_2491 : vector<16xf32> to vector<1x1x16xf32>
        tpu.vector_store %arg7[%swap3A_2493, %swap3A_2494, %swap3A_2495], %swap3A_2498 {strides = array<i32>} : memref<4x4x96xf32, #tpu.memory_space<vmem>>, vector<1x1x16xf32>,
        %mul3A_2499 = arith.constant 96 : i32
        %mul3A_2500 = arith.muli %rem3A_1976, %mul3A_2499 : i32
        %add3A_2501 = arith.constant 48 : i32
        %add3A_2502 = arith.addi %mul3A_2500, %add3A_2501 : i32
        %get3A_2503 = arith.constant 0 : i32
        %get3A_2504 = arith.index_cast %rem3A_2097 : i32 to index
        %get3A_2505 = arith.index_cast %get3A_2503 : i32 to index
        %get3A_2506 = arith.index_cast %add3A_2502 : i32 to index
        %get3A_2507 = tpu.vector_load %arg5[%get3A_2504, %get3A_2505, %get3A_2506] {strides = array<i32>} : memref<2x2x384xf32, #tpu.memory_space<vmem>>, vector<1x1x16xf32>,
        %get3A_2508 = vector.shape_cast %get3A_2507 : vector<1x1x16xf32> to vector<16xf32>
        %get3A_2509 = arith.constant 1 : i32
        %get3A_2510 = arith.index_cast %rem3A_2097 : i32 to index
        %get3A_2511 = arith.index_cast %get3A_2509 : i32 to index
        %get3A_2512 = arith.index_cast %add3A_2502 : i32 to index
        %get3A_2513 = tpu.vector_load %arg5[%get3A_2510, %get3A_2511, %get3A_2512] {strides = array<i32>} : memref<2x2x384xf32, #tpu.memory_space<vmem>>, vector<1x1x16xf32>,
        %get3A_2514 = vector.shape_cast %get3A_2513 : vector<1x1x16xf32> to vector<16xf32>
        %add3A_2515 = vector.broadcast %convert_element_type3A_2099 : f32 to vector<16xf32>
        %add3A_2516 = arith.addf %add3A_2515, %get3A_2508 : vector<16xf32>
        %jit3A_2517 = arith.constant 0.000000e+00 : f32
        %jit3A_2518 = arith.constant 3.830000e+02 : f32
        %max3A_2519 = vector.broadcast %jit3A_2517 : f32 to vector<16xf32>
        %max3A_2520 = arith.maximumf %max3A_2519, %add3A_2516 : vector<16xf32>
        %min3A_2521 = vector.broadcast %jit3A_2518 : f32 to vector<16xf32>
        %min3A_2522 = arith.minimumf %min3A_2521, %max3A_2520 : vector<16xf32>
        %convert_element_type3A_2523 = arith.sitofp %add3A_2502 : i32 to f32
        %add3A_2524 = vector.broadcast %convert_element_type3A_2523 : f32 to vector<16xf32>
        %add3A_2525 = arith.addf %add3A_2524, %convert_element_type3A : vector<16xf32>
        %add3A_2526 = arith.addf %add3A_2525, %get3A_2514 : vector<16xf32>
        %jit3A_2527 = arith.constant 0.000000e+00 : f32
        %jit3A_2528 = arith.constant 3.830000e+02 : f32
        %max3A_2529 = vector.broadcast %jit3A_2527 : f32 to vector<16xf32>
        %max3A_2530 = arith.maximumf %max3A_2529, %add3A_2526 : vector<16xf32>
        %min3A_2531 = vector.broadcast %jit3A_2528 : f32 to vector<16xf32>
        %min3A_2532 = arith.minimumf %min3A_2531, %max3A_2530 : vector<16xf32>
        %convert_element_type3A_2533 = arith.fptosi %min3A_2522 : vector<16xf32> to vector<16xi32>
        %min3A_2534 = arith.constant 382 : i32
        %min3A_2535 = vector.broadcast %min3A_2534 : i32 to vector<16xi32>
        %min3A_2536 = arith.minsi %convert_element_type3A_2533, %min3A_2535 : vector<16xi32>
        %convert_element_type3A_2537 = arith.fptosi %min3A_2532 : vector<16xf32> to vector<16xi32>
        %min3A_2538 = arith.constant 382 : i32
        %min3A_2539 = vector.broadcast %min3A_2538 : i32 to vector<16xi32>
        %min3A_2540 = arith.minsi %convert_element_type3A_2537, %min3A_2539 : vector<16xi32>
        %convert_element_type3A_2541 = arith.sitofp %min3A_2536 : vector<16xi32> to vector<16xf32>
        %sub3A_2542 = arith.subf %min3A_2522, %convert_element_type3A_2541 : vector<16xf32>
        %convert_element_type3A_2543 = arith.sitofp %min3A_2540 : vector<16xi32> to vector<16xf32>
        %sub3A_2544 = arith.subf %min3A_2532, %convert_element_type3A_2543 : vector<16xf32>
        %mul3A_2545 = arith.constant 384 : i32
        %mul3A_2546 = vector.broadcast %mul3A_2545 : i32 to vector<16xi32>
        %mul3A_2547 = arith.muli %min3A_2536, %mul3A_2546 : vector<16xi32>
        %add3A_2548 = vector.broadcast %mul3A_22 : i32 to vector<16xi32>
        %add3A_2549 = arith.addi %add3A_2548, %mul3A_2547 : vector<16xi32>
        %add3A_2550 = arith.addi %add3A_2549, %min3A_2540 : vector<16xi32>
        %swap3A_2551 = arith.constant 0 : i32
        %swap3A_2552 = arith.index_cast %rem3A_2095 : i32 to index
        %swap3A_2553 = arith.index_cast %swap3A_2551 : i32 to index
        %swap3A_2554 = arith.constant 48 : index
        %swap3A_2555 = tpu.vector_load %arg6[%swap3A_2552, %swap3A_2553, %swap3A_2554] {strides = array<i32>} : memref<4x4x96xi32, #tpu.memory_space<vmem>>, vector<1x1x16xi32>,
        %swap3A_2556 = vector.shape_cast %swap3A_2555 : vector<1x1x16xi32> to vector<16xi32>
        %swap3A_2557 = vector.shape_cast %add3A_2550 : vector<16xi32> to vector<1x1x16xi32>
        tpu.vector_store %arg6[%swap3A_2552, %swap3A_2553, %swap3A_2554], %swap3A_2557 {strides = array<i32>} : memref<4x4x96xi32, #tpu.memory_space<vmem>>, vector<1x1x16xi32>,
        %add3A_2558 = arith.constant 1 : i32
        %add3A_2559 = vector.broadcast %add3A_2558 : i32 to vector<16xi32>
        %add3A_2560 = arith.addi %add3A_2550, %add3A_2559 : vector<16xi32>
        %swap3A_2561 = arith.constant 1 : i32
        %swap3A_2562 = arith.index_cast %rem3A_2095 : i32 to index
        %swap3A_2563 = arith.index_cast %swap3A_2561 : i32 to index
        %swap3A_2564 = arith.constant 48 : index
        %swap3A_2565 = tpu.vector_load %arg6[%swap3A_2562, %swap3A_2563, %swap3A_2564] {strides = array<i32>} : memref<4x4x96xi32, #tpu.memory_space<vmem>>, vector<1x1x16xi32>,
        %swap3A_2566 = vector.shape_cast %swap3A_2565 : vector<1x1x16xi32> to vector<16xi32>
        %swap3A_2567 = vector.shape_cast %add3A_2560 : vector<16xi32> to vector<1x1x16xi32>
        tpu.vector_store %arg6[%swap3A_2562, %swap3A_2563, %swap3A_2564], %swap3A_2567 {strides = array<i32>} : memref<4x4x96xi32, #tpu.memory_space<vmem>>, vector<1x1x16xi32>,
        %add3A_2568 = arith.constant 384 : i32
        %add3A_2569 = vector.broadcast %add3A_2568 : i32 to vector<16xi32>
        %add3A_2570 = arith.addi %add3A_2550, %add3A_2569 : vector<16xi32>
        %swap3A_2571 = arith.constant 2 : i32
        %swap3A_2572 = arith.index_cast %rem3A_2095 : i32 to index
        %swap3A_2573 = arith.index_cast %swap3A_2571 : i32 to index
        %swap3A_2574 = arith.constant 48 : index
        %swap3A_2575 = tpu.vector_load %arg6[%swap3A_2572, %swap3A_2573, %swap3A_2574] {strides = array<i32>} : memref<4x4x96xi32, #tpu.memory_space<vmem>>, vector<1x1x16xi32>,
        %swap3A_2576 = vector.shape_cast %swap3A_2575 : vector<1x1x16xi32> to vector<16xi32>
        %swap3A_2577 = vector.shape_cast %add3A_2570 : vector<16xi32> to vector<1x1x16xi32>
        tpu.vector_store %arg6[%swap3A_2572, %swap3A_2573, %swap3A_2574], %swap3A_2577 {strides = array<i32>} : memref<4x4x96xi32, #tpu.memory_space<vmem>>, vector<1x1x16xi32>,
        %add3A_2578 = arith.constant 385 : i32
        %add3A_2579 = vector.broadcast %add3A_2578 : i32 to vector<16xi32>
        %add3A_2580 = arith.addi %add3A_2550, %add3A_2579 : vector<16xi32>
        %swap3A_2581 = arith.constant 3 : i32
        %swap3A_2582 = arith.index_cast %rem3A_2095 : i32 to index
        %swap3A_2583 = arith.index_cast %swap3A_2581 : i32 to index
        %swap3A_2584 = arith.constant 48 : index
        %swap3A_2585 = tpu.vector_load %arg6[%swap3A_2582, %swap3A_2583, %swap3A_2584] {strides = array<i32>} : memref<4x4x96xi32, #tpu.memory_space<vmem>>, vector<1x1x16xi32>,
        %swap3A_2586 = vector.shape_cast %swap3A_2585 : vector<1x1x16xi32> to vector<16xi32>
        %swap3A_2587 = vector.shape_cast %add3A_2580 : vector<16xi32> to vector<1x1x16xi32>
        tpu.vector_store %arg6[%swap3A_2582, %swap3A_2583, %swap3A_2584], %swap3A_2587 {strides = array<i32>} : memref<4x4x96xi32, #tpu.memory_space<vmem>>, vector<1x1x16xi32>,
        %sub3A_2588 = arith.constant 1.000000e+00 : f32
        %sub3A_2589 = vector.broadcast %sub3A_2588 : f32 to vector<16xf32>
        %sub3A_2590 = arith.subf %sub3A_2589, %sub3A_2542 : vector<16xf32>
        %sub3A_2591 = arith.constant 1.000000e+00 : f32
        %sub3A_2592 = vector.broadcast %sub3A_2591 : f32 to vector<16xf32>
        %sub3A_2593 = arith.subf %sub3A_2592, %sub3A_2544 : vector<16xf32>
        %mul3A_2594 = arith.mulf %sub3A_2590, %sub3A_2593 : vector<16xf32>
        %swap3A_2595 = arith.constant 0 : i32
        %swap3A_2596 = arith.index_cast %rem3A_2095 : i32 to index
        %swap3A_2597 = arith.index_cast %swap3A_2595 : i32 to index
        %swap3A_2598 = arith.constant 48 : index
        %swap3A_2599 = tpu.vector_load %arg7[%swap3A_2596, %swap3A_2597, %swap3A_2598] {strides = array<i32>} : memref<4x4x96xf32, #tpu.memory_space<vmem>>, vector<1x1x16xf32>,
        %swap3A_2600 = vector.shape_cast %swap3A_2599 : vector<1x1x16xf32> to vector<16xf32>
        %swap3A_2601 = vector.shape_cast %mul3A_2594 : vector<16xf32> to vector<1x1x16xf32>
        tpu.vector_store %arg7[%swap3A_2596, %swap3A_2597, %swap3A_2598], %swap3A_2601 {strides = array<i32>} : memref<4x4x96xf32, #tpu.memory_space<vmem>>, vector<1x1x16xf32>,
        %sub3A_2602 = arith.constant 1.000000e+00 : f32
        %sub3A_2603 = vector.broadcast %sub3A_2602 : f32 to vector<16xf32>
        %sub3A_2604 = arith.subf %sub3A_2603, %sub3A_2542 : vector<16xf32>
        %mul3A_2605 = arith.mulf %sub3A_2604, %sub3A_2544 : vector<16xf32>
        %swap3A_2606 = arith.constant 1 : i32
        %swap3A_2607 = arith.index_cast %rem3A_2095 : i32 to index
        %swap3A_2608 = arith.index_cast %swap3A_2606 : i32 to index
        %swap3A_2609 = arith.constant 48 : index
        %swap3A_2610 = tpu.vector_load %arg7[%swap3A_2607, %swap3A_2608, %swap3A_2609] {strides = array<i32>} : memref<4x4x96xf32, #tpu.memory_space<vmem>>, vector<1x1x16xf32>,
        %swap3A_2611 = vector.shape_cast %swap3A_2610 : vector<1x1x16xf32> to vector<16xf32>
        %swap3A_2612 = vector.shape_cast %mul3A_2605 : vector<16xf32> to vector<1x1x16xf32>
        tpu.vector_store %arg7[%swap3A_2607, %swap3A_2608, %swap3A_2609], %swap3A_2612 {strides = array<i32>} : memref<4x4x96xf32, #tpu.memory_space<vmem>>, vector<1x1x16xf32>,
        %sub3A_2613 = arith.constant 1.000000e+00 : f32
        %sub3A_2614 = vector.broadcast %sub3A_2613 : f32 to vector<16xf32>
        %sub3A_2615 = arith.subf %sub3A_2614, %sub3A_2544 : vector<16xf32>
        %mul3A_2616 = arith.mulf %sub3A_2542, %sub3A_2615 : vector<16xf32>
        %swap3A_2617 = arith.constant 2 : i32
        %swap3A_2618 = arith.index_cast %rem3A_2095 : i32 to index
        %swap3A_2619 = arith.index_cast %swap3A_2617 : i32 to index
        %swap3A_2620 = arith.constant 48 : index
        %swap3A_2621 = tpu.vector_load %arg7[%swap3A_2618, %swap3A_2619, %swap3A_2620] {strides = array<i32>} : memref<4x4x96xf32, #tpu.memory_space<vmem>>, vector<1x1x16xf32>,
        %swap3A_2622 = vector.shape_cast %swap3A_2621 : vector<1x1x16xf32> to vector<16xf32>
        %swap3A_2623 = vector.shape_cast %mul3A_2616 : vector<16xf32> to vector<1x1x16xf32>
        tpu.vector_store %arg7[%swap3A_2618, %swap3A_2619, %swap3A_2620], %swap3A_2623 {strides = array<i32>} : memref<4x4x96xf32, #tpu.memory_space<vmem>>, vector<1x1x16xf32>,
        %mul3A_2624 = arith.mulf %sub3A_2542, %sub3A_2544 : vector<16xf32>
        %swap3A_2625 = arith.constant 3 : i32
        %swap3A_2626 = arith.index_cast %rem3A_2095 : i32 to index
        %swap3A_2627 = arith.index_cast %swap3A_2625 : i32 to index
        %swap3A_2628 = arith.constant 48 : index
        %swap3A_2629 = tpu.vector_load %arg7[%swap3A_2626, %swap3A_2627, %swap3A_2628] {strides = array<i32>} : memref<4x4x96xf32, #tpu.memory_space<vmem>>, vector<1x1x16xf32>,
        %swap3A_2630 = vector.shape_cast %swap3A_2629 : vector<1x1x16xf32> to vector<16xf32>
        %swap3A_2631 = vector.shape_cast %mul3A_2624 : vector<16xf32> to vector<1x1x16xf32>
        tpu.vector_store %arg7[%swap3A_2626, %swap3A_2627, %swap3A_2628], %swap3A_2631 {strides = array<i32>} : memref<4x4x96xf32, #tpu.memory_space<vmem>>, vector<1x1x16xf32>,
        %mul3A_2632 = arith.constant 96 : i32
        %mul3A_2633 = arith.muli %rem3A_1976, %mul3A_2632 : i32
        %add3A_2634 = arith.constant 64 : i32
        %add3A_2635 = arith.addi %mul3A_2633, %add3A_2634 : i32
        %get3A_2636 = arith.constant 0 : i32
        %get3A_2637 = arith.index_cast %rem3A_2097 : i32 to index
        %get3A_2638 = arith.index_cast %get3A_2636 : i32 to index
        %get3A_2639 = arith.index_cast %add3A_2635 : i32 to index
        %get3A_2640 = tpu.vector_load %arg5[%get3A_2637, %get3A_2638, %get3A_2639] {strides = array<i32>} : memref<2x2x384xf32, #tpu.memory_space<vmem>>, vector<1x1x16xf32>,
        %get3A_2641 = vector.shape_cast %get3A_2640 : vector<1x1x16xf32> to vector<16xf32>
        %get3A_2642 = arith.constant 1 : i32
        %get3A_2643 = arith.index_cast %rem3A_2097 : i32 to index
        %get3A_2644 = arith.index_cast %get3A_2642 : i32 to index
        %get3A_2645 = arith.index_cast %add3A_2635 : i32 to index
        %get3A_2646 = tpu.vector_load %arg5[%get3A_2643, %get3A_2644, %get3A_2645] {strides = array<i32>} : memref<2x2x384xf32, #tpu.memory_space<vmem>>, vector<1x1x16xf32>,
        %get3A_2647 = vector.shape_cast %get3A_2646 : vector<1x1x16xf32> to vector<16xf32>
        %add3A_2648 = vector.broadcast %convert_element_type3A_2099 : f32 to vector<16xf32>
        %add3A_2649 = arith.addf %add3A_2648, %get3A_2641 : vector<16xf32>
        %jit3A_2650 = arith.constant 0.000000e+00 : f32
        %jit3A_2651 = arith.constant 3.830000e+02 : f32
        %max3A_2652 = vector.broadcast %jit3A_2650 : f32 to vector<16xf32>
        %max3A_2653 = arith.maximumf %max3A_2652, %add3A_2649 : vector<16xf32>
        %min3A_2654 = vector.broadcast %jit3A_2651 : f32 to vector<16xf32>
        %min3A_2655 = arith.minimumf %min3A_2654, %max3A_2653 : vector<16xf32>
        %convert_element_type3A_2656 = arith.sitofp %add3A_2635 : i32 to f32
        %add3A_2657 = vector.broadcast %convert_element_type3A_2656 : f32 to vector<16xf32>
        %add3A_2658 = arith.addf %add3A_2657, %convert_element_type3A : vector<16xf32>
        %add3A_2659 = arith.addf %add3A_2658, %get3A_2647 : vector<16xf32>
        %jit3A_2660 = arith.constant 0.000000e+00 : f32
        %jit3A_2661 = arith.constant 3.830000e+02 : f32
        %max3A_2662 = vector.broadcast %jit3A_2660 : f32 to vector<16xf32>
        %max3A_2663 = arith.maximumf %max3A_2662, %add3A_2659 : vector<16xf32>
        %min3A_2664 = vector.broadcast %jit3A_2661 : f32 to vector<16xf32>
        %min3A_2665 = arith.minimumf %min3A_2664, %max3A_2663 : vector<16xf32>
        %convert_element_type3A_2666 = arith.fptosi %min3A_2655 : vector<16xf32> to vector<16xi32>
        %min3A_2667 = arith.constant 382 : i32
        %min3A_2668 = vector.broadcast %min3A_2667 : i32 to vector<16xi32>
        %min3A_2669 = arith.minsi %convert_element_type3A_2666, %min3A_2668 : vector<16xi32>
        %convert_element_type3A_2670 = arith.fptosi %min3A_2665 : vector<16xf32> to vector<16xi32>
        %min3A_2671 = arith.constant 382 : i32
        %min3A_2672 = vector.broadcast %min3A_2671 : i32 to vector<16xi32>
        %min3A_2673 = arith.minsi %convert_element_type3A_2670, %min3A_2672 : vector<16xi32>
        %convert_element_type3A_2674 = arith.sitofp %min3A_2669 : vector<16xi32> to vector<16xf32>
        %sub3A_2675 = arith.subf %min3A_2655, %convert_element_type3A_2674 : vector<16xf32>
        %convert_element_type3A_2676 = arith.sitofp %min3A_2673 : vector<16xi32> to vector<16xf32>
        %sub3A_2677 = arith.subf %min3A_2665, %convert_element_type3A_2676 : vector<16xf32>
        %mul3A_2678 = arith.constant 384 : i32
        %mul3A_2679 = vector.broadcast %mul3A_2678 : i32 to vector<16xi32>
        %mul3A_2680 = arith.muli %min3A_2669, %mul3A_2679 : vector<16xi32>
        %add3A_2681 = vector.broadcast %mul3A_22 : i32 to vector<16xi32>
        %add3A_2682 = arith.addi %add3A_2681, %mul3A_2680 : vector<16xi32>
        %add3A_2683 = arith.addi %add3A_2682, %min3A_2673 : vector<16xi32>
        %swap3A_2684 = arith.constant 0 : i32
        %swap3A_2685 = arith.index_cast %rem3A_2095 : i32 to index
        %swap3A_2686 = arith.index_cast %swap3A_2684 : i32 to index
        %swap3A_2687 = arith.constant 64 : index
        %swap3A_2688 = tpu.vector_load %arg6[%swap3A_2685, %swap3A_2686, %swap3A_2687] {strides = array<i32>} : memref<4x4x96xi32, #tpu.memory_space<vmem>>, vector<1x1x16xi32>,
        %swap3A_2689 = vector.shape_cast %swap3A_2688 : vector<1x1x16xi32> to vector<16xi32>
        %swap3A_2690 = vector.shape_cast %add3A_2683 : vector<16xi32> to vector<1x1x16xi32>
        tpu.vector_store %arg6[%swap3A_2685, %swap3A_2686, %swap3A_2687], %swap3A_2690 {strides = array<i32>} : memref<4x4x96xi32, #tpu.memory_space<vmem>>, vector<1x1x16xi32>,
        %add3A_2691 = arith.constant 1 : i32
        %add3A_2692 = vector.broadcast %add3A_2691 : i32 to vector<16xi32>
        %add3A_2693 = arith.addi %add3A_2683, %add3A_2692 : vector<16xi32>
        %swap3A_2694 = arith.constant 1 : i32
        %swap3A_2695 = arith.index_cast %rem3A_2095 : i32 to index
        %swap3A_2696 = arith.index_cast %swap3A_2694 : i32 to index
        %swap3A_2697 = arith.constant 64 : index
        %swap3A_2698 = tpu.vector_load %arg6[%swap3A_2695, %swap3A_2696, %swap3A_2697] {strides = array<i32>} : memref<4x4x96xi32, #tpu.memory_space<vmem>>, vector<1x1x16xi32>,
        %swap3A_2699 = vector.shape_cast %swap3A_2698 : vector<1x1x16xi32> to vector<16xi32>
        %swap3A_2700 = vector.shape_cast %add3A_2693 : vector<16xi32> to vector<1x1x16xi32>
        tpu.vector_store %arg6[%swap3A_2695, %swap3A_2696, %swap3A_2697], %swap3A_2700 {strides = array<i32>} : memref<4x4x96xi32, #tpu.memory_space<vmem>>, vector<1x1x16xi32>,
        %add3A_2701 = arith.constant 384 : i32
        %add3A_2702 = vector.broadcast %add3A_2701 : i32 to vector<16xi32>
        %add3A_2703 = arith.addi %add3A_2683, %add3A_2702 : vector<16xi32>
        %swap3A_2704 = arith.constant 2 : i32
        %swap3A_2705 = arith.index_cast %rem3A_2095 : i32 to index
        %swap3A_2706 = arith.index_cast %swap3A_2704 : i32 to index
        %swap3A_2707 = arith.constant 64 : index
        %swap3A_2708 = tpu.vector_load %arg6[%swap3A_2705, %swap3A_2706, %swap3A_2707] {strides = array<i32>} : memref<4x4x96xi32, #tpu.memory_space<vmem>>, vector<1x1x16xi32>,
        %swap3A_2709 = vector.shape_cast %swap3A_2708 : vector<1x1x16xi32> to vector<16xi32>
        %swap3A_2710 = vector.shape_cast %add3A_2703 : vector<16xi32> to vector<1x1x16xi32>
        tpu.vector_store %arg6[%swap3A_2705, %swap3A_2706, %swap3A_2707], %swap3A_2710 {strides = array<i32>} : memref<4x4x96xi32, #tpu.memory_space<vmem>>, vector<1x1x16xi32>,
        %add3A_2711 = arith.constant 385 : i32
        %add3A_2712 = vector.broadcast %add3A_2711 : i32 to vector<16xi32>
        %add3A_2713 = arith.addi %add3A_2683, %add3A_2712 : vector<16xi32>
        %swap3A_2714 = arith.constant 3 : i32
        %swap3A_2715 = arith.index_cast %rem3A_2095 : i32 to index
        %swap3A_2716 = arith.index_cast %swap3A_2714 : i32 to index
        %swap3A_2717 = arith.constant 64 : index
        %swap3A_2718 = tpu.vector_load %arg6[%swap3A_2715, %swap3A_2716, %swap3A_2717] {strides = array<i32>} : memref<4x4x96xi32, #tpu.memory_space<vmem>>, vector<1x1x16xi32>,
        %swap3A_2719 = vector.shape_cast %swap3A_2718 : vector<1x1x16xi32> to vector<16xi32>
        %swap3A_2720 = vector.shape_cast %add3A_2713 : vector<16xi32> to vector<1x1x16xi32>
        tpu.vector_store %arg6[%swap3A_2715, %swap3A_2716, %swap3A_2717], %swap3A_2720 {strides = array<i32>} : memref<4x4x96xi32, #tpu.memory_space<vmem>>, vector<1x1x16xi32>,
        %sub3A_2721 = arith.constant 1.000000e+00 : f32
        %sub3A_2722 = vector.broadcast %sub3A_2721 : f32 to vector<16xf32>
        %sub3A_2723 = arith.subf %sub3A_2722, %sub3A_2675 : vector<16xf32>
        %sub3A_2724 = arith.constant 1.000000e+00 : f32
        %sub3A_2725 = vector.broadcast %sub3A_2724 : f32 to vector<16xf32>
        %sub3A_2726 = arith.subf %sub3A_2725, %sub3A_2677 : vector<16xf32>
        %mul3A_2727 = arith.mulf %sub3A_2723, %sub3A_2726 : vector<16xf32>
        %swap3A_2728 = arith.constant 0 : i32
        %swap3A_2729 = arith.index_cast %rem3A_2095 : i32 to index
        %swap3A_2730 = arith.index_cast %swap3A_2728 : i32 to index
        %swap3A_2731 = arith.constant 64 : index
        %swap3A_2732 = tpu.vector_load %arg7[%swap3A_2729, %swap3A_2730, %swap3A_2731] {strides = array<i32>} : memref<4x4x96xf32, #tpu.memory_space<vmem>>, vector<1x1x16xf32>,
        %swap3A_2733 = vector.shape_cast %swap3A_2732 : vector<1x1x16xf32> to vector<16xf32>
        %swap3A_2734 = vector.shape_cast %mul3A_2727 : vector<16xf32> to vector<1x1x16xf32>
        tpu.vector_store %arg7[%swap3A_2729, %swap3A_2730, %swap3A_2731], %swap3A_2734 {strides = array<i32>} : memref<4x4x96xf32, #tpu.memory_space<vmem>>, vector<1x1x16xf32>,
        %sub3A_2735 = arith.constant 1.000000e+00 : f32
        %sub3A_2736 = vector.broadcast %sub3A_2735 : f32 to vector<16xf32>
        %sub3A_2737 = arith.subf %sub3A_2736, %sub3A_2675 : vector<16xf32>
        %mul3A_2738 = arith.mulf %sub3A_2737, %sub3A_2677 : vector<16xf32>
        %swap3A_2739 = arith.constant 1 : i32
        %swap3A_2740 = arith.index_cast %rem3A_2095 : i32 to index
        %swap3A_2741 = arith.index_cast %swap3A_2739 : i32 to index
        %swap3A_2742 = arith.constant 64 : index
        %swap3A_2743 = tpu.vector_load %arg7[%swap3A_2740, %swap3A_2741, %swap3A_2742] {strides = array<i32>} : memref<4x4x96xf32, #tpu.memory_space<vmem>>, vector<1x1x16xf32>,
        %swap3A_2744 = vector.shape_cast %swap3A_2743 : vector<1x1x16xf32> to vector<16xf32>
        %swap3A_2745 = vector.shape_cast %mul3A_2738 : vector<16xf32> to vector<1x1x16xf32>
        tpu.vector_store %arg7[%swap3A_2740, %swap3A_2741, %swap3A_2742], %swap3A_2745 {strides = array<i32>} : memref<4x4x96xf32, #tpu.memory_space<vmem>>, vector<1x1x16xf32>,
        %sub3A_2746 = arith.constant 1.000000e+00 : f32
        %sub3A_2747 = vector.broadcast %sub3A_2746 : f32 to vector<16xf32>
        %sub3A_2748 = arith.subf %sub3A_2747, %sub3A_2677 : vector<16xf32>
        %mul3A_2749 = arith.mulf %sub3A_2675, %sub3A_2748 : vector<16xf32>
        %swap3A_2750 = arith.constant 2 : i32
        %swap3A_2751 = arith.index_cast %rem3A_2095 : i32 to index
        %swap3A_2752 = arith.index_cast %swap3A_2750 : i32 to index
        %swap3A_2753 = arith.constant 64 : index
        %swap3A_2754 = tpu.vector_load %arg7[%swap3A_2751, %swap3A_2752, %swap3A_2753] {strides = array<i32>} : memref<4x4x96xf32, #tpu.memory_space<vmem>>, vector<1x1x16xf32>,
        %swap3A_2755 = vector.shape_cast %swap3A_2754 : vector<1x1x16xf32> to vector<16xf32>
        %swap3A_2756 = vector.shape_cast %mul3A_2749 : vector<16xf32> to vector<1x1x16xf32>
        tpu.vector_store %arg7[%swap3A_2751, %swap3A_2752, %swap3A_2753], %swap3A_2756 {strides = array<i32>} : memref<4x4x96xf32, #tpu.memory_space<vmem>>, vector<1x1x16xf32>,
        %mul3A_2757 = arith.mulf %sub3A_2675, %sub3A_2677 : vector<16xf32>
        %swap3A_2758 = arith.constant 3 : i32
        %swap3A_2759 = arith.index_cast %rem3A_2095 : i32 to index
        %swap3A_2760 = arith.index_cast %swap3A_2758 : i32 to index
        %swap3A_2761 = arith.constant 64 : index
        %swap3A_2762 = tpu.vector_load %arg7[%swap3A_2759, %swap3A_2760, %swap3A_2761] {strides = array<i32>} : memref<4x4x96xf32, #tpu.memory_space<vmem>>, vector<1x1x16xf32>,
        %swap3A_2763 = vector.shape_cast %swap3A_2762 : vector<1x1x16xf32> to vector<16xf32>
        %swap3A_2764 = vector.shape_cast %mul3A_2757 : vector<16xf32> to vector<1x1x16xf32>
        tpu.vector_store %arg7[%swap3A_2759, %swap3A_2760, %swap3A_2761], %swap3A_2764 {strides = array<i32>} : memref<4x4x96xf32, #tpu.memory_space<vmem>>, vector<1x1x16xf32>,
        %mul3A_2765 = arith.constant 96 : i32
        %mul3A_2766 = arith.muli %rem3A_1976, %mul3A_2765 : i32
        %add3A_2767 = arith.constant 80 : i32
        %add3A_2768 = arith.addi %mul3A_2766, %add3A_2767 : i32
        %get3A_2769 = arith.constant 0 : i32
        %get3A_2770 = arith.index_cast %rem3A_2097 : i32 to index
        %get3A_2771 = arith.index_cast %get3A_2769 : i32 to index
        %get3A_2772 = arith.index_cast %add3A_2768 : i32 to index
        %get3A_2773 = tpu.vector_load %arg5[%get3A_2770, %get3A_2771, %get3A_2772] {strides = array<i32>} : memref<2x2x384xf32, #tpu.memory_space<vmem>>, vector<1x1x16xf32>,
        %get3A_2774 = vector.shape_cast %get3A_2773 : vector<1x1x16xf32> to vector<16xf32>
        %get3A_2775 = arith.constant 1 : i32
        %get3A_2776 = arith.index_cast %rem3A_2097 : i32 to index
        %get3A_2777 = arith.index_cast %get3A_2775 : i32 to index
        %get3A_2778 = arith.index_cast %add3A_2768 : i32 to index
        %get3A_2779 = tpu.vector_load %arg5[%get3A_2776, %get3A_2777, %get3A_2778] {strides = array<i32>} : memref<2x2x384xf32, #tpu.memory_space<vmem>>, vector<1x1x16xf32>,
        %get3A_2780 = vector.shape_cast %get3A_2779 : vector<1x1x16xf32> to vector<16xf32>
        %add3A_2781 = vector.broadcast %convert_element_type3A_2099 : f32 to vector<16xf32>
        %add3A_2782 = arith.addf %add3A_2781, %get3A_2774 : vector<16xf32>
        %jit3A_2783 = arith.constant 0.000000e+00 : f32
        %jit3A_2784 = arith.constant 3.830000e+02 : f32
        %max3A_2785 = vector.broadcast %jit3A_2783 : f32 to vector<16xf32>
        %max3A_2786 = arith.maximumf %max3A_2785, %add3A_2782 : vector<16xf32>
        %min3A_2787 = vector.broadcast %jit3A_2784 : f32 to vector<16xf32>
        %min3A_2788 = arith.minimumf %min3A_2787, %max3A_2786 : vector<16xf32>
        %convert_element_type3A_2789 = arith.sitofp %add3A_2768 : i32 to f32
        %add3A_2790 = vector.broadcast %convert_element_type3A_2789 : f32 to vector<16xf32>
        %add3A_2791 = arith.addf %add3A_2790, %convert_element_type3A : vector<16xf32>
        %add3A_2792 = arith.addf %add3A_2791, %get3A_2780 : vector<16xf32>
        %jit3A_2793 = arith.constant 0.000000e+00 : f32
        %jit3A_2794 = arith.constant 3.830000e+02 : f32
        %max3A_2795 = vector.broadcast %jit3A_2793 : f32 to vector<16xf32>
        %max3A_2796 = arith.maximumf %max3A_2795, %add3A_2792 : vector<16xf32>
        %min3A_2797 = vector.broadcast %jit3A_2794 : f32 to vector<16xf32>
        %min3A_2798 = arith.minimumf %min3A_2797, %max3A_2796 : vector<16xf32>
        %convert_element_type3A_2799 = arith.fptosi %min3A_2788 : vector<16xf32> to vector<16xi32>
        %min3A_2800 = arith.constant 382 : i32
        %min3A_2801 = vector.broadcast %min3A_2800 : i32 to vector<16xi32>
        %min3A_2802 = arith.minsi %convert_element_type3A_2799, %min3A_2801 : vector<16xi32>
        %convert_element_type3A_2803 = arith.fptosi %min3A_2798 : vector<16xf32> to vector<16xi32>
        %min3A_2804 = arith.constant 382 : i32
        %min3A_2805 = vector.broadcast %min3A_2804 : i32 to vector<16xi32>
        %min3A_2806 = arith.minsi %convert_element_type3A_2803, %min3A_2805 : vector<16xi32>
        %convert_element_type3A_2807 = arith.sitofp %min3A_2802 : vector<16xi32> to vector<16xf32>
        %sub3A_2808 = arith.subf %min3A_2788, %convert_element_type3A_2807 : vector<16xf32>
        %convert_element_type3A_2809 = arith.sitofp %min3A_2806 : vector<16xi32> to vector<16xf32>
        %sub3A_2810 = arith.subf %min3A_2798, %convert_element_type3A_2809 : vector<16xf32>
        %mul3A_2811 = arith.constant 384 : i32
        %mul3A_2812 = vector.broadcast %mul3A_2811 : i32 to vector<16xi32>
        %mul3A_2813 = arith.muli %min3A_2802, %mul3A_2812 : vector<16xi32>
        %add3A_2814 = vector.broadcast %mul3A_22 : i32 to vector<16xi32>
        %add3A_2815 = arith.addi %add3A_2814, %mul3A_2813 : vector<16xi32>
        %add3A_2816 = arith.addi %add3A_2815, %min3A_2806 : vector<16xi32>
        %swap3A_2817 = arith.constant 0 : i32
        %swap3A_2818 = arith.index_cast %rem3A_2095 : i32 to index
        %swap3A_2819 = arith.index_cast %swap3A_2817 : i32 to index
        %swap3A_2820 = arith.constant 80 : index
        %swap3A_2821 = tpu.vector_load %arg6[%swap3A_2818, %swap3A_2819, %swap3A_2820] {strides = array<i32>} : memref<4x4x96xi32, #tpu.memory_space<vmem>>, vector<1x1x16xi32>,
        %swap3A_2822 = vector.shape_cast %swap3A_2821 : vector<1x1x16xi32> to vector<16xi32>
        %swap3A_2823 = vector.shape_cast %add3A_2816 : vector<16xi32> to vector<1x1x16xi32>
        tpu.vector_store %arg6[%swap3A_2818, %swap3A_2819, %swap3A_2820], %swap3A_2823 {strides = array<i32>} : memref<4x4x96xi32, #tpu.memory_space<vmem>>, vector<1x1x16xi32>,
        %add3A_2824 = arith.constant 1 : i32
        %add3A_2825 = vector.broadcast %add3A_2824 : i32 to vector<16xi32>
        %add3A_2826 = arith.addi %add3A_2816, %add3A_2825 : vector<16xi32>
        %swap3A_2827 = arith.constant 1 : i32
        %swap3A_2828 = arith.index_cast %rem3A_2095 : i32 to index
        %swap3A_2829 = arith.index_cast %swap3A_2827 : i32 to index
        %swap3A_2830 = arith.constant 80 : index
        %swap3A_2831 = tpu.vector_load %arg6[%swap3A_2828, %swap3A_2829, %swap3A_2830] {strides = array<i32>} : memref<4x4x96xi32, #tpu.memory_space<vmem>>, vector<1x1x16xi32>,
        %swap3A_2832 = vector.shape_cast %swap3A_2831 : vector<1x1x16xi32> to vector<16xi32>
        %swap3A_2833 = vector.shape_cast %add3A_2826 : vector<16xi32> to vector<1x1x16xi32>
        tpu.vector_store %arg6[%swap3A_2828, %swap3A_2829, %swap3A_2830], %swap3A_2833 {strides = array<i32>} : memref<4x4x96xi32, #tpu.memory_space<vmem>>, vector<1x1x16xi32>,
        %add3A_2834 = arith.constant 384 : i32
        %add3A_2835 = vector.broadcast %add3A_2834 : i32 to vector<16xi32>
        %add3A_2836 = arith.addi %add3A_2816, %add3A_2835 : vector<16xi32>
        %swap3A_2837 = arith.constant 2 : i32
        %swap3A_2838 = arith.index_cast %rem3A_2095 : i32 to index
        %swap3A_2839 = arith.index_cast %swap3A_2837 : i32 to index
        %swap3A_2840 = arith.constant 80 : index
        %swap3A_2841 = tpu.vector_load %arg6[%swap3A_2838, %swap3A_2839, %swap3A_2840] {strides = array<i32>} : memref<4x4x96xi32, #tpu.memory_space<vmem>>, vector<1x1x16xi32>,
        %swap3A_2842 = vector.shape_cast %swap3A_2841 : vector<1x1x16xi32> to vector<16xi32>
        %swap3A_2843 = vector.shape_cast %add3A_2836 : vector<16xi32> to vector<1x1x16xi32>
        tpu.vector_store %arg6[%swap3A_2838, %swap3A_2839, %swap3A_2840], %swap3A_2843 {strides = array<i32>} : memref<4x4x96xi32, #tpu.memory_space<vmem>>, vector<1x1x16xi32>,
        %add3A_2844 = arith.constant 385 : i32
        %add3A_2845 = vector.broadcast %add3A_2844 : i32 to vector<16xi32>
        %add3A_2846 = arith.addi %add3A_2816, %add3A_2845 : vector<16xi32>
        %swap3A_2847 = arith.constant 3 : i32
        %swap3A_2848 = arith.index_cast %rem3A_2095 : i32 to index
        %swap3A_2849 = arith.index_cast %swap3A_2847 : i32 to index
        %swap3A_2850 = arith.constant 80 : index
        %swap3A_2851 = tpu.vector_load %arg6[%swap3A_2848, %swap3A_2849, %swap3A_2850] {strides = array<i32>} : memref<4x4x96xi32, #tpu.memory_space<vmem>>, vector<1x1x16xi32>,
        %swap3A_2852 = vector.shape_cast %swap3A_2851 : vector<1x1x16xi32> to vector<16xi32>
        %swap3A_2853 = vector.shape_cast %add3A_2846 : vector<16xi32> to vector<1x1x16xi32>
        tpu.vector_store %arg6[%swap3A_2848, %swap3A_2849, %swap3A_2850], %swap3A_2853 {strides = array<i32>} : memref<4x4x96xi32, #tpu.memory_space<vmem>>, vector<1x1x16xi32>,
        %sub3A_2854 = arith.constant 1.000000e+00 : f32
        %sub3A_2855 = vector.broadcast %sub3A_2854 : f32 to vector<16xf32>
        %sub3A_2856 = arith.subf %sub3A_2855, %sub3A_2808 : vector<16xf32>
        %sub3A_2857 = arith.constant 1.000000e+00 : f32
        %sub3A_2858 = vector.broadcast %sub3A_2857 : f32 to vector<16xf32>
        %sub3A_2859 = arith.subf %sub3A_2858, %sub3A_2810 : vector<16xf32>
        %mul3A_2860 = arith.mulf %sub3A_2856, %sub3A_2859 : vector<16xf32>
        %swap3A_2861 = arith.constant 0 : i32
        %swap3A_2862 = arith.index_cast %rem3A_2095 : i32 to index
        %swap3A_2863 = arith.index_cast %swap3A_2861 : i32 to index
        %swap3A_2864 = arith.constant 80 : index
        %swap3A_2865 = tpu.vector_load %arg7[%swap3A_2862, %swap3A_2863, %swap3A_2864] {strides = array<i32>} : memref<4x4x96xf32, #tpu.memory_space<vmem>>, vector<1x1x16xf32>,
        %swap3A_2866 = vector.shape_cast %swap3A_2865 : vector<1x1x16xf32> to vector<16xf32>
        %swap3A_2867 = vector.shape_cast %mul3A_2860 : vector<16xf32> to vector<1x1x16xf32>
        tpu.vector_store %arg7[%swap3A_2862, %swap3A_2863, %swap3A_2864], %swap3A_2867 {strides = array<i32>} : memref<4x4x96xf32, #tpu.memory_space<vmem>>, vector<1x1x16xf32>,
        %sub3A_2868 = arith.constant 1.000000e+00 : f32
        %sub3A_2869 = vector.broadcast %sub3A_2868 : f32 to vector<16xf32>
        %sub3A_2870 = arith.subf %sub3A_2869, %sub3A_2808 : vector<16xf32>
        %mul3A_2871 = arith.mulf %sub3A_2870, %sub3A_2810 : vector<16xf32>
        %swap3A_2872 = arith.constant 1 : i32
        %swap3A_2873 = arith.index_cast %rem3A_2095 : i32 to index
        %swap3A_2874 = arith.index_cast %swap3A_2872 : i32 to index
        %swap3A_2875 = arith.constant 80 : index
        %swap3A_2876 = tpu.vector_load %arg7[%swap3A_2873, %swap3A_2874, %swap3A_2875] {strides = array<i32>} : memref<4x4x96xf32, #tpu.memory_space<vmem>>, vector<1x1x16xf32>,
        %swap3A_2877 = vector.shape_cast %swap3A_2876 : vector<1x1x16xf32> to vector<16xf32>
        %swap3A_2878 = vector.shape_cast %mul3A_2871 : vector<16xf32> to vector<1x1x16xf32>
        tpu.vector_store %arg7[%swap3A_2873, %swap3A_2874, %swap3A_2875], %swap3A_2878 {strides = array<i32>} : memref<4x4x96xf32, #tpu.memory_space<vmem>>, vector<1x1x16xf32>,
        %sub3A_2879 = arith.constant 1.000000e+00 : f32
        %sub3A_2880 = vector.broadcast %sub3A_2879 : f32 to vector<16xf32>
        %sub3A_2881 = arith.subf %sub3A_2880, %sub3A_2810 : vector<16xf32>
        %mul3A_2882 = arith.mulf %sub3A_2808, %sub3A_2881 : vector<16xf32>
        %swap3A_2883 = arith.constant 2 : i32
        %swap3A_2884 = arith.index_cast %rem3A_2095 : i32 to index
        %swap3A_2885 = arith.index_cast %swap3A_2883 : i32 to index
        %swap3A_2886 = arith.constant 80 : index
        %swap3A_2887 = tpu.vector_load %arg7[%swap3A_2884, %swap3A_2885, %swap3A_2886] {strides = array<i32>} : memref<4x4x96xf32, #tpu.memory_space<vmem>>, vector<1x1x16xf32>,
        %swap3A_2888 = vector.shape_cast %swap3A_2887 : vector<1x1x16xf32> to vector<16xf32>
        %swap3A_2889 = vector.shape_cast %mul3A_2882 : vector<16xf32> to vector<1x1x16xf32>
        tpu.vector_store %arg7[%swap3A_2884, %swap3A_2885, %swap3A_2886], %swap3A_2889 {strides = array<i32>} : memref<4x4x96xf32, #tpu.memory_space<vmem>>, vector<1x1x16xf32>,
        %mul3A_2890 = arith.mulf %sub3A_2808, %sub3A_2810 : vector<16xf32>
        %swap3A_2891 = arith.constant 3 : i32
        %swap3A_2892 = arith.index_cast %rem3A_2095 : i32 to index
        %swap3A_2893 = arith.index_cast %swap3A_2891 : i32 to index
        %swap3A_2894 = arith.constant 80 : index
        %swap3A_2895 = tpu.vector_load %arg7[%swap3A_2892, %swap3A_2893, %swap3A_2894] {strides = array<i32>} : memref<4x4x96xf32, #tpu.memory_space<vmem>>, vector<1x1x16xf32>,
        %swap3A_2896 = vector.shape_cast %swap3A_2895 : vector<1x1x16xf32> to vector<16xf32>
        %swap3A_2897 = vector.shape_cast %mul3A_2890 : vector<16xf32> to vector<1x1x16xf32>
        tpu.vector_store %arg7[%swap3A_2892, %swap3A_2893, %swap3A_2894], %swap3A_2897 {strides = array<i32>} : memref<4x4x96xf32, #tpu.memory_space<vmem>>, vector<1x1x16xf32>,
        %dma_start3A_2898 = arith.constant 0 : i32
        %dma_start3A_2899 = arith.constant 0 : i32
        %dma_start3A_2900 = arith.constant 0 : i32
        %dma_start3A_2901 = arith.constant 0 : i32
        %dma_start3A_2902 = tpu.memref_slice %arg8[%rem3A_2095, %dma_start3A_2899, %dma_start3A_2900, %dma_start3A_2901] : memref<4x4x96x48xi32, #tpu.memory_space<vmem>> -> memref<1x1x96x48xi32, #tpu.memory_space<vmem>>
        %dma_start3A_2903 = tpu.memref_squeeze %dma_start3A_2902 : memref<1x1x96x48xi32, #tpu.memory_space<vmem>> -> memref<96x48xi32, #tpu.memory_space<vmem>>
        %dma_start3A_2904 = arith.constant 0 : i32
        %dma_start3A_2905 = tpu.memref_slice %arg6[%rem3A_2095, %dma_start3A_2898, %dma_start3A_2904] : memref<4x4x96xi32, #tpu.memory_space<vmem>> -> memref<1x1x96xi32, #tpu.memory_space<vmem>>
        %dma_start3A_2906 = tpu.memref_squeeze %dma_start3A_2905 : memref<1x1x96xi32, #tpu.memory_space<vmem>> -> memref<96xi32, #tpu.memory_space<vmem>>
        %dma_start3A_2907 = arith.constant 0 : i32
        %dma_start3A_2908 = arith.constant 0 : i32
        %dma_start3A_2909 = tpu.memref_slice %arg2[%dma_start3A_2907, %dma_start3A_2908] : memref<589824x48xi32, #tpu.memory_space<hbm>> -> memref<589824x48xi32, #tpu.memory_space<hbm>>
        tpu.enqueue_indirect_dma source(%dma_start3A_2909 : memref<589824x48xi32, #tpu.memory_space<hbm>>) target(%dma_start3A_2903 : memref<96x48xi32, #tpu.memory_space<vmem>>) offsets(%dma_start3A_2906 : memref<96xi32, #tpu.memory_space<vmem>>) semaphore(%arg10 : memref<!tpu.dma_semaphore, #tpu.memory_space<semaphore_mem>>)
        %dma_start3A_2910 = arith.constant 1 : i32
        %dma_start3A_2911 = arith.constant 1 : i32
        %dma_start3A_2912 = arith.constant 0 : i32
        %dma_start3A_2913 = arith.constant 0 : i32
        %dma_start3A_2914 = tpu.memref_slice %arg8[%rem3A_2095, %dma_start3A_2911, %dma_start3A_2912, %dma_start3A_2913] : memref<4x4x96x48xi32, #tpu.memory_space<vmem>> -> memref<1x1x96x48xi32, #tpu.memory_space<vmem>>
        %dma_start3A_2915 = tpu.memref_squeeze %dma_start3A_2914 : memref<1x1x96x48xi32, #tpu.memory_space<vmem>> -> memref<96x48xi32, #tpu.memory_space<vmem>>
        %dma_start3A_2916 = arith.constant 0 : i32
        %dma_start3A_2917 = tpu.memref_slice %arg6[%rem3A_2095, %dma_start3A_2910, %dma_start3A_2916] : memref<4x4x96xi32, #tpu.memory_space<vmem>> -> memref<1x1x96xi32, #tpu.memory_space<vmem>>
        %dma_start3A_2918 = tpu.memref_squeeze %dma_start3A_2917 : memref<1x1x96xi32, #tpu.memory_space<vmem>> -> memref<96xi32, #tpu.memory_space<vmem>>
        %dma_start3A_2919 = arith.constant 0 : i32
        %dma_start3A_2920 = arith.constant 0 : i32
        %dma_start3A_2921 = tpu.memref_slice %arg2[%dma_start3A_2919, %dma_start3A_2920] : memref<589824x48xi32, #tpu.memory_space<hbm>> -> memref<589824x48xi32, #tpu.memory_space<hbm>>
        tpu.enqueue_indirect_dma source(%dma_start3A_2921 : memref<589824x48xi32, #tpu.memory_space<hbm>>) target(%dma_start3A_2915 : memref<96x48xi32, #tpu.memory_space<vmem>>) offsets(%dma_start3A_2918 : memref<96xi32, #tpu.memory_space<vmem>>) semaphore(%arg10 : memref<!tpu.dma_semaphore, #tpu.memory_space<semaphore_mem>>)
        %dma_start3A_2922 = arith.constant 2 : i32
        %dma_start3A_2923 = arith.constant 2 : i32
        %dma_start3A_2924 = arith.constant 0 : i32
        %dma_start3A_2925 = arith.constant 0 : i32
        %dma_start3A_2926 = tpu.memref_slice %arg8[%rem3A_2095, %dma_start3A_2923, %dma_start3A_2924, %dma_start3A_2925] : memref<4x4x96x48xi32, #tpu.memory_space<vmem>> -> memref<1x1x96x48xi32, #tpu.memory_space<vmem>>
        %dma_start3A_2927 = tpu.memref_squeeze %dma_start3A_2926 : memref<1x1x96x48xi32, #tpu.memory_space<vmem>> -> memref<96x48xi32, #tpu.memory_space<vmem>>
        %dma_start3A_2928 = arith.constant 0 : i32
        %dma_start3A_2929 = tpu.memref_slice %arg6[%rem3A_2095, %dma_start3A_2922, %dma_start3A_2928] : memref<4x4x96xi32, #tpu.memory_space<vmem>> -> memref<1x1x96xi32, #tpu.memory_space<vmem>>
        %dma_start3A_2930 = tpu.memref_squeeze %dma_start3A_2929 : memref<1x1x96xi32, #tpu.memory_space<vmem>> -> memref<96xi32, #tpu.memory_space<vmem>>
        %dma_start3A_2931 = arith.constant 0 : i32
        %dma_start3A_2932 = arith.constant 0 : i32
        %dma_start3A_2933 = tpu.memref_slice %arg2[%dma_start3A_2931, %dma_start3A_2932] : memref<589824x48xi32, #tpu.memory_space<hbm>> -> memref<589824x48xi32, #tpu.memory_space<hbm>>
        tpu.enqueue_indirect_dma source(%dma_start3A_2933 : memref<589824x48xi32, #tpu.memory_space<hbm>>) target(%dma_start3A_2927 : memref<96x48xi32, #tpu.memory_space<vmem>>) offsets(%dma_start3A_2930 : memref<96xi32, #tpu.memory_space<vmem>>) semaphore(%arg10 : memref<!tpu.dma_semaphore, #tpu.memory_space<semaphore_mem>>)
        %dma_start3A_2934 = arith.constant 3 : i32
        %dma_start3A_2935 = arith.constant 3 : i32
        %dma_start3A_2936 = arith.constant 0 : i32
        %dma_start3A_2937 = arith.constant 0 : i32
        %dma_start3A_2938 = tpu.memref_slice %arg8[%rem3A_2095, %dma_start3A_2935, %dma_start3A_2936, %dma_start3A_2937] : memref<4x4x96x48xi32, #tpu.memory_space<vmem>> -> memref<1x1x96x48xi32, #tpu.memory_space<vmem>>
        %dma_start3A_2939 = tpu.memref_squeeze %dma_start3A_2938 : memref<1x1x96x48xi32, #tpu.memory_space<vmem>> -> memref<96x48xi32, #tpu.memory_space<vmem>>
        %dma_start3A_2940 = arith.constant 0 : i32
        %dma_start3A_2941 = tpu.memref_slice %arg6[%rem3A_2095, %dma_start3A_2934, %dma_start3A_2940] : memref<4x4x96xi32, #tpu.memory_space<vmem>> -> memref<1x1x96xi32, #tpu.memory_space<vmem>>
        %dma_start3A_2942 = tpu.memref_squeeze %dma_start3A_2941 : memref<1x1x96xi32, #tpu.memory_space<vmem>> -> memref<96xi32, #tpu.memory_space<vmem>>
        %dma_start3A_2943 = arith.constant 0 : i32
        %dma_start3A_2944 = arith.constant 0 : i32
        %dma_start3A_2945 = tpu.memref_slice %arg2[%dma_start3A_2943, %dma_start3A_2944] : memref<589824x48xi32, #tpu.memory_space<hbm>> -> memref<589824x48xi32, #tpu.memory_space<hbm>>
        tpu.enqueue_indirect_dma source(%dma_start3A_2945 : memref<589824x48xi32, #tpu.memory_space<hbm>>) target(%dma_start3A_2939 : memref<96x48xi32, #tpu.memory_space<vmem>>) offsets(%dma_start3A_2942 : memref<96xi32, #tpu.memory_space<vmem>>) semaphore(%arg10 : memref<!tpu.dma_semaphore, #tpu.memory_space<semaphore_mem>>)
        %eq3A_2946 = arith.constant 0 : i32
        %eq3A_2947 = arith.cmpi eq, %rem3A_1976, %eq3A_2946 : i32
        %add3A_2948 = arith.constant 1 : i32
        %add3A_2949 = arith.addi %select_n3A_1974, %add3A_2948 : i32
        %lt3A_2950 = arith.constant 48 : i32
        %lt3A_2951 = arith.cmpi slt, %add3A_2949, %lt3A_2950 : i32
        %and3A_2952 = arith.andi %eq3A_2947, %lt3A_2951 : i1
        %convert_element_type3A_2953 = arith.extui %and3A_2952 : i1 to i32
        %cond3A_2954 = arith.constant 0 : i32
        %cond3A_2955 = arith.cmpi ne, %convert_element_type3A_2953, %cond3A_2954 : i32
        scf.if %cond3A_2955 {
          %add3A_2956 = arith.constant 1 : i32
          %add3A_2957 = arith.addi %select_n3A_1974, %add3A_2956 : i32
          %rem3A_2958 = arith.constant 2 : i32
          %rem3A_2959 = arith.remsi %add3A_2957, %rem3A_2958 : i32
          %mul3A_2960 = arith.constant 2 : i32
          %mul3A_2961 = arith.muli %select_n3A, %mul3A_2960 : i32
          %mul3A_2962 = arith.constant 384 : i32
          %mul3A_2963 = arith.muli %mul3A_2961, %mul3A_2962 : i32
          %add3A_2964 = arith.constant 0 : i32
          %add3A_2965 = arith.addi %mul3A_2963, %add3A_2964 : i32
          %add3A_2966 = arith.addi %mul3A_20, %add3A_2957 : i32
          %add3A_2967 = arith.addi %add3A_2965, %add3A_2966 : i32
          %mul3A_2968 = arith.constant 384 : i32
          %mul3A_2969 = arith.muli %add3A_2967, %mul3A_2968 : i32
          %multiple_of3A_2970 = tpu.assume_multiple %mul3A_2969, 384 : i32
          %dma_start3A_2971 = arith.constant 0 : i32
          %dma_start3A_2972 = arith.constant 0 : i32
          %dma_start3A_2973 = tpu.memref_slice %arg5[%rem3A_2959, %dma_start3A_2971, %dma_start3A_2972] : memref<2x2x384xf32, #tpu.memory_space<vmem>> -> memref<1x1x384xf32, #tpu.memory_space<vmem>>
          %dma_start3A_2974 = tpu.memref_squeeze %dma_start3A_2973 : memref<1x1x384xf32, #tpu.memory_space<vmem>> -> memref<384xf32, #tpu.memory_space<vmem>>
          %dma_start3A_2975 = tpu.memref_slice %arg3[%multiple_of3A_2970] : memref<1179648xf32, #tpu.memory_space<hbm>> -> memref<384xf32, #tpu.memory_space<hbm>>
          %dma_start3A_2976 = arith.constant 0 : i32
          %dma_start3A_2977 = tpu.memref_slice %arg5[%rem3A_2959, %dma_start3A_2971, %dma_start3A_2976] : memref<2x2x384xf32, #tpu.memory_space<vmem>> -> memref<1x1x384xf32, #tpu.memory_space<vmem>>
          %dma_start3A_2978 = tpu.memref_squeeze %dma_start3A_2977 : memref<1x1x384xf32, #tpu.memory_space<vmem>> -> memref<384xf32, #tpu.memory_space<vmem>>
          %dma_start3A_2979 = tpu.memref_slice %arg3[%multiple_of3A_2970] : memref<1179648xf32, #tpu.memory_space<hbm>> -> memref<384xf32, #tpu.memory_space<hbm>>
          tpu.enqueue_dma source(%dma_start3A_2979 : memref<384xf32, #tpu.memory_space<hbm>>) target(%dma_start3A_2978 : memref<384xf32, #tpu.memory_space<vmem>>) target_semaphore(%arg12 : memref<!tpu.dma_semaphore, #tpu.memory_space<semaphore_mem>>)
          %mul3A_2980 = arith.constant 2 : i32
          %mul3A_2981 = arith.muli %select_n3A, %mul3A_2980 : i32
          %mul3A_2982 = arith.constant 384 : i32
          %mul3A_2983 = arith.muli %mul3A_2981, %mul3A_2982 : i32
          %add3A_2984 = arith.constant 384 : i32
          %add3A_2985 = arith.addi %mul3A_2983, %add3A_2984 : i32
          %add3A_2986 = arith.addi %mul3A_20, %add3A_2957 : i32
          %add3A_2987 = arith.addi %add3A_2985, %add3A_2986 : i32
          %mul3A_2988 = arith.constant 384 : i32
          %mul3A_2989 = arith.muli %add3A_2987, %mul3A_2988 : i32
          %multiple_of3A_2990 = tpu.assume_multiple %mul3A_2989, 384 : i32
          %dma_start3A_2991 = arith.constant 1 : i32
          %dma_start3A_2992 = arith.constant 0 : i32
          %dma_start3A_2993 = tpu.memref_slice %arg5[%rem3A_2959, %dma_start3A_2991, %dma_start3A_2992] : memref<2x2x384xf32, #tpu.memory_space<vmem>> -> memref<1x1x384xf32, #tpu.memory_space<vmem>>
          %dma_start3A_2994 = tpu.memref_squeeze %dma_start3A_2993 : memref<1x1x384xf32, #tpu.memory_space<vmem>> -> memref<384xf32, #tpu.memory_space<vmem>>
          %dma_start3A_2995 = tpu.memref_slice %arg3[%multiple_of3A_2990] : memref<1179648xf32, #tpu.memory_space<hbm>> -> memref<384xf32, #tpu.memory_space<hbm>>
          %dma_start3A_2996 = arith.constant 0 : i32
          %dma_start3A_2997 = tpu.memref_slice %arg5[%rem3A_2959, %dma_start3A_2991, %dma_start3A_2996] : memref<2x2x384xf32, #tpu.memory_space<vmem>> -> memref<1x1x384xf32, #tpu.memory_space<vmem>>
          %dma_start3A_2998 = tpu.memref_squeeze %dma_start3A_2997 : memref<1x1x384xf32, #tpu.memory_space<vmem>> -> memref<384xf32, #tpu.memory_space<vmem>>
          %dma_start3A_2999 = tpu.memref_slice %arg3[%multiple_of3A_2990] : memref<1179648xf32, #tpu.memory_space<hbm>> -> memref<384xf32, #tpu.memory_space<hbm>>
          tpu.enqueue_dma source(%dma_start3A_2999 : memref<384xf32, #tpu.memory_space<hbm>>) target(%dma_start3A_2998 : memref<384xf32, #tpu.memory_space<vmem>>) target_semaphore(%arg12 : memref<!tpu.dma_semaphore, #tpu.memory_space<semaphore_mem>>)
        } else {
        }
      } else {
      }
      %dma_wait3A_2006 = arith.constant 0 : i32
      %dma_wait3A_2007 = arith.constant 0 : i32
      %dma_wait3A_2008 = arith.constant 0 : i32
      %dma_wait3A_2009 = arith.constant 0 : i32
      %dma_wait3A_2010 = tpu.memref_slice %arg8[%rem3A_1948, %dma_wait3A_2007, %dma_wait3A_2008, %dma_wait3A_2009] : memref<4x4x96x48xi32, #tpu.memory_space<vmem>> -> memref<1x1x96x48xi32, #tpu.memory_space<vmem>>
      %dma_wait3A_2011 = tpu.memref_squeeze %dma_wait3A_2010 : memref<1x1x96x48xi32, #tpu.memory_space<vmem>> -> memref<96x48xi32, #tpu.memory_space<vmem>>
      %dma_wait3A_2012 = arith.constant 0 : i32
      %dma_wait3A_2013 = tpu.memref_slice %arg6[%rem3A_1948, %dma_wait3A_2006, %dma_wait3A_2012] : memref<4x4x96xi32, #tpu.memory_space<vmem>> -> memref<1x1x96xi32, #tpu.memory_space<vmem>>
      %dma_wait3A_2014 = tpu.memref_squeeze %dma_wait3A_2013 : memref<1x1x96xi32, #tpu.memory_space<vmem>> -> memref<96xi32, #tpu.memory_space<vmem>>
      %dma_wait3A_2015 = arith.constant 0 : i32
      %dma_wait3A_2016 = arith.constant 0 : i32
      %dma_wait3A_2017 = tpu.memref_slice %arg2[%dma_wait3A_2015, %dma_wait3A_2016] : memref<589824x48xi32, #tpu.memory_space<hbm>> -> memref<589824x48xi32, #tpu.memory_space<hbm>>
      tpu.wait_indirect_dma semaphore(%arg10 : memref<!tpu.dma_semaphore, #tpu.memory_space<semaphore_mem>>) src(%dma_wait3A_2017 : memref<589824x48xi32, #tpu.memory_space<hbm>>) dst(%dma_wait3A_2011 : memref<96x48xi32, #tpu.memory_space<vmem>>)
      %dma_wait3A_2018 = arith.constant 1 : i32
      %dma_wait3A_2019 = arith.constant 1 : i32
      %dma_wait3A_2020 = arith.constant 0 : i32
      %dma_wait3A_2021 = arith.constant 0 : i32
      %dma_wait3A_2022 = tpu.memref_slice %arg8[%rem3A_1948, %dma_wait3A_2019, %dma_wait3A_2020, %dma_wait3A_2021] : memref<4x4x96x48xi32, #tpu.memory_space<vmem>> -> memref<1x1x96x48xi32, #tpu.memory_space<vmem>>
      %dma_wait3A_2023 = tpu.memref_squeeze %dma_wait3A_2022 : memref<1x1x96x48xi32, #tpu.memory_space<vmem>> -> memref<96x48xi32, #tpu.memory_space<vmem>>
      %dma_wait3A_2024 = arith.constant 0 : i32
      %dma_wait3A_2025 = tpu.memref_slice %arg6[%rem3A_1948, %dma_wait3A_2018, %dma_wait3A_2024] : memref<4x4x96xi32, #tpu.memory_space<vmem>> -> memref<1x1x96xi32, #tpu.memory_space<vmem>>
      %dma_wait3A_2026 = tpu.memref_squeeze %dma_wait3A_2025 : memref<1x1x96xi32, #tpu.memory_space<vmem>> -> memref<96xi32, #tpu.memory_space<vmem>>
      %dma_wait3A_2027 = arith.constant 0 : i32
      %dma_wait3A_2028 = arith.constant 0 : i32
      %dma_wait3A_2029 = tpu.memref_slice %arg2[%dma_wait3A_2027, %dma_wait3A_2028] : memref<589824x48xi32, #tpu.memory_space<hbm>> -> memref<589824x48xi32, #tpu.memory_space<hbm>>
      tpu.wait_indirect_dma semaphore(%arg10 : memref<!tpu.dma_semaphore, #tpu.memory_space<semaphore_mem>>) src(%dma_wait3A_2029 : memref<589824x48xi32, #tpu.memory_space<hbm>>) dst(%dma_wait3A_2023 : memref<96x48xi32, #tpu.memory_space<vmem>>)
      %dma_wait3A_2030 = arith.constant 2 : i32
      %dma_wait3A_2031 = arith.constant 2 : i32
      %dma_wait3A_2032 = arith.constant 0 : i32
      %dma_wait3A_2033 = arith.constant 0 : i32
      %dma_wait3A_2034 = tpu.memref_slice %arg8[%rem3A_1948, %dma_wait3A_2031, %dma_wait3A_2032, %dma_wait3A_2033] : memref<4x4x96x48xi32, #tpu.memory_space<vmem>> -> memref<1x1x96x48xi32, #tpu.memory_space<vmem>>
      %dma_wait3A_2035 = tpu.memref_squeeze %dma_wait3A_2034 : memref<1x1x96x48xi32, #tpu.memory_space<vmem>> -> memref<96x48xi32, #tpu.memory_space<vmem>>
      %dma_wait3A_2036 = arith.constant 0 : i32
      %dma_wait3A_2037 = tpu.memref_slice %arg6[%rem3A_1948, %dma_wait3A_2030, %dma_wait3A_2036] : memref<4x4x96xi32, #tpu.memory_space<vmem>> -> memref<1x1x96xi32, #tpu.memory_space<vmem>>
      %dma_wait3A_2038 = tpu.memref_squeeze %dma_wait3A_2037 : memref<1x1x96xi32, #tpu.memory_space<vmem>> -> memref<96xi32, #tpu.memory_space<vmem>>
      %dma_wait3A_2039 = arith.constant 0 : i32
      %dma_wait3A_2040 = arith.constant 0 : i32
      %dma_wait3A_2041 = tpu.memref_slice %arg2[%dma_wait3A_2039, %dma_wait3A_2040] : memref<589824x48xi32, #tpu.memory_space<hbm>> -> memref<589824x48xi32, #tpu.memory_space<hbm>>
      tpu.wait_indirect_dma semaphore(%arg10 : memref<!tpu.dma_semaphore, #tpu.memory_space<semaphore_mem>>) src(%dma_wait3A_2041 : memref<589824x48xi32, #tpu.memory_space<hbm>>) dst(%dma_wait3A_2035 : memref<96x48xi32, #tpu.memory_space<vmem>>)
      %dma_wait3A_2042 = arith.constant 3 : i32
      %dma_wait3A_2043 = arith.constant 3 : i32
      %dma_wait3A_2044 = arith.constant 0 : i32
      %dma_wait3A_2045 = arith.constant 0 : i32
      %dma_wait3A_2046 = tpu.memref_slice %arg8[%rem3A_1948, %dma_wait3A_2043, %dma_wait3A_2044, %dma_wait3A_2045] : memref<4x4x96x48xi32, #tpu.memory_space<vmem>> -> memref<1x1x96x48xi32, #tpu.memory_space<vmem>>
      %dma_wait3A_2047 = tpu.memref_squeeze %dma_wait3A_2046 : memref<1x1x96x48xi32, #tpu.memory_space<vmem>> -> memref<96x48xi32, #tpu.memory_space<vmem>>
      %dma_wait3A_2048 = arith.constant 0 : i32
      %dma_wait3A_2049 = tpu.memref_slice %arg6[%rem3A_1948, %dma_wait3A_2042, %dma_wait3A_2048] : memref<4x4x96xi32, #tpu.memory_space<vmem>> -> memref<1x1x96xi32, #tpu.memory_space<vmem>>
      %dma_wait3A_2050 = tpu.memref_squeeze %dma_wait3A_2049 : memref<1x1x96xi32, #tpu.memory_space<vmem>> -> memref<96xi32, #tpu.memory_space<vmem>>
      %dma_wait3A_2051 = arith.constant 0 : i32
      %dma_wait3A_2052 = arith.constant 0 : i32
      %dma_wait3A_2053 = tpu.memref_slice %arg2[%dma_wait3A_2051, %dma_wait3A_2052] : memref<589824x48xi32, #tpu.memory_space<hbm>> -> memref<589824x48xi32, #tpu.memory_space<hbm>>
      tpu.wait_indirect_dma semaphore(%arg10 : memref<!tpu.dma_semaphore, #tpu.memory_space<semaphore_mem>>) src(%dma_wait3A_2053 : memref<589824x48xi32, #tpu.memory_space<hbm>>) dst(%dma_wait3A_2047 : memref<96x48xi32, #tpu.memory_space<vmem>>)
      %rem3A_2054 = arith.constant 2 : i32
      %rem3A_2055 = arith.remsi %scan3A_1945, %rem3A_2054 : i32
      %scan3A_2056 = arith.constant 0 : i32
      %scan3A_2057 = arith.constant 0 : i32
      %scan3A_2058 = arith.constant 6 : i32
      %scan3A_2059 = arith.addi %scan3A_2057, %scan3A_2058 : i32
      %scan3A_2060 = arith.constant 1 : i32
      %scan3A_2061 = scf.for %scan3A_2090 = %scan3A_2057 to %scan3A_2059 step %scan3A_2060 iter_args(%scan3A_2091 = %scan3A_2056) -> (i32)  : i32 {
        %mul3A_2092 = arith.constant 16 : i32
        %mul3A_2093 = arith.muli %scan3A_2090, %mul3A_2092 : i32
        %get3A_2094 = arith.constant 0 : i32
        %get3A_2095 = arith.index_cast %rem3A_1948 : i32 to index
        %get3A_2096 = arith.index_cast %get3A_2094 : i32 to index
        %get3A_2097 = arith.index_cast %mul3A_2093 : i32 to index
        %get3A_2098 = tpu.vector_load %arg7[%get3A_2095, %get3A_2096, %get3A_2097] {strides = array<i32>} : memref<4x4x96xf32, #tpu.memory_space<vmem>>, vector<1x1x16xf32>,
        %get3A_2099 = vector.shape_cast %get3A_2098 : vector<1x1x16xf32> to vector<16xf32>
        %get3A_2100 = arith.constant 1 : i32
        %get3A_2101 = arith.index_cast %rem3A_1948 : i32 to index
        %get3A_2102 = arith.index_cast %get3A_2100 : i32 to index
        %get3A_2103 = arith.index_cast %mul3A_2093 : i32 to index
        %get3A_2104 = tpu.vector_load %arg7[%get3A_2101, %get3A_2102, %get3A_2103] {strides = array<i32>} : memref<4x4x96xf32, #tpu.memory_space<vmem>>, vector<1x1x16xf32>,
        %get3A_2105 = vector.shape_cast %get3A_2104 : vector<1x1x16xf32> to vector<16xf32>
        %get3A_2106 = arith.constant 2 : i32
        %get3A_2107 = arith.index_cast %rem3A_1948 : i32 to index
        %get3A_2108 = arith.index_cast %get3A_2106 : i32 to index
        %get3A_2109 = arith.index_cast %mul3A_2093 : i32 to index
        %get3A_2110 = tpu.vector_load %arg7[%get3A_2107, %get3A_2108, %get3A_2109] {strides = array<i32>} : memref<4x4x96xf32, #tpu.memory_space<vmem>>, vector<1x1x16xf32>,
        %get3A_2111 = vector.shape_cast %get3A_2110 : vector<1x1x16xf32> to vector<16xf32>
        %get3A_2112 = arith.constant 3 : i32
        %get3A_2113 = arith.index_cast %rem3A_1948 : i32 to index
        %get3A_2114 = arith.index_cast %get3A_2112 : i32 to index
        %get3A_2115 = arith.index_cast %mul3A_2093 : i32 to index
        %get3A_2116 = tpu.vector_load %arg7[%get3A_2113, %get3A_2114, %get3A_2115] {strides = array<i32>} : memref<4x4x96xf32, #tpu.memory_space<vmem>>, vector<1x1x16xf32>,
        %get3A_2117 = vector.shape_cast %get3A_2116 : vector<1x1x16xf32> to vector<16xf32>
        %scan3A_2118 = arith.constant 0 : i32
        %scan3A_2119 = arith.constant 0 : i32
        %scan3A_2120 = arith.constant 16 : i32
        %scan3A_2121 = arith.addi %scan3A_2119, %scan3A_2120 : i32
        %scan3A_2122 = arith.constant 4 : i32
        %scan3A_2123 = scf.for %scan3A_2126 = %scan3A_2119 to %scan3A_2121 step %scan3A_2122 iter_args(%scan3A_2127 = %scan3A_2118) -> (i32)  : i32 {
          %broadcast_in_dim3A = vector.broadcast %scan3A_2126 : i32 to vector<16xi32>
          %reshape3A = vector.shape_cast %broadcast_in_dim3A : vector<16xi32> to vector<16x1xi32>
          %gather3A = vector.shape_cast %reshape3A : vector<16x1xi32> to vector<16xi32>
          %gather3A_2128 = tpu.dynamic_gather %get3A_2099[%gather3A] in [0] : vector<16xf32>, vector<16xi32> -> vector<16xf32>
          %reshape3A_2129 = vector.shape_cast %broadcast_in_dim3A : vector<16xi32> to vector<16x1xi32>
          %gather3A_2130 = vector.shape_cast %reshape3A_2129 : vector<16x1xi32> to vector<16xi32>
          %gather3A_2131 = tpu.dynamic_gather %get3A_2105[%gather3A_2130] in [0] : vector<16xf32>, vector<16xi32> -> vector<16xf32>
          %reshape3A_2132 = vector.shape_cast %broadcast_in_dim3A : vector<16xi32> to vector<16x1xi32>
          %gather3A_2133 = vector.shape_cast %reshape3A_2132 : vector<16x1xi32> to vector<16xi32>
          %gather3A_2134 = tpu.dynamic_gather %get3A_2111[%gather3A_2133] in [0] : vector<16xf32>, vector<16xi32> -> vector<16xf32>
          %reshape3A_2135 = vector.shape_cast %broadcast_in_dim3A : vector<16xi32> to vector<16x1xi32>
          %gather3A_2136 = vector.shape_cast %reshape3A_2135 : vector<16x1xi32> to vector<16xi32>
          %gather3A_2137 = tpu.dynamic_gather %get3A_2117[%gather3A_2136] in [0] : vector<16xf32>, vector<16xi32> -> vector<16xf32>
          %add3A_2138 = arith.addi %mul3A_2093, %scan3A_2126 : i32
          %broadcast_in_dim3A_2139 = arith.constant 0.000000e+00 : f32
          %broadcast_in_dim3A_2140 = vector.broadcast %broadcast_in_dim3A_2139 : f32 to vector<16xf32>
          %broadcast_in_dim3A_2141 = arith.constant 0.000000e+00 : f32
          %broadcast_in_dim3A_2142 = vector.broadcast %broadcast_in_dim3A_2141 : f32 to vector<16xf32>
          %get3A_2143 = arith.constant 0 : i32
          %get3A_2144 = arith.index_cast %rem3A_1948 : i32 to index
          %get3A_2145 = arith.index_cast %get3A_2143 : i32 to index
          %get3A_2146 = arith.index_cast %add3A_2138 : i32 to index
          %get3A_2147 = arith.constant 0 : index
          %get3A_2148 = tpu.vector_load %arg8[%get3A_2144, %get3A_2145, %get3A_2146, %get3A_2147] {strides = array<i32>} : memref<4x4x96x48xi32, #tpu.memory_space<vmem>>, vector<1x1x1x16xi32>,
          %get3A_2149 = vector.shape_cast %get3A_2148 : vector<1x1x1x16xi32> to vector<16xi32>
          %shift_left3A = arith.constant 16 : i32
          %shift_left3A_2150 = vector.broadcast %shift_left3A : i32 to vector<16xi32>
          %shift_left3A_2151 = arith.shli %get3A_2149, %shift_left3A_2150 : vector<16xi32>
          %bitcast_convert_type3A = tpu.bitcast %shift_left3A_2151 : vector<16xi32> -> vector<16xf32>
          %and3A_2152 = arith.constant -65536 : i32
          %and3A_2153 = vector.broadcast %and3A_2152 : i32 to vector<16xi32>
          %and3A_2154 = arith.andi %get3A_2149, %and3A_2153 : vector<16xi32>
          %bitcast_convert_type3A_2155 = tpu.bitcast %and3A_2154 : vector<16xi32> -> vector<16xf32>
          %mul3A_2156 = arith.mulf %gather3A_2128, %bitcast_convert_type3A : vector<16xf32>
          %add3A_2157 = arith.addf %broadcast_in_dim3A_2140, %mul3A_2156 : vector<16xf32>
          %mul3A_2158 = arith.mulf %gather3A_2128, %bitcast_convert_type3A_2155 : vector<16xf32>
          %add3A_2159 = arith.addf %broadcast_in_dim3A_2142, %mul3A_2158 : vector<16xf32>
          %get3A_2160 = arith.constant 1 : i32
          %get3A_2161 = arith.index_cast %rem3A_1948 : i32 to index
          %get3A_2162 = arith.index_cast %get3A_2160 : i32 to index
          %get3A_2163 = arith.index_cast %add3A_2138 : i32 to index
          %get3A_2164 = arith.constant 0 : index
          %get3A_2165 = tpu.vector_load %arg8[%get3A_2161, %get3A_2162, %get3A_2163, %get3A_2164] {strides = array<i32>} : memref<4x4x96x48xi32, #tpu.memory_space<vmem>>, vector<1x1x1x16xi32>,
          %get3A_2166 = vector.shape_cast %get3A_2165 : vector<1x1x1x16xi32> to vector<16xi32>
          %shift_left3A_2167 = arith.constant 16 : i32
          %shift_left3A_2168 = vector.broadcast %shift_left3A_2167 : i32 to vector<16xi32>
          %shift_left3A_2169 = arith.shli %get3A_2166, %shift_left3A_2168 : vector<16xi32>
          %bitcast_convert_type3A_2170 = tpu.bitcast %shift_left3A_2169 : vector<16xi32> -> vector<16xf32>
          %and3A_2171 = arith.constant -65536 : i32
          %and3A_2172 = vector.broadcast %and3A_2171 : i32 to vector<16xi32>
          %and3A_2173 = arith.andi %get3A_2166, %and3A_2172 : vector<16xi32>
          %bitcast_convert_type3A_2174 = tpu.bitcast %and3A_2173 : vector<16xi32> -> vector<16xf32>
          %mul3A_2175 = arith.mulf %gather3A_2131, %bitcast_convert_type3A_2170 : vector<16xf32>
          %add3A_2176 = arith.addf %add3A_2157, %mul3A_2175 : vector<16xf32>
          %mul3A_2177 = arith.mulf %gather3A_2131, %bitcast_convert_type3A_2174 : vector<16xf32>
          %add3A_2178 = arith.addf %add3A_2159, %mul3A_2177 : vector<16xf32>
          %get3A_2179 = arith.constant 2 : i32
          %get3A_2180 = arith.index_cast %rem3A_1948 : i32 to index
          %get3A_2181 = arith.index_cast %get3A_2179 : i32 to index
          %get3A_2182 = arith.index_cast %add3A_2138 : i32 to index
          %get3A_2183 = arith.constant 0 : index
          %get3A_2184 = tpu.vector_load %arg8[%get3A_2180, %get3A_2181, %get3A_2182, %get3A_2183] {strides = array<i32>} : memref<4x4x96x48xi32, #tpu.memory_space<vmem>>, vector<1x1x1x16xi32>,
          %get3A_2185 = vector.shape_cast %get3A_2184 : vector<1x1x1x16xi32> to vector<16xi32>
          %shift_left3A_2186 = arith.constant 16 : i32
          %shift_left3A_2187 = vector.broadcast %shift_left3A_2186 : i32 to vector<16xi32>
          %shift_left3A_2188 = arith.shli %get3A_2185, %shift_left3A_2187 : vector<16xi32>
          %bitcast_convert_type3A_2189 = tpu.bitcast %shift_left3A_2188 : vector<16xi32> -> vector<16xf32>
          %and3A_2190 = arith.constant -65536 : i32
          %and3A_2191 = vector.broadcast %and3A_2190 : i32 to vector<16xi32>
          %and3A_2192 = arith.andi %get3A_2185, %and3A_2191 : vector<16xi32>
          %bitcast_convert_type3A_2193 = tpu.bitcast %and3A_2192 : vector<16xi32> -> vector<16xf32>
          %mul3A_2194 = arith.mulf %gather3A_2134, %bitcast_convert_type3A_2189 : vector<16xf32>
          %add3A_2195 = arith.addf %add3A_2176, %mul3A_2194 : vector<16xf32>
          %mul3A_2196 = arith.mulf %gather3A_2134, %bitcast_convert_type3A_2193 : vector<16xf32>
          %add3A_2197 = arith.addf %add3A_2178, %mul3A_2196 : vector<16xf32>
          %get3A_2198 = arith.constant 3 : i32
          %get3A_2199 = arith.index_cast %rem3A_1948 : i32 to index
          %get3A_2200 = arith.index_cast %get3A_2198 : i32 to index
          %get3A_2201 = arith.index_cast %add3A_2138 : i32 to index
          %get3A_2202 = arith.constant 0 : index
          %get3A_2203 = tpu.vector_load %arg8[%get3A_2199, %get3A_2200, %get3A_2201, %get3A_2202] {strides = array<i32>} : memref<4x4x96x48xi32, #tpu.memory_space<vmem>>, vector<1x1x1x16xi32>,
          %get3A_2204 = vector.shape_cast %get3A_2203 : vector<1x1x1x16xi32> to vector<16xi32>
          %shift_left3A_2205 = arith.constant 16 : i32
          %shift_left3A_2206 = vector.broadcast %shift_left3A_2205 : i32 to vector<16xi32>
          %shift_left3A_2207 = arith.shli %get3A_2204, %shift_left3A_2206 : vector<16xi32>
          %bitcast_convert_type3A_2208 = tpu.bitcast %shift_left3A_2207 : vector<16xi32> -> vector<16xf32>
          %and3A_2209 = arith.constant -65536 : i32
          %and3A_2210 = vector.broadcast %and3A_2209 : i32 to vector<16xi32>
          %and3A_2211 = arith.andi %get3A_2204, %and3A_2210 : vector<16xi32>
          %bitcast_convert_type3A_2212 = tpu.bitcast %and3A_2211 : vector<16xi32> -> vector<16xf32>
          %mul3A_2213 = arith.mulf %gather3A_2137, %bitcast_convert_type3A_2208 : vector<16xf32>
          %add3A_2214 = arith.addf %add3A_2195, %mul3A_2213 : vector<16xf32>
          %mul3A_2215 = arith.mulf %gather3A_2137, %bitcast_convert_type3A_2212 : vector<16xf32>
          %add3A_2216 = arith.addf %add3A_2197, %mul3A_2215 : vector<16xf32>
          %swap3A_2217 = arith.index_cast %rem3A_2055 : i32 to index
          %swap3A_2218 = arith.index_cast %add3A_2138 : i32 to index
          %swap3A_2219 = arith.constant 0 : index
          %swap3A_2220 = tpu.vector_load %arg9[%swap3A_2217, %swap3A_2218, %swap3A_2219] {strides = array<i32>} : memref<2x96x96xf32, #tpu.memory_space<vmem>>, vector<1x1x16xf32>,
          %swap3A_2221 = vector.shape_cast %swap3A_2220 : vector<1x1x16xf32> to vector<16xf32>
          %swap3A_2222 = vector.shape_cast %add3A_2214 : vector<16xf32> to vector<1x1x16xf32>
          tpu.vector_store %arg9[%swap3A_2217, %swap3A_2218, %swap3A_2219], %swap3A_2222 {strides = array<i32>} : memref<2x96x96xf32, #tpu.memory_space<vmem>>, vector<1x1x16xf32>,
          %swap3A_2223 = arith.index_cast %rem3A_2055 : i32 to index
          %swap3A_2224 = arith.index_cast %add3A_2138 : i32 to index
          %swap3A_2225 = arith.constant 48 : index
          %swap3A_2226 = tpu.vector_load %arg9[%swap3A_2223, %swap3A_2224, %swap3A_2225] {strides = array<i32>} : memref<2x96x96xf32, #tpu.memory_space<vmem>>, vector<1x1x16xf32>,
          %swap3A_2227 = vector.shape_cast %swap3A_2226 : vector<1x1x16xf32> to vector<16xf32>
          %swap3A_2228 = vector.shape_cast %add3A_2216 : vector<16xf32> to vector<1x1x16xf32>
          tpu.vector_store %arg9[%swap3A_2223, %swap3A_2224, %swap3A_2225], %swap3A_2228 {strides = array<i32>} : memref<2x96x96xf32, #tpu.memory_space<vmem>>, vector<1x1x16xf32>,
          %broadcast_in_dim3A_2229 = arith.constant 0.000000e+00 : f32
          %broadcast_in_dim3A_2230 = vector.broadcast %broadcast_in_dim3A_2229 : f32 to vector<16xf32>
          %broadcast_in_dim3A_2231 = arith.constant 0.000000e+00 : f32
          %broadcast_in_dim3A_2232 = vector.broadcast %broadcast_in_dim3A_2231 : f32 to vector<16xf32>
          %get3A_2233 = arith.constant 0 : i32
          %get3A_2234 = arith.index_cast %rem3A_1948 : i32 to index
          %get3A_2235 = arith.index_cast %get3A_2233 : i32 to index
          %get3A_2236 = arith.index_cast %add3A_2138 : i32 to index
          %get3A_2237 = arith.constant 16 : index
          %get3A_2238 = tpu.vector_load %arg8[%get3A_2234, %get3A_2235, %get3A_2236, %get3A_2237] {strides = array<i32>} : memref<4x4x96x48xi32, #tpu.memory_space<vmem>>, vector<1x1x1x16xi32>,
          %get3A_2239 = vector.shape_cast %get3A_2238 : vector<1x1x1x16xi32> to vector<16xi32>
          %shift_left3A_2240 = arith.constant 16 : i32
          %shift_left3A_2241 = vector.broadcast %shift_left3A_2240 : i32 to vector<16xi32>
          %shift_left3A_2242 = arith.shli %get3A_2239, %shift_left3A_2241 : vector<16xi32>
          %bitcast_convert_type3A_2243 = tpu.bitcast %shift_left3A_2242 : vector<16xi32> -> vector<16xf32>
          %and3A_2244 = arith.constant -65536 : i32
          %and3A_2245 = vector.broadcast %and3A_2244 : i32 to vector<16xi32>
          %and3A_2246 = arith.andi %get3A_2239, %and3A_2245 : vector<16xi32>
          %bitcast_convert_type3A_2247 = tpu.bitcast %and3A_2246 : vector<16xi32> -> vector<16xf32>
          %mul3A_2248 = arith.mulf %gather3A_2128, %bitcast_convert_type3A_2243 : vector<16xf32>
          %add3A_2249 = arith.addf %broadcast_in_dim3A_2230, %mul3A_2248 : vector<16xf32>
          %mul3A_2250 = arith.mulf %gather3A_2128, %bitcast_convert_type3A_2247 : vector<16xf32>
          %add3A_2251 = arith.addf %broadcast_in_dim3A_2232, %mul3A_2250 : vector<16xf32>
          %get3A_2252 = arith.constant 1 : i32
          %get3A_2253 = arith.index_cast %rem3A_1948 : i32 to index
          %get3A_2254 = arith.index_cast %get3A_2252 : i32 to index
          %get3A_2255 = arith.index_cast %add3A_2138 : i32 to index
          %get3A_2256 = arith.constant 16 : index
          %get3A_2257 = tpu.vector_load %arg8[%get3A_2253, %get3A_2254, %get3A_2255, %get3A_2256] {strides = array<i32>} : memref<4x4x96x48xi32, #tpu.memory_space<vmem>>, vector<1x1x1x16xi32>,
          %get3A_2258 = vector.shape_cast %get3A_2257 : vector<1x1x1x16xi32> to vector<16xi32>
          %shift_left3A_2259 = arith.constant 16 : i32
          %shift_left3A_2260 = vector.broadcast %shift_left3A_2259 : i32 to vector<16xi32>
          %shift_left3A_2261 = arith.shli %get3A_2258, %shift_left3A_2260 : vector<16xi32>
          %bitcast_convert_type3A_2262 = tpu.bitcast %shift_left3A_2261 : vector<16xi32> -> vector<16xf32>
          %and3A_2263 = arith.constant -65536 : i32
          %and3A_2264 = vector.broadcast %and3A_2263 : i32 to vector<16xi32>
          %and3A_2265 = arith.andi %get3A_2258, %and3A_2264 : vector<16xi32>
          %bitcast_convert_type3A_2266 = tpu.bitcast %and3A_2265 : vector<16xi32> -> vector<16xf32>
          %mul3A_2267 = arith.mulf %gather3A_2131, %bitcast_convert_type3A_2262 : vector<16xf32>
          %add3A_2268 = arith.addf %add3A_2249, %mul3A_2267 : vector<16xf32>
          %mul3A_2269 = arith.mulf %gather3A_2131, %bitcast_convert_type3A_2266 : vector<16xf32>
          %add3A_2270 = arith.addf %add3A_2251, %mul3A_2269 : vector<16xf32>
          %get3A_2271 = arith.constant 2 : i32
          %get3A_2272 = arith.index_cast %rem3A_1948 : i32 to index
          %get3A_2273 = arith.index_cast %get3A_2271 : i32 to index
          %get3A_2274 = arith.index_cast %add3A_2138 : i32 to index
          %get3A_2275 = arith.constant 16 : index
          %get3A_2276 = tpu.vector_load %arg8[%get3A_2272, %get3A_2273, %get3A_2274, %get3A_2275] {strides = array<i32>} : memref<4x4x96x48xi32, #tpu.memory_space<vmem>>, vector<1x1x1x16xi32>,
          %get3A_2277 = vector.shape_cast %get3A_2276 : vector<1x1x1x16xi32> to vector<16xi32>
          %shift_left3A_2278 = arith.constant 16 : i32
          %shift_left3A_2279 = vector.broadcast %shift_left3A_2278 : i32 to vector<16xi32>
          %shift_left3A_2280 = arith.shli %get3A_2277, %shift_left3A_2279 : vector<16xi32>
          %bitcast_convert_type3A_2281 = tpu.bitcast %shift_left3A_2280 : vector<16xi32> -> vector<16xf32>
          %and3A_2282 = arith.constant -65536 : i32
          %and3A_2283 = vector.broadcast %and3A_2282 : i32 to vector<16xi32>
          %and3A_2284 = arith.andi %get3A_2277, %and3A_2283 : vector<16xi32>
          %bitcast_convert_type3A_2285 = tpu.bitcast %and3A_2284 : vector<16xi32> -> vector<16xf32>
          %mul3A_2286 = arith.mulf %gather3A_2134, %bitcast_convert_type3A_2281 : vector<16xf32>
          %add3A_2287 = arith.addf %add3A_2268, %mul3A_2286 : vector<16xf32>
          %mul3A_2288 = arith.mulf %gather3A_2134, %bitcast_convert_type3A_2285 : vector<16xf32>
          %add3A_2289 = arith.addf %add3A_2270, %mul3A_2288 : vector<16xf32>
          %get3A_2290 = arith.constant 3 : i32
          %get3A_2291 = arith.index_cast %rem3A_1948 : i32 to index
          %get3A_2292 = arith.index_cast %get3A_2290 : i32 to index
          %get3A_2293 = arith.index_cast %add3A_2138 : i32 to index
          %get3A_2294 = arith.constant 16 : index
          %get3A_2295 = tpu.vector_load %arg8[%get3A_2291, %get3A_2292, %get3A_2293, %get3A_2294] {strides = array<i32>} : memref<4x4x96x48xi32, #tpu.memory_space<vmem>>, vector<1x1x1x16xi32>,
          %get3A_2296 = vector.shape_cast %get3A_2295 : vector<1x1x1x16xi32> to vector<16xi32>
          %shift_left3A_2297 = arith.constant 16 : i32
          %shift_left3A_2298 = vector.broadcast %shift_left3A_2297 : i32 to vector<16xi32>
          %shift_left3A_2299 = arith.shli %get3A_2296, %shift_left3A_2298 : vector<16xi32>
          %bitcast_convert_type3A_2300 = tpu.bitcast %shift_left3A_2299 : vector<16xi32> -> vector<16xf32>
          %and3A_2301 = arith.constant -65536 : i32
          %and3A_2302 = vector.broadcast %and3A_2301 : i32 to vector<16xi32>
          %and3A_2303 = arith.andi %get3A_2296, %and3A_2302 : vector<16xi32>
          %bitcast_convert_type3A_2304 = tpu.bitcast %and3A_2303 : vector<16xi32> -> vector<16xf32>
          %mul3A_2305 = arith.mulf %gather3A_2137, %bitcast_convert_type3A_2300 : vector<16xf32>
          %add3A_2306 = arith.addf %add3A_2287, %mul3A_2305 : vector<16xf32>
          %mul3A_2307 = arith.mulf %gather3A_2137, %bitcast_convert_type3A_2304 : vector<16xf32>
          %add3A_2308 = arith.addf %add3A_2289, %mul3A_2307 : vector<16xf32>
          %swap3A_2309 = arith.index_cast %rem3A_2055 : i32 to index
          %swap3A_2310 = arith.index_cast %add3A_2138 : i32 to index
          %swap3A_2311 = arith.constant 16 : index
          %swap3A_2312 = tpu.vector_load %arg9[%swap3A_2309, %swap3A_2310, %swap3A_2311] {strides = array<i32>} : memref<2x96x96xf32, #tpu.memory_space<vmem>>, vector<1x1x16xf32>,
          %swap3A_2313 = vector.shape_cast %swap3A_2312 : vector<1x1x16xf32> to vector<16xf32>
          %swap3A_2314 = vector.shape_cast %add3A_2306 : vector<16xf32> to vector<1x1x16xf32>
          tpu.vector_store %arg9[%swap3A_2309, %swap3A_2310, %swap3A_2311], %swap3A_2314 {strides = array<i32>} : memref<2x96x96xf32, #tpu.memory_space<vmem>>, vector<1x1x16xf32>,
          %swap3A_2315 = arith.index_cast %rem3A_2055 : i32 to index
          %swap3A_2316 = arith.index_cast %add3A_2138 : i32 to index
          %swap3A_2317 = arith.constant 64 : index
          %swap3A_2318 = tpu.vector_load %arg9[%swap3A_2315, %swap3A_2316, %swap3A_2317] {strides = array<i32>} : memref<2x96x96xf32, #tpu.memory_space<vmem>>, vector<1x1x16xf32>,
          %swap3A_2319 = vector.shape_cast %swap3A_2318 : vector<1x1x16xf32> to vector<16xf32>
          %swap3A_2320 = vector.shape_cast %add3A_2308 : vector<16xf32> to vector<1x1x16xf32>
          tpu.vector_store %arg9[%swap3A_2315, %swap3A_2316, %swap3A_2317], %swap3A_2320 {strides = array<i32>} : memref<2x96x96xf32, #tpu.memory_space<vmem>>, vector<1x1x16xf32>,
          %broadcast_in_dim3A_2321 = arith.constant 0.000000e+00 : f32
          %broadcast_in_dim3A_2322 = vector.broadcast %broadcast_in_dim3A_2321 : f32 to vector<16xf32>
          %broadcast_in_dim3A_2323 = arith.constant 0.000000e+00 : f32
          %broadcast_in_dim3A_2324 = vector.broadcast %broadcast_in_dim3A_2323 : f32 to vector<16xf32>
          %get3A_2325 = arith.constant 0 : i32
          %get3A_2326 = arith.index_cast %rem3A_1948 : i32 to index
          %get3A_2327 = arith.index_cast %get3A_2325 : i32 to index
          %get3A_2328 = arith.index_cast %add3A_2138 : i32 to index
          %get3A_2329 = arith.constant 32 : index
          %get3A_2330 = tpu.vector_load %arg8[%get3A_2326, %get3A_2327, %get3A_2328, %get3A_2329] {strides = array<i32>} : memref<4x4x96x48xi32, #tpu.memory_space<vmem>>, vector<1x1x1x16xi32>,
          %get3A_2331 = vector.shape_cast %get3A_2330 : vector<1x1x1x16xi32> to vector<16xi32>
          %shift_left3A_2332 = arith.constant 16 : i32
          %shift_left3A_2333 = vector.broadcast %shift_left3A_2332 : i32 to vector<16xi32>
          %shift_left3A_2334 = arith.shli %get3A_2331, %shift_left3A_2333 : vector<16xi32>
          %bitcast_convert_type3A_2335 = tpu.bitcast %shift_left3A_2334 : vector<16xi32> -> vector<16xf32>
          %and3A_2336 = arith.constant -65536 : i32
          %and3A_2337 = vector.broadcast %and3A_2336 : i32 to vector<16xi32>
          %and3A_2338 = arith.andi %get3A_2331, %and3A_2337 : vector<16xi32>
          %bitcast_convert_type3A_2339 = tpu.bitcast %and3A_2338 : vector<16xi32> -> vector<16xf32>
          %mul3A_2340 = arith.mulf %gather3A_2128, %bitcast_convert_type3A_2335 : vector<16xf32>
          %add3A_2341 = arith.addf %broadcast_in_dim3A_2322, %mul3A_2340 : vector<16xf32>
          %mul3A_2342 = arith.mulf %gather3A_2128, %bitcast_convert_type3A_2339 : vector<16xf32>
          %add3A_2343 = arith.addf %broadcast_in_dim3A_2324, %mul3A_2342 : vector<16xf32>
          %get3A_2344 = arith.constant 1 : i32
          %get3A_2345 = arith.index_cast %rem3A_1948 : i32 to index
          %get3A_2346 = arith.index_cast %get3A_2344 : i32 to index
          %get3A_2347 = arith.index_cast %add3A_2138 : i32 to index
          %get3A_2348 = arith.constant 32 : index
          %get3A_2349 = tpu.vector_load %arg8[%get3A_2345, %get3A_2346, %get3A_2347, %get3A_2348] {strides = array<i32>} : memref<4x4x96x48xi32, #tpu.memory_space<vmem>>, vector<1x1x1x16xi32>,
          %get3A_2350 = vector.shape_cast %get3A_2349 : vector<1x1x1x16xi32> to vector<16xi32>
          %shift_left3A_2351 = arith.constant 16 : i32
          %shift_left3A_2352 = vector.broadcast %shift_left3A_2351 : i32 to vector<16xi32>
          %shift_left3A_2353 = arith.shli %get3A_2350, %shift_left3A_2352 : vector<16xi32>
          %bitcast_convert_type3A_2354 = tpu.bitcast %shift_left3A_2353 : vector<16xi32> -> vector<16xf32>
          %and3A_2355 = arith.constant -65536 : i32
          %and3A_2356 = vector.broadcast %and3A_2355 : i32 to vector<16xi32>
          %and3A_2357 = arith.andi %get3A_2350, %and3A_2356 : vector<16xi32>
          %bitcast_convert_type3A_2358 = tpu.bitcast %and3A_2357 : vector<16xi32> -> vector<16xf32>
          %mul3A_2359 = arith.mulf %gather3A_2131, %bitcast_convert_type3A_2354 : vector<16xf32>
          %add3A_2360 = arith.addf %add3A_2341, %mul3A_2359 : vector<16xf32>
          %mul3A_2361 = arith.mulf %gather3A_2131, %bitcast_convert_type3A_2358 : vector<16xf32>
          %add3A_2362 = arith.addf %add3A_2343, %mul3A_2361 : vector<16xf32>
          %get3A_2363 = arith.constant 2 : i32
          %get3A_2364 = arith.index_cast %rem3A_1948 : i32 to index
          %get3A_2365 = arith.index_cast %get3A_2363 : i32 to index
          %get3A_2366 = arith.index_cast %add3A_2138 : i32 to index
          %get3A_2367 = arith.constant 32 : index
          %get3A_2368 = tpu.vector_load %arg8[%get3A_2364, %get3A_2365, %get3A_2366, %get3A_2367] {strides = array<i32>} : memref<4x4x96x48xi32, #tpu.memory_space<vmem>>, vector<1x1x1x16xi32>,
          %get3A_2369 = vector.shape_cast %get3A_2368 : vector<1x1x1x16xi32> to vector<16xi32>
          %shift_left3A_2370 = arith.constant 16 : i32
          %shift_left3A_2371 = vector.broadcast %shift_left3A_2370 : i32 to vector<16xi32>
          %shift_left3A_2372 = arith.shli %get3A_2369, %shift_left3A_2371 : vector<16xi32>
          %bitcast_convert_type3A_2373 = tpu.bitcast %shift_left3A_2372 : vector<16xi32> -> vector<16xf32>
          %and3A_2374 = arith.constant -65536 : i32
          %and3A_2375 = vector.broadcast %and3A_2374 : i32 to vector<16xi32>
          %and3A_2376 = arith.andi %get3A_2369, %and3A_2375 : vector<16xi32>
          %bitcast_convert_type3A_2377 = tpu.bitcast %and3A_2376 : vector<16xi32> -> vector<16xf32>
          %mul3A_2378 = arith.mulf %gather3A_2134, %bitcast_convert_type3A_2373 : vector<16xf32>
          %add3A_2379 = arith.addf %add3A_2360, %mul3A_2378 : vector<16xf32>
          %mul3A_2380 = arith.mulf %gather3A_2134, %bitcast_convert_type3A_2377 : vector<16xf32>
          %add3A_2381 = arith.addf %add3A_2362, %mul3A_2380 : vector<16xf32>
          %get3A_2382 = arith.constant 3 : i32
          %get3A_2383 = arith.index_cast %rem3A_1948 : i32 to index
          %get3A_2384 = arith.index_cast %get3A_2382 : i32 to index
          %get3A_2385 = arith.index_cast %add3A_2138 : i32 to index
          %get3A_2386 = arith.constant 32 : index
          %get3A_2387 = tpu.vector_load %arg8[%get3A_2383, %get3A_2384, %get3A_2385, %get3A_2386] {strides = array<i32>} : memref<4x4x96x48xi32, #tpu.memory_space<vmem>>, vector<1x1x1x16xi32>,
          %get3A_2388 = vector.shape_cast %get3A_2387 : vector<1x1x1x16xi32> to vector<16xi32>
          %shift_left3A_2389 = arith.constant 16 : i32
          %shift_left3A_2390 = vector.broadcast %shift_left3A_2389 : i32 to vector<16xi32>
          %shift_left3A_2391 = arith.shli %get3A_2388, %shift_left3A_2390 : vector<16xi32>
          %bitcast_convert_type3A_2392 = tpu.bitcast %shift_left3A_2391 : vector<16xi32> -> vector<16xf32>
          %and3A_2393 = arith.constant -65536 : i32
          %and3A_2394 = vector.broadcast %and3A_2393 : i32 to vector<16xi32>
          %and3A_2395 = arith.andi %get3A_2388, %and3A_2394 : vector<16xi32>
          %bitcast_convert_type3A_2396 = tpu.bitcast %and3A_2395 : vector<16xi32> -> vector<16xf32>
          %mul3A_2397 = arith.mulf %gather3A_2137, %bitcast_convert_type3A_2392 : vector<16xf32>
          %add3A_2398 = arith.addf %add3A_2379, %mul3A_2397 : vector<16xf32>
          %mul3A_2399 = arith.mulf %gather3A_2137, %bitcast_convert_type3A_2396 : vector<16xf32>
          %add3A_2400 = arith.addf %add3A_2381, %mul3A_2399 : vector<16xf32>
          %swap3A_2401 = arith.index_cast %rem3A_2055 : i32 to index
          %swap3A_2402 = arith.index_cast %add3A_2138 : i32 to index
          %swap3A_2403 = arith.constant 32 : index
          %swap3A_2404 = tpu.vector_load %arg9[%swap3A_2401, %swap3A_2402, %swap3A_2403] {strides = array<i32>} : memref<2x96x96xf32, #tpu.memory_space<vmem>>, vector<1x1x16xf32>,
          %swap3A_2405 = vector.shape_cast %swap3A_2404 : vector<1x1x16xf32> to vector<16xf32>
          %swap3A_2406 = vector.shape_cast %add3A_2398 : vector<16xf32> to vector<1x1x16xf32>
          tpu.vector_store %arg9[%swap3A_2401, %swap3A_2402, %swap3A_2403], %swap3A_2406 {strides = array<i32>} : memref<2x96x96xf32, #tpu.memory_space<vmem>>, vector<1x1x16xf32>,
          %swap3A_2407 = arith.index_cast %rem3A_2055 : i32 to index
          %swap3A_2408 = arith.index_cast %add3A_2138 : i32 to index
          %swap3A_2409 = arith.constant 80 : index
          %swap3A_2410 = tpu.vector_load %arg9[%swap3A_2407, %swap3A_2408, %swap3A_2409] {strides = array<i32>} : memref<2x96x96xf32, #tpu.memory_space<vmem>>, vector<1x1x16xf32>,
          %swap3A_2411 = vector.shape_cast %swap3A_2410 : vector<1x1x16xf32> to vector<16xf32>
          %swap3A_2412 = vector.shape_cast %add3A_2400 : vector<16xf32> to vector<1x1x16xf32>
          tpu.vector_store %arg9[%swap3A_2407, %swap3A_2408, %swap3A_2409], %swap3A_2412 {strides = array<i32>} : memref<2x96x96xf32, #tpu.memory_space<vmem>>, vector<1x1x16xf32>,
          %scan3A_2413 = arith.constant 0 : i32
          %scan3A_2414 = arith.constant 1 : i32
          %scan3A_2415 = arith.addi %scan3A_2126, %scan3A_2414 : i32
          %broadcast_in_dim3A_2416 = vector.broadcast %scan3A_2415 : i32 to vector<16xi32>
          %reshape3A_2417 = vector.shape_cast %broadcast_in_dim3A_2416 : vector<16xi32> to vector<16x1xi32>
          %gather3A_2418 = vector.shape_cast %reshape3A_2417 : vector<16x1xi32> to vector<16xi32>
          %gather3A_2419 = tpu.dynamic_gather %get3A_2099[%gather3A_2418] in [0] : vector<16xf32>, vector<16xi32> -> vector<16xf32>
          %reshape3A_2420 = vector.shape_cast %broadcast_in_dim3A_2416 : vector<16xi32> to vector<16x1xi32>
          %gather3A_2421 = vector.shape_cast %reshape3A_2420 : vector<16x1xi32> to vector<16xi32>
          %gather3A_2422 = tpu.dynamic_gather %get3A_2105[%gather3A_2421] in [0] : vector<16xf32>, vector<16xi32> -> vector<16xf32>
          %reshape3A_2423 = vector.shape_cast %broadcast_in_dim3A_2416 : vector<16xi32> to vector<16x1xi32>
          %gather3A_2424 = vector.shape_cast %reshape3A_2423 : vector<16x1xi32> to vector<16xi32>
          %gather3A_2425 = tpu.dynamic_gather %get3A_2111[%gather3A_2424] in [0] : vector<16xf32>, vector<16xi32> -> vector<16xf32>
          %reshape3A_2426 = vector.shape_cast %broadcast_in_dim3A_2416 : vector<16xi32> to vector<16x1xi32>
          %gather3A_2427 = vector.shape_cast %reshape3A_2426 : vector<16x1xi32> to vector<16xi32>
          %gather3A_2428 = tpu.dynamic_gather %get3A_2117[%gather3A_2427] in [0] : vector<16xf32>, vector<16xi32> -> vector<16xf32>
          %add3A_2429 = arith.addi %mul3A_2093, %scan3A_2415 : i32
          %broadcast_in_dim3A_2430 = arith.constant 0.000000e+00 : f32
          %broadcast_in_dim3A_2431 = vector.broadcast %broadcast_in_dim3A_2430 : f32 to vector<16xf32>
          %broadcast_in_dim3A_2432 = arith.constant 0.000000e+00 : f32
          %broadcast_in_dim3A_2433 = vector.broadcast %broadcast_in_dim3A_2432 : f32 to vector<16xf32>
          %get3A_2434 = arith.constant 0 : i32
          %get3A_2435 = arith.index_cast %rem3A_1948 : i32 to index
          %get3A_2436 = arith.index_cast %get3A_2434 : i32 to index
          %get3A_2437 = arith.index_cast %add3A_2429 : i32 to index
          %get3A_2438 = arith.constant 0 : index
          %get3A_2439 = tpu.vector_load %arg8[%get3A_2435, %get3A_2436, %get3A_2437, %get3A_2438] {strides = array<i32>} : memref<4x4x96x48xi32, #tpu.memory_space<vmem>>, vector<1x1x1x16xi32>,
          %get3A_2440 = vector.shape_cast %get3A_2439 : vector<1x1x1x16xi32> to vector<16xi32>
          %shift_left3A_2441 = arith.constant 16 : i32
          %shift_left3A_2442 = vector.broadcast %shift_left3A_2441 : i32 to vector<16xi32>
          %shift_left3A_2443 = arith.shli %get3A_2440, %shift_left3A_2442 : vector<16xi32>
          %bitcast_convert_type3A_2444 = tpu.bitcast %shift_left3A_2443 : vector<16xi32> -> vector<16xf32>
          %and3A_2445 = arith.constant -65536 : i32
          %and3A_2446 = vector.broadcast %and3A_2445 : i32 to vector<16xi32>
          %and3A_2447 = arith.andi %get3A_2440, %and3A_2446 : vector<16xi32>
          %bitcast_convert_type3A_2448 = tpu.bitcast %and3A_2447 : vector<16xi32> -> vector<16xf32>
          %mul3A_2449 = arith.mulf %gather3A_2419, %bitcast_convert_type3A_2444 : vector<16xf32>
          %add3A_2450 = arith.addf %broadcast_in_dim3A_2431, %mul3A_2449 : vector<16xf32>
          %mul3A_2451 = arith.mulf %gather3A_2419, %bitcast_convert_type3A_2448 : vector<16xf32>
          %add3A_2452 = arith.addf %broadcast_in_dim3A_2433, %mul3A_2451 : vector<16xf32>
          %get3A_2453 = arith.constant 1 : i32
          %get3A_2454 = arith.index_cast %rem3A_1948 : i32 to index
          %get3A_2455 = arith.index_cast %get3A_2453 : i32 to index
          %get3A_2456 = arith.index_cast %add3A_2429 : i32 to index
          %get3A_2457 = arith.constant 0 : index
          %get3A_2458 = tpu.vector_load %arg8[%get3A_2454, %get3A_2455, %get3A_2456, %get3A_2457] {strides = array<i32>} : memref<4x4x96x48xi32, #tpu.memory_space<vmem>>, vector<1x1x1x16xi32>,
          %get3A_2459 = vector.shape_cast %get3A_2458 : vector<1x1x1x16xi32> to vector<16xi32>
          %shift_left3A_2460 = arith.constant 16 : i32
          %shift_left3A_2461 = vector.broadcast %shift_left3A_2460 : i32 to vector<16xi32>
          %shift_left3A_2462 = arith.shli %get3A_2459, %shift_left3A_2461 : vector<16xi32>
          %bitcast_convert_type3A_2463 = tpu.bitcast %shift_left3A_2462 : vector<16xi32> -> vector<16xf32>
          %and3A_2464 = arith.constant -65536 : i32
          %and3A_2465 = vector.broadcast %and3A_2464 : i32 to vector<16xi32>
          %and3A_2466 = arith.andi %get3A_2459, %and3A_2465 : vector<16xi32>
          %bitcast_convert_type3A_2467 = tpu.bitcast %and3A_2466 : vector<16xi32> -> vector<16xf32>
          %mul3A_2468 = arith.mulf %gather3A_2422, %bitcast_convert_type3A_2463 : vector<16xf32>
          %add3A_2469 = arith.addf %add3A_2450, %mul3A_2468 : vector<16xf32>
          %mul3A_2470 = arith.mulf %gather3A_2422, %bitcast_convert_type3A_2467 : vector<16xf32>
          %add3A_2471 = arith.addf %add3A_2452, %mul3A_2470 : vector<16xf32>
          %get3A_2472 = arith.constant 2 : i32
          %get3A_2473 = arith.index_cast %rem3A_1948 : i32 to index
          %get3A_2474 = arith.index_cast %get3A_2472 : i32 to index
          %get3A_2475 = arith.index_cast %add3A_2429 : i32 to index
          %get3A_2476 = arith.constant 0 : index
          %get3A_2477 = tpu.vector_load %arg8[%get3A_2473, %get3A_2474, %get3A_2475, %get3A_2476] {strides = array<i32>} : memref<4x4x96x48xi32, #tpu.memory_space<vmem>>, vector<1x1x1x16xi32>,
          %get3A_2478 = vector.shape_cast %get3A_2477 : vector<1x1x1x16xi32> to vector<16xi32>
          %shift_left3A_2479 = arith.constant 16 : i32
          %shift_left3A_2480 = vector.broadcast %shift_left3A_2479 : i32 to vector<16xi32>
          %shift_left3A_2481 = arith.shli %get3A_2478, %shift_left3A_2480 : vector<16xi32>
          %bitcast_convert_type3A_2482 = tpu.bitcast %shift_left3A_2481 : vector<16xi32> -> vector<16xf32>
          %and3A_2483 = arith.constant -65536 : i32
          %and3A_2484 = vector.broadcast %and3A_2483 : i32 to vector<16xi32>
          %and3A_2485 = arith.andi %get3A_2478, %and3A_2484 : vector<16xi32>
          %bitcast_convert_type3A_2486 = tpu.bitcast %and3A_2485 : vector<16xi32> -> vector<16xf32>
          %mul3A_2487 = arith.mulf %gather3A_2425, %bitcast_convert_type3A_2482 : vector<16xf32>
          %add3A_2488 = arith.addf %add3A_2469, %mul3A_2487 : vector<16xf32>
          %mul3A_2489 = arith.mulf %gather3A_2425, %bitcast_convert_type3A_2486 : vector<16xf32>
          %add3A_2490 = arith.addf %add3A_2471, %mul3A_2489 : vector<16xf32>
          %get3A_2491 = arith.constant 3 : i32
          %get3A_2492 = arith.index_cast %rem3A_1948 : i32 to index
          %get3A_2493 = arith.index_cast %get3A_2491 : i32 to index
          %get3A_2494 = arith.index_cast %add3A_2429 : i32 to index
          %get3A_2495 = arith.constant 0 : index
          %get3A_2496 = tpu.vector_load %arg8[%get3A_2492, %get3A_2493, %get3A_2494, %get3A_2495] {strides = array<i32>} : memref<4x4x96x48xi32, #tpu.memory_space<vmem>>, vector<1x1x1x16xi32>,
          %get3A_2497 = vector.shape_cast %get3A_2496 : vector<1x1x1x16xi32> to vector<16xi32>
          %shift_left3A_2498 = arith.constant 16 : i32
          %shift_left3A_2499 = vector.broadcast %shift_left3A_2498 : i32 to vector<16xi32>
          %shift_left3A_2500 = arith.shli %get3A_2497, %shift_left3A_2499 : vector<16xi32>
          %bitcast_convert_type3A_2501 = tpu.bitcast %shift_left3A_2500 : vector<16xi32> -> vector<16xf32>
          %and3A_2502 = arith.constant -65536 : i32
          %and3A_2503 = vector.broadcast %and3A_2502 : i32 to vector<16xi32>
          %and3A_2504 = arith.andi %get3A_2497, %and3A_2503 : vector<16xi32>
          %bitcast_convert_type3A_2505 = tpu.bitcast %and3A_2504 : vector<16xi32> -> vector<16xf32>
          %mul3A_2506 = arith.mulf %gather3A_2428, %bitcast_convert_type3A_2501 : vector<16xf32>
          %add3A_2507 = arith.addf %add3A_2488, %mul3A_2506 : vector<16xf32>
          %mul3A_2508 = arith.mulf %gather3A_2428, %bitcast_convert_type3A_2505 : vector<16xf32>
          %add3A_2509 = arith.addf %add3A_2490, %mul3A_2508 : vector<16xf32>
          %swap3A_2510 = arith.index_cast %rem3A_2055 : i32 to index
          %swap3A_2511 = arith.index_cast %add3A_2429 : i32 to index
          %swap3A_2512 = arith.constant 0 : index
          %swap3A_2513 = tpu.vector_load %arg9[%swap3A_2510, %swap3A_2511, %swap3A_2512] {strides = array<i32>} : memref<2x96x96xf32, #tpu.memory_space<vmem>>, vector<1x1x16xf32>,
          %swap3A_2514 = vector.shape_cast %swap3A_2513 : vector<1x1x16xf32> to vector<16xf32>
          %swap3A_2515 = vector.shape_cast %add3A_2507 : vector<16xf32> to vector<1x1x16xf32>
          tpu.vector_store %arg9[%swap3A_2510, %swap3A_2511, %swap3A_2512], %swap3A_2515 {strides = array<i32>} : memref<2x96x96xf32, #tpu.memory_space<vmem>>, vector<1x1x16xf32>,
          %swap3A_2516 = arith.index_cast %rem3A_2055 : i32 to index
          %swap3A_2517 = arith.index_cast %add3A_2429 : i32 to index
          %swap3A_2518 = arith.constant 48 : index
          %swap3A_2519 = tpu.vector_load %arg9[%swap3A_2516, %swap3A_2517, %swap3A_2518] {strides = array<i32>} : memref<2x96x96xf32, #tpu.memory_space<vmem>>, vector<1x1x16xf32>,
          %swap3A_2520 = vector.shape_cast %swap3A_2519 : vector<1x1x16xf32> to vector<16xf32>
          %swap3A_2521 = vector.shape_cast %add3A_2509 : vector<16xf32> to vector<1x1x16xf32>
          tpu.vector_store %arg9[%swap3A_2516, %swap3A_2517, %swap3A_2518], %swap3A_2521 {strides = array<i32>} : memref<2x96x96xf32, #tpu.memory_space<vmem>>, vector<1x1x16xf32>,
          %broadcast_in_dim3A_2522 = arith.constant 0.000000e+00 : f32
          %broadcast_in_dim3A_2523 = vector.broadcast %broadcast_in_dim3A_2522 : f32 to vector<16xf32>
          %broadcast_in_dim3A_2524 = arith.constant 0.000000e+00 : f32
          %broadcast_in_dim3A_2525 = vector.broadcast %broadcast_in_dim3A_2524 : f32 to vector<16xf32>
          %get3A_2526 = arith.constant 0 : i32
          %get3A_2527 = arith.index_cast %rem3A_1948 : i32 to index
          %get3A_2528 = arith.index_cast %get3A_2526 : i32 to index
          %get3A_2529 = arith.index_cast %add3A_2429 : i32 to index
          %get3A_2530 = arith.constant 16 : index
          %get3A_2531 = tpu.vector_load %arg8[%get3A_2527, %get3A_2528, %get3A_2529, %get3A_2530] {strides = array<i32>} : memref<4x4x96x48xi32, #tpu.memory_space<vmem>>, vector<1x1x1x16xi32>,
          %get3A_2532 = vector.shape_cast %get3A_2531 : vector<1x1x1x16xi32> to vector<16xi32>
          %shift_left3A_2533 = arith.constant 16 : i32
          %shift_left3A_2534 = vector.broadcast %shift_left3A_2533 : i32 to vector<16xi32>
          %shift_left3A_2535 = arith.shli %get3A_2532, %shift_left3A_2534 : vector<16xi32>
          %bitcast_convert_type3A_2536 = tpu.bitcast %shift_left3A_2535 : vector<16xi32> -> vector<16xf32>
          %and3A_2537 = arith.constant -65536 : i32
          %and3A_2538 = vector.broadcast %and3A_2537 : i32 to vector<16xi32>
          %and3A_2539 = arith.andi %get3A_2532, %and3A_2538 : vector<16xi32>
          %bitcast_convert_type3A_2540 = tpu.bitcast %and3A_2539 : vector<16xi32> -> vector<16xf32>
          %mul3A_2541 = arith.mulf %gather3A_2419, %bitcast_convert_type3A_2536 : vector<16xf32>
          %add3A_2542 = arith.addf %broadcast_in_dim3A_2523, %mul3A_2541 : vector<16xf32>
          %mul3A_2543 = arith.mulf %gather3A_2419, %bitcast_convert_type3A_2540 : vector<16xf32>
          %add3A_2544 = arith.addf %broadcast_in_dim3A_2525, %mul3A_2543 : vector<16xf32>
          %get3A_2545 = arith.constant 1 : i32
          %get3A_2546 = arith.index_cast %rem3A_1948 : i32 to index
          %get3A_2547 = arith.index_cast %get3A_2545 : i32 to index
          %get3A_2548 = arith.index_cast %add3A_2429 : i32 to index
          %get3A_2549 = arith.constant 16 : index
          %get3A_2550 = tpu.vector_load %arg8[%get3A_2546, %get3A_2547, %get3A_2548, %get3A_2549] {strides = array<i32>} : memref<4x4x96x48xi32, #tpu.memory_space<vmem>>, vector<1x1x1x16xi32>,
          %get3A_2551 = vector.shape_cast %get3A_2550 : vector<1x1x1x16xi32> to vector<16xi32>
          %shift_left3A_2552 = arith.constant 16 : i32
          %shift_left3A_2553 = vector.broadcast %shift_left3A_2552 : i32 to vector<16xi32>
          %shift_left3A_2554 = arith.shli %get3A_2551, %shift_left3A_2553 : vector<16xi32>
          %bitcast_convert_type3A_2555 = tpu.bitcast %shift_left3A_2554 : vector<16xi32> -> vector<16xf32>
          %and3A_2556 = arith.constant -65536 : i32
          %and3A_2557 = vector.broadcast %and3A_2556 : i32 to vector<16xi32>
          %and3A_2558 = arith.andi %get3A_2551, %and3A_2557 : vector<16xi32>
          %bitcast_convert_type3A_2559 = tpu.bitcast %and3A_2558 : vector<16xi32> -> vector<16xf32>
          %mul3A_2560 = arith.mulf %gather3A_2422, %bitcast_convert_type3A_2555 : vector<16xf32>
          %add3A_2561 = arith.addf %add3A_2542, %mul3A_2560 : vector<16xf32>
          %mul3A_2562 = arith.mulf %gather3A_2422, %bitcast_convert_type3A_2559 : vector<16xf32>
          %add3A_2563 = arith.addf %add3A_2544, %mul3A_2562 : vector<16xf32>
          %get3A_2564 = arith.constant 2 : i32
          %get3A_2565 = arith.index_cast %rem3A_1948 : i32 to index
          %get3A_2566 = arith.index_cast %get3A_2564 : i32 to index
          %get3A_2567 = arith.index_cast %add3A_2429 : i32 to index
          %get3A_2568 = arith.constant 16 : index
          %get3A_2569 = tpu.vector_load %arg8[%get3A_2565, %get3A_2566, %get3A_2567, %get3A_2568] {strides = array<i32>} : memref<4x4x96x48xi32, #tpu.memory_space<vmem>>, vector<1x1x1x16xi32>,
          %get3A_2570 = vector.shape_cast %get3A_2569 : vector<1x1x1x16xi32> to vector<16xi32>
          %shift_left3A_2571 = arith.constant 16 : i32
          %shift_left3A_2572 = vector.broadcast %shift_left3A_2571 : i32 to vector<16xi32>
          %shift_left3A_2573 = arith.shli %get3A_2570, %shift_left3A_2572 : vector<16xi32>
          %bitcast_convert_type3A_2574 = tpu.bitcast %shift_left3A_2573 : vector<16xi32> -> vector<16xf32>
          %and3A_2575 = arith.constant -65536 : i32
          %and3A_2576 = vector.broadcast %and3A_2575 : i32 to vector<16xi32>
          %and3A_2577 = arith.andi %get3A_2570, %and3A_2576 : vector<16xi32>
          %bitcast_convert_type3A_2578 = tpu.bitcast %and3A_2577 : vector<16xi32> -> vector<16xf32>
          %mul3A_2579 = arith.mulf %gather3A_2425, %bitcast_convert_type3A_2574 : vector<16xf32>
          %add3A_2580 = arith.addf %add3A_2561, %mul3A_2579 : vector<16xf32>
          %mul3A_2581 = arith.mulf %gather3A_2425, %bitcast_convert_type3A_2578 : vector<16xf32>
          %add3A_2582 = arith.addf %add3A_2563, %mul3A_2581 : vector<16xf32>
          %get3A_2583 = arith.constant 3 : i32
          %get3A_2584 = arith.index_cast %rem3A_1948 : i32 to index
          %get3A_2585 = arith.index_cast %get3A_2583 : i32 to index
          %get3A_2586 = arith.index_cast %add3A_2429 : i32 to index
          %get3A_2587 = arith.constant 16 : index
          %get3A_2588 = tpu.vector_load %arg8[%get3A_2584, %get3A_2585, %get3A_2586, %get3A_2587] {strides = array<i32>} : memref<4x4x96x48xi32, #tpu.memory_space<vmem>>, vector<1x1x1x16xi32>,
          %get3A_2589 = vector.shape_cast %get3A_2588 : vector<1x1x1x16xi32> to vector<16xi32>
          %shift_left3A_2590 = arith.constant 16 : i32
          %shift_left3A_2591 = vector.broadcast %shift_left3A_2590 : i32 to vector<16xi32>
          %shift_left3A_2592 = arith.shli %get3A_2589, %shift_left3A_2591 : vector<16xi32>
          %bitcast_convert_type3A_2593 = tpu.bitcast %shift_left3A_2592 : vector<16xi32> -> vector<16xf32>
          %and3A_2594 = arith.constant -65536 : i32
          %and3A_2595 = vector.broadcast %and3A_2594 : i32 to vector<16xi32>
          %and3A_2596 = arith.andi %get3A_2589, %and3A_2595 : vector<16xi32>
          %bitcast_convert_type3A_2597 = tpu.bitcast %and3A_2596 : vector<16xi32> -> vector<16xf32>
          %mul3A_2598 = arith.mulf %gather3A_2428, %bitcast_convert_type3A_2593 : vector<16xf32>
          %add3A_2599 = arith.addf %add3A_2580, %mul3A_2598 : vector<16xf32>
          %mul3A_2600 = arith.mulf %gather3A_2428, %bitcast_convert_type3A_2597 : vector<16xf32>
          %add3A_2601 = arith.addf %add3A_2582, %mul3A_2600 : vector<16xf32>
          %swap3A_2602 = arith.index_cast %rem3A_2055 : i32 to index
          %swap3A_2603 = arith.index_cast %add3A_2429 : i32 to index
          %swap3A_2604 = arith.constant 16 : index
          %swap3A_2605 = tpu.vector_load %arg9[%swap3A_2602, %swap3A_2603, %swap3A_2604] {strides = array<i32>} : memref<2x96x96xf32, #tpu.memory_space<vmem>>, vector<1x1x16xf32>,
          %swap3A_2606 = vector.shape_cast %swap3A_2605 : vector<1x1x16xf32> to vector<16xf32>
          %swap3A_2607 = vector.shape_cast %add3A_2599 : vector<16xf32> to vector<1x1x16xf32>
          tpu.vector_store %arg9[%swap3A_2602, %swap3A_2603, %swap3A_2604], %swap3A_2607 {strides = array<i32>} : memref<2x96x96xf32, #tpu.memory_space<vmem>>, vector<1x1x16xf32>,
          %swap3A_2608 = arith.index_cast %rem3A_2055 : i32 to index
          %swap3A_2609 = arith.index_cast %add3A_2429 : i32 to index
          %swap3A_2610 = arith.constant 64 : index
          %swap3A_2611 = tpu.vector_load %arg9[%swap3A_2608, %swap3A_2609, %swap3A_2610] {strides = array<i32>} : memref<2x96x96xf32, #tpu.memory_space<vmem>>, vector<1x1x16xf32>,
          %swap3A_2612 = vector.shape_cast %swap3A_2611 : vector<1x1x16xf32> to vector<16xf32>
          %swap3A_2613 = vector.shape_cast %add3A_2601 : vector<16xf32> to vector<1x1x16xf32>
          tpu.vector_store %arg9[%swap3A_2608, %swap3A_2609, %swap3A_2610], %swap3A_2613 {strides = array<i32>} : memref<2x96x96xf32, #tpu.memory_space<vmem>>, vector<1x1x16xf32>,
          %broadcast_in_dim3A_2614 = arith.constant 0.000000e+00 : f32
          %broadcast_in_dim3A_2615 = vector.broadcast %broadcast_in_dim3A_2614 : f32 to vector<16xf32>
          %broadcast_in_dim3A_2616 = arith.constant 0.000000e+00 : f32
          %broadcast_in_dim3A_2617 = vector.broadcast %broadcast_in_dim3A_2616 : f32 to vector<16xf32>
          %get3A_2618 = arith.constant 0 : i32
          %get3A_2619 = arith.index_cast %rem3A_1948 : i32 to index
          %get3A_2620 = arith.index_cast %get3A_2618 : i32 to index
          %get3A_2621 = arith.index_cast %add3A_2429 : i32 to index
          %get3A_2622 = arith.constant 32 : index
          %get3A_2623 = tpu.vector_load %arg8[%get3A_2619, %get3A_2620, %get3A_2621, %get3A_2622] {strides = array<i32>} : memref<4x4x96x48xi32, #tpu.memory_space<vmem>>, vector<1x1x1x16xi32>,
          %get3A_2624 = vector.shape_cast %get3A_2623 : vector<1x1x1x16xi32> to vector<16xi32>
          %shift_left3A_2625 = arith.constant 16 : i32
          %shift_left3A_2626 = vector.broadcast %shift_left3A_2625 : i32 to vector<16xi32>
          %shift_left3A_2627 = arith.shli %get3A_2624, %shift_left3A_2626 : vector<16xi32>
          %bitcast_convert_type3A_2628 = tpu.bitcast %shift_left3A_2627 : vector<16xi32> -> vector<16xf32>
          %and3A_2629 = arith.constant -65536 : i32
          %and3A_2630 = vector.broadcast %and3A_2629 : i32 to vector<16xi32>
          %and3A_2631 = arith.andi %get3A_2624, %and3A_2630 : vector<16xi32>
          %bitcast_convert_type3A_2632 = tpu.bitcast %and3A_2631 : vector<16xi32> -> vector<16xf32>
          %mul3A_2633 = arith.mulf %gather3A_2419, %bitcast_convert_type3A_2628 : vector<16xf32>
          %add3A_2634 = arith.addf %broadcast_in_dim3A_2615, %mul3A_2633 : vector<16xf32>
          %mul3A_2635 = arith.mulf %gather3A_2419, %bitcast_convert_type3A_2632 : vector<16xf32>
          %add3A_2636 = arith.addf %broadcast_in_dim3A_2617, %mul3A_2635 : vector<16xf32>
          %get3A_2637 = arith.constant 1 : i32
          %get3A_2638 = arith.index_cast %rem3A_1948 : i32 to index
          %get3A_2639 = arith.index_cast %get3A_2637 : i32 to index
          %get3A_2640 = arith.index_cast %add3A_2429 : i32 to index
          %get3A_2641 = arith.constant 32 : index
          %get3A_2642 = tpu.vector_load %arg8[%get3A_2638, %get3A_2639, %get3A_2640, %get3A_2641] {strides = array<i32>} : memref<4x4x96x48xi32, #tpu.memory_space<vmem>>, vector<1x1x1x16xi32>,
          %get3A_2643 = vector.shape_cast %get3A_2642 : vector<1x1x1x16xi32> to vector<16xi32>
          %shift_left3A_2644 = arith.constant 16 : i32
          %shift_left3A_2645 = vector.broadcast %shift_left3A_2644 : i32 to vector<16xi32>
          %shift_left3A_2646 = arith.shli %get3A_2643, %shift_left3A_2645 : vector<16xi32>
          %bitcast_convert_type3A_2647 = tpu.bitcast %shift_left3A_2646 : vector<16xi32> -> vector<16xf32>
          %and3A_2648 = arith.constant -65536 : i32
          %and3A_2649 = vector.broadcast %and3A_2648 : i32 to vector<16xi32>
          %and3A_2650 = arith.andi %get3A_2643, %and3A_2649 : vector<16xi32>
          %bitcast_convert_type3A_2651 = tpu.bitcast %and3A_2650 : vector<16xi32> -> vector<16xf32>
          %mul3A_2652 = arith.mulf %gather3A_2422, %bitcast_convert_type3A_2647 : vector<16xf32>
          %add3A_2653 = arith.addf %add3A_2634, %mul3A_2652 : vector<16xf32>
          %mul3A_2654 = arith.mulf %gather3A_2422, %bitcast_convert_type3A_2651 : vector<16xf32>
          %add3A_2655 = arith.addf %add3A_2636, %mul3A_2654 : vector<16xf32>
          %get3A_2656 = arith.constant 2 : i32
          %get3A_2657 = arith.index_cast %rem3A_1948 : i32 to index
          %get3A_2658 = arith.index_cast %get3A_2656 : i32 to index
          %get3A_2659 = arith.index_cast %add3A_2429 : i32 to index
          %get3A_2660 = arith.constant 32 : index
          %get3A_2661 = tpu.vector_load %arg8[%get3A_2657, %get3A_2658, %get3A_2659, %get3A_2660] {strides = array<i32>} : memref<4x4x96x48xi32, #tpu.memory_space<vmem>>, vector<1x1x1x16xi32>,
          %get3A_2662 = vector.shape_cast %get3A_2661 : vector<1x1x1x16xi32> to vector<16xi32>
          %shift_left3A_2663 = arith.constant 16 : i32
          %shift_left3A_2664 = vector.broadcast %shift_left3A_2663 : i32 to vector<16xi32>
          %shift_left3A_2665 = arith.shli %get3A_2662, %shift_left3A_2664 : vector<16xi32>
          %bitcast_convert_type3A_2666 = tpu.bitcast %shift_left3A_2665 : vector<16xi32> -> vector<16xf32>
          %and3A_2667 = arith.constant -65536 : i32
          %and3A_2668 = vector.broadcast %and3A_2667 : i32 to vector<16xi32>
          %and3A_2669 = arith.andi %get3A_2662, %and3A_2668 : vector<16xi32>
          %bitcast_convert_type3A_2670 = tpu.bitcast %and3A_2669 : vector<16xi32> -> vector<16xf32>
          %mul3A_2671 = arith.mulf %gather3A_2425, %bitcast_convert_type3A_2666 : vector<16xf32>
          %add3A_2672 = arith.addf %add3A_2653, %mul3A_2671 : vector<16xf32>
          %mul3A_2673 = arith.mulf %gather3A_2425, %bitcast_convert_type3A_2670 : vector<16xf32>
          %add3A_2674 = arith.addf %add3A_2655, %mul3A_2673 : vector<16xf32>
          %get3A_2675 = arith.constant 3 : i32
          %get3A_2676 = arith.index_cast %rem3A_1948 : i32 to index
          %get3A_2677 = arith.index_cast %get3A_2675 : i32 to index
          %get3A_2678 = arith.index_cast %add3A_2429 : i32 to index
          %get3A_2679 = arith.constant 32 : index
          %get3A_2680 = tpu.vector_load %arg8[%get3A_2676, %get3A_2677, %get3A_2678, %get3A_2679] {strides = array<i32>} : memref<4x4x96x48xi32, #tpu.memory_space<vmem>>, vector<1x1x1x16xi32>,
          %get3A_2681 = vector.shape_cast %get3A_2680 : vector<1x1x1x16xi32> to vector<16xi32>
          %shift_left3A_2682 = arith.constant 16 : i32
          %shift_left3A_2683 = vector.broadcast %shift_left3A_2682 : i32 to vector<16xi32>
          %shift_left3A_2684 = arith.shli %get3A_2681, %shift_left3A_2683 : vector<16xi32>
          %bitcast_convert_type3A_2685 = tpu.bitcast %shift_left3A_2684 : vector<16xi32> -> vector<16xf32>
          %and3A_2686 = arith.constant -65536 : i32
          %and3A_2687 = vector.broadcast %and3A_2686 : i32 to vector<16xi32>
          %and3A_2688 = arith.andi %get3A_2681, %and3A_2687 : vector<16xi32>
          %bitcast_convert_type3A_2689 = tpu.bitcast %and3A_2688 : vector<16xi32> -> vector<16xf32>
          %mul3A_2690 = arith.mulf %gather3A_2428, %bitcast_convert_type3A_2685 : vector<16xf32>
          %add3A_2691 = arith.addf %add3A_2672, %mul3A_2690 : vector<16xf32>
          %mul3A_2692 = arith.mulf %gather3A_2428, %bitcast_convert_type3A_2689 : vector<16xf32>
          %add3A_2693 = arith.addf %add3A_2674, %mul3A_2692 : vector<16xf32>
          %swap3A_2694 = arith.index_cast %rem3A_2055 : i32 to index
          %swap3A_2695 = arith.index_cast %add3A_2429 : i32 to index
          %swap3A_2696 = arith.constant 32 : index
          %swap3A_2697 = tpu.vector_load %arg9[%swap3A_2694, %swap3A_2695, %swap3A_2696] {strides = array<i32>} : memref<2x96x96xf32, #tpu.memory_space<vmem>>, vector<1x1x16xf32>,
          %swap3A_2698 = vector.shape_cast %swap3A_2697 : vector<1x1x16xf32> to vector<16xf32>
          %swap3A_2699 = vector.shape_cast %add3A_2691 : vector<16xf32> to vector<1x1x16xf32>
          tpu.vector_store %arg9[%swap3A_2694, %swap3A_2695, %swap3A_2696], %swap3A_2699 {strides = array<i32>} : memref<2x96x96xf32, #tpu.memory_space<vmem>>, vector<1x1x16xf32>,
          %swap3A_2700 = arith.index_cast %rem3A_2055 : i32 to index
          %swap3A_2701 = arith.index_cast %add3A_2429 : i32 to index
          %swap3A_2702 = arith.constant 80 : index
          %swap3A_2703 = tpu.vector_load %arg9[%swap3A_2700, %swap3A_2701, %swap3A_2702] {strides = array<i32>} : memref<2x96x96xf32, #tpu.memory_space<vmem>>, vector<1x1x16xf32>,
          %swap3A_2704 = vector.shape_cast %swap3A_2703 : vector<1x1x16xf32> to vector<16xf32>
          %swap3A_2705 = vector.shape_cast %add3A_2693 : vector<16xf32> to vector<1x1x16xf32>
          tpu.vector_store %arg9[%swap3A_2700, %swap3A_2701, %swap3A_2702], %swap3A_2705 {strides = array<i32>} : memref<2x96x96xf32, #tpu.memory_space<vmem>>, vector<1x1x16xf32>,
          %scan3A_2706 = arith.constant 0 : i32
          %scan3A_2707 = arith.constant 2 : i32
          %scan3A_2708 = arith.addi %scan3A_2126, %scan3A_2707 : i32
          %broadcast_in_dim3A_2709 = vector.broadcast %scan3A_2708 : i32 to vector<16xi32>
          %reshape3A_2710 = vector.shape_cast %broadcast_in_dim3A_2709 : vector<16xi32> to vector<16x1xi32>
          %gather3A_2711 = vector.shape_cast %reshape3A_2710 : vector<16x1xi32> to vector<16xi32>
          %gather3A_2712 = tpu.dynamic_gather %get3A_2099[%gather3A_2711] in [0] : vector<16xf32>, vector<16xi32> -> vector<16xf32>
          %reshape3A_2713 = vector.shape_cast %broadcast_in_dim3A_2709 : vector<16xi32> to vector<16x1xi32>
          %gather3A_2714 = vector.shape_cast %reshape3A_2713 : vector<16x1xi32> to vector<16xi32>
          %gather3A_2715 = tpu.dynamic_gather %get3A_2105[%gather3A_2714] in [0] : vector<16xf32>, vector<16xi32> -> vector<16xf32>
          %reshape3A_2716 = vector.shape_cast %broadcast_in_dim3A_2709 : vector<16xi32> to vector<16x1xi32>
          %gather3A_2717 = vector.shape_cast %reshape3A_2716 : vector<16x1xi32> to vector<16xi32>
          %gather3A_2718 = tpu.dynamic_gather %get3A_2111[%gather3A_2717] in [0] : vector<16xf32>, vector<16xi32> -> vector<16xf32>
          %reshape3A_2719 = vector.shape_cast %broadcast_in_dim3A_2709 : vector<16xi32> to vector<16x1xi32>
          %gather3A_2720 = vector.shape_cast %reshape3A_2719 : vector<16x1xi32> to vector<16xi32>
          %gather3A_2721 = tpu.dynamic_gather %get3A_2117[%gather3A_2720] in [0] : vector<16xf32>, vector<16xi32> -> vector<16xf32>
          %add3A_2722 = arith.addi %mul3A_2093, %scan3A_2708 : i32
          %broadcast_in_dim3A_2723 = arith.constant 0.000000e+00 : f32
          %broadcast_in_dim3A_2724 = vector.broadcast %broadcast_in_dim3A_2723 : f32 to vector<16xf32>
          %broadcast_in_dim3A_2725 = arith.constant 0.000000e+00 : f32
          %broadcast_in_dim3A_2726 = vector.broadcast %broadcast_in_dim3A_2725 : f32 to vector<16xf32>
          %get3A_2727 = arith.constant 0 : i32
          %get3A_2728 = arith.index_cast %rem3A_1948 : i32 to index
          %get3A_2729 = arith.index_cast %get3A_2727 : i32 to index
          %get3A_2730 = arith.index_cast %add3A_2722 : i32 to index
          %get3A_2731 = arith.constant 0 : index
          %get3A_2732 = tpu.vector_load %arg8[%get3A_2728, %get3A_2729, %get3A_2730, %get3A_2731] {strides = array<i32>} : memref<4x4x96x48xi32, #tpu.memory_space<vmem>>, vector<1x1x1x16xi32>,
          %get3A_2733 = vector.shape_cast %get3A_2732 : vector<1x1x1x16xi32> to vector<16xi32>
          %shift_left3A_2734 = arith.constant 16 : i32
          %shift_left3A_2735 = vector.broadcast %shift_left3A_2734 : i32 to vector<16xi32>
          %shift_left3A_2736 = arith.shli %get3A_2733, %shift_left3A_2735 : vector<16xi32>
          %bitcast_convert_type3A_2737 = tpu.bitcast %shift_left3A_2736 : vector<16xi32> -> vector<16xf32>
          %and3A_2738 = arith.constant -65536 : i32
          %and3A_2739 = vector.broadcast %and3A_2738 : i32 to vector<16xi32>
          %and3A_2740 = arith.andi %get3A_2733, %and3A_2739 : vector<16xi32>
          %bitcast_convert_type3A_2741 = tpu.bitcast %and3A_2740 : vector<16xi32> -> vector<16xf32>
          %mul3A_2742 = arith.mulf %gather3A_2712, %bitcast_convert_type3A_2737 : vector<16xf32>
          %add3A_2743 = arith.addf %broadcast_in_dim3A_2724, %mul3A_2742 : vector<16xf32>
          %mul3A_2744 = arith.mulf %gather3A_2712, %bitcast_convert_type3A_2741 : vector<16xf32>
          %add3A_2745 = arith.addf %broadcast_in_dim3A_2726, %mul3A_2744 : vector<16xf32>
          %get3A_2746 = arith.constant 1 : i32
          %get3A_2747 = arith.index_cast %rem3A_1948 : i32 to index
          %get3A_2748 = arith.index_cast %get3A_2746 : i32 to index
          %get3A_2749 = arith.index_cast %add3A_2722 : i32 to index
          %get3A_2750 = arith.constant 0 : index
          %get3A_2751 = tpu.vector_load %arg8[%get3A_2747, %get3A_2748, %get3A_2749, %get3A_2750] {strides = array<i32>} : memref<4x4x96x48xi32, #tpu.memory_space<vmem>>, vector<1x1x1x16xi32>,
          %get3A_2752 = vector.shape_cast %get3A_2751 : vector<1x1x1x16xi32> to vector<16xi32>
          %shift_left3A_2753 = arith.constant 16 : i32
          %shift_left3A_2754 = vector.broadcast %shift_left3A_2753 : i32 to vector<16xi32>
          %shift_left3A_2755 = arith.shli %get3A_2752, %shift_left3A_2754 : vector<16xi32>
          %bitcast_convert_type3A_2756 = tpu.bitcast %shift_left3A_2755 : vector<16xi32> -> vector<16xf32>
          %and3A_2757 = arith.constant -65536 : i32
          %and3A_2758 = vector.broadcast %and3A_2757 : i32 to vector<16xi32>
          %and3A_2759 = arith.andi %get3A_2752, %and3A_2758 : vector<16xi32>
          %bitcast_convert_type3A_2760 = tpu.bitcast %and3A_2759 : vector<16xi32> -> vector<16xf32>
          %mul3A_2761 = arith.mulf %gather3A_2715, %bitcast_convert_type3A_2756 : vector<16xf32>
          %add3A_2762 = arith.addf %add3A_2743, %mul3A_2761 : vector<16xf32>
          %mul3A_2763 = arith.mulf %gather3A_2715, %bitcast_convert_type3A_2760 : vector<16xf32>
          %add3A_2764 = arith.addf %add3A_2745, %mul3A_2763 : vector<16xf32>
          %get3A_2765 = arith.constant 2 : i32
          %get3A_2766 = arith.index_cast %rem3A_1948 : i32 to index
          %get3A_2767 = arith.index_cast %get3A_2765 : i32 to index
          %get3A_2768 = arith.index_cast %add3A_2722 : i32 to index
          %get3A_2769 = arith.constant 0 : index
          %get3A_2770 = tpu.vector_load %arg8[%get3A_2766, %get3A_2767, %get3A_2768, %get3A_2769] {strides = array<i32>} : memref<4x4x96x48xi32, #tpu.memory_space<vmem>>, vector<1x1x1x16xi32>,
          %get3A_2771 = vector.shape_cast %get3A_2770 : vector<1x1x1x16xi32> to vector<16xi32>
          %shift_left3A_2772 = arith.constant 16 : i32
          %shift_left3A_2773 = vector.broadcast %shift_left3A_2772 : i32 to vector<16xi32>
          %shift_left3A_2774 = arith.shli %get3A_2771, %shift_left3A_2773 : vector<16xi32>
          %bitcast_convert_type3A_2775 = tpu.bitcast %shift_left3A_2774 : vector<16xi32> -> vector<16xf32>
          %and3A_2776 = arith.constant -65536 : i32
          %and3A_2777 = vector.broadcast %and3A_2776 : i32 to vector<16xi32>
          %and3A_2778 = arith.andi %get3A_2771, %and3A_2777 : vector<16xi32>
          %bitcast_convert_type3A_2779 = tpu.bitcast %and3A_2778 : vector<16xi32> -> vector<16xf32>
          %mul3A_2780 = arith.mulf %gather3A_2718, %bitcast_convert_type3A_2775 : vector<16xf32>
          %add3A_2781 = arith.addf %add3A_2762, %mul3A_2780 : vector<16xf32>
          %mul3A_2782 = arith.mulf %gather3A_2718, %bitcast_convert_type3A_2779 : vector<16xf32>
          %add3A_2783 = arith.addf %add3A_2764, %mul3A_2782 : vector<16xf32>
          %get3A_2784 = arith.constant 3 : i32
          %get3A_2785 = arith.index_cast %rem3A_1948 : i32 to index
          %get3A_2786 = arith.index_cast %get3A_2784 : i32 to index
          %get3A_2787 = arith.index_cast %add3A_2722 : i32 to index
          %get3A_2788 = arith.constant 0 : index
          %get3A_2789 = tpu.vector_load %arg8[%get3A_2785, %get3A_2786, %get3A_2787, %get3A_2788] {strides = array<i32>} : memref<4x4x96x48xi32, #tpu.memory_space<vmem>>, vector<1x1x1x16xi32>,
          %get3A_2790 = vector.shape_cast %get3A_2789 : vector<1x1x1x16xi32> to vector<16xi32>
          %shift_left3A_2791 = arith.constant 16 : i32
          %shift_left3A_2792 = vector.broadcast %shift_left3A_2791 : i32 to vector<16xi32>
          %shift_left3A_2793 = arith.shli %get3A_2790, %shift_left3A_2792 : vector<16xi32>
          %bitcast_convert_type3A_2794 = tpu.bitcast %shift_left3A_2793 : vector<16xi32> -> vector<16xf32>
          %and3A_2795 = arith.constant -65536 : i32
          %and3A_2796 = vector.broadcast %and3A_2795 : i32 to vector<16xi32>
          %and3A_2797 = arith.andi %get3A_2790, %and3A_2796 : vector<16xi32>
          %bitcast_convert_type3A_2798 = tpu.bitcast %and3A_2797 : vector<16xi32> -> vector<16xf32>
          %mul3A_2799 = arith.mulf %gather3A_2721, %bitcast_convert_type3A_2794 : vector<16xf32>
          %add3A_2800 = arith.addf %add3A_2781, %mul3A_2799 : vector<16xf32>
          %mul3A_2801 = arith.mulf %gather3A_2721, %bitcast_convert_type3A_2798 : vector<16xf32>
          %add3A_2802 = arith.addf %add3A_2783, %mul3A_2801 : vector<16xf32>
          %swap3A_2803 = arith.index_cast %rem3A_2055 : i32 to index
          %swap3A_2804 = arith.index_cast %add3A_2722 : i32 to index
          %swap3A_2805 = arith.constant 0 : index
          %swap3A_2806 = tpu.vector_load %arg9[%swap3A_2803, %swap3A_2804, %swap3A_2805] {strides = array<i32>} : memref<2x96x96xf32, #tpu.memory_space<vmem>>, vector<1x1x16xf32>,
          %swap3A_2807 = vector.shape_cast %swap3A_2806 : vector<1x1x16xf32> to vector<16xf32>
          %swap3A_2808 = vector.shape_cast %add3A_2800 : vector<16xf32> to vector<1x1x16xf32>
          tpu.vector_store %arg9[%swap3A_2803, %swap3A_2804, %swap3A_2805], %swap3A_2808 {strides = array<i32>} : memref<2x96x96xf32, #tpu.memory_space<vmem>>, vector<1x1x16xf32>,
          %swap3A_2809 = arith.index_cast %rem3A_2055 : i32 to index
          %swap3A_2810 = arith.index_cast %add3A_2722 : i32 to index
          %swap3A_2811 = arith.constant 48 : index
          %swap3A_2812 = tpu.vector_load %arg9[%swap3A_2809, %swap3A_2810, %swap3A_2811] {strides = array<i32>} : memref<2x96x96xf32, #tpu.memory_space<vmem>>, vector<1x1x16xf32>,
          %swap3A_2813 = vector.shape_cast %swap3A_2812 : vector<1x1x16xf32> to vector<16xf32>
          %swap3A_2814 = vector.shape_cast %add3A_2802 : vector<16xf32> to vector<1x1x16xf32>
          tpu.vector_store %arg9[%swap3A_2809, %swap3A_2810, %swap3A_2811], %swap3A_2814 {strides = array<i32>} : memref<2x96x96xf32, #tpu.memory_space<vmem>>, vector<1x1x16xf32>,
          %broadcast_in_dim3A_2815 = arith.constant 0.000000e+00 : f32
          %broadcast_in_dim3A_2816 = vector.broadcast %broadcast_in_dim3A_2815 : f32 to vector<16xf32>
          %broadcast_in_dim3A_2817 = arith.constant 0.000000e+00 : f32
          %broadcast_in_dim3A_2818 = vector.broadcast %broadcast_in_dim3A_2817 : f32 to vector<16xf32>
          %get3A_2819 = arith.constant 0 : i32
          %get3A_2820 = arith.index_cast %rem3A_1948 : i32 to index
          %get3A_2821 = arith.index_cast %get3A_2819 : i32 to index
          %get3A_2822 = arith.index_cast %add3A_2722 : i32 to index
          %get3A_2823 = arith.constant 16 : index
          %get3A_2824 = tpu.vector_load %arg8[%get3A_2820, %get3A_2821, %get3A_2822, %get3A_2823] {strides = array<i32>} : memref<4x4x96x48xi32, #tpu.memory_space<vmem>>, vector<1x1x1x16xi32>,
          %get3A_2825 = vector.shape_cast %get3A_2824 : vector<1x1x1x16xi32> to vector<16xi32>
          %shift_left3A_2826 = arith.constant 16 : i32
          %shift_left3A_2827 = vector.broadcast %shift_left3A_2826 : i32 to vector<16xi32>
          %shift_left3A_2828 = arith.shli %get3A_2825, %shift_left3A_2827 : vector<16xi32>
          %bitcast_convert_type3A_2829 = tpu.bitcast %shift_left3A_2828 : vector<16xi32> -> vector<16xf32>
          %and3A_2830 = arith.constant -65536 : i32
          %and3A_2831 = vector.broadcast %and3A_2830 : i32 to vector<16xi32>
          %and3A_2832 = arith.andi %get3A_2825, %and3A_2831 : vector<16xi32>
          %bitcast_convert_type3A_2833 = tpu.bitcast %and3A_2832 : vector<16xi32> -> vector<16xf32>
          %mul3A_2834 = arith.mulf %gather3A_2712, %bitcast_convert_type3A_2829 : vector<16xf32>
          %add3A_2835 = arith.addf %broadcast_in_dim3A_2816, %mul3A_2834 : vector<16xf32>
          %mul3A_2836 = arith.mulf %gather3A_2712, %bitcast_convert_type3A_2833 : vector<16xf32>
          %add3A_2837 = arith.addf %broadcast_in_dim3A_2818, %mul3A_2836 : vector<16xf32>
          %get3A_2838 = arith.constant 1 : i32
          %get3A_2839 = arith.index_cast %rem3A_1948 : i32 to index
          %get3A_2840 = arith.index_cast %get3A_2838 : i32 to index
          %get3A_2841 = arith.index_cast %add3A_2722 : i32 to index
          %get3A_2842 = arith.constant 16 : index
          %get3A_2843 = tpu.vector_load %arg8[%get3A_2839, %get3A_2840, %get3A_2841, %get3A_2842] {strides = array<i32>} : memref<4x4x96x48xi32, #tpu.memory_space<vmem>>, vector<1x1x1x16xi32>,
          %get3A_2844 = vector.shape_cast %get3A_2843 : vector<1x1x1x16xi32> to vector<16xi32>
          %shift_left3A_2845 = arith.constant 16 : i32
          %shift_left3A_2846 = vector.broadcast %shift_left3A_2845 : i32 to vector<16xi32>
          %shift_left3A_2847 = arith.shli %get3A_2844, %shift_left3A_2846 : vector<16xi32>
          %bitcast_convert_type3A_2848 = tpu.bitcast %shift_left3A_2847 : vector<16xi32> -> vector<16xf32>
          %and3A_2849 = arith.constant -65536 : i32
          %and3A_2850 = vector.broadcast %and3A_2849 : i32 to vector<16xi32>
          %and3A_2851 = arith.andi %get3A_2844, %and3A_2850 : vector<16xi32>
          %bitcast_convert_type3A_2852 = tpu.bitcast %and3A_2851 : vector<16xi32> -> vector<16xf32>
          %mul3A_2853 = arith.mulf %gather3A_2715, %bitcast_convert_type3A_2848 : vector<16xf32>
          %add3A_2854 = arith.addf %add3A_2835, %mul3A_2853 : vector<16xf32>
          %mul3A_2855 = arith.mulf %gather3A_2715, %bitcast_convert_type3A_2852 : vector<16xf32>
          %add3A_2856 = arith.addf %add3A_2837, %mul3A_2855 : vector<16xf32>
          %get3A_2857 = arith.constant 2 : i32
          %get3A_2858 = arith.index_cast %rem3A_1948 : i32 to index
          %get3A_2859 = arith.index_cast %get3A_2857 : i32 to index
          %get3A_2860 = arith.index_cast %add3A_2722 : i32 to index
          %get3A_2861 = arith.constant 16 : index
          %get3A_2862 = tpu.vector_load %arg8[%get3A_2858, %get3A_2859, %get3A_2860, %get3A_2861] {strides = array<i32>} : memref<4x4x96x48xi32, #tpu.memory_space<vmem>>, vector<1x1x1x16xi32>,
          %get3A_2863 = vector.shape_cast %get3A_2862 : vector<1x1x1x16xi32> to vector<16xi32>
          %shift_left3A_2864 = arith.constant 16 : i32
          %shift_left3A_2865 = vector.broadcast %shift_left3A_2864 : i32 to vector<16xi32>
          %shift_left3A_2866 = arith.shli %get3A_2863, %shift_left3A_2865 : vector<16xi32>
          %bitcast_convert_type3A_2867 = tpu.bitcast %shift_left3A_2866 : vector<16xi32> -> vector<16xf32>
          %and3A_2868 = arith.constant -65536 : i32
          %and3A_2869 = vector.broadcast %and3A_2868 : i32 to vector<16xi32>
          %and3A_2870 = arith.andi %get3A_2863, %and3A_2869 : vector<16xi32>
          %bitcast_convert_type3A_2871 = tpu.bitcast %and3A_2870 : vector<16xi32> -> vector<16xf32>
          %mul3A_2872 = arith.mulf %gather3A_2718, %bitcast_convert_type3A_2867 : vector<16xf32>
          %add3A_2873 = arith.addf %add3A_2854, %mul3A_2872 : vector<16xf32>
          %mul3A_2874 = arith.mulf %gather3A_2718, %bitcast_convert_type3A_2871 : vector<16xf32>
          %add3A_2875 = arith.addf %add3A_2856, %mul3A_2874 : vector<16xf32>
          %get3A_2876 = arith.constant 3 : i32
          %get3A_2877 = arith.index_cast %rem3A_1948 : i32 to index
          %get3A_2878 = arith.index_cast %get3A_2876 : i32 to index
          %get3A_2879 = arith.index_cast %add3A_2722 : i32 to index
          %get3A_2880 = arith.constant 16 : index
          %get3A_2881 = tpu.vector_load %arg8[%get3A_2877, %get3A_2878, %get3A_2879, %get3A_2880] {strides = array<i32>} : memref<4x4x96x48xi32, #tpu.memory_space<vmem>>, vector<1x1x1x16xi32>,
          %get3A_2882 = vector.shape_cast %get3A_2881 : vector<1x1x1x16xi32> to vector<16xi32>
          %shift_left3A_2883 = arith.constant 16 : i32
          %shift_left3A_2884 = vector.broadcast %shift_left3A_2883 : i32 to vector<16xi32>
          %shift_left3A_2885 = arith.shli %get3A_2882, %shift_left3A_2884 : vector<16xi32>
          %bitcast_convert_type3A_2886 = tpu.bitcast %shift_left3A_2885 : vector<16xi32> -> vector<16xf32>
          %and3A_2887 = arith.constant -65536 : i32
          %and3A_2888 = vector.broadcast %and3A_2887 : i32 to vector<16xi32>
          %and3A_2889 = arith.andi %get3A_2882, %and3A_2888 : vector<16xi32>
          %bitcast_convert_type3A_2890 = tpu.bitcast %and3A_2889 : vector<16xi32> -> vector<16xf32>
          %mul3A_2891 = arith.mulf %gather3A_2721, %bitcast_convert_type3A_2886 : vector<16xf32>
          %add3A_2892 = arith.addf %add3A_2873, %mul3A_2891 : vector<16xf32>
          %mul3A_2893 = arith.mulf %gather3A_2721, %bitcast_convert_type3A_2890 : vector<16xf32>
          %add3A_2894 = arith.addf %add3A_2875, %mul3A_2893 : vector<16xf32>
          %swap3A_2895 = arith.index_cast %rem3A_2055 : i32 to index
          %swap3A_2896 = arith.index_cast %add3A_2722 : i32 to index
          %swap3A_2897 = arith.constant 16 : index
          %swap3A_2898 = tpu.vector_load %arg9[%swap3A_2895, %swap3A_2896, %swap3A_2897] {strides = array<i32>} : memref<2x96x96xf32, #tpu.memory_space<vmem>>, vector<1x1x16xf32>,
          %swap3A_2899 = vector.shape_cast %swap3A_2898 : vector<1x1x16xf32> to vector<16xf32>
          %swap3A_2900 = vector.shape_cast %add3A_2892 : vector<16xf32> to vector<1x1x16xf32>
          tpu.vector_store %arg9[%swap3A_2895, %swap3A_2896, %swap3A_2897], %swap3A_2900 {strides = array<i32>} : memref<2x96x96xf32, #tpu.memory_space<vmem>>, vector<1x1x16xf32>,
          %swap3A_2901 = arith.index_cast %rem3A_2055 : i32 to index
          %swap3A_2902 = arith.index_cast %add3A_2722 : i32 to index
          %swap3A_2903 = arith.constant 64 : index
          %swap3A_2904 = tpu.vector_load %arg9[%swap3A_2901, %swap3A_2902, %swap3A_2903] {strides = array<i32>} : memref<2x96x96xf32, #tpu.memory_space<vmem>>, vector<1x1x16xf32>,
          %swap3A_2905 = vector.shape_cast %swap3A_2904 : vector<1x1x16xf32> to vector<16xf32>
          %swap3A_2906 = vector.shape_cast %add3A_2894 : vector<16xf32> to vector<1x1x16xf32>
          tpu.vector_store %arg9[%swap3A_2901, %swap3A_2902, %swap3A_2903], %swap3A_2906 {strides = array<i32>} : memref<2x96x96xf32, #tpu.memory_space<vmem>>, vector<1x1x16xf32>,
          %broadcast_in_dim3A_2907 = arith.constant 0.000000e+00 : f32
          %broadcast_in_dim3A_2908 = vector.broadcast %broadcast_in_dim3A_2907 : f32 to vector<16xf32>
          %broadcast_in_dim3A_2909 = arith.constant 0.000000e+00 : f32
          %broadcast_in_dim3A_2910 = vector.broadcast %broadcast_in_dim3A_2909 : f32 to vector<16xf32>
          %get3A_2911 = arith.constant 0 : i32
          %get3A_2912 = arith.index_cast %rem3A_1948 : i32 to index
          %get3A_2913 = arith.index_cast %get3A_2911 : i32 to index
          %get3A_2914 = arith.index_cast %add3A_2722 : i32 to index
          %get3A_2915 = arith.constant 32 : index
          %get3A_2916 = tpu.vector_load %arg8[%get3A_2912, %get3A_2913, %get3A_2914, %get3A_2915] {strides = array<i32>} : memref<4x4x96x48xi32, #tpu.memory_space<vmem>>, vector<1x1x1x16xi32>,
          %get3A_2917 = vector.shape_cast %get3A_2916 : vector<1x1x1x16xi32> to vector<16xi32>
          %shift_left3A_2918 = arith.constant 16 : i32
          %shift_left3A_2919 = vector.broadcast %shift_left3A_2918 : i32 to vector<16xi32>
          %shift_left3A_2920 = arith.shli %get3A_2917, %shift_left3A_2919 : vector<16xi32>
          %bitcast_convert_type3A_2921 = tpu.bitcast %shift_left3A_2920 : vector<16xi32> -> vector<16xf32>
          %and3A_2922 = arith.constant -65536 : i32
          %and3A_2923 = vector.broadcast %and3A_2922 : i32 to vector<16xi32>
          %and3A_2924 = arith.andi %get3A_2917, %and3A_2923 : vector<16xi32>
          %bitcast_convert_type3A_2925 = tpu.bitcast %and3A_2924 : vector<16xi32> -> vector<16xf32>
          %mul3A_2926 = arith.mulf %gather3A_2712, %bitcast_convert_type3A_2921 : vector<16xf32>
          %add3A_2927 = arith.addf %broadcast_in_dim3A_2908, %mul3A_2926 : vector<16xf32>
          %mul3A_2928 = arith.mulf %gather3A_2712, %bitcast_convert_type3A_2925 : vector<16xf32>
          %add3A_2929 = arith.addf %broadcast_in_dim3A_2910, %mul3A_2928 : vector<16xf32>
          %get3A_2930 = arith.constant 1 : i32
          %get3A_2931 = arith.index_cast %rem3A_1948 : i32 to index
          %get3A_2932 = arith.index_cast %get3A_2930 : i32 to index
          %get3A_2933 = arith.index_cast %add3A_2722 : i32 to index
          %get3A_2934 = arith.constant 32 : index
          %get3A_2935 = tpu.vector_load %arg8[%get3A_2931, %get3A_2932, %get3A_2933, %get3A_2934] {strides = array<i32>} : memref<4x4x96x48xi32, #tpu.memory_space<vmem>>, vector<1x1x1x16xi32>,
          %get3A_2936 = vector.shape_cast %get3A_2935 : vector<1x1x1x16xi32> to vector<16xi32>
          %shift_left3A_2937 = arith.constant 16 : i32
          %shift_left3A_2938 = vector.broadcast %shift_left3A_2937 : i32 to vector<16xi32>
          %shift_left3A_2939 = arith.shli %get3A_2936, %shift_left3A_2938 : vector<16xi32>
          %bitcast_convert_type3A_2940 = tpu.bitcast %shift_left3A_2939 : vector<16xi32> -> vector<16xf32>
          %and3A_2941 = arith.constant -65536 : i32
          %and3A_2942 = vector.broadcast %and3A_2941 : i32 to vector<16xi32>
          %and3A_2943 = arith.andi %get3A_2936, %and3A_2942 : vector<16xi32>
          %bitcast_convert_type3A_2944 = tpu.bitcast %and3A_2943 : vector<16xi32> -> vector<16xf32>
          %mul3A_2945 = arith.mulf %gather3A_2715, %bitcast_convert_type3A_2940 : vector<16xf32>
          %add3A_2946 = arith.addf %add3A_2927, %mul3A_2945 : vector<16xf32>
          %mul3A_2947 = arith.mulf %gather3A_2715, %bitcast_convert_type3A_2944 : vector<16xf32>
          %add3A_2948 = arith.addf %add3A_2929, %mul3A_2947 : vector<16xf32>
          %get3A_2949 = arith.constant 2 : i32
          %get3A_2950 = arith.index_cast %rem3A_1948 : i32 to index
          %get3A_2951 = arith.index_cast %get3A_2949 : i32 to index
          %get3A_2952 = arith.index_cast %add3A_2722 : i32 to index
          %get3A_2953 = arith.constant 32 : index
          %get3A_2954 = tpu.vector_load %arg8[%get3A_2950, %get3A_2951, %get3A_2952, %get3A_2953] {strides = array<i32>} : memref<4x4x96x48xi32, #tpu.memory_space<vmem>>, vector<1x1x1x16xi32>,
          %get3A_2955 = vector.shape_cast %get3A_2954 : vector<1x1x1x16xi32> to vector<16xi32>
          %shift_left3A_2956 = arith.constant 16 : i32
          %shift_left3A_2957 = vector.broadcast %shift_left3A_2956 : i32 to vector<16xi32>
          %shift_left3A_2958 = arith.shli %get3A_2955, %shift_left3A_2957 : vector<16xi32>
          %bitcast_convert_type3A_2959 = tpu.bitcast %shift_left3A_2958 : vector<16xi32> -> vector<16xf32>
          %and3A_2960 = arith.constant -65536 : i32
          %and3A_2961 = vector.broadcast %and3A_2960 : i32 to vector<16xi32>
          %and3A_2962 = arith.andi %get3A_2955, %and3A_2961 : vector<16xi32>
          %bitcast_convert_type3A_2963 = tpu.bitcast %and3A_2962 : vector<16xi32> -> vector<16xf32>
          %mul3A_2964 = arith.mulf %gather3A_2718, %bitcast_convert_type3A_2959 : vector<16xf32>
          %add3A_2965 = arith.addf %add3A_2946, %mul3A_2964 : vector<16xf32>
          %mul3A_2966 = arith.mulf %gather3A_2718, %bitcast_convert_type3A_2963 : vector<16xf32>
          %add3A_2967 = arith.addf %add3A_2948, %mul3A_2966 : vector<16xf32>
          %get3A_2968 = arith.constant 3 : i32
          %get3A_2969 = arith.index_cast %rem3A_1948 : i32 to index
          %get3A_2970 = arith.index_cast %get3A_2968 : i32 to index
          %get3A_2971 = arith.index_cast %add3A_2722 : i32 to index
          %get3A_2972 = arith.constant 32 : index
          %get3A_2973 = tpu.vector_load %arg8[%get3A_2969, %get3A_2970, %get3A_2971, %get3A_2972] {strides = array<i32>} : memref<4x4x96x48xi32, #tpu.memory_space<vmem>>, vector<1x1x1x16xi32>,
          %get3A_2974 = vector.shape_cast %get3A_2973 : vector<1x1x1x16xi32> to vector<16xi32>
          %shift_left3A_2975 = arith.constant 16 : i32
          %shift_left3A_2976 = vector.broadcast %shift_left3A_2975 : i32 to vector<16xi32>
          %shift_left3A_2977 = arith.shli %get3A_2974, %shift_left3A_2976 : vector<16xi32>
          %bitcast_convert_type3A_2978 = tpu.bitcast %shift_left3A_2977 : vector<16xi32> -> vector<16xf32>
          %and3A_2979 = arith.constant -65536 : i32
          %and3A_2980 = vector.broadcast %and3A_2979 : i32 to vector<16xi32>
          %and3A_2981 = arith.andi %get3A_2974, %and3A_2980 : vector<16xi32>
          %bitcast_convert_type3A_2982 = tpu.bitcast %and3A_2981 : vector<16xi32> -> vector<16xf32>
          %mul3A_2983 = arith.mulf %gather3A_2721, %bitcast_convert_type3A_2978 : vector<16xf32>
          %add3A_2984 = arith.addf %add3A_2965, %mul3A_2983 : vector<16xf32>
          %mul3A_2985 = arith.mulf %gather3A_2721, %bitcast_convert_type3A_2982 : vector<16xf32>
          %add3A_2986 = arith.addf %add3A_2967, %mul3A_2985 : vector<16xf32>
          %swap3A_2987 = arith.index_cast %rem3A_2055 : i32 to index
          %swap3A_2988 = arith.index_cast %add3A_2722 : i32 to index
          %swap3A_2989 = arith.constant 32 : index
          %swap3A_2990 = tpu.vector_load %arg9[%swap3A_2987, %swap3A_2988, %swap3A_2989] {strides = array<i32>} : memref<2x96x96xf32, #tpu.memory_space<vmem>>, vector<1x1x16xf32>,
          %swap3A_2991 = vector.shape_cast %swap3A_2990 : vector<1x1x16xf32> to vector<16xf32>
          %swap3A_2992 = vector.shape_cast %add3A_2984 : vector<16xf32> to vector<1x1x16xf32>
          tpu.vector_store %arg9[%swap3A_2987, %swap3A_2988, %swap3A_2989], %swap3A_2992 {strides = array<i32>} : memref<2x96x96xf32, #tpu.memory_space<vmem>>, vector<1x1x16xf32>,
          %swap3A_2993 = arith.index_cast %rem3A_2055 : i32 to index
          %swap3A_2994 = arith.index_cast %add3A_2722 : i32 to index
          %swap3A_2995 = arith.constant 80 : index
          %swap3A_2996 = tpu.vector_load %arg9[%swap3A_2993, %swap3A_2994, %swap3A_2995] {strides = array<i32>} : memref<2x96x96xf32, #tpu.memory_space<vmem>>, vector<1x1x16xf32>,
          %swap3A_2997 = vector.shape_cast %swap3A_2996 : vector<1x1x16xf32> to vector<16xf32>
          %swap3A_2998 = vector.shape_cast %add3A_2986 : vector<16xf32> to vector<1x1x16xf32>
          tpu.vector_store %arg9[%swap3A_2993, %swap3A_2994, %swap3A_2995], %swap3A_2998 {strides = array<i32>} : memref<2x96x96xf32, #tpu.memory_space<vmem>>, vector<1x1x16xf32>,
          %scan3A_2999 = arith.constant 0 : i32
          %scan3A_3000 = arith.constant 3 : i32
          %scan3A_3001 = arith.addi %scan3A_2126, %scan3A_3000 : i32
          %broadcast_in_dim3A_3002 = vector.broadcast %scan3A_3001 : i32 to vector<16xi32>
          %reshape3A_3003 = vector.shape_cast %broadcast_in_dim3A_3002 : vector<16xi32> to vector<16x1xi32>
          %gather3A_3004 = vector.shape_cast %reshape3A_3003 : vector<16x1xi32> to vector<16xi32>
          %gather3A_3005 = tpu.dynamic_gather %get3A_2099[%gather3A_3004] in [0] : vector<16xf32>, vector<16xi32> -> vector<16xf32>
          %reshape3A_3006 = vector.shape_cast %broadcast_in_dim3A_3002 : vector<16xi32> to vector<16x1xi32>
          %gather3A_3007 = vector.shape_cast %reshape3A_3006 : vector<16x1xi32> to vector<16xi32>
          %gather3A_3008 = tpu.dynamic_gather %get3A_2105[%gather3A_3007] in [0] : vector<16xf32>, vector<16xi32> -> vector<16xf32>
          %reshape3A_3009 = vector.shape_cast %broadcast_in_dim3A_3002 : vector<16xi32> to vector<16x1xi32>
          %gather3A_3010 = vector.shape_cast %reshape3A_3009 : vector<16x1xi32> to vector<16xi32>
          %gather3A_3011 = tpu.dynamic_gather %get3A_2111[%gather3A_3010] in [0] : vector<16xf32>, vector<16xi32> -> vector<16xf32>
          %reshape3A_3012 = vector.shape_cast %broadcast_in_dim3A_3002 : vector<16xi32> to vector<16x1xi32>
          %gather3A_3013 = vector.shape_cast %reshape3A_3012 : vector<16x1xi32> to vector<16xi32>
          %gather3A_3014 = tpu.dynamic_gather %get3A_2117[%gather3A_3013] in [0] : vector<16xf32>, vector<16xi32> -> vector<16xf32>
          %add3A_3015 = arith.addi %mul3A_2093, %scan3A_3001 : i32
          %broadcast_in_dim3A_3016 = arith.constant 0.000000e+00 : f32
          %broadcast_in_dim3A_3017 = vector.broadcast %broadcast_in_dim3A_3016 : f32 to vector<16xf32>
          %broadcast_in_dim3A_3018 = arith.constant 0.000000e+00 : f32
          %broadcast_in_dim3A_3019 = vector.broadcast %broadcast_in_dim3A_3018 : f32 to vector<16xf32>
          %get3A_3020 = arith.constant 0 : i32
          %get3A_3021 = arith.index_cast %rem3A_1948 : i32 to index
          %get3A_3022 = arith.index_cast %get3A_3020 : i32 to index
          %get3A_3023 = arith.index_cast %add3A_3015 : i32 to index
          %get3A_3024 = arith.constant 0 : index
          %get3A_3025 = tpu.vector_load %arg8[%get3A_3021, %get3A_3022, %get3A_3023, %get3A_3024] {strides = array<i32>} : memref<4x4x96x48xi32, #tpu.memory_space<vmem>>, vector<1x1x1x16xi32>,
          %get3A_3026 = vector.shape_cast %get3A_3025 : vector<1x1x1x16xi32> to vector<16xi32>
          %shift_left3A_3027 = arith.constant 16 : i32
          %shift_left3A_3028 = vector.broadcast %shift_left3A_3027 : i32 to vector<16xi32>
          %shift_left3A_3029 = arith.shli %get3A_3026, %shift_left3A_3028 : vector<16xi32>
          %bitcast_convert_type3A_3030 = tpu.bitcast %shift_left3A_3029 : vector<16xi32> -> vector<16xf32>
          %and3A_3031 = arith.constant -65536 : i32
          %and3A_3032 = vector.broadcast %and3A_3031 : i32 to vector<16xi32>
          %and3A_3033 = arith.andi %get3A_3026, %and3A_3032 : vector<16xi32>
          %bitcast_convert_type3A_3034 = tpu.bitcast %and3A_3033 : vector<16xi32> -> vector<16xf32>
          %mul3A_3035 = arith.mulf %gather3A_3005, %bitcast_convert_type3A_3030 : vector<16xf32>
          %add3A_3036 = arith.addf %broadcast_in_dim3A_3017, %mul3A_3035 : vector<16xf32>
          %mul3A_3037 = arith.mulf %gather3A_3005, %bitcast_convert_type3A_3034 : vector<16xf32>
          %add3A_3038 = arith.addf %broadcast_in_dim3A_3019, %mul3A_3037 : vector<16xf32>
          %get3A_3039 = arith.constant 1 : i32
          %get3A_3040 = arith.index_cast %rem3A_1948 : i32 to index
          %get3A_3041 = arith.index_cast %get3A_3039 : i32 to index
          %get3A_3042 = arith.index_cast %add3A_3015 : i32 to index
          %get3A_3043 = arith.constant 0 : index
          %get3A_3044 = tpu.vector_load %arg8[%get3A_3040, %get3A_3041, %get3A_3042, %get3A_3043] {strides = array<i32>} : memref<4x4x96x48xi32, #tpu.memory_space<vmem>>, vector<1x1x1x16xi32>,
          %get3A_3045 = vector.shape_cast %get3A_3044 : vector<1x1x1x16xi32> to vector<16xi32>
          %shift_left3A_3046 = arith.constant 16 : i32
          %shift_left3A_3047 = vector.broadcast %shift_left3A_3046 : i32 to vector<16xi32>
          %shift_left3A_3048 = arith.shli %get3A_3045, %shift_left3A_3047 : vector<16xi32>
          %bitcast_convert_type3A_3049 = tpu.bitcast %shift_left3A_3048 : vector<16xi32> -> vector<16xf32>
          %and3A_3050 = arith.constant -65536 : i32
          %and3A_3051 = vector.broadcast %and3A_3050 : i32 to vector<16xi32>
          %and3A_3052 = arith.andi %get3A_3045, %and3A_3051 : vector<16xi32>
          %bitcast_convert_type3A_3053 = tpu.bitcast %and3A_3052 : vector<16xi32> -> vector<16xf32>
          %mul3A_3054 = arith.mulf %gather3A_3008, %bitcast_convert_type3A_3049 : vector<16xf32>
          %add3A_3055 = arith.addf %add3A_3036, %mul3A_3054 : vector<16xf32>
          %mul3A_3056 = arith.mulf %gather3A_3008, %bitcast_convert_type3A_3053 : vector<16xf32>
          %add3A_3057 = arith.addf %add3A_3038, %mul3A_3056 : vector<16xf32>
          %get3A_3058 = arith.constant 2 : i32
          %get3A_3059 = arith.index_cast %rem3A_1948 : i32 to index
          %get3A_3060 = arith.index_cast %get3A_3058 : i32 to index
          %get3A_3061 = arith.index_cast %add3A_3015 : i32 to index
          %get3A_3062 = arith.constant 0 : index
          %get3A_3063 = tpu.vector_load %arg8[%get3A_3059, %get3A_3060, %get3A_3061, %get3A_3062] {strides = array<i32>} : memref<4x4x96x48xi32, #tpu.memory_space<vmem>>, vector<1x1x1x16xi32>,
          %get3A_3064 = vector.shape_cast %get3A_3063 : vector<1x1x1x16xi32> to vector<16xi32>
          %shift_left3A_3065 = arith.constant 16 : i32
          %shift_left3A_3066 = vector.broadcast %shift_left3A_3065 : i32 to vector<16xi32>
          %shift_left3A_3067 = arith.shli %get3A_3064, %shift_left3A_3066 : vector<16xi32>
          %bitcast_convert_type3A_3068 = tpu.bitcast %shift_left3A_3067 : vector<16xi32> -> vector<16xf32>
          %and3A_3069 = arith.constant -65536 : i32
          %and3A_3070 = vector.broadcast %and3A_3069 : i32 to vector<16xi32>
          %and3A_3071 = arith.andi %get3A_3064, %and3A_3070 : vector<16xi32>
          %bitcast_convert_type3A_3072 = tpu.bitcast %and3A_3071 : vector<16xi32> -> vector<16xf32>
          %mul3A_3073 = arith.mulf %gather3A_3011, %bitcast_convert_type3A_3068 : vector<16xf32>
          %add3A_3074 = arith.addf %add3A_3055, %mul3A_3073 : vector<16xf32>
          %mul3A_3075 = arith.mulf %gather3A_3011, %bitcast_convert_type3A_3072 : vector<16xf32>
          %add3A_3076 = arith.addf %add3A_3057, %mul3A_3075 : vector<16xf32>
          %get3A_3077 = arith.constant 3 : i32
          %get3A_3078 = arith.index_cast %rem3A_1948 : i32 to index
          %get3A_3079 = arith.index_cast %get3A_3077 : i32 to index
          %get3A_3080 = arith.index_cast %add3A_3015 : i32 to index
          %get3A_3081 = arith.constant 0 : index
          %get3A_3082 = tpu.vector_load %arg8[%get3A_3078, %get3A_3079, %get3A_3080, %get3A_3081] {strides = array<i32>} : memref<4x4x96x48xi32, #tpu.memory_space<vmem>>, vector<1x1x1x16xi32>,
          %get3A_3083 = vector.shape_cast %get3A_3082 : vector<1x1x1x16xi32> to vector<16xi32>
          %shift_left3A_3084 = arith.constant 16 : i32
          %shift_left3A_3085 = vector.broadcast %shift_left3A_3084 : i32 to vector<16xi32>
          %shift_left3A_3086 = arith.shli %get3A_3083, %shift_left3A_3085 : vector<16xi32>
          %bitcast_convert_type3A_3087 = tpu.bitcast %shift_left3A_3086 : vector<16xi32> -> vector<16xf32>
          %and3A_3088 = arith.constant -65536 : i32
          %and3A_3089 = vector.broadcast %and3A_3088 : i32 to vector<16xi32>
          %and3A_3090 = arith.andi %get3A_3083, %and3A_3089 : vector<16xi32>
          %bitcast_convert_type3A_3091 = tpu.bitcast %and3A_3090 : vector<16xi32> -> vector<16xf32>
          %mul3A_3092 = arith.mulf %gather3A_3014, %bitcast_convert_type3A_3087 : vector<16xf32>
          %add3A_3093 = arith.addf %add3A_3074, %mul3A_3092 : vector<16xf32>
          %mul3A_3094 = arith.mulf %gather3A_3014, %bitcast_convert_type3A_3091 : vector<16xf32>
          %add3A_3095 = arith.addf %add3A_3076, %mul3A_3094 : vector<16xf32>
          %swap3A_3096 = arith.index_cast %rem3A_2055 : i32 to index
          %swap3A_3097 = arith.index_cast %add3A_3015 : i32 to index
          %swap3A_3098 = arith.constant 0 : index
          %swap3A_3099 = tpu.vector_load %arg9[%swap3A_3096, %swap3A_3097, %swap3A_3098] {strides = array<i32>} : memref<2x96x96xf32, #tpu.memory_space<vmem>>, vector<1x1x16xf32>,
          %swap3A_3100 = vector.shape_cast %swap3A_3099 : vector<1x1x16xf32> to vector<16xf32>
          %swap3A_3101 = vector.shape_cast %add3A_3093 : vector<16xf32> to vector<1x1x16xf32>
          tpu.vector_store %arg9[%swap3A_3096, %swap3A_3097, %swap3A_3098], %swap3A_3101 {strides = array<i32>} : memref<2x96x96xf32, #tpu.memory_space<vmem>>, vector<1x1x16xf32>,
          %swap3A_3102 = arith.index_cast %rem3A_2055 : i32 to index
          %swap3A_3103 = arith.index_cast %add3A_3015 : i32 to index
          %swap3A_3104 = arith.constant 48 : index
          %swap3A_3105 = tpu.vector_load %arg9[%swap3A_3102, %swap3A_3103, %swap3A_3104] {strides = array<i32>} : memref<2x96x96xf32, #tpu.memory_space<vmem>>, vector<1x1x16xf32>,
          %swap3A_3106 = vector.shape_cast %swap3A_3105 : vector<1x1x16xf32> to vector<16xf32>
          %swap3A_3107 = vector.shape_cast %add3A_3095 : vector<16xf32> to vector<1x1x16xf32>
          tpu.vector_store %arg9[%swap3A_3102, %swap3A_3103, %swap3A_3104], %swap3A_3107 {strides = array<i32>} : memref<2x96x96xf32, #tpu.memory_space<vmem>>, vector<1x1x16xf32>,
          %broadcast_in_dim3A_3108 = arith.constant 0.000000e+00 : f32
          %broadcast_in_dim3A_3109 = vector.broadcast %broadcast_in_dim3A_3108 : f32 to vector<16xf32>
          %broadcast_in_dim3A_3110 = arith.constant 0.000000e+00 : f32
          %broadcast_in_dim3A_3111 = vector.broadcast %broadcast_in_dim3A_3110 : f32 to vector<16xf32>
          %get3A_3112 = arith.constant 0 : i32
          %get3A_3113 = arith.index_cast %rem3A_1948 : i32 to index
          %get3A_3114 = arith.index_cast %get3A_3112 : i32 to index
          %get3A_3115 = arith.index_cast %add3A_3015 : i32 to index
          %get3A_3116 = arith.constant 16 : index
          %get3A_3117 = tpu.vector_load %arg8[%get3A_3113, %get3A_3114, %get3A_3115, %get3A_3116] {strides = array<i32>} : memref<4x4x96x48xi32, #tpu.memory_space<vmem>>, vector<1x1x1x16xi32>,
          %get3A_3118 = vector.shape_cast %get3A_3117 : vector<1x1x1x16xi32> to vector<16xi32>
          %shift_left3A_3119 = arith.constant 16 : i32
          %shift_left3A_3120 = vector.broadcast %shift_left3A_3119 : i32 to vector<16xi32>
          %shift_left3A_3121 = arith.shli %get3A_3118, %shift_left3A_3120 : vector<16xi32>
          %bitcast_convert_type3A_3122 = tpu.bitcast %shift_left3A_3121 : vector<16xi32> -> vector<16xf32>
          %and3A_3123 = arith.constant -65536 : i32
          %and3A_3124 = vector.broadcast %and3A_3123 : i32 to vector<16xi32>
          %and3A_3125 = arith.andi %get3A_3118, %and3A_3124 : vector<16xi32>
          %bitcast_convert_type3A_3126 = tpu.bitcast %and3A_3125 : vector<16xi32> -> vector<16xf32>
          %mul3A_3127 = arith.mulf %gather3A_3005, %bitcast_convert_type3A_3122 : vector<16xf32>
          %add3A_3128 = arith.addf %broadcast_in_dim3A_3109, %mul3A_3127 : vector<16xf32>
          %mul3A_3129 = arith.mulf %gather3A_3005, %bitcast_convert_type3A_3126 : vector<16xf32>
          %add3A_3130 = arith.addf %broadcast_in_dim3A_3111, %mul3A_3129 : vector<16xf32>
          %get3A_3131 = arith.constant 1 : i32
          %get3A_3132 = arith.index_cast %rem3A_1948 : i32 to index
          %get3A_3133 = arith.index_cast %get3A_3131 : i32 to index
          %get3A_3134 = arith.index_cast %add3A_3015 : i32 to index
          %get3A_3135 = arith.constant 16 : index
          %get3A_3136 = tpu.vector_load %arg8[%get3A_3132, %get3A_3133, %get3A_3134, %get3A_3135] {strides = array<i32>} : memref<4x4x96x48xi32, #tpu.memory_space<vmem>>, vector<1x1x1x16xi32>,
          %get3A_3137 = vector.shape_cast %get3A_3136 : vector<1x1x1x16xi32> to vector<16xi32>
          %shift_left3A_3138 = arith.constant 16 : i32
          %shift_left3A_3139 = vector.broadcast %shift_left3A_3138 : i32 to vector<16xi32>
          %shift_left3A_3140 = arith.shli %get3A_3137, %shift_left3A_3139 : vector<16xi32>
          %bitcast_convert_type3A_3141 = tpu.bitcast %shift_left3A_3140 : vector<16xi32> -> vector<16xf32>
          %and3A_3142 = arith.constant -65536 : i32
          %and3A_3143 = vector.broadcast %and3A_3142 : i32 to vector<16xi32>
          %and3A_3144 = arith.andi %get3A_3137, %and3A_3143 : vector<16xi32>
          %bitcast_convert_type3A_3145 = tpu.bitcast %and3A_3144 : vector<16xi32> -> vector<16xf32>
          %mul3A_3146 = arith.mulf %gather3A_3008, %bitcast_convert_type3A_3141 : vector<16xf32>
          %add3A_3147 = arith.addf %add3A_3128, %mul3A_3146 : vector<16xf32>
          %mul3A_3148 = arith.mulf %gather3A_3008, %bitcast_convert_type3A_3145 : vector<16xf32>
          %add3A_3149 = arith.addf %add3A_3130, %mul3A_3148 : vector<16xf32>
          %get3A_3150 = arith.constant 2 : i32
          %get3A_3151 = arith.index_cast %rem3A_1948 : i32 to index
          %get3A_3152 = arith.index_cast %get3A_3150 : i32 to index
          %get3A_3153 = arith.index_cast %add3A_3015 : i32 to index
          %get3A_3154 = arith.constant 16 : index
          %get3A_3155 = tpu.vector_load %arg8[%get3A_3151, %get3A_3152, %get3A_3153, %get3A_3154] {strides = array<i32>} : memref<4x4x96x48xi32, #tpu.memory_space<vmem>>, vector<1x1x1x16xi32>,
          %get3A_3156 = vector.shape_cast %get3A_3155 : vector<1x1x1x16xi32> to vector<16xi32>
          %shift_left3A_3157 = arith.constant 16 : i32
          %shift_left3A_3158 = vector.broadcast %shift_left3A_3157 : i32 to vector<16xi32>
          %shift_left3A_3159 = arith.shli %get3A_3156, %shift_left3A_3158 : vector<16xi32>
          %bitcast_convert_type3A_3160 = tpu.bitcast %shift_left3A_3159 : vector<16xi32> -> vector<16xf32>
          %and3A_3161 = arith.constant -65536 : i32
          %and3A_3162 = vector.broadcast %and3A_3161 : i32 to vector<16xi32>
          %and3A_3163 = arith.andi %get3A_3156, %and3A_3162 : vector<16xi32>
          %bitcast_convert_type3A_3164 = tpu.bitcast %and3A_3163 : vector<16xi32> -> vector<16xf32>
          %mul3A_3165 = arith.mulf %gather3A_3011, %bitcast_convert_type3A_3160 : vector<16xf32>
          %add3A_3166 = arith.addf %add3A_3147, %mul3A_3165 : vector<16xf32>
          %mul3A_3167 = arith.mulf %gather3A_3011, %bitcast_convert_type3A_3164 : vector<16xf32>
          %add3A_3168 = arith.addf %add3A_3149, %mul3A_3167 : vector<16xf32>
          %get3A_3169 = arith.constant 3 : i32
          %get3A_3170 = arith.index_cast %rem3A_1948 : i32 to index
          %get3A_3171 = arith.index_cast %get3A_3169 : i32 to index
          %get3A_3172 = arith.index_cast %add3A_3015 : i32 to index
          %get3A_3173 = arith.constant 16 : index
          %get3A_3174 = tpu.vector_load %arg8[%get3A_3170, %get3A_3171, %get3A_3172, %get3A_3173] {strides = array<i32>} : memref<4x4x96x48xi32, #tpu.memory_space<vmem>>, vector<1x1x1x16xi32>,
          %get3A_3175 = vector.shape_cast %get3A_3174 : vector<1x1x1x16xi32> to vector<16xi32>
          %shift_left3A_3176 = arith.constant 16 : i32
          %shift_left3A_3177 = vector.broadcast %shift_left3A_3176 : i32 to vector<16xi32>
          %shift_left3A_3178 = arith.shli %get3A_3175, %shift_left3A_3177 : vector<16xi32>
          %bitcast_convert_type3A_3179 = tpu.bitcast %shift_left3A_3178 : vector<16xi32> -> vector<16xf32>
          %and3A_3180 = arith.constant -65536 : i32
          %and3A_3181 = vector.broadcast %and3A_3180 : i32 to vector<16xi32>
          %and3A_3182 = arith.andi %get3A_3175, %and3A_3181 : vector<16xi32>
          %bitcast_convert_type3A_3183 = tpu.bitcast %and3A_3182 : vector<16xi32> -> vector<16xf32>
          %mul3A_3184 = arith.mulf %gather3A_3014, %bitcast_convert_type3A_3179 : vector<16xf32>
          %add3A_3185 = arith.addf %add3A_3166, %mul3A_3184 : vector<16xf32>
          %mul3A_3186 = arith.mulf %gather3A_3014, %bitcast_convert_type3A_3183 : vector<16xf32>
          %add3A_3187 = arith.addf %add3A_3168, %mul3A_3186 : vector<16xf32>
          %swap3A_3188 = arith.index_cast %rem3A_2055 : i32 to index
          %swap3A_3189 = arith.index_cast %add3A_3015 : i32 to index
          %swap3A_3190 = arith.constant 16 : index
          %swap3A_3191 = tpu.vector_load %arg9[%swap3A_3188, %swap3A_3189, %swap3A_3190] {strides = array<i32>} : memref<2x96x96xf32, #tpu.memory_space<vmem>>, vector<1x1x16xf32>,
          %swap3A_3192 = vector.shape_cast %swap3A_3191 : vector<1x1x16xf32> to vector<16xf32>
          %swap3A_3193 = vector.shape_cast %add3A_3185 : vector<16xf32> to vector<1x1x16xf32>
          tpu.vector_store %arg9[%swap3A_3188, %swap3A_3189, %swap3A_3190], %swap3A_3193 {strides = array<i32>} : memref<2x96x96xf32, #tpu.memory_space<vmem>>, vector<1x1x16xf32>,
          %swap3A_3194 = arith.index_cast %rem3A_2055 : i32 to index
          %swap3A_3195 = arith.index_cast %add3A_3015 : i32 to index
          %swap3A_3196 = arith.constant 64 : index
          %swap3A_3197 = tpu.vector_load %arg9[%swap3A_3194, %swap3A_3195, %swap3A_3196] {strides = array<i32>} : memref<2x96x96xf32, #tpu.memory_space<vmem>>, vector<1x1x16xf32>,
          %swap3A_3198 = vector.shape_cast %swap3A_3197 : vector<1x1x16xf32> to vector<16xf32>
          %swap3A_3199 = vector.shape_cast %add3A_3187 : vector<16xf32> to vector<1x1x16xf32>
          tpu.vector_store %arg9[%swap3A_3194, %swap3A_3195, %swap3A_3196], %swap3A_3199 {strides = array<i32>} : memref<2x96x96xf32, #tpu.memory_space<vmem>>, vector<1x1x16xf32>,
          %broadcast_in_dim3A_3200 = arith.constant 0.000000e+00 : f32
          %broadcast_in_dim3A_3201 = vector.broadcast %broadcast_in_dim3A_3200 : f32 to vector<16xf32>
          %broadcast_in_dim3A_3202 = arith.constant 0.000000e+00 : f32
          %broadcast_in_dim3A_3203 = vector.broadcast %broadcast_in_dim3A_3202 : f32 to vector<16xf32>
          %get3A_3204 = arith.constant 0 : i32
          %get3A_3205 = arith.index_cast %rem3A_1948 : i32 to index
          %get3A_3206 = arith.index_cast %get3A_3204 : i32 to index
          %get3A_3207 = arith.index_cast %add3A_3015 : i32 to index
          %get3A_3208 = arith.constant 32 : index
          %get3A_3209 = tpu.vector_load %arg8[%get3A_3205, %get3A_3206, %get3A_3207, %get3A_3208] {strides = array<i32>} : memref<4x4x96x48xi32, #tpu.memory_space<vmem>>, vector<1x1x1x16xi32>,
          %get3A_3210 = vector.shape_cast %get3A_3209 : vector<1x1x1x16xi32> to vector<16xi32>
          %shift_left3A_3211 = arith.constant 16 : i32
          %shift_left3A_3212 = vector.broadcast %shift_left3A_3211 : i32 to vector<16xi32>
          %shift_left3A_3213 = arith.shli %get3A_3210, %shift_left3A_3212 : vector<16xi32>
          %bitcast_convert_type3A_3214 = tpu.bitcast %shift_left3A_3213 : vector<16xi32> -> vector<16xf32>
          %and3A_3215 = arith.constant -65536 : i32
          %and3A_3216 = vector.broadcast %and3A_3215 : i32 to vector<16xi32>
          %and3A_3217 = arith.andi %get3A_3210, %and3A_3216 : vector<16xi32>
          %bitcast_convert_type3A_3218 = tpu.bitcast %and3A_3217 : vector<16xi32> -> vector<16xf32>
          %mul3A_3219 = arith.mulf %gather3A_3005, %bitcast_convert_type3A_3214 : vector<16xf32>
          %add3A_3220 = arith.addf %broadcast_in_dim3A_3201, %mul3A_3219 : vector<16xf32>
          %mul3A_3221 = arith.mulf %gather3A_3005, %bitcast_convert_type3A_3218 : vector<16xf32>
          %add3A_3222 = arith.addf %broadcast_in_dim3A_3203, %mul3A_3221 : vector<16xf32>
          %get3A_3223 = arith.constant 1 : i32
          %get3A_3224 = arith.index_cast %rem3A_1948 : i32 to index
          %get3A_3225 = arith.index_cast %get3A_3223 : i32 to index
          %get3A_3226 = arith.index_cast %add3A_3015 : i32 to index
          %get3A_3227 = arith.constant 32 : index
          %get3A_3228 = tpu.vector_load %arg8[%get3A_3224, %get3A_3225, %get3A_3226, %get3A_3227] {strides = array<i32>} : memref<4x4x96x48xi32, #tpu.memory_space<vmem>>, vector<1x1x1x16xi32>,
          %get3A_3229 = vector.shape_cast %get3A_3228 : vector<1x1x1x16xi32> to vector<16xi32>
          %shift_left3A_3230 = arith.constant 16 : i32
          %shift_left3A_3231 = vector.broadcast %shift_left3A_3230 : i32 to vector<16xi32>
          %shift_left3A_3232 = arith.shli %get3A_3229, %shift_left3A_3231 : vector<16xi32>
          %bitcast_convert_type3A_3233 = tpu.bitcast %shift_left3A_3232 : vector<16xi32> -> vector<16xf32>
          %and3A_3234 = arith.constant -65536 : i32
          %and3A_3235 = vector.broadcast %and3A_3234 : i32 to vector<16xi32>
          %and3A_3236 = arith.andi %get3A_3229, %and3A_3235 : vector<16xi32>
          %bitcast_convert_type3A_3237 = tpu.bitcast %and3A_3236 : vector<16xi32> -> vector<16xf32>
          %mul3A_3238 = arith.mulf %gather3A_3008, %bitcast_convert_type3A_3233 : vector<16xf32>
          %add3A_3239 = arith.addf %add3A_3220, %mul3A_3238 : vector<16xf32>
          %mul3A_3240 = arith.mulf %gather3A_3008, %bitcast_convert_type3A_3237 : vector<16xf32>
          %add3A_3241 = arith.addf %add3A_3222, %mul3A_3240 : vector<16xf32>
          %get3A_3242 = arith.constant 2 : i32
          %get3A_3243 = arith.index_cast %rem3A_1948 : i32 to index
          %get3A_3244 = arith.index_cast %get3A_3242 : i32 to index
          %get3A_3245 = arith.index_cast %add3A_3015 : i32 to index
          %get3A_3246 = arith.constant 32 : index
          %get3A_3247 = tpu.vector_load %arg8[%get3A_3243, %get3A_3244, %get3A_3245, %get3A_3246] {strides = array<i32>} : memref<4x4x96x48xi32, #tpu.memory_space<vmem>>, vector<1x1x1x16xi32>,
          %get3A_3248 = vector.shape_cast %get3A_3247 : vector<1x1x1x16xi32> to vector<16xi32>
          %shift_left3A_3249 = arith.constant 16 : i32
          %shift_left3A_3250 = vector.broadcast %shift_left3A_3249 : i32 to vector<16xi32>
          %shift_left3A_3251 = arith.shli %get3A_3248, %shift_left3A_3250 : vector<16xi32>
          %bitcast_convert_type3A_3252 = tpu.bitcast %shift_left3A_3251 : vector<16xi32> -> vector<16xf32>
          %and3A_3253 = arith.constant -65536 : i32
          %and3A_3254 = vector.broadcast %and3A_3253 : i32 to vector<16xi32>
          %and3A_3255 = arith.andi %get3A_3248, %and3A_3254 : vector<16xi32>
          %bitcast_convert_type3A_3256 = tpu.bitcast %and3A_3255 : vector<16xi32> -> vector<16xf32>
          %mul3A_3257 = arith.mulf %gather3A_3011, %bitcast_convert_type3A_3252 : vector<16xf32>
          %add3A_3258 = arith.addf %add3A_3239, %mul3A_3257 : vector<16xf32>
          %mul3A_3259 = arith.mulf %gather3A_3011, %bitcast_convert_type3A_3256 : vector<16xf32>
          %add3A_3260 = arith.addf %add3A_3241, %mul3A_3259 : vector<16xf32>
          %get3A_3261 = arith.constant 3 : i32
          %get3A_3262 = arith.index_cast %rem3A_1948 : i32 to index
          %get3A_3263 = arith.index_cast %get3A_3261 : i32 to index
          %get3A_3264 = arith.index_cast %add3A_3015 : i32 to index
          %get3A_3265 = arith.constant 32 : index
          %get3A_3266 = tpu.vector_load %arg8[%get3A_3262, %get3A_3263, %get3A_3264, %get3A_3265] {strides = array<i32>} : memref<4x4x96x48xi32, #tpu.memory_space<vmem>>, vector<1x1x1x16xi32>,
          %get3A_3267 = vector.shape_cast %get3A_3266 : vector<1x1x1x16xi32> to vector<16xi32>
          %shift_left3A_3268 = arith.constant 16 : i32
          %shift_left3A_3269 = vector.broadcast %shift_left3A_3268 : i32 to vector<16xi32>
          %shift_left3A_3270 = arith.shli %get3A_3267, %shift_left3A_3269 : vector<16xi32>
          %bitcast_convert_type3A_3271 = tpu.bitcast %shift_left3A_3270 : vector<16xi32> -> vector<16xf32>
          %and3A_3272 = arith.constant -65536 : i32
          %and3A_3273 = vector.broadcast %and3A_3272 : i32 to vector<16xi32>
          %and3A_3274 = arith.andi %get3A_3267, %and3A_3273 : vector<16xi32>
          %bitcast_convert_type3A_3275 = tpu.bitcast %and3A_3274 : vector<16xi32> -> vector<16xf32>
          %mul3A_3276 = arith.mulf %gather3A_3014, %bitcast_convert_type3A_3271 : vector<16xf32>
          %add3A_3277 = arith.addf %add3A_3258, %mul3A_3276 : vector<16xf32>
          %mul3A_3278 = arith.mulf %gather3A_3014, %bitcast_convert_type3A_3275 : vector<16xf32>
          %add3A_3279 = arith.addf %add3A_3260, %mul3A_3278 : vector<16xf32>
          %swap3A_3280 = arith.index_cast %rem3A_2055 : i32 to index
          %swap3A_3281 = arith.index_cast %add3A_3015 : i32 to index
          %swap3A_3282 = arith.constant 32 : index
          %swap3A_3283 = tpu.vector_load %arg9[%swap3A_3280, %swap3A_3281, %swap3A_3282] {strides = array<i32>} : memref<2x96x96xf32, #tpu.memory_space<vmem>>, vector<1x1x16xf32>,
          %swap3A_3284 = vector.shape_cast %swap3A_3283 : vector<1x1x16xf32> to vector<16xf32>
          %swap3A_3285 = vector.shape_cast %add3A_3277 : vector<16xf32> to vector<1x1x16xf32>
          tpu.vector_store %arg9[%swap3A_3280, %swap3A_3281, %swap3A_3282], %swap3A_3285 {strides = array<i32>} : memref<2x96x96xf32, #tpu.memory_space<vmem>>, vector<1x1x16xf32>,
          %swap3A_3286 = arith.index_cast %rem3A_2055 : i32 to index
          %swap3A_3287 = arith.index_cast %add3A_3015 : i32 to index
          %swap3A_3288 = arith.constant 80 : index
          %swap3A_3289 = tpu.vector_load %arg9[%swap3A_3286, %swap3A_3287, %swap3A_3288] {strides = array<i32>} : memref<2x96x96xf32, #tpu.memory_space<vmem>>, vector<1x1x16xf32>,
          %swap3A_3290 = vector.shape_cast %swap3A_3289 : vector<1x1x16xf32> to vector<16xf32>
          %swap3A_3291 = vector.shape_cast %add3A_3279 : vector<16xf32> to vector<1x1x16xf32>
          tpu.vector_store %arg9[%swap3A_3286, %swap3A_3287, %swap3A_3288], %swap3A_3291 {strides = array<i32>} : memref<2x96x96xf32, #tpu.memory_space<vmem>>, vector<1x1x16xf32>,
          %scan3A_3292 = arith.constant 0 : i32
          scf.yield %scan3A_3292 : i32
        }
        %scan3A_2124 = arith.constant 16 : i32
        %scan3A_2125 = arith.constant 0 : i32
        scf.yield %scan3A_2125 : i32
      }
      %scan3A_2062 = arith.constant 6 : i32
      %ge3A = arith.constant 1 : i32
      %ge3A_2063 = arith.cmpi sge, %scan3A_1945, %ge3A : i32
      %convert_element_type3A_2064 = arith.extui %ge3A_2063 : i1 to i32
      %cond3A_2065 = arith.constant 0 : i32
      %cond3A_2066 = arith.cmpi ne, %convert_element_type3A_2064, %cond3A_2065 : i32
      scf.if %cond3A_2066 {
        %sub3A_2090 = arith.constant 1 : i32
        %sub3A_2091 = arith.subi %scan3A_1945, %sub3A_2090 : i32
        %jit3A_2092 = arith.constant 4 : i32
        %div3A_2093 = arith.divsi %sub3A_2091, %jit3A_2092 : i32
        %sign3A_2094 = arith.constant 0 : i32
        %sign3A_2095 = arith.cmpi sgt, %sub3A_2091, %sign3A_2094 : i32
        %sign3A_2096 = arith.extui %sign3A_2095 : i1 to i32
        %sign3A_2097 = arith.constant 0 : i32
        %sign3A_2098 = arith.cmpi slt, %sub3A_2091, %sign3A_2097 : i32
        %sign3A_2099 = arith.extui %sign3A_2098 : i1 to i32
        %sign3A_2100 = arith.subi %sign3A_2096, %sign3A_2099 : i32
        %sign3A_2101 = arith.constant 0 : i32
        %sign3A_2102 = arith.cmpi sgt, %jit3A_2092, %sign3A_2101 : i32
        %sign3A_2103 = arith.extui %sign3A_2102 : i1 to i32
        %sign3A_2104 = arith.constant 0 : i32
        %sign3A_2105 = arith.cmpi slt, %jit3A_2092, %sign3A_2104 : i32
        %sign3A_2106 = arith.extui %sign3A_2105 : i1 to i32
        %sign3A_2107 = arith.subi %sign3A_2103, %sign3A_2106 : i32
        %ne3A_2108 = arith.cmpi ne, %sign3A_2100, %sign3A_2107 : i32
        %rem3A_2109 = arith.remsi %sub3A_2091, %jit3A_2092 : i32
        %ne3A_2110 = arith.constant 0 : i32
        %ne3A_2111 = arith.cmpi ne, %rem3A_2109, %ne3A_2110 : i32
        %and3A_2112 = arith.andi %ne3A_2108, %ne3A_2111 : i1
        %sub3A_2113 = arith.constant 1 : i32
        %sub3A_2114 = arith.subi %div3A_2093, %sub3A_2113 : i32
        %select_n3A_2115 = arith.select %and3A_2112, %sub3A_2114, %div3A_2093 : i32
        %sub3A_2116 = arith.constant 1 : i32
        %sub3A_2117 = arith.subi %scan3A_1945, %sub3A_2116 : i32
        %rem3A_2118 = arith.constant 4 : i32
        %rem3A_2119 = arith.remsi %sub3A_2117, %rem3A_2118 : i32
        %sub3A_2120 = arith.constant 1 : i32
        %sub3A_2121 = arith.subi %scan3A_1945, %sub3A_2120 : i32
        %rem3A_2122 = arith.constant 2 : i32
        %rem3A_2123 = arith.remsi %sub3A_2121, %rem3A_2122 : i32
        %add3A_2124 = arith.addi %mul3A_20, %select_n3A_2115 : i32
        %mul3A_2125 = arith.constant 384 : i32
        %mul3A_2126 = arith.muli %add3A_2124, %mul3A_2125 : i32
        %add3A_2127 = arith.addi %mul3A_22, %mul3A_2126 : i32
        %mul3A_2128 = arith.constant 96 : i32
        %mul3A_2129 = arith.muli %rem3A_2119, %mul3A_2128 : i32
        %add3A_2130 = arith.addi %add3A_2127, %mul3A_2129 : i32
        %multiple_of3A_2131 = tpu.assume_multiple %add3A_2130, 96 : i32
        %dma_wait3A_2132 = arith.constant 0 : i32
        %dma_wait3A_2133 = arith.constant 0 : i32
        %dma_wait3A_2134 = tpu.memref_slice %arg9[%rem3A_2123, %dma_wait3A_2132, %dma_wait3A_2133] : memref<2x96x96xf32, #tpu.memory_space<vmem>> -> memref<1x96x96xf32, #tpu.memory_space<vmem>>
        %dma_wait3A_2135 = tpu.memref_squeeze %dma_wait3A_2134 : memref<1x96x96xf32, #tpu.memory_space<vmem>> -> memref<96x96xf32, #tpu.memory_space<vmem>>
        %dma_wait3A_2136 = arith.constant 0 : i32
        %dma_wait3A_2137 = tpu.memref_slice %arg4[%multiple_of3A_2131, %dma_wait3A_2136] : memref<589824x96xf32, #tpu.memory_space<hbm>> -> memref<96x96xf32, #tpu.memory_space<hbm>>
        %dma_wait3A_2138 = arith.constant 0 : i32
        %dma_wait3A_2139 = tpu.memref_slice %arg4[%multiple_of3A_2131, %dma_wait3A_2138] : memref<589824x96xf32, #tpu.memory_space<hbm>> -> memref<96x96xf32, #tpu.memory_space<hbm>>
        %dma_wait3A_2140 = arith.constant 0 : i32
        %dma_wait3A_2141 = arith.constant 0 : i32
        %dma_wait3A_2142 = tpu.memref_slice %arg9[%rem3A_2123, %dma_wait3A_2140, %dma_wait3A_2141] : memref<2x96x96xf32, #tpu.memory_space<vmem>> -> memref<1x96x96xf32, #tpu.memory_space<vmem>>
        %dma_wait3A_2143 = tpu.memref_squeeze %dma_wait3A_2142 : memref<1x96x96xf32, #tpu.memory_space<vmem>> -> memref<96x96xf32, #tpu.memory_space<vmem>>
        tpu.wait_dma2 semaphore(%arg11 : memref<!tpu.dma_semaphore, #tpu.memory_space<semaphore_mem>>) src(%dma_wait3A_2143 : memref<96x96xf32, #tpu.memory_space<vmem>>) dst(%dma_wait3A_2139 : memref<96x96xf32, #tpu.memory_space<hbm>>)
      } else {
      }
      %rem3A_2067 = arith.constant 2 : i32
      %rem3A_2068 = arith.remsi %scan3A_1945, %rem3A_2067 : i32
      %add3A_2069 = arith.addi %mul3A_20, %select_n3A_2000 : i32
      %mul3A_2070 = arith.constant 384 : i32
      %mul3A_2071 = arith.muli %add3A_2069, %mul3A_2070 : i32
      %add3A_2072 = arith.addi %mul3A_22, %mul3A_2071 : i32
      %mul3A_2073 = arith.constant 96 : i32
      %mul3A_2074 = arith.muli %rem3A_2002, %mul3A_2073 : i32
      %add3A_2075 = arith.addi %add3A_2072, %mul3A_2074 : i32
      %multiple_of3A_2076 = tpu.assume_multiple %add3A_2075, 96 : i32
      %dma_start3A_2077 = arith.constant 0 : i32
      %dma_start3A_2078 = arith.constant 0 : i32
      %dma_start3A_2079 = tpu.memref_slice %arg9[%rem3A_2068, %dma_start3A_2077, %dma_start3A_2078] : memref<2x96x96xf32, #tpu.memory_space<vmem>> -> memref<1x96x96xf32, #tpu.memory_space<vmem>>
      %dma_start3A_2080 = tpu.memref_squeeze %dma_start3A_2079 : memref<1x96x96xf32, #tpu.memory_space<vmem>> -> memref<96x96xf32, #tpu.memory_space<vmem>>
      %dma_start3A_2081 = arith.constant 0 : i32
      %dma_start3A_2082 = tpu.memref_slice %arg4[%multiple_of3A_2076, %dma_start3A_2081] : memref<589824x96xf32, #tpu.memory_space<hbm>> -> memref<96x96xf32, #tpu.memory_space<hbm>>
      %dma_start3A_2083 = arith.constant 0 : i32
      %dma_start3A_2084 = tpu.memref_slice %arg4[%multiple_of3A_2076, %dma_start3A_2083] : memref<589824x96xf32, #tpu.memory_space<hbm>> -> memref<96x96xf32, #tpu.memory_space<hbm>>
      %dma_start3A_2085 = arith.constant 0 : i32
      %dma_start3A_2086 = arith.constant 0 : i32
      %dma_start3A_2087 = tpu.memref_slice %arg9[%rem3A_2068, %dma_start3A_2085, %dma_start3A_2086] : memref<2x96x96xf32, #tpu.memory_space<vmem>> -> memref<1x96x96xf32, #tpu.memory_space<vmem>>
      %dma_start3A_2088 = tpu.memref_squeeze %dma_start3A_2087 : memref<1x96x96xf32, #tpu.memory_space<vmem>> -> memref<96x96xf32, #tpu.memory_space<vmem>>
      tpu.enqueue_dma source(%dma_start3A_2088 : memref<96x96xf32, #tpu.memory_space<vmem>>) target(%dma_start3A_2084 : memref<96x96xf32, #tpu.memory_space<hbm>>) target_semaphore(%arg11 : memref<!tpu.dma_semaphore, #tpu.memory_space<semaphore_mem>>)
      %scan3A_2089 = arith.constant 0 : i32
      scf.yield %scan3A_2089 : i32
    }
    %scan3A_1922 = arith.constant 192 : i32
    %add3A_1923 = arith.constant 47 : i32
    %add3A_1924 = arith.addi %mul3A_20, %add3A_1923 : i32
    %mul3A_1925 = arith.constant 384 : i32
    %mul3A_1926 = arith.muli %add3A_1924, %mul3A_1925 : i32
    %add3A_1927 = arith.addi %mul3A_22, %mul3A_1926 : i32
    %mul3A_1928 = arith.constant 3 : i32
    %mul3A_1929 = arith.constant 96 : i32
    %mul3A_1930 = arith.muli %mul3A_1928, %mul3A_1929 : i32
    %add3A_1931 = arith.addi %add3A_1927, %mul3A_1930 : i32
    %multiple_of3A_1932 = tpu.assume_multiple %add3A_1931, 96 : i32
    %dma_wait3A = arith.constant 1 : i32
    %dma_wait3A_1933 = arith.constant 0 : i32
    %dma_wait3A_1934 = arith.constant 0 : i32
    %dma_wait3A_1935 = tpu.memref_slice %arg9[%dma_wait3A, %dma_wait3A_1933, %dma_wait3A_1934] : memref<2x96x96xf32, #tpu.memory_space<vmem>> -> memref<1x96x96xf32, #tpu.memory_space<vmem>>
    %dma_wait3A_1936 = tpu.memref_squeeze %dma_wait3A_1935 : memref<1x96x96xf32, #tpu.memory_space<vmem>> -> memref<96x96xf32, #tpu.memory_space<vmem>>
    %dma_wait3A_1937 = arith.constant 0 : i32
    %dma_wait3A_1938 = tpu.memref_slice %arg4[%multiple_of3A_1932, %dma_wait3A_1937] : memref<589824x96xf32, #tpu.memory_space<hbm>> -> memref<96x96xf32, #tpu.memory_space<hbm>>
    %dma_wait3A_1939 = arith.constant 0 : i32
    %dma_wait3A_1940 = tpu.memref_slice %arg4[%multiple_of3A_1932, %dma_wait3A_1939] : memref<589824x96xf32, #tpu.memory_space<hbm>> -> memref<96x96xf32, #tpu.memory_space<hbm>>
    %dma_wait3A_1941 = arith.constant 0 : i32
    %dma_wait3A_1942 = arith.constant 0 : i32
    %dma_wait3A_1943 = tpu.memref_slice %arg9[%dma_wait3A, %dma_wait3A_1941, %dma_wait3A_1942] : memref<2x96x96xf32, #tpu.memory_space<vmem>> -> memref<1x96x96xf32, #tpu.memory_space<vmem>>
    %dma_wait3A_1944 = tpu.memref_squeeze %dma_wait3A_1943 : memref<1x96x96xf32, #tpu.memory_space<vmem>> -> memref<96x96xf32, #tpu.memory_space<vmem>>
    tpu.wait_dma2 semaphore(%arg11 : memref<!tpu.dma_semaphore, #tpu.memory_space<semaphore_mem>>) src(%dma_wait3A_1944 : memref<96x96xf32, #tpu.memory_space<vmem>>) dst(%dma_wait3A_1940 : memref<96x96xf32, #tpu.memory_space<hbm>>)
    return
  }
}

</mosaic_0001>

<sc_bundles>
// kernel: kernel.3.cloned.1.call-start
scs
__scs_entry_jumppad:
0x0: {  	(pc) =	sbr.rel $0x88, $3  }
0x1: {  	(tag) =	ssettag $0x0;
	lr =	simm.s32 $0x1  }
0x2: {  	[smem:$0x3F9F] =	sst lr;
	_ =	strace $0xD0000000  }
0x3: {  	_ = 	snop  }
0x4: {  	_ = 	snop  }
0x5: {  	_ = 	snop  }
0x6: {  	_ = 	snop  }
0x7: {  	_ = 	snop  }
__scs_overlays_trampoline_lowered:
0x8: {  	[smem:$0x3FAE] =	sst s0  }
0x9: {  	[smem:$0x3FAF] =	sst s1  }
0xa: {  	[smem:$0x3FB0] =	sst s2  }
0xb: {  	[smem:$0x3FB1] =	sst s3  }
0xc: {  	[smem:$0x3FB2] =	sst s4  }
0xd: {  	[smem:$0x3FB3] =	sst s5  }
0xe: {  	[smem:$0x3FB4] =	sst s6  }
0xf: {  	[smem:$0x3FB5] =	sst s7  }
0x10: {  	[smem:$0x3FB6] =	sst s8  }
0x11: {  	[smem:$0x3FB7] =	sst s9;
	s0 =	simm.s32 @!p0 $0x0  }
0x12: {  	s1 =	sld [smem:$0x3F9D];
	s0 =	simm.s32 @p0 $0x1  }
0x13: {  	[smem:$0x3FB8] =	sst s0;
	s0 =	simm.s32 @!p1 $0x0  }
0x14: {  	s2 =	sld [smem:$0x3F9C];
	s0 =	simm.s32 @p1 $0x1  }
0x15: {  	[smem:$0x3FB9] =	sst s0;
	s0 =	simm.s32 @!p2 $0x0  }
0x16: {  	s3 =	sld [smem:$0x3FDB];
	s0 =	simm.s32 @p2 $0x1  }
0x17: {  	s4 =	simm.s32 $0x1BF5;
	[smem:$0x3FBB] =	sst s0  }
0x18: {  	s0 =	sld [smem:$0x3F9E];
	_ =	swait.ge [sflag:s4], $0x0  }
0x19: {  	s7 =	sld [smem:$0x3F9F]  }
0x1a: {  	s8 =	sadd.s32 $0xFFFFE003, lr  }
0x1b: {  	s9 =	sadd.s32 $0xFFFFFEF7, lr;
	s5 =	simm.s32 $0xFFFFFFFF;
	p2 =	slt.u32 s8, $0xFFFFF086  }
0x1c: {  	p1 =	slt.u32 s9, $0xF7A;
	s5 =	simm.s32 @!p2 $0x0  }
0x1d: {  	s5 =	simm.s32 @p1 $0x1;
	p0 =	seq.s32 s7, s2  }
0x1e: {  	s7 =	smul.u32 @!p0 $0xF7A, s2;
	p2 =	seq.s32 @!p0 s5, $0x0  }
0x1f: {  	s9 =	smul.u32 $0xF7A, s1;
	s8 =	simm.s32 @!p0 $0x1BF5;
	p2 =	por !p2, p0  }
0x20: {  	[sflag:s8] =	ssyncset.s32 @!p0 $0xFFFFF086;
	s6 =	sadd.s32 @!p0 s3, s7;
	s7 =	simm.s32 @!p0 $0x108  }
0x21: {  	s3 =	sadd.s32 s3, s9;
	s6 =	sadd.s32 @!p0 $0x88, s6;
	s7 =	simm.s32 @p2 $0x1082  }
0x22: {  	[simem:s7], [sflag:s8] =	dma.local @!p0 [hbm:s6], $0xF7A  }
0x23: {  	s9 =	sor.u32 $0xD0000000, s2;
	s6 =	simm.s32 $0x108;
	_ =	swait.ge @!p0 [sflag:s8], $0x0  }
0x24: {  	s3 =	sadd.s32 $0x88, s3;
	s6 =	simm.s32 @!p1 $0x1082;
	[sflag:s4] =	ssyncset.s32 $0xFFFFF086  }
0x25: {  	[simem:s6], [sflag:s4] =	dma.local [hbm:s3], $0xF7A  }
0x26: {  	[smem:$0x3F9F] =	sst s1;
	(tag) =	ssettag s2;
	_ =	strace s9  }
0x27: {  	s1 =	sld [smem:$0x3FAF]  }
0x28: {  	s2 =	sld [smem:$0x3FB0]  }
0x29: {  	s4 =	sld [smem:$0x3FB2]  }
0x2a: {  	p0 =	seq.s32 s5, $0x0;
	s5 =	sld [smem:$0x3FB3]  }
0x2b: {  	s6 =	sld [smem:$0x3FB4]  }
0x2c: {  	s7 =	sld [smem:$0x3FB5]  }
0x2d: {  	s3 =	simm.s32 $0x108;
	s8 =	sld [smem:$0x3FB6]  }
0x2e: {  	s3 =	simm.s32 @!p0 $0x1082;
	s9 =	sld [smem:$0x3FB7]  }
0x2f: {  	lr =	sadd.s32 s0, s3;
	s0 =	sld [smem:$0x3FAE]  }
0x30: {  	s3 =	sld [smem:$0x3FB1]  }
0x31: {  	[smem:$0x3FBA] =	sst s10  }
0x32: {  	s10 =	sld [smem:$0x3FB8];
	_ =	sdelay $0x3  }
0x33: {  	p0 =	seq.s32 s10, $0x1;
	s10 =	sld [smem:$0x3FBA];
	_ =	sdelay $0x3  }
0x34: {  	[smem:$0x3FBA] =	sst s10  }
0x35: {  	s10 =	sld [smem:$0x3FB9];
	_ =	sdelay $0x3  }
0x36: {  	p1 =	seq.s32 s10, $0x1;
	s10 =	sld [smem:$0x3FBA];
	_ =	sdelay $0x3  }
0x37: {  	[smem:$0x3FBA] =	sst s10  }
0x38: {  	s10 =	sld [smem:$0x3FBB]  }
0x39: {  	_ = 	snop;
	(pc) =	sbr.ind lr, $3  }
0x3a: {  	_ = 	snop  }
0x3b: {  	_ = 	snop  }
0x3c: {  	p2 =	seq.s32 s10, $0x1;
	s10 =	sld [smem:$0x3FBA]  }
0x3d: {  	_ =	shalt  }
0x3e: {  	_ =	shalt  }
0x3f: {  	_ =	shalt  }
0x40: {  	_ =	shalt  }
0x41: {  	_ =	shalt  }
0x42: {  	_ =	shalt  }
0x43: {  	_ =	shalt  }
0x44: {  	_ =	shalt  }
0x45: {  	_ =	shalt  }
0x46: {  	_ =	shalt  }
0x47: {  	_ =	shalt  }
0x48: {  	_ =	shalt  }
0x49: {  	_ =	shalt  }
0x4a: {  	_ =	shalt  }
0x4b: {  	_ =	shalt  }
0x4c: {  	_ =	shalt  }
0x4d: {  	_ =	shalt  }
0x4e: {  	_ =	shalt  }
0x4f: {  	_ =	shalt  }
0x50: {  	_ =	shalt  }
0x51: {  	_ =	shalt  }
0x52: {  	_ =	shalt  }
0x53: {  	_ =	shalt  }
0x54: {  	_ =	shalt  }
0x55: {  	_ =	shalt  }
0x56: {  	_ =	shalt  }
0x57: {  	_ =	shalt  }
0x58: {  	_ =	shalt  }
0x59: {  	_ =	shalt  }
0x5a: {  	_ =	shalt  }
0x5b: {  	_ =	shalt  }
0x5c: {  	_ =	shalt  }
0x5d: {  	_ =	shalt  }
0x5e: {  	_ =	shalt  }
0x5f: {  	_ =	shalt  }
0x60: {  	_ =	shalt  }
0x61: {  	_ =	shalt  }
0x62: {  	_ =	shalt  }
0x63: {  	_ =	shalt  }
0x64: {  	_ =	shalt  }
0x65: {  	_ =	shalt  }
0x66: {  	_ =	shalt  }
0x67: {  	_ =	shalt  }
0x68: {  	_ =	shalt  }
0x69: {  	_ =	shalt  }
0x6a: {  	_ =	shalt  }
0x6b: {  	_ =	shalt  }
0x6c: {  	_ =	shalt  }
0x6d: {  	_ =	shalt  }
0x6e: {  	_ =	shalt  }
0x6f: {  	_ =	shalt  }
0x70: {  	_ =	shalt  }
0x71: {  	_ =	shalt  }
0x72: {  	_ =	shalt  }
0x73: {  	_ =	shalt  }
0x74: {  	_ =	shalt  }
0x75: {  	_ =	shalt  }
0x76: {  	_ =	shalt  }
0x77: {  	_ =	shalt  }
0x78: {  	_ =	shalt  }
0x79: {  	_ =	shalt  }
0x7a: {  	_ =	shalt  }
0x7b: {  	_ =	shalt  }
0x7c: {  	_ =	shalt  }
0x7d: {  	_ =	shalt  }
0x7e: {  	_ =	shalt  }
0x7f: {  	_ =	shalt  }
0x80: {  	_ =	shalt  }
0x81: {  	_ =	shalt  }
0x82: {  	_ =	shalt  }
0x83: {  	_ =	shalt  }
0x84: {  	_ =	shalt  }
0x85: {  	_ =	shalt  }
0x86: {  	_ =	shalt  }
0x87: {  	_ =	shalt  }
.Lfunc_end0:
.L_simem_size_0:
called_computation.2_lowered:
.L_overlay_start_0:
0x88: {  	s2 =	sld [smem:$0x3FD9]  }
0x89: {  	s3 =	sld [smem:$0x3FFE];
	_ =	sdelay $0x1  }
0x8a: {  	s1 =	srdreg.scid  }
0x8b: {  	s0 =	sand.u32 $0x1, s1  }
0x8c: {  	s17 =	sshll.u32 s0, $0xA;
	s2 =	sadd.s32 s3, s2  }
0x8d: {  	s2 =	sadd.s32 s2, s17  }
0x8e: {  	[smem:$0x3FC6] =	sst s2  }
0x8f: {  	_ = 	snop  }
0x90: {  	s2 =	sld [smem:$0x3FD0];
	(tm) =	ssettm $0x1  }
0x91: {  	s18 =	sld [smem:$0x3FFB];
	_ =	sdelay $0x3  }
0x92: {  	_ =	strace s18  }
0x93: {  	s3 =	sld [smem:$0x3FFC];
	_ =	sdelay $0x3  }
0x94: {  	_ =	strace s3  }
0x95: {  	s3 =	sld [smem:$0x3FFD];
	_ =	sdelay $0x3  }
0x96: {  	_ =	strace s3  }
0x97: {  	_ =	strace $0x8FFFFFFF  }
0x98: {  	s19 =	sld [smem:$0x3FDB];
	_ =	sdelay $0x1  }
0x99: {  	s4 =	simm.s32 $_scs_section_size  }
0x9a: {  	s5 =	simm.s32 $_size__tile_overlayer_lowered;
	s6 =	simm.s32 $_tile_overlayer_lowered  }
0x9b: {  	s22 =	simm.s32 $0x1BFF;
	s21 =	sshll.u32 s6, $0x1;
	s3 =	sadd.s32 s4, s19  }
0x9c: {  	s7 =	simm.s32 $0x0;
	s20 =	sshll.u32 s5, $0x1;
	s5 =	sadd.s32 s21, s3  }
0x9d: {  	[timem:s7], [sflag:s22] =	dma.local [hbm:s5], s20  }
0x9e: {  	_ =	swait.ge [sflag:s22], s20  }
0x9f: {  	s4 =	ssub.s32 $0x0, s20;
	[sflag:s22] =	ssyncset.done $0x0  }
0xa0: {  	[sflag:s22] =	ssyncadd.s32 s4;
	_ =	sdelay $0x1  }
0xa1: {  	s23 =	simm.s32 $0x1B8B  }
0xa2: {  	_ =	swait.ge [sflag:s23], $0x1  }
0xa3: {  	[sflag:s23] =	ssyncset.done $0x0  }
0xa4: {  	s25 =	simm.s32 $0x1B8E;
	s24 =	sld [smem:$0x3FFE];
	[sflag:s23] =	ssyncadd.s32 $0xFFFFFFFF  }
0xa5: {  	s26 =	simm.s32 $execute0_lowered;
	[smem:$0x3FD2] =	sst s25  }
0xa6: {  	s5 =	sshll.u32 s26, $0x1;
	_ =	strace $0x80000049;
	[dreg:$0x1] =	wrdreg $0xFFFFFFFF  }
0xa7: {  	s28 =	simm.s32 $_size_execute0_lowered;
	s3 =	sadd.s32 s3, s5;
	[dreg:$0x0] =	wrdreg $0x0  }
0xa8: {  	s5 =	sshll.u32 s28, $0x1;
	[dreg:$0x2] =	wrdreg s3  }
0xa9: {  	[dreg:$0x3] =	wrdreg s5  }
0xaa: {  	[dreg:$0x4] =	wrdreg $0xC0  }
0xab: {  	_ =	task [dreg:s7], $0x5FFFF  }
0xac: {  	[dreg:$0x1] =	wrdreg $0xFFFFFFFF  }
0xad: {  	[dreg:$0x0] =	wrdreg $0x60  }
0xae: {  	[dreg:$0x2] =	wrdreg s24  }
0xaf: {  	[dreg:$0x3] =	wrdreg s2  }
0xb0: {  	[dreg:$0x4] =	wrdreg $0x9  }
0xb1: {  	_ =	task.clear_ibuf [dreg:s7], $0x5FFFF;
	_ =	strace $0x90000049  }
0xb2: {  	s29 =	simm.s32 $0x9;
	_ =	strace $0x8000004B  }
0xb3: {  	_ =	swait.ge [sflag:s29], $0x1  }
0xb4: {  	[sflag:s29] =	ssyncadd.s32 $0xFFFFFFFF  }
0xb5: {  	_ =	strace $0x9000004B  }
0xb6: {  	_ =	sfence  }
0xb7: {  	s30 =	sld [smem:$0x0];
	_ =	sdelay $0x2  }
0xb8: {  	s31 =	sshll.u32 s1, $0xD;
	s1 =	sshrl.u32 s1, $0x2  }
0xb9: {  	s3 =	sand.u32 $0x4000, s31;
	s1 =	sadd.s32 s1, s30  }
0xba: {  	s0 =	sor.u32 s3, s0;
	s1 =	sshll.u32 s1, $0x11  }
0xbb: {  	s0 =	sor.u32 s1, s0  }
0xbc: {  	s0 =	sadd.s32 $0x8F2B, s0  }
0xbd: {  	[sflag:s0] =	ssyncadd.remote.s32 $0x1  }
0xbe: {  	_ =	sfence.sel $0xFFFF  }
0xbf: {  	[dreg:$0x0] =	wrdreg $0xFFFFFFFF;
	(pc) =	sbr.abs _section_cstart, $3  }
0xc0: {  	[dreg:$0x1] =	wrdreg $0xFFFFFFFF  }
0xc1: {  	_ =	task.clear_ibuf [dreg:s7], $0x2FFFF;
	_ =	strace $0x9FFFFFFF  }
0xc2: {  	(tm) =	ssettm $0x7FFFFFFF  }
0xc3: {  	_ =	shalt  }
tec
execute0_lowered:
.L_overlay_start_1:
0x0: {  	(tag) =	ssettag $0x1  }
0x1: {  	v0 =	vimm.f32 $1.500000000e+01;
	vm14 =	vcmask $0x300  }
0x2: {  	vm13 =	vcmask $0x704;
	vm12 =	vcmask $0xB08;
	vm11 =	vcmask $0xF0C  }
0x3: {  	vm10 =	vcmask $0x1310;
	vm9 =	vcmask $0x1714;
	vm4 =	vcmask $0x1B18  }
0x4: {  	vm0 =	vcmask $0x1F1C;
	v3 =	vimm.f32 $3.100000000e+01;
	v4 =	vimm.f32 $4.700000000e+01  }
0x5: {  	vm1 =	vcmask $0x2320;
	vm2 =	vcmask $0x2724;
	vm3 =	vcmask $0x2B28  }
0x6: {  	vm5 =	vcmask $0x2F2C;
	vm6 =	vcmask $0x3330;
	vm7 =	vcmask $0x3734  }
0x7: {  	vm8 =	vcmask $0x3B38;
	v5 =	vimm.f32 $6.300000000e+01;
	v6 =	vimm.f32 $7.900000000e+01  }
0x8: {  	v7 =	vimm.f32 $9.500000000e+01;
	v8 =	vimm.f32 $1.110000000e+02;
	v9 =	vimm.f32 $1.270000000e+02  }
0x9: {  	v10 =	vimm.f32 $1.430000000e+02;
	v11 =	vimm.f32 $1.590000000e+02;
	v12 =	vimm.f32 $1.750000000e+02  }
0xa: {  	v13 =	vimm.f32 $1.910000000e+02;
	v0 =	vsel vm14, $0x0, v0;
	v3 =	vsel vm14, $0x41800000, v3  }
0xb: {  	v4 =	vsel vm14, $0x42000000, v4;
	v5 =	vsel vm14, $0x42400000, v5;
	v6 =	vsel vm14, $0x42800000, v6  }
0xc: {  	v7 =	vsel vm14, $0x42A00000, v7;
	v8 =	vsel vm14, $0x42C00000, v8;
	v9 =	vsel vm14, $0x42E00000, v9  }
0xd: {  	v10 =	vsel vm14, $0x43000000, v10;
	v11 =	vsel vm14, $0x43100000, v11;
	v12 =	vsel vm14, $0x43200000, v12  }
0xe: {  	v13 =	vsel vm14, $0x43300000, v13;
	v0 =	vsel vm13, $0x3F800000, v0;
	v3 =	vsel vm13, $0x41880000, v3  }
0xf: {  	v4 =	vsel vm13, $0x42040000, v4;
	v5 =	vsel vm13, $0x42440000, v5;
	v6 =	vsel vm13, $0x42820000, v6  }
0x10: {  	v7 =	vsel vm13, $0x42A20000, v7;
	v8 =	vsel vm13, $0x42C20000, v8;
	v9 =	vsel vm13, $0x42E20000, v9  }
0x11: {  	v10 =	vsel vm13, $0x43010000, v10;
	v11 =	vsel vm13, $0x43110000, v11;
	v12 =	vsel vm13, $0x43210000, v12  }
0x12: {  	s2 =	stileid.u32;
	v13 =	vsel vm13, $0x43310000, v13;
	v0 =	vsel vm12, $0x40000000, v0;
	v3 =	vsel vm12, $0x41900000, v3  }
0x13: {  	s3 =	sshrl.u32 s2, $0x2;
	v4 =	vsel vm12, $0x42080000, v4;
	v5 =	vsel vm12, $0x42480000, v5;
	v6 =	vsel vm12, $0x42840000, v6  }
0x14: {  	s1 =	sshll.u32 s2, $0x1;
	s2 =	smul.u32 $0x24000, s3;
	v7 =	vsel vm12, $0x42A40000, v7;
	v8 =	vsel vm12, $0x42C40000, v8;
	v9 =	vsel vm12, $0x42E40000, v9  }
0x15: {  	v10 =	vsel vm12, $0x43020000, v10;
	v11 =	vsel vm12, $0x43120000, v11;
	v12 =	vsel vm12, $0x43220000, v12  }
0x16: {  	v13 =	vsel vm12, $0x43320000, v13;
	v0 =	vsel vm11, $0x40400000, v0;
	v1 =	vmov s2  }
0x17: {  	v3 =	vsel vm11, $0x41980000, v3;
	v4 =	vsel vm11, $0x420C0000, v4;
	v5 =	vsel vm11, $0x424C0000, v5  }
0x18: {  	v6 =	vsel vm11, $0x42860000, v6;
	v7 =	vsel vm11, $0x42A60000, v7;
	v8 =	vsel vm11, $0x42C60000, v8  }
0x19: {  	v9 =	vsel vm11, $0x42E60000, v9;
	v10 =	vsel vm11, $0x43030000, v10;
	v11 =	vsel vm11, $0x43130000, v11  }
0x1a: {  	v12 =	vsel vm11, $0x43230000, v12;
	v13 =	vsel vm11, $0x43330000, v13;
	v0 =	vsel vm10, $0x40800000, v0  }
0x1b: {  	v3 =	vsel vm10, $0x41A00000, v3;
	v4 =	vsel vm10, $0x42100000, v4;
	v5 =	vsel vm10, $0x42500000, v5  }
0x1c: {  	v6 =	vsel vm10, $0x42880000, v6;
	v7 =	vsel vm10, $0x42A80000, v7;
	v8 =	vsel vm10, $0x42C80000, v8  }
0x1d: {  	v9 =	vsel vm10, $0x42E80000, v9;
	v10 =	vsel vm10, $0x43040000, v10;
	v11 =	vsel vm10, $0x43140000, v11  }
0x1e: {  	v12 =	vsel vm10, $0x43240000, v12;
	v13 =	vsel vm10, $0x43340000, v13;
	v2 =	vsel vm9, $0x40A00000, v0  }
0x1f: {  	s0 =	srdreg.scid;
	v3 =	vsel vm9, $0x41A80000, v3;
	v4 =	vsel vm9, $0x42140000, v4;
	v5 =	vsel vm9, $0x42540000, v5  }
0x20: {  	s0 =	sand.u32 $0x1, s0;
	s1 =	sand.u32 $0x6, s1;
	v6 =	vsel vm9, $0x428A0000, v6;
	v7 =	vsel vm9, $0x42AA0000, v7;
	v8 =	vsel vm9, $0x42CA0000, v8  }
0x21: {  	s1 =	sor.u32 s0, s1;
	v9 =	vsel vm9, $0x42EA0000, v9;
	v10 =	vsel vm9, $0x43050000, v10;
	v11 =	vsel vm9, $0x43150000, v11  }
0x22: {  	s1 =	smul.u32 $0x30, s1;
	v12 =	vsel vm9, $0x43250000, v12;
	v13 =	vsel vm9, $0x43350000, v13;
	v2 =	vsel vm4, $0x40C00000, v2  }
0x23: {  	v3 =	vsel vm4, $0x41B00000, v3;
	v4 =	vsel vm4, $0x42180000, v4;
	v5 =	vsel vm4, $0x42580000, v5  }
0x24: {  	s4 =	scvt.s32.f32 s1;
	v6 =	vsel vm4, $0x428C0000, v6;
	v7 =	vsel vm4, $0x42AC0000, v7;
	v8 =	vsel vm4, $0x42CC0000, v8  }
0x25: {  	v9 =	vsel vm4, $0x42EC0000, v9;
	v10 =	vsel vm4, $0x43060000, v10;
	v11 =	vsel vm4, $0x43160000, v11  }
0x26: {  	v12 =	vsel vm4, $0x43260000, v12;
	v13 =	vsel vm4, $0x43360000, v13;
	v0 =	vmov s4  }
0x27: {  	v2 =	vsel vm0, $0x40E00000, v2;
	v3 =	vsel vm0, $0x41B80000, v3;
	v4 =	vsel vm0, $0x421C0000, v4  }
0x28: {  	v5 =	vsel vm0, $0x425C0000, v5;
	v6 =	vsel vm0, $0x428E0000, v6;
	v7 =	vsel vm0, $0x42AE0000, v7  }
0x29: {  	v8 =	vsel vm0, $0x42CE0000, v8;
	v9 =	vsel vm0, $0x42EE0000, v9;
	v10 =	vsel vm0, $0x43070000, v10  }
0x2a: {  	v11 =	vsel vm0, $0x43170000, v11;
	v12 =	vsel vm0, $0x43270000, v12;
	v13 =	vsel vm0, $0x43370000, v13  }
0x2b: {  	v2 =	vsel vm1, $0x41000000, v2;
	v3 =	vsel vm1, $0x41C00000, v3;
	v4 =	vsel vm1, $0x42200000, v4  }
0x2c: {  	v5 =	vsel vm1, $0x42600000, v5;
	v6 =	vsel vm1, $0x42900000, v6;
	v7 =	vsel vm1, $0x42B00000, v7  }
0x2d: {  	v8 =	vsel vm1, $0x42D00000, v8;
	v9 =	vsel vm1, $0x42F00000, v9;
	v10 =	vsel vm1, $0x43080000, v10  }
0x2e: {  	v11 =	vsel vm1, $0x43180000, v11;
	v12 =	vsel vm1, $0x43280000, v12;
	v13 =	vsel vm1, $0x43380000, v13  }
0x2f: {  	v2 =	vsel vm2, $0x41100000, v2;
	v3 =	vsel vm2, $0x41C80000, v3;
	v4 =	vsel vm2, $0x42240000, v4  }
0x30: {  	v5 =	vsel vm2, $0x42640000, v5;
	v6 =	vsel vm2, $0x42920000, v6;
	v7 =	vsel vm2, $0x42B20000, v7  }
0x31: {  	v8 =	vsel vm2, $0x42D20000, v8;
	v9 =	vsel vm2, $0x42F20000, v9;
	v10 =	vsel vm2, $0x43090000, v10  }
0x32: {  	v11 =	vsel vm2, $0x43190000, v11;
	v12 =	vsel vm2, $0x43290000, v12;
	v13 =	vsel vm2, $0x43390000, v13  }
0x33: {  	v2 =	vsel vm3, $0x41200000, v2;
	v3 =	vsel vm3, $0x41D00000, v3;
	v4 =	vsel vm3, $0x42280000, v4  }
0x34: {  	v5 =	vsel vm3, $0x42680000, v5;
	v6 =	vsel vm3, $0x42940000, v6;
	v7 =	vsel vm3, $0x42B40000, v7  }
0x35: {  	v8 =	vsel vm3, $0x42D40000, v8;
	v9 =	vsel vm3, $0x42F40000, v9;
	v10 =	vsel vm3, $0x430A0000, v10  }
0x36: {  	v11 =	vsel vm3, $0x431A0000, v11;
	v12 =	vsel vm3, $0x432A0000, v12;
	v13 =	vsel vm3, $0x433A0000, v13  }
0x37: {  	v2 =	vsel vm5, $0x41300000, v2;
	v3 =	vsel vm5, $0x41D80000, v3;
	v4 =	vsel vm5, $0x422C0000, v4  }
0x38: {  	v5 =	vsel vm5, $0x426C0000, v5;
	v6 =	vsel vm5, $0x42960000, v6;
	v7 =	vsel vm5, $0x42B60000, v7  }
0x39: {  	v8 =	vsel vm5, $0x42D60000, v8;
	v9 =	vsel vm5, $0x42F60000, v9;
	v10 =	vsel vm5, $0x430B0000, v10  }
0x3a: {  	v11 =	vsel vm5, $0x431B0000, v11;
	v12 =	vsel vm5, $0x432B0000, v12;
	v13 =	vsel vm5, $0x433B0000, v13  }
0x3b: {  	v2 =	vsel vm6, $0x41400000, v2;
	v3 =	vsel vm6, $0x41E00000, v3;
	v4 =	vsel vm6, $0x42300000, v4  }
0x3c: {  	s9 =	rddreg [dreg:$0x0];
	v5 =	vsel vm6, $0x42700000, v5;
	v6 =	vsel vm6, $0x42980000, v6;
	v7 =	vsel vm6, $0x42B80000, v7  }
0x3d: {  	s5 =	simm.s32 $0x0;
	s15 =	simm.s32 $0x4;
	s17 =	simm.s32 $0x60;
	v8 =	vsel vm6, $0x42D80000, v8;
	v9 =	vsel vm6, $0x42F80000, v9;
	v10 =	vsel vm6, $0x430C0000, v10  }
0x3e: {  	s20 =	simm.s32 $0x1;
	s21 =	simm.s32 $0x2;
	s6 =	smul.u32 $0x300, s3;
	v11 =	vsel vm6, $0x431C0000, v11;
	v12 =	vsel vm6, $0x432C0000, v12;
	v13 =	vsel vm6, $0x433C0000, v13  }
0x3f: {  	s22 =	simm.s32 $0x0;
	[smem:$0x7FF] =	sst s5;
	s8 =	sadd.s32 $0xE00, s9;
	v2 =	vsel vm7, $0x41500000, v2;
	v3 =	vsel vm7, $0x41E80000, v3;
	v4 =	vsel vm7, $0x42340000, v4  }
0x40: {  	s9 =	sadd.s32 $0xC60E00, s9;
	s7 =	sadd.s32 $0x180, s6;
	s3 =	sadd.s32 s6, s1;
	v5 =	vsel vm7, $0x42740000, v5;
	v6 =	vsel vm7, $0x429A0000, v6;
	v7 =	vsel vm7, $0x42BA0000, v7  }
0x41: {  	s10 =	sadd.s32 s7, s1;
	s11 =	sor.u32 $0x1, s1;
	s3 =	smul.u32 $0x30, s3;
	v8 =	vsel vm7, $0x42DA0000, v8;
	v9 =	vsel vm7, $0x42FA0000, v9;
	v10 =	vsel vm7, $0x430D0000, v10  }
0x42: {  	s0 =	ssub.s32 $0x2, s0;
	s12 =	smul.u32 $0x30, s10;
	s29 =	sadd.s32 s6, s11;
	v11 =	vsel vm7, $0x431D0000, v11;
	v12 =	vsel vm7, $0x432D0000, v12;
	v13 =	vsel vm7, $0x433D0000, v13  }
0x43: {  	s31 =	sshrl.u32 s0, $0x1;
	s30 =	sadd.s32 s7, s11;
	s13 =	smul.u32 $0x30, s29;
	v2 =	vsel vm8, $0x41600000, v2;
	v3 =	vsel vm8, $0x41F00000, v3;
	v4 =	vsel vm8, $0x42380000, v4  }
0x44: {  	s0 =	ssub.s32 s0, s31;
	s4 =	rddreg [dreg:$0x1];
	s14 =	smul.u32 $0x30, s30;
	v5 =	vsel vm8, $0x42780000, v5;
	v6 =	vsel vm8, $0x429C0000, v6;
	v7 =	vsel vm8, $0x42BC0000, v7  }
0x45: {  	_ =	strace $0x8000004A;
	s10 =	sadd.s32 s9, s3;
	s11 =	sadd.s32 s9, s12;
	v8 =	vsel vm8, $0x42DC0000, v8;
	v9 =	vsel vm8, $0x42FC0000, v9;
	v10 =	vsel vm8, $0x430E0000, v10  }
0x46: {  	s12 =	sadd.s32 s9, s13;
	s13 =	sadd.s32 s9, s14;
	s14 =	smax.u32 s0, $0x1;
	v11 =	vsel vm8, $0x431E0000, v11;
	v12 =	vsel vm8, $0x432E0000, v12;
	v13 =	vsel vm8, $0x433E0000, v13  }
.LBB2_1:
0x47: {  	[tilespmem:s5], [sflag:$0x4] =	stream.linear.gather [hbm4b:s10+s5], $0x180, $0x38;
	[tilespmem:$0x17A00] =	vst v63  }
0x48: {  	_ =	swait.ge [sflag:s15], $0x180  }
0x49: {  	[sflag:s15] =	ssyncset.done $0x0  }
0x4a: {  	s0 =	simm.s32 $0x180;
	[sflag:s15] =	ssyncadd.s32 $0xFFFFFE80  }
0x4b: {  	[tilespmem:s0], [sflag:$0x4] =	stream.linear.gather [hbm4b:s11+s5], $0x180, $0x38;
	[tilespmem:$0x17A00] =	vst v63  }
0x4c: {  	_ =	swait.ge [sflag:s15], $0x180  }
0x4d: {  	[sflag:s15] =	ssyncset.done $0x0  }
0x4e: {  	[sflag:s15] =	ssyncadd.s32 $0xFFFFFE80  }
0x4f: {  	v14 =	vld [tilespmem:$0x0]  }
0x50: {  	v15 =	vld [tilespmem:$0x180]  }
0x51: {  	v18 =	vld [tilespmem:$0x10]  }
0x52: {  	v19 =	vld [tilespmem:$0x190]  }
0x53: {  	v22 =	vld [tilespmem:$0x20]  }
0x54: {  	v25 =	vld [tilespmem:$0x1A0]  }
0x55: {  	v52 =	vld [tilespmem:$0x30];
	_ =	sdelay $0x1  }
0x56: {  	v14 =	vadd.f32 v14, v0  }
0x57: {  	v15 =	vadd.f32 v2, v15;
	v18 =	vadd.f32 v18, v0  }
0x58: {  	v19 =	vadd.f32 v3, v19;
	v22 =	vadd.f32 v22, v0  }
0x59: {  	v47 =	vadd.f32 v4, v25;
	v25 =	vadd.f32 v52, v0  }
0x5a: {  	v55 =	vld [tilespmem:$0x1B0];
	v14 =	vmax.f32 v14, $0.0e+00;
	v15 =	vmax.f32 v15, $0.0e+00;
	v18 =	vmax.f32 v18, $0.0e+00  }
0x5b: {  	v19 =	vmax.f32 v19, $0.0e+00;
	v14 =	vmin.f32 v14, $3.830000000e+02;
	v15 =	vmin.f32 v15, $3.830000000e+02  }
0x5c: {  	v18 =	vmin.f32 v18, $3.830000000e+02;
	v16 =	vtrunc.f32 v14;
	v17 =	vtrunc.f32 v15  }
0x5d: {  	v22 =	vmax.f32 v22, $0.0e+00;
	v44 =	vtrunc.f32 v18;
	v16 =	vcvt.f32.s32 v16  }
0x5e: {  	v43 =	vmin.f32 v19, $3.830000000e+02;
	v17 =	vcvt.f32.s32 v17;
	v19 =	vcvt.f32.s32 v44  }
0x5f: {  	v63 =	vadd.f32 v5, v55;
	v22 =	vmin.f32 v22, $3.830000000e+02;
	vm0 =	vlt.s32 v16, $0x17E  }
0x60: {  	vm1 =	vlt.s32 v17, $0x17E;
	vm6 =	vlt.s32 v19, $0x17E;
	v16 =	vnsel vm0, $0x17E, v16  }
0x61: {  	v17 =	vnsel vm1, $0x17E, v17;
	v20 =	vcvt.s32.f32 v16;
	v16 =	vmul.u32 $0x180, v16  }
0x62: {  	v46 =	vtrunc.f32 v43;
	v19 =	vnsel vm6, $0x17E, v19;
	v21 =	vcvt.s32.f32 v17  }
0x63: {  	v49 =	vtrunc.f32 v22;
	v29 =	vcvt.s32.f32 v19;
	v16 =	vadd.s32 v1, v16  }
0x64: {  	v37 =	vld [tilespmem:$0x1C0];
	v14 =	vsub.f32 v14, v20;
	v15 =	vsub.f32 v15, v21;
	v16 =	vadd.s32 v17, v16  }
0x65: {  	v21 =	vcvt.f32.s32 v46;
	v18 =	vsub.f32 v18, v29;
	v45 =	vadd.s32 $0x1, v16  }
0x66: {  	v23 =	vsub.f32 $1.000000000e+00, v14;
	v24 =	vsub.f32 $1.000000000e+00, v15;
	v26 =	vadd.s32 $0x180, v16  }
0x67: {  	v27 =	vadd.s32 $0x181, v16;
	vm7 =	vlt.s32 v21, $0x17E;
	v53 =	vsub.f32 $1.000000000e+00, v18  }
0x68: {  	v34 =	vld [tilespmem:$0x40];
	v21 =	vnsel vm7, $0x17E, v21;
	v28 =	vmul.f32 v24, v23;
	v23 =	vmul.f32 v15, v23  }
0x69: {  	[tilespmem:$0x660] =	vst v45;
	v45 =	vadd.f32 v6, v37;
	v24 =	vmul.f32 v24, v14;
	v30 =	vcvt.s32.f32 v21  }
0x6a: {  	v14 =	vmul.f32 v15, v14;
	v15 =	vmul.u32 $0x180, v19;
	v19 =	vmax.f32 v47, $0.0e+00  }
0x6b: {  	[tilespmem:$0x600] =	vst v16;
	v48 =	vmin.f32 v19, $3.830000000e+02;
	v19 =	vcvt.f32.s32 v49;
	v17 =	vsub.f32 v43, v30  }
0x6c: {  	[tilespmem:$0x6C0] =	vst v26;
	v15 =	vadd.s32 v1, v15;
	v51 =	vtrunc.f32 v48;
	v30 =	vmax.f32 v25, $0.0e+00  }
0x6d: {  	[tilespmem:$0xCC0] =	vst v24;
	v24 =	vadd.f32 v34, v0;
	v15 =	vadd.s32 v21, v15;
	v21 =	vcvt.f32.s32 v51  }
0x6e: {  	v52 =	vld [tilespmem:$0x1D0];
	[tilespmem:$0x720] =	vst v27;
	vm8 =	vlt.s32 v19, $0x17E;
	v50 =	vadd.s32 $0x1, v15;
	v54 =	vsub.f32 $1.000000000e+00, v17  }
0x6f: {  	v49 =	vld [tilespmem:$0x50];
	[tilespmem:$0xC00] =	vst v28;
	v56 =	vadd.s32 $0x180, v15;
	v31 =	vadd.s32 $0x181, v15;
	v19 =	vnsel vm8, $0x17E, v19  }
0x70: {  	[tilespmem:$0xD20] =	vst v14;
	v58 =	vmul.f32 v17, v53;
	v14 =	vmul.f32 v17, v18;
	v46 =	vmax.f32 v24, $0.0e+00  }
0x71: {  	[tilespmem:$0xC60] =	vst v23;
	vm9 =	vlt.s32 v21, $0x17E;
	v60 =	vcvt.s32.f32 v19;
	v62 =	vmul.u32 $0x180, v19  }
0x72: {  	[tilespmem:$0x610] =	vst v15;
	v19 =	vmin.f32 v30, $3.830000000e+02;
	v57 =	vmul.f32 v54, v53;
	v59 =	vmul.f32 v54, v18  }
0x73: {  	[tilespmem:$0x670] =	vst v50;
	v21 =	vnsel vm9, $0x17E, v21;
	v18 =	vmax.f32 v63, $0.0e+00;
	v32 =	vtrunc.f32 v19  }
0x74: {  	[tilespmem:$0xC70] =	vst v58;
	v23 =	vadd.f32 v49, v0;
	v58 =	vadd.f32 v7, v52;
	v61 =	vcvt.s32.f32 v21  }
0x75: {  	[tilespmem:$0x6D0] =	vst v56;
	v15 =	vsub.f32 v22, v60;
	v17 =	vadd.s32 v1, v62;
	v18 =	vmin.f32 v18, $3.830000000e+02  }
0x76: {  	[tilespmem:$0x730] =	vst v31;
	v20 =	vcvt.f32.s32 v32;
	v17 =	vadd.s32 v21, v17;
	v33 =	vtrunc.f32 v18  }
0x77: {  	[tilespmem:$0xD30] =	vst v14;
	v60 =	vmax.f32 v23, $0.0e+00;
	v62 =	vmax.f32 v58, $0.0e+00;
	v16 =	vsub.f32 v48, v61  }
0x78: {  	[tilespmem:$0xC10] =	vst v57;
	v21 =	vadd.s32 $0x1, v17;
	v35 =	vsub.f32 $1.000000000e+00, v15;
	v22 =	vcvt.f32.s32 v33  }
0x79: {  	[tilespmem:$0xCD0] =	vst v59;
	v38 =	vadd.s32 $0x180, v17;
	vm10 =	vlt.s32 v20, $0x17E;
	v61 =	vmin.f32 v60, $3.830000000e+02  }
0x7a: {  	v39 =	vadd.s32 $0x181, v17;
	[tilespmem:$0x620] =	vst v17;
	v20 =	vnsel vm10, $0x17E, v20;
	v63 =	vtrunc.f32 v61  }
0x7b: {  	[tilespmem:$0x680] =	vst v21;
	v36 =	vsub.f32 $1.000000000e+00, v16;
	vm11 =	vlt.s32 v22, $0x17E;
	v14 =	vmul.f32 v16, v35  }
0x7c: {  	[tilespmem:$0x6E0] =	vst v38;
	v42 =	vcvt.s32.f32 v20;
	v44 =	vmul.u32 $0x180, v20;
	v20 =	vmax.f32 v45, $0.0e+00  }
0x7d: {  	[tilespmem:$0x740] =	vst v39;
	v22 =	vnsel vm11, $0x17E, v22;
	v40 =	vmul.f32 v36, v35;
	v41 =	vmul.f32 v36, v15  }
0x7e: {  	v20 =	vmin.f32 v20, $3.830000000e+02;
	v43 =	vcvt.s32.f32 v22;
	v15 =	vmul.f32 v16, v15;
	[tilespmem:$0xC80] =	vst v14  }
0x7f: {  	v17 =	vsub.f32 v19, v42;
	v16 =	vadd.s32 v1, v44;
	v19 =	vmin.f32 v46, $3.830000000e+02;
	[tilespmem:$0xC20] =	vst v40  }
0x80: {  	v48 =	vtrunc.f32 v20;
	v16 =	vadd.s32 v22, v16;
	v47 =	vtrunc.f32 v19;
	[tilespmem:$0xCE0] =	vst v41  }
0x81: {  	v22 =	vcvt.f32.s32 v48;
	v18 =	vsub.f32 v18, v43;
	v14 =	vadd.s32 $0x1, v16;
	[tilespmem:$0xD40] =	vst v15  }
0x82: {  	v21 =	vcvt.f32.s32 v47;
	v50 =	vsub.f32 $1.000000000e+00, v17;
	v15 =	vadd.s32 $0x180, v16;
	[tilespmem:$0x630] =	vst v16  }
0x83: {  	v53 =	vadd.s32 $0x181, v16;
	vm13 =	vlt.s32 v22, $0x17E;
	[tilespmem:$0x690] =	vst v14;
	v51 =	vsub.f32 $1.000000000e+00, v18  }
0x84: {  	[tilespmem:$0x6F0] =	vst v15;
	vm12 =	vlt.s32 v21, $0x17E;
	v14 =	vmul.f32 v18, v50;
	v22 =	vnsel vm13, $0x17E, v22  }
0x85: {  	[tilespmem:$0x750] =	vst v53;
	v21 =	vnsel vm12, $0x17E, v21;
	v56 =	vcvt.s32.f32 v22;
	v54 =	vmul.f32 v51, v50  }
0x86: {  	v55 =	vmul.f32 v51, v17;
	v15 =	vcvt.s32.f32 v21;
	v57 =	vmul.u32 $0x180, v21;
	[tilespmem:$0xC90] =	vst v14  }
0x87: {  	v17 =	vmul.f32 v18, v17;
	v59 =	vsub.f32 v20, v56;
	v20 =	vcvt.f32.s32 v63;
	[tilespmem:$0xC30] =	vst v54  }
0x88: {  	v15 =	vsub.f32 v19, v15;
	v14 =	vadd.s32 v1, v57;
	[tilespmem:$0xCF0] =	vst v55;
	v19 =	vmin.f32 v62, $3.830000000e+02  }
0x89: {  	[tilespmem:$0xD50] =	vst v17;
	v14 =	vadd.s32 v22, v14;
	v25 =	vtrunc.f32 v19  }
0x8a: {  	v27 =	vsub.f32 $1.000000000e+00, v59;
	vm14 =	vlt.s32 v20, $0x17E;
	v24 =	vadd.s32 $0x1, v14;
	[tilespmem:$0x640] =	vst v14  }
0x8b: {  	v26 =	vsub.f32 $1.000000000e+00, v15;
	v21 =	vcvt.f32.s32 v25;
	v28 =	vadd.s32 $0x180, v14;
	[tilespmem:$0x6A0] =	vst v24  }
0x8c: {  	v14 =	vadd.s32 $0x181, v14;
	v20 =	vnsel vm14, $0x17E, v20;
	[tilespmem:$0x700] =	vst v28;
	v30 =	vmul.f32 v27, v15  }
0x8d: {  	[tilespmem:$0x760] =	vst v14;
	v31 =	vcvt.s32.f32 v20;
	vm15 =	vlt.s32 v21, $0x17E;
	v14 =	vmul.f32 v59, v26  }
0x8e: {  	v20 =	vmul.u32 $0x180, v20;
	v29 =	vmul.f32 v27, v26;
	v21 =	vnsel vm15, $0x17E, v21;
	[tilespmem:$0xD00] =	vst v30  }
0x8f: {  	v32 =	vcvt.s32.f32 v21;
	[tilespmem:$0xCA0] =	vst v14;
	v14 =	vmul.f32 v59, v15  }
0x90: {  	v34 =	vadd.s32 v1, v20;
	[tilespmem:$0xC40] =	vst v29;
	v15 =	vsub.f32 v61, v31  }
0x91: {  	v33 =	vsub.f32 v19, v32;
	[tilespmem:$0xD60] =	vst v14;
	v14 =	vadd.s32 v21, v34  }
0x92: {  	v18 =	vsub.f32 $1.000000000e+00, v15;
	[tilespmem:$0x650] =	vst v14;
	v17 =	vadd.s32 $0x1, v14  }
0x93: {  	v35 =	vadd.s32 $0x180, v14;
	v14 =	vadd.s32 $0x181, v14;
	v19 =	vsub.f32 $1.000000000e+00, v33;
	[tilespmem:$0x6B0] =	vst v17  }
0x94: {  	[tilespmem:$0x770] =	vst v14;
	v14 =	vmul.f32 v33, v18  }
0x95: {  	[tilespmem:$0x710] =	vst v35;
	v36 =	vmul.f32 v19, v18  }
0x96: {  	v37 =	vmul.f32 v19, v15;
	[tilespmem:$0xCB0] =	vst v14  }
0x97: {  	v14 =	vmul.f32 v33, v15;
	[tilespmem:$0xC50] =	vst v36  }
0x98: {  	[tilespmem:$0xD10] =	vst v37  }
0x99: {  	s26 =	simm.s32 $0x600;
	s3 =	simm.s32 $0x1200;
	[tilespmem:$0xD70] =	vst v14  }
0x9a: {  	[tilespmem:s3], [sflag:$0x1] =	stream.indirect.gather [hbm4b:s8+s17], $0x30, s26, s17, $0xb8;
	[tilespmem:$0x17A00] =	vst v63  }
0x9b: {  	s28 =	simm.s32 $0x660;
	s29 =	simm.s32 $0x2400  }
0x9c: {  	[tilespmem:s29], [sflag:$0x1] =	stream.indirect.gather [hbm4b:s8+s17], $0x30, s28, s17, $0xb8;
	[tilespmem:$0x17A00] =	vst v63  }
0x9d: {  	s30 =	simm.s32 $0x6C0;
	s31 =	simm.s32 $0x3600  }
0x9e: {  	[tilespmem:s31], [sflag:$0x1] =	stream.indirect.gather [hbm4b:s8+s17], $0x30, s30, s17, $0xb8;
	[tilespmem:$0x17A00] =	vst v63  }
0x9f: {  	s16 =	simm.s32 $0x4800;
	s3 =	simm.s32 $0x720  }
0xa0: {  	[tilespmem:s16], [sflag:$0x1] =	stream.indirect.gather [hbm4b:s8+s17], $0x30, s3, s17, $0xb8;
	[tilespmem:$0x17A00] =	vst v63  }
0xa1: {  	s18 =	simm.s32 $0x300  }
0xa2: {  	[tilespmem:s18], [sflag:$0x3] =	stream.linear.gather [hbm4b:s12+s5], $0x180, $0x38;
	[tilespmem:$0x17A00] =	vst v63  }
0xa3: {  	s19 =	simm.s32 $0x480  }
0xa4: {  	[tilespmem:s19], [sflag:$0x3] =	stream.linear.gather [hbm4b:s13+s5], $0x180, $0x38;
	[tilespmem:$0x17A00] =	vst v63  }
0xa5: {  	v14 =	vld [tilespmem:$0x60]  }
0xa6: {  	v15 =	vld [tilespmem:$0x1E0]  }
0xa7: {  	v40 =	vld [tilespmem:$0x70]  }
0xa8: {  	v41 =	vld [tilespmem:$0x1F0];
	_ =	sdelay $0x3  }
0xa9: {  	v14 =	vadd.f32 v14, v0;
	v15 =	vadd.f32 v8, v15  }
0xaa: {  	v18 =	vadd.f32 v40, v0;
	v19 =	vadd.f32 v9, v41  }
0xab: {  	v14 =	vmax.f32 v14, $0.0e+00;
	v15 =	vmax.f32 v15, $0.0e+00  }
0xac: {  	v18 =	vmax.f32 v18, $0.0e+00;
	v19 =	vmax.f32 v19, $0.0e+00;
	v14 =	vmin.f32 v14, $3.830000000e+02  }
0xad: {  	v15 =	vmin.f32 v15, $3.830000000e+02;
	v18 =	vmin.f32 v18, $3.830000000e+02;
	v38 =	vtrunc.f32 v14  }
0xae: {  	v19 =	vmin.f32 v19, $3.830000000e+02;
	v39 =	vtrunc.f32 v15;
	v49 =	vtrunc.f32 v18  }
0xaf: {  	v53 =	vtrunc.f32 v19;
	v16 =	vcvt.f32.s32 v38  }
0xb0: {  	v50 =	vld [tilespmem:$0x200];
	v17 =	vcvt.f32.s32 v39;
	v28 =	vcvt.f32.s32 v53  }
0xb1: {  	v24 =	vcvt.f32.s32 v49  }
0xb2: {  	v63 =	vld [tilespmem:$0x90];
	vm4 =	vlt.s32 v16, $0x17E;
	vm5 =	vlt.s32 v17, $0x17E;
	vm7 =	vlt.s32 v28, $0x17E  }
0xb3: {  	v45 =	vld [tilespmem:$0x80];
	v16 =	vnsel vm4, $0x17E, v16;
	v17 =	vnsel vm5, $0x17E, v17;
	v55 =	vnsel vm7, $0x17E, v28  }
0xb4: {  	v42 =	vmul.u32 $0x180, v16;
	v16 =	vcvt.s32.f32 v16;
	v43 =	vcvt.s32.f32 v17  }
0xb5: {  	v35 =	vld [tilespmem:$0x210];
	v54 =	vadd.f32 v10, v50;
	vm6 =	vlt.s32 v24, $0x17E;
	v57 =	vcvt.s32.f32 v55  }
0xb6: {  	v20 =	vadd.s32 v1, v42;
	v14 =	vsub.f32 v14, v16;
	v15 =	vsub.f32 v15, v43  }
0xb7: {  	v60 =	vsub.f32 v19, v57;
	v19 =	vadd.f32 v63, v0;
	v44 =	vadd.s32 v17, v20  }
0xb8: {  	v20 =	vadd.f32 v45, v0;
	v17 =	vadd.s32 $0x1, v44;
	v46 =	vsub.f32 $1.000000000e+00, v14  }
0xb9: {  	v47 =	vsub.f32 $1.000000000e+00, v15;
	v48 =	vadd.s32 $0x180, v44;
	v52 =	vadd.s32 $0x181, v44  }
0xba: {  	[tilespmem:$0x780] =	vst v44;
	v36 =	vsub.f32 $1.000000000e+00, v60;
	v44 =	vadd.f32 v11, v35;
	v19 =	vmax.f32 v19, $0.0e+00  }
0xbb: {  	v20 =	vmax.f32 v20, $0.0e+00;
	v51 =	vmul.f32 v47, v46;
	v21 =	vmul.f32 v15, v46  }
0xbc: {  	v19 =	vmin.f32 v19, $3.830000000e+02;
	v22 =	vmul.f32 v47, v14;
	v14 =	vmul.f32 v15, v14  }
0xbd: {  	v15 =	vnsel vm6, $0x17E, v24;
	v20 =	vmin.f32 v20, $3.830000000e+02;
	v24 =	vmax.f32 v54, $0.0e+00  }
0xbe: {  	[tilespmem:$0x840] =	vst v48;
	v46 =	vmax.f32 v44, $0.0e+00;
	v48 =	vtrunc.f32 v19;
	v56 =	vcvt.s32.f32 v15  }
0xbf: {  	v58 =	vtrunc.f32 v20;
	v15 =	vmul.u32 $0x180, v15;
	v24 =	vmin.f32 v24, $3.830000000e+02  }
0xc0: {  	v30 =	vcvt.f32.s32 v58;
	v61 =	vtrunc.f32 v24;
	[tilespmem:$0xE40] =	vst v22;
	v22 =	vmin.f32 v46, $3.830000000e+02  }
0xc1: {  	[tilespmem:$0x7E0] =	vst v17;
	v59 =	vsub.f32 v18, v56;
	v15 =	vadd.s32 v1, v15;
	v62 =	vcvt.f32.s32 v61  }
0xc2: {  	v53 =	vld [tilespmem:$0x220];
	[tilespmem:$0x8A0] =	vst v52;
	v50 =	vtrunc.f32 v22;
	vm8 =	vlt.s32 v30, $0x17E;
	v15 =	vadd.s32 v55, v15  }
0xc3: {  	[tilespmem:$0xD80] =	vst v51;
	v26 =	vcvt.f32.s32 v50;
	v33 =	vsub.f32 $1.000000000e+00, v59;
	v34 =	vnsel vm8, $0x17E, v30  }
0xc4: {  	[tilespmem:$0xDE0] =	vst v21;
	v51 =	vld [tilespmem:$0xA0];
	vm9 =	vlt.s32 v62, $0x17E;
	v38 =	vadd.s32 $0x1, v15;
	v39 =	vadd.s32 $0x180, v15  }
0xc5: {  	[tilespmem:$0xEA0] =	vst v14;
	v40 =	vadd.s32 $0x181, v15;
	v43 =	vmul.f32 v36, v59;
	v16 =	vmul.f32 v60, v59  }
0xc6: {  	[tilespmem:$0x790] =	vst v15;
	v37 =	vcvt.s32.f32 v34;
	v17 =	vnsel vm9, $0x17E, v62;
	v25 =	vmul.u32 $0x180, v34  }
0xc7: {  	[tilespmem:$0x7F0] =	vst v38;
	vm11 =	vlt.s32 v26, $0x17E;
	v62 =	vadd.f32 v12, v53;
	v41 =	vmul.f32 v36, v33  }
0xc8: {  	[tilespmem:$0x850] =	vst v39;
	v42 =	vcvt.s32.f32 v17;
	v14 =	vmul.f32 v60, v33;
	v58 =	vnsel vm11, $0x17E, v26  }
0xc9: {  	[tilespmem:$0x8B0] =	vst v40;
	v61 =	vadd.f32 v51, v0;
	v20 =	vsub.f32 v20, v37;
	v45 =	vadd.s32 v1, v25  }
0xca: {  	[tilespmem:$0xE50] =	vst v43;
	v25 =	vcvt.f32.s32 v48;
	v60 =	vcvt.s32.f32 v58;
	v32 =	vmax.f32 v62, $0.0e+00  }
0xcb: {  	v40 =	vld [tilespmem:$0x230];
	[tilespmem:$0xEB0] =	vst v16;
	v15 =	vsub.f32 v24, v42;
	v17 =	vadd.s32 v17, v45;
	v30 =	vmax.f32 v61, $0.0e+00  }
0xcc: {  	[tilespmem:$0xDF0] =	vst v14;
	v33 =	vmin.f32 v32, $3.830000000e+02;
	v47 =	vsub.f32 $1.000000000e+00, v20;
	v52 =	vadd.s32 $0x1, v17  }
0xcd: {  	v14 =	vadd.s32 $0x180, v17;
	vm10 =	vlt.s32 v25, $0x17E;
	[tilespmem:$0x7A0] =	vst v17;
	v17 =	vadd.s32 $0x181, v17  }
0xce: {  	[tilespmem:$0xD90] =	vst v41;
	v63 =	vsub.f32 v22, v60;
	v36 =	vtrunc.f32 v33;
	v49 =	vsub.f32 $1.000000000e+00, v15  }
0xcf: {  	v37 =	vld [tilespmem:$0xB0];
	v56 =	vnsel vm10, $0x17E, v25;
	[tilespmem:$0x800] =	vst v52;
	v23 =	vcvt.f32.s32 v36;
	v55 =	vmul.f32 v15, v47  }
0xd0: {  	[tilespmem:$0x860] =	vst v14;
	v46 =	vadd.f32 v13, v40;
	v15 =	vmul.f32 v15, v20;
	v59 =	vcvt.s32.f32 v56  }
0xd1: {  	[tilespmem:$0x8C0] =	vst v17;
	v24 =	vmul.u32 $0x180, v56;
	v39 =	vsub.f32 $1.000000000e+00, v63;
	v54 =	vmul.f32 v49, v47  }
0xd2: {  	v57 =	vmul.f32 v49, v20;
	vm13 =	vlt.s32 v23, $0x17E;
	v51 =	vmax.f32 v46, $0.0e+00;
	[tilespmem:$0xE00] =	vst v55  }
0xd3: {  	v14 =	vsub.f32 v19, v59;
	v31 =	vadd.s32 v1, v24;
	v19 =	vmin.f32 v30, $3.830000000e+02;
	[tilespmem:$0xEC0] =	vst v15  }
0xd4: {  	v23 =	vnsel vm13, $0x17E, v23;
	v24 =	vadd.f32 v37, v0;
	[tilespmem:$0xDA0] =	vst v54;
	v17 =	vadd.s32 v58, v31  }
0xd5: {  	v34 =	vtrunc.f32 v19;
	[tilespmem:$0xE60] =	vst v57;
	v44 =	vcvt.s32.f32 v23;
	v35 =	vadd.s32 $0x1, v17  }
0xd6: {  	v21 =	vcvt.f32.s32 v34;
	v38 =	vsub.f32 $1.000000000e+00, v14;
	v15 =	vadd.s32 $0x180, v17;
	[tilespmem:$0x7B0] =	vst v17  }
0xd7: {  	v41 =	vadd.s32 $0x181, v17;
	v43 =	vmul.f32 v39, v14;
	v14 =	vmul.f32 v63, v14;
	[tilespmem:$0x810] =	vst v35  }
0xd8: {  	v48 =	vmax.f32 v24, $0.0e+00;
	[tilespmem:$0x870] =	vst v15;
	v47 =	vsub.f32 v33, v44;
	vm12 =	vlt.s32 v21, $0x17E  }
0xd9: {  	[tilespmem:$0x8D0] =	vst v41;
	v50 =	vmin.f32 v48, $3.830000000e+02;
	v42 =	vmul.f32 v39, v38;
	v21 =	vnsel vm12, $0x17E, v21  }
0xda: {  	[tilespmem:$0xE70] =	vst v43;
	v52 =	vtrunc.f32 v50;
	v15 =	vcvt.s32.f32 v21;
	v45 =	vmul.u32 $0x180, v21  }
0xdb: {  	v16 =	vmul.f32 v63, v38;
	[tilespmem:$0xED0] =	vst v14;
	v20 =	vcvt.f32.s32 v52;
	v55 =	vsub.f32 $1.000000000e+00, v47  }
0xdc: {  	[tilespmem:$0xDB0] =	vst v42;
	v15 =	vsub.f32 v19, v15;
	v49 =	vadd.s32 v1, v45;
	v19 =	vmin.f32 v51, $3.830000000e+02  }
0xdd: {  	[tilespmem:$0xE10] =	vst v16;
	vm14 =	vlt.s32 v20, $0x17E;
	v16 =	vadd.s32 v23, v49;
	v53 =	vtrunc.f32 v19  }
0xde: {  	v14 =	vadd.s32 $0x1, v16;
	[tilespmem:$0x7C0] =	vst v16;
	v54 =	vsub.f32 $1.000000000e+00, v15;
	v21 =	vcvt.f32.s32 v53  }
0xdf: {  	v20 =	vnsel vm14, $0x17E, v20;
	[tilespmem:$0x820] =	vst v14;
	v14 =	vadd.s32 $0x180, v16  }
0xe0: {  	v16 =	vadd.s32 $0x181, v16;
	[tilespmem:$0x880] =	vst v14;
	v14 =	vmul.f32 v55, v54;
	vm15 =	vlt.s32 v21, $0x17E  }
0xe1: {  	v57 =	vmul.f32 v55, v15;
	v15 =	vmul.f32 v47, v15;
	[tilespmem:$0x8E0] =	vst v16;
	v21 =	vnsel vm15, $0x17E, v21  }
0xe2: {  	[tilespmem:$0xDC0] =	vst v14;
	v14 =	vcvt.s32.f32 v20;
	v58 =	vcvt.s32.f32 v21;
	v20 =	vmul.u32 $0x180, v20  }
0xe3: {  	v56 =	vmul.f32 v47, v54;
	[tilespmem:$0xE80] =	vst v57  }
0xe4: {  	[tilespmem:$0xEE0] =	vst v15;
	v14 =	vsub.f32 v50, v14;
	v59 =	vsub.f32 v19, v58;
	v60 =	vadd.s32 v1, v20  }
0xe5: {  	[tilespmem:$0xE20] =	vst v56;
	v15 =	vadd.s32 v21, v60  }
0xe6: {  	[tilespmem:$0x7D0] =	vst v15;
	v17 =	vadd.s32 $0x1, v15;
	v18 =	vsub.f32 $1.000000000e+00, v14;
	v19 =	vsub.f32 $1.000000000e+00, v59  }
0xe7: {  	v61 =	vadd.s32 $0x180, v15;
	[tilespmem:$0x830] =	vst v17  }
0xe8: {  	v15 =	vadd.s32 $0x181, v15;
	[tilespmem:$0x890] =	vst v61;
	v62 =	vmul.f32 v19, v18  }
0xe9: {  	[tilespmem:$0x8F0] =	vst v15;
	v15 =	vmul.f32 v59, v18  }
0xea: {  	v63 =	vmul.f32 v19, v14;
	[tilespmem:$0xDD0] =	vst v62  }
0xeb: {  	v14 =	vmul.f32 v59, v14;
	[tilespmem:$0xE30] =	vst v15  }
0xec: {  	[tilespmem:$0xE90] =	vst v63  }
0xed: {  	s23 =	simm.s32 $0x780;
	s24 =	simm.s32 $0x5A00;
	[tilespmem:$0xEF0] =	vst v14  }
0xee: {  	[tilespmem:s24], [sflag:$0x1] =	stream.indirect.gather [hbm4b:s8+s17], $0x30, s23, s17, $0xb8;
	[tilespmem:$0x17A00] =	vst v63  }
0xef: {  	s25 =	simm.s32 $0x7E0;
	s26 =	simm.s32 $0x6C00  }
0xf0: {  	[tilespmem:s26], [sflag:$0x1] =	stream.indirect.gather [hbm4b:s8+s17], $0x30, s25, s17, $0xb8;
	[tilespmem:$0x17A00] =	vst v63  }
0xf1: {  	s28 =	simm.s32 $0x840;
	s29 =	simm.s32 $0x7E00;
	s30 =	simm.s32 $0x8A0  }
0xf2: {  	[tilespmem:s29], [sflag:$0x1] =	stream.indirect.gather [hbm4b:s8+s17], $0x30, s28, s17, $0xb8;
	[tilespmem:$0x17A00] =	vst v63  }
0xf3: {  	s31 =	simm.s32 $0x9000;
	s23 =	simm.s32 $0x0;
	s24 =	simm.s32 $0x0  }
0xf4: {  	[tilespmem:s31], [sflag:$0x1] =	stream.indirect.gather [hbm4b:s8+s17], $0x30, s30, s17, $0xb8;
	[tilespmem:$0x17A00] =	vst v63  }
.LBB2_2:
0xf5: {  	p0 =	sgt.u32 s24, $0xBD  }
.Ltmp0:
0xf6: {  	_ = 	snop;
	(pc) =	sbr.rel @p0 .LBB2_4-.Ltmp0, $1  }
0xf7: {  	_ =	sdelay $0x3  }
0xf8: {  	s3 =	sadd.s32 $0x2, s24  }
0xf9: {  	s0 =	sand.u32 $0x3, s3  }
0xfa: {  	p0 =	sne.s32 s0, $0x0  }
0xfb: {  	s16 =	simm.s32 @!p0 $0x3  }
0xfc: {  	_ =	swait.ge @!p0 [sflag:s16], $0x180  }
0xfd: {  	s3 =	sshrl.u32 s3, $0x2;
	[sflag:s16] =	ssyncset.done @!p0 $0x0  }
0xfe: {  	s26 =	sand.u32 $0x1, s3;
	s25 =	smul.u32 $0x60, s0;
	[sflag:s16] =	ssyncadd.s32 @!p0 $0xFFFFFE80  }
0xff: {  	p1 =	seq.s32 s26, $0x1;
	s26 =	simm.s32 $0x300;
	_ =	swait.ge @!p0 [sflag:s16], $0x180  }
0x100: {  	s26 =	simm.s32 @!p1 $0x0;
	[sflag:s16] =	ssyncset.done @!p0 $0x0  }
0x101: {  	s30 =	sadd.s32 s25, s26;
	s28 =	sadd.s32 $0x180, s26;
	[sflag:s16] =	ssyncadd.s32 @!p0 $0xFFFFFE80  }
0x102: {  	s31 =	sadd.s32 s25, s28;
	v14 =	vld [tilespmem:s30+$0x0]  }
0x103: {  	v15 =	vld [tilespmem:s31+$0x0]  }
0x104: {  	s18 =	scvt.s32.f32 s25  }
0x105: {  	s29 =	sadd.s32 s1, s3  }
0x106: {  	s29 =	scvt.s32.f32 s29;
	v16 =	vadd.f32 s18, v2;
	_ =	sdelay $0x1  }
0x107: {  	v14 =	vadd.f32 s29, v14;
	v15 =	vadd.f32 v15, v16;
	_ =	sdelay $0x1  }
0x108: {  	v14 =	vmax.f32 v14, $0.0e+00;
	v15 =	vmax.f32 v15, $0.0e+00  }
0x109: {  	v14 =	vmin.f32 v14, $3.830000000e+02;
	v15 =	vmin.f32 v15, $3.830000000e+02  }
0x10a: {  	v58 =	vtrunc.f32 v14;
	v17 =	vtrunc.f32 v15  }
0x10b: {  	v16 =	vcvt.f32.s32 v58;
	v17 =	vcvt.f32.s32 v17;
	_ =	sdelay $0x1  }
0x10c: {  	vm0 =	vlt.s32 v16, $0x17E;
	vm1 =	vlt.s32 v17, $0x17E  }
0x10d: {  	v16 =	vnsel vm0, $0x17E, v16;
	v17 =	vnsel vm1, $0x17E, v17  }
0x10e: {  	v18 =	vcvt.s32.f32 v16;
	v19 =	vcvt.s32.f32 v17;
	v16 =	vmul.u32 $0x180, v16;
	_ =	sdelay $0x1  }
0x10f: {  	s16 =	smul.u32 $0x180, s0;
	v14 =	vsub.f32 v14, v18;
	v15 =	vsub.f32 v15, v19;
	v16 =	vadd.s32 v1, v16  }
0x110: {  	v16 =	vadd.s32 v17, v16  }
0x111: {  	[tilespmem:s16+$0x600] =	vst v16;
	v17 =	vadd.s32 $0x1, v16;
	v18 =	vsub.f32 $1.000000000e+00, v14;
	v19 =	vsub.f32 $1.000000000e+00, v15  }
0x112: {  	v59 =	vadd.s32 $0x180, v16;
	[tilespmem:s16+$0x660] =	vst v17  }
0x113: {  	v16 =	vadd.s32 $0x181, v16;
	[tilespmem:s16+$0x6C0] =	vst v59;
	v60 =	vmul.f32 v19, v18  }
0x114: {  	[tilespmem:s16+$0x720] =	vst v16;
	v61 =	vmul.f32 v15, v18  }
0x115: {  	v62 =	vmul.f32 v19, v14;
	[tilespmem:s16+$0xC00] =	vst v60  }
0x116: {  	v14 =	vmul.f32 v15, v14;
	[tilespmem:s16+$0xC60] =	vst v61  }
0x117: {  	s30 =	sor.u32 $0x10, s25;
	[tilespmem:s16+$0xCC0] =	vst v62  }
0x118: {  	s31 =	sadd.s32 s30, s26;
	[tilespmem:s16+$0xD20] =	vst v14  }
0x119: {  	s19 =	sadd.s32 s30, s28;
	v14 =	vld [tilespmem:s31+$0x0]  }
0x11a: {  	v15 =	vld [tilespmem:s19+$0x0]  }
0x11b: {  	s30 =	scvt.s32.f32 s30;
	_ =	sdelay $0x1  }
0x11c: {  	v63 =	vadd.f32 s30, v2;
	_ =	sdelay $0x1  }
0x11d: {  	v14 =	vadd.f32 s29, v14;
	v15 =	vadd.f32 v15, v63;
	_ =	sdelay $0x1  }
0x11e: {  	v14 =	vmax.f32 v14, $0.0e+00;
	v15 =	vmax.f32 v15, $0.0e+00  }
0x11f: {  	v14 =	vmin.f32 v14, $3.830000000e+02;
	v15 =	vmin.f32 v15, $3.830000000e+02  }
0x120: {  	v20 =	vtrunc.f32 v14;
	v21 =	vtrunc.f32 v15  }
0x121: {  	v16 =	vcvt.f32.s32 v20;
	v17 =	vcvt.f32.s32 v21;
	_ =	sdelay $0x1  }
0x122: {  	vm6 =	vlt.s32 v16, $0x17E;
	vm7 =	vlt.s32 v17, $0x17E  }
0x123: {  	v16 =	vnsel vm6, $0x17E, v16;
	v17 =	vnsel vm7, $0x17E, v17  }
0x124: {  	v22 =	vcvt.s32.f32 v16;
	v23 =	vcvt.s32.f32 v17;
	v16 =	vmul.u32 $0x180, v16;
	_ =	sdelay $0x1  }
0x125: {  	v14 =	vsub.f32 v14, v22;
	v15 =	vsub.f32 v15, v23;
	v16 =	vadd.s32 v1, v16  }
0x126: {  	v16 =	vadd.s32 v17, v16  }
0x127: {  	[tilespmem:s16+$0x610] =	vst v16;
	v17 =	vadd.s32 $0x1, v16;
	v18 =	vsub.f32 $1.000000000e+00, v14;
	v19 =	vsub.f32 $1.000000000e+00, v15  }
0x128: {  	v24 =	vadd.s32 $0x180, v16;
	[tilespmem:s16+$0x670] =	vst v17  }
0x129: {  	v16 =	vadd.s32 $0x181, v16;
	[tilespmem:s16+$0x6D0] =	vst v24;
	v25 =	vmul.f32 v19, v18  }
0x12a: {  	[tilespmem:s16+$0x730] =	vst v16;
	v26 =	vmul.f32 v15, v18  }
0x12b: {  	v27 =	vmul.f32 v19, v14;
	[tilespmem:s16+$0xC10] =	vst v25  }
0x12c: {  	v14 =	vmul.f32 v15, v14;
	[tilespmem:s16+$0xC70] =	vst v26  }
0x12d: {  	s30 =	sadd.s32 $0x20, s25;
	[tilespmem:s16+$0xCD0] =	vst v27  }
0x12e: {  	s18 =	sadd.s32 s30, s26;
	[tilespmem:s16+$0xD30] =	vst v14  }
0x12f: {  	s19 =	sadd.s32 s30, s28;
	v14 =	vld [tilespmem:s18+$0x0]  }
0x130: {  	v15 =	vld [tilespmem:s19+$0x0]  }
0x131: {  	s30 =	scvt.s32.f32 s30;
	_ =	sdelay $0x1  }
0x132: {  	v28 =	vadd.f32 s30, v2;
	_ =	sdelay $0x1  }
0x133: {  	v14 =	vadd.f32 s29, v14;
	v15 =	vadd.f32 v15, v28;
	_ =	sdelay $0x1  }
0x134: {  	v14 =	vmax.f32 v14, $0.0e+00;
	v15 =	vmax.f32 v15, $0.0e+00  }
0x135: {  	v14 =	vmin.f32 v14, $3.830000000e+02;
	v15 =	vmin.f32 v15, $3.830000000e+02  }
0x136: {  	v29 =	vtrunc.f32 v14;
	v30 =	vtrunc.f32 v15  }
0x137: {  	v16 =	vcvt.f32.s32 v29;
	v17 =	vcvt.f32.s32 v30;
	_ =	sdelay $0x1  }
0x138: {  	vm8 =	vlt.s32 v16, $0x17E;
	vm9 =	vlt.s32 v17, $0x17E  }
0x139: {  	v16 =	vnsel vm8, $0x17E, v16;
	v17 =	vnsel vm9, $0x17E, v17  }
0x13a: {  	v31 =	vcvt.s32.f32 v16;
	v32 =	vcvt.s32.f32 v17;
	v16 =	vmul.u32 $0x180, v16;
	_ =	sdelay $0x1  }
0x13b: {  	v14 =	vsub.f32 v14, v31;
	v15 =	vsub.f32 v15, v32;
	v16 =	vadd.s32 v1, v16  }
0x13c: {  	v16 =	vadd.s32 v17, v16  }
0x13d: {  	[tilespmem:s16+$0x620] =	vst v16;
	v17 =	vadd.s32 $0x1, v16;
	v18 =	vsub.f32 $1.000000000e+00, v14;
	v19 =	vsub.f32 $1.000000000e+00, v15  }
0x13e: {  	v33 =	vadd.s32 $0x180, v16;
	[tilespmem:s16+$0x680] =	vst v17  }
0x13f: {  	v16 =	vadd.s32 $0x181, v16;
	[tilespmem:s16+$0x6E0] =	vst v33;
	v34 =	vmul.f32 v19, v18  }
0x140: {  	[tilespmem:s16+$0x740] =	vst v16;
	v35 =	vmul.f32 v15, v18  }
0x141: {  	v36 =	vmul.f32 v19, v14;
	[tilespmem:s16+$0xC20] =	vst v34  }
0x142: {  	v14 =	vmul.f32 v15, v14;
	[tilespmem:s16+$0xC80] =	vst v35  }
0x143: {  	s30 =	sadd.s32 $0x30, s25;
	[tilespmem:s16+$0xCE0] =	vst v36  }
0x144: {  	s18 =	sadd.s32 s30, s26;
	[tilespmem:s16+$0xD40] =	vst v14  }
0x145: {  	s19 =	sadd.s32 s30, s28;
	v14 =	vld [tilespmem:s18+$0x0]  }
0x146: {  	v15 =	vld [tilespmem:s19+$0x0]  }
0x147: {  	s30 =	scvt.s32.f32 s30;
	_ =	sdelay $0x1  }
0x148: {  	v37 =	vadd.f32 s30, v2;
	_ =	sdelay $0x1  }
0x149: {  	v14 =	vadd.f32 s29, v14;
	v15 =	vadd.f32 v15, v37;
	_ =	sdelay $0x1  }
0x14a: {  	v14 =	vmax.f32 v14, $0.0e+00;
	v15 =	vmax.f32 v15, $0.0e+00  }
0x14b: {  	v14 =	vmin.f32 v14, $3.830000000e+02;
	v15 =	vmin.f32 v15, $3.830000000e+02  }
0x14c: {  	v38 =	vtrunc.f32 v14;
	v39 =	vtrunc.f32 v15  }
0x14d: {  	v16 =	vcvt.f32.s32 v38;
	v17 =	vcvt.f32.s32 v39;
	_ =	sdelay $0x1  }
0x14e: {  	vm10 =	vlt.s32 v16, $0x17E;
	vm11 =	vlt.s32 v17, $0x17E  }
0x14f: {  	v16 =	vnsel vm10, $0x17E, v16;
	v17 =	vnsel vm11, $0x17E, v17  }
0x150: {  	v40 =	vcvt.s32.f32 v16;
	v41 =	vcvt.s32.f32 v17;
	v16 =	vmul.u32 $0x180, v16;
	_ =	sdelay $0x1  }
0x151: {  	v14 =	vsub.f32 v14, v40;
	v15 =	vsub.f32 v15, v41;
	v16 =	vadd.s32 v1, v16  }
0x152: {  	v16 =	vadd.s32 v17, v16  }
0x153: {  	[tilespmem:s16+$0x630] =	vst v16;
	v17 =	vadd.s32 $0x1, v16;
	v18 =	vsub.f32 $1.000000000e+00, v14;
	v19 =	vsub.f32 $1.000000000e+00, v15  }
0x154: {  	v42 =	vadd.s32 $0x180, v16;
	[tilespmem:s16+$0x690] =	vst v17  }
0x155: {  	v16 =	vadd.s32 $0x181, v16;
	[tilespmem:s16+$0x6F0] =	vst v42;
	v43 =	vmul.f32 v19, v18  }
0x156: {  	[tilespmem:s16+$0x750] =	vst v16;
	v44 =	vmul.f32 v15, v18  }
0x157: {  	v45 =	vmul.f32 v19, v14;
	[tilespmem:s16+$0xC30] =	vst v43  }
0x158: {  	v14 =	vmul.f32 v15, v14;
	[tilespmem:s16+$0xC90] =	vst v44  }
0x159: {  	s30 =	sadd.s32 $0x40, s25;
	[tilespmem:s16+$0xCF0] =	vst v45  }
0x15a: {  	s18 =	sadd.s32 s30, s26;
	[tilespmem:s16+$0xD50] =	vst v14  }
0x15b: {  	s19 =	sadd.s32 s30, s28;
	v14 =	vld [tilespmem:s18+$0x0]  }
0x15c: {  	v15 =	vld [tilespmem:s19+$0x0]  }
0x15d: {  	s30 =	scvt.s32.f32 s30;
	_ =	sdelay $0x1  }
0x15e: {  	v46 =	vadd.f32 s30, v2;
	_ =	sdelay $0x1  }
0x15f: {  	v14 =	vadd.f32 s29, v14;
	v15 =	vadd.f32 v15, v46;
	_ =	sdelay $0x1  }
0x160: {  	v14 =	vmax.f32 v14, $0.0e+00;
	v15 =	vmax.f32 v15, $0.0e+00  }
0x161: {  	v14 =	vmin.f32 v14, $3.830000000e+02;
	v15 =	vmin.f32 v15, $3.830000000e+02  }
0x162: {  	v47 =	vtrunc.f32 v14;
	v48 =	vtrunc.f32 v15  }
0x163: {  	v16 =	vcvt.f32.s32 v47;
	v17 =	vcvt.f32.s32 v48;
	_ =	sdelay $0x1  }
0x164: {  	vm12 =	vlt.s32 v16, $0x17E;
	vm13 =	vlt.s32 v17, $0x17E  }
0x165: {  	v16 =	vnsel vm12, $0x17E, v16;
	v17 =	vnsel vm13, $0x17E, v17  }
0x166: {  	v49 =	vcvt.s32.f32 v16;
	v50 =	vcvt.s32.f32 v17;
	v16 =	vmul.u32 $0x180, v16;
	_ =	sdelay $0x1  }
0x167: {  	v14 =	vsub.f32 v14, v49;
	v15 =	vsub.f32 v15, v50;
	v16 =	vadd.s32 v1, v16  }
0x168: {  	v16 =	vadd.s32 v17, v16  }
0x169: {  	[tilespmem:s16+$0x640] =	vst v16;
	v17 =	vadd.s32 $0x1, v16;
	v18 =	vsub.f32 $1.000000000e+00, v14;
	v19 =	vsub.f32 $1.000000000e+00, v15  }
0x16a: {  	v51 =	vadd.s32 $0x180, v16;
	[tilespmem:s16+$0x6A0] =	vst v17  }
0x16b: {  	v16 =	vadd.s32 $0x181, v16;
	[tilespmem:s16+$0x700] =	vst v51;
	v52 =	vmul.f32 v19, v18  }
0x16c: {  	[tilespmem:s16+$0x760] =	vst v16;
	v53 =	vmul.f32 v15, v18  }
0x16d: {  	v54 =	vmul.f32 v19, v14;
	[tilespmem:s16+$0xC40] =	vst v52  }
0x16e: {  	v14 =	vmul.f32 v15, v14;
	[tilespmem:s16+$0xCA0] =	vst v53  }
0x16f: {  	s25 =	sadd.s32 $0x50, s25;
	[tilespmem:s16+$0xD00] =	vst v54  }
0x170: {  	s26 =	sadd.s32 s25, s26;
	[tilespmem:s16+$0xD60] =	vst v14  }
0x171: {  	s28 =	sadd.s32 s25, s28;
	v14 =	vld [tilespmem:s26+$0x0]  }
0x172: {  	v15 =	vld [tilespmem:s28+$0x0]  }
0x173: {  	s25 =	scvt.s32.f32 s25;
	_ =	sdelay $0x1  }
0x174: {  	v55 =	vadd.f32 s25, v2;
	_ =	sdelay $0x1  }
0x175: {  	v14 =	vadd.f32 s29, v14;
	v15 =	vadd.f32 v15, v55;
	_ =	sdelay $0x1  }
0x176: {  	v14 =	vmax.f32 v14, $0.0e+00;
	v15 =	vmax.f32 v15, $0.0e+00  }
0x177: {  	v14 =	vmin.f32 v14, $3.830000000e+02;
	v15 =	vmin.f32 v15, $3.830000000e+02  }
0x178: {  	v56 =	vtrunc.f32 v14;
	v57 =	vtrunc.f32 v15  }
0x179: {  	v16 =	vcvt.f32.s32 v56;
	v17 =	vcvt.f32.s32 v57;
	_ =	sdelay $0x1  }
0x17a: {  	vm14 =	vlt.s32 v16, $0x17E;
	vm15 =	vlt.s32 v17, $0x17E  }
0x17b: {  	v16 =	vnsel vm14, $0x17E, v16;
	v17 =	vnsel vm15, $0x17E, v17  }
0x17c: {  	v58 =	vcvt.s32.f32 v16;
	v59 =	vcvt.s32.f32 v17;
	v16 =	vmul.u32 $0x180, v16;
	_ =	sdelay $0x1  }
0x17d: {  	v14 =	vsub.f32 v14, v58;
	v15 =	vsub.f32 v15, v59;
	v16 =	vadd.s32 v1, v16  }
0x17e: {  	v16 =	vadd.s32 v17, v16  }
0x17f: {  	[tilespmem:s16+$0x650] =	vst v16;
	v17 =	vadd.s32 $0x1, v16;
	v18 =	vsub.f32 $1.000000000e+00, v14;
	v19 =	vsub.f32 $1.000000000e+00, v15  }
0x180: {  	v60 =	vadd.s32 $0x180, v16;
	[tilespmem:s16+$0x6B0] =	vst v17  }
0x181: {  	p1 =	sgt.u32 s24, $0xB9;
	v16 =	vadd.s32 $0x181, v16;
	[tilespmem:s16+$0x710] =	vst v60;
	v61 =	vmul.f32 v19, v18  }
0x182: {  	p2 =	sne.s32 @!p1 s0, $0x0;
	[tilespmem:s16+$0x770] =	vst v16;
	v62 =	vmul.f32 v15, v18  }
0x183: {  	p0 =	por p2, p1;
	s30 =	smul.u32 $0x12000, s0;
	v63 =	vmul.f32 v19, v14;
	[tilespmem:s16+$0xC50] =	vst v61  }
0x184: {  	s31 =	sadd.s32 $0x600, s16;
	s0 =	sadd.s32 @!p0 $0x1, s3;
	v14 =	vmul.f32 v15, v14;
	[tilespmem:s16+$0xCB0] =	vst v62  }
0x185: {  	s3 =	sand.u32 @!p0 $0x1, s0;
	s0 =	sadd.s32 @!p0 s1, s0;
	s25 =	sshrl.u32 s30, $0x2;
	[tilespmem:s16+$0xD10] =	vst v63  }
0x186: {  	s30 =	sadd.s32 $0x6C0, s16;
	p3 =	seq.s32 @!p0 s3, $0x1;
	s18 =	sadd.s32 $0x1200, s25;
	[tilespmem:s16+$0xD70] =	vst v14  }
0x187: {  	[tilespmem:s18], [sflag:$0x1] =	stream.indirect.gather [hbm4b:s8+s17], $0x30, s31, s17, $0xb8;
	[tilespmem:$0x17A00] =	vst v63  }
0x188: {  	s3 =	sadd.s32 @!p0 s6, s0;
	s19 =	sadd.s32 $0x660, s16;
	s29 =	sadd.s32 $0x2400, s25  }
0x189: {  	[tilespmem:s29], [sflag:$0x1] =	stream.indirect.gather [hbm4b:s8+s17], $0x30, s19, s17, $0xb8;
	[tilespmem:$0x17A00] =	vst v63  }
0x18a: {  	s0 =	sadd.s32 @!p0 s7, s0;
	p2 =	por @!p1 !p3, p2;
	s31 =	sadd.s32 $0x3600, s25  }
0x18b: {  	[tilespmem:s31], [sflag:$0x1] =	stream.indirect.gather [hbm4b:s8+s17], $0x30, s30, s17, $0xb8;
	[tilespmem:$0x17A00] =	vst v63  }
0x18c: {  	s3 =	smul.u32 @!p0 $0x30, s3;
	s16 =	sadd.s32 $0x720, s16;
	s25 =	sadd.s32 $0x4800, s25  }
0x18d: {  	[tilespmem:s25], [sflag:$0x1] =	stream.indirect.gather [hbm4b:s8+s17], $0x30, s16, s17, $0xb8;
	[tilespmem:$0x17A00] =	vst v63  }
0x18e: {  	s0 =	smul.u32 @!p0 $0x30, s0;
	p1 =	por !p2, p1;
	s16 =	simm.s32 @!p0 $0x300  }
0x18f: {  	s3 =	sadd.s32 @!p0 s9, s3;
	s25 =	simm.s32 @!p0 $0x0;
	s16 =	simm.s32 @!p1 $0x0  }
0x190: {  	[tilespmem:s16], [sflag:$0x3] =	stream.linear.gather @!p0 [hbm4b:s3+s25], $0x180, $0x38;
	[tilespmem:$0x17A00] =	vst v63  }
0x191: {  	s0 =	sadd.s32 @!p0 s9, s0;
	s3 =	sadd.s32 @!p0 $0x180, s16  }
0x192: {  	[tilespmem:s3], [sflag:$0x3] =	stream.linear.gather @!p0 [hbm4b:s0+s25], $0x180, $0x38;
	[tilespmem:$0x17A00] =	vst v63  }
.LBB2_4:
0x193: {  	_ =	swait.ge [sflag:s20], $0x1200  }
0x194: {  	[sflag:s20] =	ssyncset.done $0x0  }
0x195: {  	s0 =	sand.u32 $0x3, s23;
	[sflag:s20] =	ssyncadd.s32 $0xFFFFEE00  }
0x196: {  	s25 =	sand.u32 $0x3, s24;
	s28 =	sshrl.u32 s24, $0x2;
	_ =	swait.ge [sflag:s20], $0x1200  }
0x197: {  	s26 =	sand.u32 $0x1, s24;
	s0 =	smul.u32 $0x12000, s0;
	[sflag:s20] =	ssyncset.done $0x0  }
0x198: {  	s31 =	simm.s32 $0x0;
	s16 =	smul.u32 $0x600, s25;
	[sflag:s20] =	ssyncadd.s32 $0xFFFFEE00  }
0x199: {  	p0 =	seq.s32 s26, $0x1;
	s26 =	simm.s32 $0x2400;
	_ =	swait.ge [sflag:s20], $0x1200  }
0x19a: {  	s26 =	simm.s32 @!p0 $0x0;
	s0 =	sshrl.u32 s0, $0x2;
	[sflag:s20] =	ssyncset.done $0x0  }
0x19b: {  	s19 =	sshrl.u32 s16, $0x2;
	s29 =	sadd.s32 $0x13200, s26;
	[sflag:s20] =	ssyncadd.s32 $0xFFFFEE00  }
0x19c: {  	s16 =	sadd.s32 $0xC00, s19;
	s30 =	sadd.s32 $0xC60, s19;
	_ =	swait.ge [sflag:s20], $0x1200  }
0x19d: {  	s18 =	sadd.s32 $0xCC0, s19;
	s19 =	sadd.s32 $0xD20, s19;
	v14 =	vmov s16;
	[sflag:s20] =	ssyncset.done $0x0  }
0x19e: {  	s3 =	sadd.s32 $0x3600, s0;
	s0 =	sadd.s32 $0x132C0, s26;
	v15 =	vmov s30;
	v16 =	vmov s18;
	v17 =	vmov s19;
	[sflag:s20] =	ssyncadd.s32 $0xFFFFEE00  }
.LBB2_5:
0x19f: {  	_ =	sdelay $0x2  }
0x1a0: {  	s16 =	sshll.u32 s31, $0x4  }
0x1a1: {  	v18 =	vld.idx.msk [tilespmem:v14+s16+$0x0 ss:$0x1], $0xffff  }
0x1a2: {  	v19 =	vld.idx.msk [tilespmem:v15+s16+$0x0 ss:$0x1], $0xffff  }
0x1a3: {  	v20 =	vld.idx.msk [tilespmem:v16+s16+$0x0 ss:$0x1], $0xffff  }
0x1a4: {  	s26 =	smov.u32 s3;
	s30 =	smov.u32 s0;
	v21 =	vld.idx.msk [tilespmem:v17+s16+$0x0 ss:$0x1], $0xffff;
	s16 =	simm.s32 $0x0  }
.LBB2_6:
0x1a5: {  	v22 =	vmov s16;
	v23 =	vld [tilespmem:s26+$0xFFFFDC00]  }
0x1a6: {  	v22 =	vand.u32 $0xF, v22  }
0x1a7: {  	v24 =	vld [tilespmem:s26+$0xFFFFEE00];
	v22 =	vbroadcast v22, $0x0;
	_ =	sdelay $0x1  }
0x1a8: {  	v26 =	vld [tilespmem:s26+$0x0];
	v25 =	vperm.xlane v18, v22  }
0x1a9: {  	v27 =	vperm.xlane v19, v22;
	v28 =	vshll.u32 v23, $0x10  }
0x1aa: {  	v30 =	vld [tilespmem:s26+$0x1200];
	v29 =	vperm.xlane v20, v22;
	v23 =	vand.u32 $0xFFFF0000, v23;
	v28 =	vmul.f32 v28, v25  }
0x1ab: {  	v22 =	vperm.xlane v21, v22;
	v31 =	vshll.u32 v24, $0x10;
	v23 =	vmul.f32 v23, v25  }
0x1ac: {  	v24 =	vand.u32 $0xFFFF0000, v24;
	v31 =	vmul.f32 v31, v27;
	v28 =	vadd.f32 $0.0e+00, v28  }
0x1ad: {  	v32 =	vshll.u32 v26, $0x10;
	v24 =	vmul.f32 v24, v27;
	v23 =	vadd.f32 $0.0e+00, v23  }
0x1ae: {  	v26 =	vand.u32 $0xFFFF0000, v26;
	v37 =	vmul.f32 v32, v29;
	v28 =	vadd.f32 v31, v28  }
0x1af: {  	v39 =	vshll.u32 v30, $0x10;
	v38 =	vmul.f32 v26, v29;
	v23 =	vadd.f32 v24, v23  }
0x1b0: {  	v30 =	vand.u32 $0xFFFF0000, v30;
	v26 =	vmul.f32 v39, v22;
	v28 =	vadd.f32 v37, v28  }
0x1b1: {  	v40 =	vmul.f32 v30, v22;
	v23 =	vadd.f32 v38, v23  }
0x1b2: {  	v26 =	vadd.f32 v26, v28  }
0x1b3: {  	v23 =	vadd.f32 v40, v23  }
0x1b4: {  	[tilespmem:s30+$0xFFFFFF40] =	vst v26  }
0x1b5: {  	[tilespmem:s30+$0xFFFFFF70] =	vst v23  }
0x1b6: {  	v23 =	vld [tilespmem:s26+$0xFFFFDC10];
	_ =	sdelay $0x1  }
0x1b7: {  	v41 =	vld [tilespmem:s26+$0xFFFFEE10];
	_ =	sdelay $0x1  }
0x1b8: {  	v26 =	vld [tilespmem:s26+$0x10]  }
0x1b9: {  	v42 =	vshll.u32 v23, $0x10  }
0x1ba: {  	v43 =	vld [tilespmem:s26+$0x1210];
	v23 =	vand.u32 $0xFFFF0000, v23;
	v28 =	vmul.f32 v42, v25  }
0x1bb: {  	v44 =	vshll.u32 v41, $0x10;
	v23 =	vmul.f32 v23, v25  }
0x1bc: {  	v24 =	vand.u32 $0xFFFF0000, v41;
	v31 =	vmul.f32 v44, v27;
	v28 =	vadd.f32 $0.0e+00, v28  }
0x1bd: {  	v45 =	vshll.u32 v26, $0x10;
	v24 =	vmul.f32 v24, v27;
	v23 =	vadd.f32 $0.0e+00, v23  }
0x1be: {  	v26 =	vand.u32 $0xFFFF0000, v26;
	v46 =	vmul.f32 v45, v29;
	v28 =	vadd.f32 v31, v28  }
0x1bf: {  	v48 =	vshll.u32 v43, $0x10;
	v47 =	vmul.f32 v26, v29;
	v23 =	vadd.f32 v24, v23  }
0x1c0: {  	v30 =	vand.u32 $0xFFFF0000, v43;
	v26 =	vmul.f32 v48, v22;
	v28 =	vadd.f32 v46, v28  }
0x1c1: {  	v49 =	vmul.f32 v30, v22;
	v23 =	vadd.f32 v47, v23  }
0x1c2: {  	v26 =	vadd.f32 v26, v28  }
0x1c3: {  	v23 =	vadd.f32 v49, v23  }
0x1c4: {  	[tilespmem:s30+$0xFFFFFF50] =	vst v26  }
0x1c5: {  	[tilespmem:s30+$0xFFFFFF80] =	vst v23  }
0x1c6: {  	v23 =	vld [tilespmem:s26+$0xFFFFDC20];
	_ =	sdelay $0x1  }
0x1c7: {  	v50 =	vld [tilespmem:s26+$0xFFFFEE20];
	_ =	sdelay $0x1  }
0x1c8: {  	v26 =	vld [tilespmem:s26+$0x20]  }
0x1c9: {  	v51 =	vshll.u32 v23, $0x10  }
0x1ca: {  	v52 =	vld [tilespmem:s26+$0x1220];
	v23 =	vand.u32 $0xFFFF0000, v23;
	v28 =	vmul.f32 v51, v25  }
0x1cb: {  	v53 =	vshll.u32 v50, $0x10;
	v23 =	vmul.f32 v23, v25  }
0x1cc: {  	v24 =	vand.u32 $0xFFFF0000, v50;
	v25 =	vmul.f32 v53, v27;
	v28 =	vadd.f32 $0.0e+00, v28  }
0x1cd: {  	v54 =	vshll.u32 v26, $0x10;
	v24 =	vmul.f32 v24, v27;
	v23 =	vadd.f32 $0.0e+00, v23  }
0x1ce: {  	v26 =	vand.u32 $0xFFFF0000, v26;
	v27 =	vmul.f32 v54, v29;
	v25 =	vadd.f32 v25, v28  }
0x1cf: {  	v56 =	vshll.u32 v52, $0x10;
	v55 =	vmul.f32 v26, v29;
	v23 =	vadd.f32 v24, v23  }
0x1d0: {  	v57 =	vand.u32 $0xFFFF0000, v52;
	v26 =	vmul.f32 v56, v22;
	v25 =	vadd.f32 v27, v25  }
0x1d1: {  	v22 =	vmul.f32 v57, v22;
	v23 =	vadd.f32 v55, v23  }
0x1d2: {  	v58 =	vadd.f32 v26, v25  }
0x1d3: {  	v22 =	vadd.f32 v22, v23  }
0x1d4: {  	[tilespmem:s30+$0xFFFFFF60] =	vst v58  }
0x1d5: {  	s18 =	sadd.s32 $0x1, s16;
	[tilespmem:s30+$0xFFFFFF90] =	vst v22  }
0x1d6: {  	v22 =	vmov s18;
	v23 =	vld [tilespmem:s26+$0xFFFFDC30]  }
0x1d7: {  	v22 =	vand.u32 $0xF, v22  }
0x1d8: {  	v24 =	vld [tilespmem:s26+$0xFFFFEE30];
	v22 =	vbroadcast v22, $0x0;
	_ =	sdelay $0x1  }
0x1d9: {  	v60 =	vld [tilespmem:s26+$0x30];
	v59 =	vperm.xlane v18, v22  }
0x1da: {  	v61 =	vperm.xlane v19, v22;
	v62 =	vshll.u32 v23, $0x10  }
0x1db: {  	v36 =	vld [tilespmem:s26+$0x1230];
	v63 =	vperm.xlane v20, v22;
	v23 =	vand.u32 $0xFFFF0000, v23;
	v28 =	vmul.f32 v62, v59  }
0x1dc: {  	v22 =	vperm.xlane v21, v22;
	v37 =	vshll.u32 v24, $0x10;
	v23 =	vmul.f32 v23, v59  }
0x1dd: {  	v24 =	vand.u32 $0xFFFF0000, v24;
	v31 =	vmul.f32 v37, v61;
	v28 =	vadd.f32 $0.0e+00, v28  }
0x1de: {  	v38 =	vshll.u32 v60, $0x10;
	v24 =	vmul.f32 v24, v61;
	v23 =	vadd.f32 $0.0e+00, v23  }
0x1df: {  	v26 =	vand.u32 $0xFFFF0000, v60;
	v39 =	vmul.f32 v38, v63;
	v28 =	vadd.f32 v31, v28  }
0x1e0: {  	v41 =	vshll.u32 v36, $0x10;
	v40 =	vmul.f32 v26, v63;
	v23 =	vadd.f32 v24, v23  }
0x1e1: {  	v30 =	vand.u32 $0xFFFF0000, v36;
	v26 =	vmul.f32 v41, v22;
	v28 =	vadd.f32 v39, v28  }
0x1e2: {  	v42 =	vmul.f32 v30, v22;
	v23 =	vadd.f32 v40, v23  }
0x1e3: {  	v26 =	vadd.f32 v26, v28  }
0x1e4: {  	v23 =	vadd.f32 v42, v23  }
0x1e5: {  	[tilespmem:s30+$0xFFFFFFA0] =	vst v26  }
0x1e6: {  	[tilespmem:s30+$0xFFFFFFD0] =	vst v23  }
0x1e7: {  	v23 =	vld [tilespmem:s26+$0xFFFFDC40];
	_ =	sdelay $0x1  }
0x1e8: {  	v43 =	vld [tilespmem:s26+$0xFFFFEE40];
	_ =	sdelay $0x1  }
0x1e9: {  	v26 =	vld [tilespmem:s26+$0x40]  }
0x1ea: {  	v44 =	vshll.u32 v23, $0x10  }
0x1eb: {  	v45 =	vld [tilespmem:s26+$0x1240];
	v23 =	vand.u32 $0xFFFF0000, v23;
	v28 =	vmul.f32 v44, v59  }
0x1ec: {  	v46 =	vshll.u32 v43, $0x10;
	v23 =	vmul.f32 v23, v59  }
0x1ed: {  	v24 =	vand.u32 $0xFFFF0000, v43;
	v31 =	vmul.f32 v46, v61;
	v28 =	vadd.f32 $0.0e+00, v28  }
0x1ee: {  	v47 =	vshll.u32 v26, $0x10;
	v24 =	vmul.f32 v24, v61;
	v23 =	vadd.f32 $0.0e+00, v23  }
0x1ef: {  	v26 =	vand.u32 $0xFFFF0000, v26;
	v48 =	vmul.f32 v47, v63;
	v28 =	vadd.f32 v31, v28  }
0x1f0: {  	v50 =	vshll.u32 v45, $0x10;
	v49 =	vmul.f32 v26, v63;
	v23 =	vadd.f32 v24, v23  }
0x1f1: {  	v30 =	vand.u32 $0xFFFF0000, v45;
	v26 =	vmul.f32 v50, v22;
	v28 =	vadd.f32 v48, v28  }
0x1f2: {  	v51 =	vmul.f32 v30, v22;
	v23 =	vadd.f32 v49, v23  }
0x1f3: {  	v26 =	vadd.f32 v26, v28  }
0x1f4: {  	v23 =	vadd.f32 v51, v23  }
0x1f5: {  	[tilespmem:s30+$0xFFFFFFB0] =	vst v26  }
0x1f6: {  	[tilespmem:s30+$0xFFFFFFE0] =	vst v23  }
0x1f7: {  	v23 =	vld [tilespmem:s26+$0xFFFFDC50];
	_ =	sdelay $0x1  }
0x1f8: {  	v52 =	vld [tilespmem:s26+$0xFFFFEE50];
	_ =	sdelay $0x1  }
0x1f9: {  	v26 =	vld [tilespmem:s26+$0x50]  }
0x1fa: {  	v53 =	vshll.u32 v23, $0x10  }
0x1fb: {  	v54 =	vld [tilespmem:s26+$0x1250];
	v23 =	vand.u32 $0xFFFF0000, v23;
	v28 =	vmul.f32 v53, v59  }
0x1fc: {  	v55 =	vshll.u32 v52, $0x10;
	v23 =	vmul.f32 v23, v59  }
0x1fd: {  	v24 =	vand.u32 $0xFFFF0000, v52;
	v25 =	vmul.f32 v55, v61;
	v28 =	vadd.f32 $0.0e+00, v28  }
0x1fe: {  	v56 =	vshll.u32 v26, $0x10;
	v24 =	vmul.f32 v24, v61;
	v23 =	vadd.f32 $0.0e+00, v23  }
0x1ff: {  	v26 =	vand.u32 $0xFFFF0000, v26;
	v27 =	vmul.f32 v56, v63;
	v25 =	vadd.f32 v25, v28  }
0x200: {  	v58 =	vshll.u32 v54, $0x10;
	v57 =	vmul.f32 v26, v63;
	v23 =	vadd.f32 v24, v23  }
0x201: {  	v59 =	vand.u32 $0xFFFF0000, v54;
	v26 =	vmul.f32 v58, v22;
	v25 =	vadd.f32 v27, v25  }
0x202: {  	v22 =	vmul.f32 v59, v22;
	v23 =	vadd.f32 v57, v23  }
0x203: {  	v60 =	vadd.f32 v26, v25  }
0x204: {  	v22 =	vadd.f32 v22, v23  }
0x205: {  	[tilespmem:s30+$0xFFFFFFC0] =	vst v60  }
0x206: {  	s19 =	sadd.s32 $0x2, s16;
	[tilespmem:s30+$0xFFFFFFF0] =	vst v22  }
0x207: {  	v22 =	vmov s19;
	v23 =	vld [tilespmem:s26+$0xFFFFDC60]  }
0x208: {  	v22 =	vand.u32 $0xF, v22  }
0x209: {  	v24 =	vld [tilespmem:s26+$0xFFFFEE60];
	v22 =	vbroadcast v22, $0x0;
	_ =	sdelay $0x1  }
0x20a: {  	v62 =	vld [tilespmem:s26+$0x60];
	v61 =	vperm.xlane v18, v22  }
0x20b: {  	v63 =	vperm.xlane v19, v22;
	v35 =	vshll.u32 v23, $0x10  }
0x20c: {  	v37 =	vld [tilespmem:s26+$0x1260];
	v36 =	vperm.xlane v20, v22;
	v23 =	vand.u32 $0xFFFF0000, v23;
	v28 =	vmul.f32 v35, v61  }
0x20d: {  	v22 =	vperm.xlane v21, v22;
	v38 =	vshll.u32 v24, $0x10;
	v23 =	vmul.f32 v23, v61  }
0x20e: {  	v24 =	vand.u32 $0xFFFF0000, v24;
	v31 =	vmul.f32 v38, v63;
	v28 =	vadd.f32 $0.0e+00, v28  }
0x20f: {  	v39 =	vshll.u32 v62, $0x10;
	v24 =	vmul.f32 v24, v63;
	v23 =	vadd.f32 $0.0e+00, v23  }
0x210: {  	v26 =	vand.u32 $0xFFFF0000, v62;
	v40 =	vmul.f32 v39, v36;
	v28 =	vadd.f32 v31, v28  }
0x211: {  	v42 =	vshll.u32 v37, $0x10;
	v41 =	vmul.f32 v26, v36;
	v23 =	vadd.f32 v24, v23  }
0x212: {  	v30 =	vand.u32 $0xFFFF0000, v37;
	v26 =	vmul.f32 v42, v22;
	v28 =	vadd.f32 v40, v28  }
0x213: {  	v43 =	vmul.f32 v30, v22;
	v23 =	vadd.f32 v41, v23  }
0x214: {  	v26 =	vadd.f32 v26, v28  }
0x215: {  	v23 =	vadd.f32 v43, v23  }
0x216: {  	[tilespmem:s30+$0x0] =	vst v26  }
0x217: {  	[tilespmem:s30+$0x30] =	vst v23  }
0x218: {  	v23 =	vld [tilespmem:s26+$0xFFFFDC70];
	_ =	sdelay $0x1  }
0x219: {  	v44 =	vld [tilespmem:s26+$0xFFFFEE70];
	_ =	sdelay $0x1  }
0x21a: {  	v26 =	vld [tilespmem:s26+$0x70]  }
0x21b: {  	v45 =	vshll.u32 v23, $0x10  }
0x21c: {  	v46 =	vld [tilespmem:s26+$0x1270];
	v23 =	vand.u32 $0xFFFF0000, v23;
	v28 =	vmul.f32 v45, v61  }
0x21d: {  	v47 =	vshll.u32 v44, $0x10;
	v23 =	vmul.f32 v23, v61  }
0x21e: {  	v24 =	vand.u32 $0xFFFF0000, v44;
	v31 =	vmul.f32 v47, v63;
	v28 =	vadd.f32 $0.0e+00, v28  }
0x21f: {  	v48 =	vshll.u32 v26, $0x10;
	v24 =	vmul.f32 v24, v63;
	v23 =	vadd.f32 $0.0e+00, v23  }
0x220: {  	v26 =	vand.u32 $0xFFFF0000, v26;
	v49 =	vmul.f32 v48, v36;
	v28 =	vadd.f32 v31, v28  }
0x221: {  	v51 =	vshll.u32 v46, $0x10;
	v50 =	vmul.f32 v26, v36;
	v23 =	vadd.f32 v24, v23  }
0x222: {  	v30 =	vand.u32 $0xFFFF0000, v46;
	v26 =	vmul.f32 v51, v22;
	v28 =	vadd.f32 v49, v28  }
0x223: {  	v52 =	vmul.f32 v30, v22;
	v23 =	vadd.f32 v50, v23  }
0x224: {  	v26 =	vadd.f32 v26, v28  }
0x225: {  	v23 =	vadd.f32 v52, v23  }
0x226: {  	[tilespmem:s30+$0x10] =	vst v26  }
0x227: {  	[tilespmem:s30+$0x40] =	vst v23  }
0x228: {  	v23 =	vld [tilespmem:s26+$0xFFFFDC80];
	_ =	sdelay $0x1  }
0x229: {  	v53 =	vld [tilespmem:s26+$0xFFFFEE80];
	_ =	sdelay $0x1  }
0x22a: {  	v26 =	vld [tilespmem:s26+$0x80]  }
0x22b: {  	v54 =	vshll.u32 v23, $0x10  }
0x22c: {  	v55 =	vld [tilespmem:s26+$0x1280];
	v23 =	vand.u32 $0xFFFF0000, v23;
	v28 =	vmul.f32 v54, v61  }
0x22d: {  	v56 =	vshll.u32 v53, $0x10;
	v23 =	vmul.f32 v23, v61  }
0x22e: {  	v24 =	vand.u32 $0xFFFF0000, v53;
	v25 =	vmul.f32 v56, v63;
	v28 =	vadd.f32 $0.0e+00, v28  }
0x22f: {  	v57 =	vshll.u32 v26, $0x10;
	v24 =	vmul.f32 v24, v63;
	v23 =	vadd.f32 $0.0e+00, v23  }
0x230: {  	v26 =	vand.u32 $0xFFFF0000, v26;
	v27 =	vmul.f32 v57, v36;
	v25 =	vadd.f32 v25, v28  }
0x231: {  	v59 =	vshll.u32 v55, $0x10;
	v58 =	vmul.f32 v26, v36;
	v23 =	vadd.f32 v24, v23  }
0x232: {  	v60 =	vand.u32 $0xFFFF0000, v55;
	v26 =	vmul.f32 v59, v22;
	v25 =	vadd.f32 v27, v25  }
0x233: {  	v22 =	vmul.f32 v60, v22;
	v23 =	vadd.f32 v58, v23  }
0x234: {  	v61 =	vadd.f32 v26, v25  }
0x235: {  	v22 =	vadd.f32 v22, v23  }
0x236: {  	[tilespmem:s30+$0x20] =	vst v61  }
0x237: {  	s19 =	sadd.s32 $0x3, s16;
	[tilespmem:s30+$0x50] =	vst v22  }
0x238: {  	v22 =	vmov s19;
	v23 =	vld [tilespmem:s26+$0xFFFFDC90]  }
0x239: {  	v22 =	vand.u32 $0xF, v22  }
0x23a: {  	v24 =	vld [tilespmem:s26+$0xFFFFEE90];
	v22 =	vbroadcast v22, $0x0;
	_ =	sdelay $0x1  }
0x23b: {  	v63 =	vld [tilespmem:s26+$0x90];
	v62 =	vperm.xlane v18, v22  }
0x23c: {  	v36 =	vperm.xlane v19, v22;
	v37 =	vshll.u32 v23, $0x10  }
0x23d: {  	v39 =	vld [tilespmem:s26+$0x1290];
	v38 =	vperm.xlane v20, v22;
	v23 =	vand.u32 $0xFFFF0000, v23;
	v28 =	vmul.f32 v37, v62  }
0x23e: {  	v22 =	vperm.xlane v21, v22;
	v40 =	vshll.u32 v24, $0x10;
	v23 =	vmul.f32 v23, v62  }
0x23f: {  	v24 =	vand.u32 $0xFFFF0000, v24;
	v31 =	vmul.f32 v40, v36;
	v28 =	vadd.f32 $0.0e+00, v28  }
0x240: {  	v41 =	vshll.u32 v63, $0x10;
	v24 =	vmul.f32 v24, v36;
	v23 =	vadd.f32 $0.0e+00, v23  }
0x241: {  	v26 =	vand.u32 $0xFFFF0000, v63;
	v42 =	vmul.f32 v41, v38;
	v28 =	vadd.f32 v31, v28  }
0x242: {  	v44 =	vshll.u32 v39, $0x10;
	v43 =	vmul.f32 v26, v38;
	v23 =	vadd.f32 v24, v23  }
0x243: {  	v30 =	vand.u32 $0xFFFF0000, v39;
	v26 =	vmul.f32 v44, v22;
	v28 =	vadd.f32 v42, v28  }
0x244: {  	v45 =	vmul.f32 v30, v22;
	v23 =	vadd.f32 v43, v23  }
0x245: {  	v26 =	vadd.f32 v26, v28  }
0x246: {  	v23 =	vadd.f32 v45, v23  }
0x247: {  	[tilespmem:s30+$0x60] =	vst v26  }
0x248: {  	[tilespmem:s30+$0x90] =	vst v23  }
0x249: {  	v23 =	vld [tilespmem:s26+$0xFFFFDCA0];
	_ =	sdelay $0x1  }
0x24a: {  	v46 =	vld [tilespmem:s26+$0xFFFFEEA0];
	_ =	sdelay $0x1  }
0x24b: {  	v26 =	vld [tilespmem:s26+$0xA0]  }
0x24c: {  	v47 =	vshll.u32 v23, $0x10  }
0x24d: {  	v48 =	vld [tilespmem:s26+$0x12A0];
	v23 =	vand.u32 $0xFFFF0000, v23;
	v28 =	vmul.f32 v47, v62  }
0x24e: {  	v49 =	vshll.u32 v46, $0x10;
	v23 =	vmul.f32 v23, v62  }
0x24f: {  	v24 =	vand.u32 $0xFFFF0000, v46;
	v31 =	vmul.f32 v49, v36;
	v28 =	vadd.f32 $0.0e+00, v28  }
0x250: {  	v50 =	vshll.u32 v26, $0x10;
	v24 =	vmul.f32 v24, v36;
	v23 =	vadd.f32 $0.0e+00, v23  }
0x251: {  	v26 =	vand.u32 $0xFFFF0000, v26;
	v51 =	vmul.f32 v50, v38;
	v28 =	vadd.f32 v31, v28  }
0x252: {  	v53 =	vshll.u32 v48, $0x10;
	v52 =	vmul.f32 v26, v38;
	v23 =	vadd.f32 v24, v23  }
0x253: {  	v30 =	vand.u32 $0xFFFF0000, v48;
	v26 =	vmul.f32 v53, v22;
	v28 =	vadd.f32 v51, v28  }
0x254: {  	v54 =	vmul.f32 v30, v22;
	v23 =	vadd.f32 v52, v23  }
0x255: {  	v26 =	vadd.f32 v26, v28  }
0x256: {  	v23 =	vadd.f32 v54, v23  }
0x257: {  	[tilespmem:s30+$0x70] =	vst v26  }
0x258: {  	[tilespmem:s30+$0xA0] =	vst v23  }
0x259: {  	v23 =	vld [tilespmem:s26+$0xFFFFDCB0];
	_ =	sdelay $0x1  }
0x25a: {  	v55 =	vld [tilespmem:s26+$0xFFFFEEB0];
	_ =	sdelay $0x1  }
0x25b: {  	v26 =	vld [tilespmem:s26+$0xB0]  }
0x25c: {  	v56 =	vshll.u32 v23, $0x10  }
0x25d: {  	v57 =	vld [tilespmem:s26+$0x12B0];
	v23 =	vand.u32 $0xFFFF0000, v23;
	v28 =	vmul.f32 v56, v62  }
0x25e: {  	v58 =	vshll.u32 v55, $0x10;
	v23 =	vmul.f32 v23, v62  }
0x25f: {  	v24 =	vand.u32 $0xFFFF0000, v55;
	v25 =	vmul.f32 v58, v36;
	v28 =	vadd.f32 $0.0e+00, v28  }
0x260: {  	v59 =	vshll.u32 v26, $0x10;
	v24 =	vmul.f32 v24, v36;
	v23 =	vadd.f32 $0.0e+00, v23  }
0x261: {  	v26 =	vand.u32 $0xFFFF0000, v26;
	v27 =	vmul.f32 v59, v38;
	v25 =	vadd.f32 v25, v28  }
0x262: {  	v61 =	vshll.u32 v57, $0x10;
	v60 =	vmul.f32 v26, v38;
	v23 =	vadd.f32 v24, v23  }
0x263: {  	p0 =	slt.u32 s16, $0xC;
	v62 =	vand.u32 $0xFFFF0000, v57;
	v26 =	vmul.f32 v61, v22;
	v25 =	vadd.f32 v27, v25  }
.Ltmp1:
0x264: {  	v22 =	vmul.f32 v62, v22;
	v23 =	vadd.f32 v60, v23;
	(pc) =	sbr.rel @p0 .LBB2_6-.Ltmp1, $4  }
0x265: {  	v63 =	vadd.f32 v26, v25  }
0x266: {  	v22 =	vadd.f32 v22, v23  }
0x267: {  	[tilespmem:s30+$0x80] =	vst v63  }
0x268: {  	s16 =	sadd.s32 $0x4, s16;
	s26 =	sadd.s32 $0xC0, s26;
	[tilespmem:s30+$0xB0] =	vst v22;
	s30 =	sadd.s32 $0x180, s30  }
0x269: {  	s31 =	sadd.s32 $0x1, s31  }
0x26a: {  	p0 =	sne.s32 s31, $0x6  }
.Ltmp2:
0x26b: {  	_ = 	snop;
	(pc) =	sbr.rel @p0 .LBB2_5-.Ltmp2, $2  }
0x26c: {  	_ =	sdelay $0x2  }
0x26d: {  	s0 =	sadd.s32 $0x600, s0;
	s3 =	sadd.s32 $0x300, s3  }
0x26e: {  	p0 =	seq.s32 s24, $0x0  }
0x26f: {  	s16 =	simm.s32 @!p0 $0x2  }
0x270: {  	s0 =	sadd.s32 s1, s28;
	s3 =	smul.u32 $0x60, s25;
	_ =	swait.ge @!p0 [sflag:s16], $0x2400  }
0x271: {  	s24 =	sadd.s32 $0x1, s24;
	s0 =	smul.u32 $0x180, s0;
	[sflag:s16] =	ssyncset.done @!p0 $0x0  }
0x272: {  	s3 =	sor.u32 s2, s3;
	[sflag:s16] =	ssyncadd.s32 @!p0 $0xFFFFDC00;
	p0 =	sne.s32 s24, $0xC0  }
.Ltmp3:
0x273: {  	s0 =	sadd.s32 s0, s3;
	(pc) =	sbr.rel @p0 .LBB2_2-.Ltmp3, $3  }
0x274: {  	s0 =	smul.u32 $0xC, s0;
	_ =	sdelay $0x1  }
0x275: {  	s23 =	sadd.s32 $0x1, s23;
	s0 =	sadd.s32 s4, s0  }
0x276: {  	[hbm4b:s0+s5] =	stream.linear.scatter [tilespmem:s29], [sflag:$0x2], $0x2400, $0x38;
	[tilespmem:$0x17A00] =	vst v63  }
0x277: {  	s22 =	sadd.s32 $0x1, s22  }
0x278: {  	p0 =	sne.s32 s22, s14  }
.Ltmp4:
0x279: {  	_ = 	snop;
	(pc) =	sbr.rel @p0 .LBB2_1-.Ltmp4, $4  }
0x27a: {  	_ = 	snop  }
0x27b: {  	_ =	swait.ge [sflag:s21], $0x2400  }
0x27c: {  	[sflag:s21] =	ssyncset.done $0x0  }
0x27d: {  	[sflag:s21] =	ssyncadd.s32 $0xFFFFDC00  }
0x27e: {  	_ =	sfence.sel $0x180000  }
0x27f: {  	[bflag:$0x0] =	sbarrier.arrive $0xFFFF  }
0x280: {  	_ =	strace $0x9000004A  }
0x281: {  	s0 =	stileid.u32;
	[bflag:$0x2] =	sbarrier.arrive $0xFFFF  }
0x282: {  	p0 =	sne.s32 s0, $0x0;
	s0 =	rddreg [dreg:$0x2]  }
0x283: {  	s0 =	sadd.s32 @!p0 $0x100000, s0  }
0x284: {  	[sflag:s0] =	ssyncadd.tile.s32 @!p0 $0x1;
	_ =	shalt  }
.Lfunc_end2:
_tile_overlayer_lowered:
.L_overlay_start_2:
0x285: {  	(tag) =	ssettag $0x2  }
0x286: {  	s0 =	rddreg [dreg:$0x0];
	s2 =	stileid.u32  }
0x287: {  	s1 =	rddreg [dreg:$0x1];
	p0 =	sne.s32 s2, $0x0  }
0x288: {  	s3 =	rddreg [dreg:$0x2];
	[bflag:$0x3] =	sbarrier.arrive $0xFFFF;
	s2 =	simm.s32 @!p0 $0x1C04  }
0x289: {  	[timem:s3], [sflag:s2] =	dma.local @!p0 [hbm:s0], s1  }
0x28a: {  	s0 =	simm.s32 @!p0 $0x4  }
0x28b: {  	_ =	swait.ge @!p0 [sflag:s0], s1  }
0x28c: {  	s1 =	ssub.s32 @!p0 $0x0, s1;
	[sflag:s0] =	ssyncset.done @!p0 $0x0  }
0x28d: {  	[sflag:s0] =	ssyncadd.s32 @!p0 s1  }
0x28e: {  	[bflag:$0x3] =	sbarrier.arrive $0xFFFF  }
0x28f: {  	_ =	shalt  }

// kernel: sparse-core-data-format-call.1.cloned.1.call-start
scs
called_computation.1_lowered:
.L_overlay_start_0:
0x0: {  	s1 =	sld [smem:$0x3FD9]  }
0x1: {  	s2 =	sld [smem:$0x3FFE];
	_ =	sdelay $0x1  }
0x2: {  	s3 =	srdreg.scid  }
0x3: {  	s0 =	sand.u32 $0x1, s3  }
0x4: {  	s17 =	sshll.u32 s0, $0xA;
	s1 =	sadd.s32 s2, s1  }
0x5: {  	s1 =	sadd.s32 s1, s17  }
0x6: {  	[smem:$0x3FC6] =	sst s1  }
0x7: {  	_ = 	snop  }
0x8: {  	(tm) =	ssettm $0x1  }
0x9: {  	s18 =	sld [smem:$0x3FFB];
	_ =	sdelay $0x3  }
0xa: {  	_ =	strace s18  }
0xb: {  	s1 =	sld [smem:$0x3FFC];
	_ =	sdelay $0x3  }
0xc: {  	_ =	strace s1  }
0xd: {  	s1 =	sld [smem:$0x3FFD];
	_ =	sdelay $0x3  }
0xe: {  	_ =	strace s1  }
0xf: {  	_ =	strace $0x8FFFFFFF  }
0x10: {  	s19 =	sld [smem:$0x3FDB];
	_ =	sdelay $0x1  }
0x11: {  	s20 =	simm.s32 $_scs_section_size  }
0x12: {  	s4 =	simm.s32 $_size__tile_overlayer_lowered;
	s5 =	simm.s32 $_tile_overlayer_lowered  }
0x13: {  	s23 =	simm.s32 $0x1BFF;
	s22 =	sshll.u32 s5, $0x1;
	s1 =	sadd.s32 s20, s19  }
0x14: {  	s6 =	simm.s32 $0x0;
	s21 =	sshll.u32 s4, $0x1;
	s4 =	sadd.s32 s22, s1  }
0x15: {  	[timem:s6], [sflag:s23] =	dma.local [hbm:s4], s21  }
0x16: {  	_ =	swait.ge [sflag:s23], s21  }
0x17: {  	s2 =	ssub.s32 $0x0, s21;
	[sflag:s23] =	ssyncset.done $0x0  }
0x18: {  	[sflag:s23] =	ssyncadd.s32 s2;
	_ =	sdelay $0x1  }
0x19: {  	s24 =	simm.s32 $0x1B8B  }
0x1a: {  	_ =	swait.ge [sflag:s24], $0x1  }
0x1b: {  	[sflag:s24] =	ssyncset.done $0x0  }
0x1c: {  	s26 =	simm.s32 $0x1B8E;
	s25 =	sld [smem:$0x3FFE];
	[sflag:s24] =	ssyncadd.s32 $0xFFFFFFFF  }
0x1d: {  	s27 =	simm.s32 $execute0_lowered;
	[smem:$0x3FD2] =	sst s26  }
0x1e: {  	s4 =	sshll.u32 s27, $0x1;
	_ =	strace $0x80000046;
	[dreg:$0x1] =	wrdreg $0xFFFFFFFF  }
0x1f: {  	s28 =	simm.s32 $_size_execute0_lowered;
	s1 =	sadd.s32 s1, s4;
	[dreg:$0x0] =	wrdreg $0x0  }
0x20: {  	s4 =	sshll.u32 s28, $0x1;
	[dreg:$0x2] =	wrdreg s1  }
0x21: {  	[dreg:$0x3] =	wrdreg s4  }
0x22: {  	[dreg:$0x4] =	wrdreg $0xC0  }
0x23: {  	_ =	task [dreg:s6], $0x5FFFF  }
0x24: {  	[dreg:$0x1] =	wrdreg $0xFFFFFFFF  }
0x25: {  	[dreg:$0x0] =	wrdreg $0x60  }
0x26: {  	[dreg:$0x2] =	wrdreg s25  }
0x27: {  	[dreg:$0x3] =	wrdreg $0x9  }
0x28: {  	_ =	task.clear_ibuf [dreg:s6], $0x4FFFF;
	_ =	strace $0x90000046  }
0x29: {  	s29 =	simm.s32 $0x9;
	_ =	strace $0x80000048  }
0x2a: {  	_ =	swait.ge [sflag:s29], $0x1  }
0x2b: {  	[sflag:s29] =	ssyncadd.s32 $0xFFFFFFFF  }
0x2c: {  	_ =	strace $0x90000048  }
0x2d: {  	_ =	sfence  }
0x2e: {  	s30 =	sld [smem:$0x0];
	_ =	sdelay $0x2  }
0x2f: {  	s31 =	sshll.u32 s3, $0xD;
	s3 =	sshrl.u32 s3, $0x2  }
0x30: {  	s2 =	sand.u32 $0x4000, s31;
	s1 =	sadd.s32 s3, s30  }
0x31: {  	s0 =	sor.u32 s2, s0;
	s1 =	sshll.u32 s1, $0x11  }
0x32: {  	s0 =	sor.u32 s1, s0  }
0x33: {  	s0 =	sadd.s32 $0x8F2B, s0  }
0x34: {  	[sflag:s0] =	ssyncadd.remote.s32 $0x1  }
0x35: {  	_ =	sfence.sel $0xFFFF  }
0x36: {  	[dreg:$0x0] =	wrdreg $0xFFFFFFFF;
	(pc) =	sbr.abs _section_cstart, $3  }
0x37: {  	[dreg:$0x1] =	wrdreg $0xFFFFFFFF  }
0x38: {  	_ =	task.clear_ibuf [dreg:s6], $0x2FFFF;
	_ =	strace $0x9FFFFFFF  }
0x39: {  	(tm) =	ssettm $0x7FFFFFFF  }
tec
execute0_lowered:
.L_overlay_start_1:
0x0: {  	(tag) =	ssettag $0x1  }
0x1: {  	s1 =	srdreg.scid;
	s0 =	stileid.u32  }
0x2: {  	s8 =	rddreg [dreg:$0x0];
	s4 =	simm.s32 $0x1;
	s1 =	sshll.u32 s1, $0x4  }
0x3: {  	s9 =	simm.s32 $0x2;
	s20 =	simm.s32 $0x0;
	s1 =	sor.u32 s0, s1  }
0x4: {  	s10 =	simm.s32 $0x24000;
	s11 =	simm.s32 $0x80;
	s1 =	sshrl.u32 s1, $0x1  }
0x5: {  	s18 =	simm.s32 $0x0;
	s17 =	simm.s32 $0x0;
	s2 =	sand.u32 $0xE, s1  }
0x6: {  	s19 =	simm.s32 $0x0;
	s12 =	simm.s32 $0x0;
	s3 =	ssub.s32 $0x180, s2  }
0x7: {  	s14 =	simm.s32 $0x0;
	s7 =	sand.u32 $0x3, s0;
	s31 =	sand.u32 $0xE, s3  }
0x8: {  	s16 =	simm.s32 $0x0;
	s15 =	smov.u32 s7;
	p0 =	sne.s32 s31, $0x0  }
.Ltmp0:
0x9: {  	s5 =	sshrl.u32 s3, $0x4;
	s4 =	simm.s32 @!p0 $0x0;
	(pc) =	sbr.rel .LBB1_1-.Ltmp0, $4  }
0xa: {  	s1 =	rddreg [dreg:$0x1];
	_ =	strace $0x80000047;
	s6 =	sadd.s32 s4, s5  }
0xb: {  	s13 =	smov.u32 s2;
	s5 =	simm.s32 $0x1;
	s6 =	smul.u32 $0x3, s6  }
0xc: {  	s3 =	sadd.s32 $0xE00, s8;
	s4 =	sadd.s32 $0x360E00, s8;
	[sflag:s5] =	ssyncpa.u1 $0x0  }
0xd: {  	s8 =	sadd.s32 $0x362600, s8;
	[sflag:s9] =	ssyncpa.u1 $0x0;
	s9 =	sadd.s32 $0x1, s6  }
.LBB1_9:
0xe: {  	s21 =	sadd.s32 $0x80, s12  }
0xf: {  	s17 =	sadd.s32 $0x10, s13;
	s22 =	smov.u32 s13;
	p1 =	sgt.s32 s21, $0x17F  }
0x10: {  	s22 =	smov.u32 @p1 s17  }
0x11: {  	s23 =	smov.u32 s14;
	s17 =	sadd.s32 $0x40, s14;
	p2 =	sgt.s32 s22, $0x17F  }
0x12: {  	s23 =	smov.u32 @p2 s17  }
0x13: {  	s24 =	smov.u32 s15;
	s17 =	sadd.s32 $0x4, s15;
	p3 =	sgt.s32 s23, $0x2F  }
0x14: {  	s24 =	smov.u32 @p3 s17  }
0x15: {  	p0 =	slt.u32 s16, $0x2;
	s21 =	simm.s32 @p1 $0x0;
	p1 =	sgt.s32 s24, $0x3  }
0x16: {  	s25 =	simm.s32 @!p0 $0x2;
	s24 =	smov.u32 @p1 s7;
	p1 =	sne.s32 s16, s9  }
.Ltmp1:
0x17: {  	s20 =	smov.u32 s12;
	_ =	swait.ge @!p0 [sflag:s25], $0x4000;
	(pc) =	sbr.rel @!p1 .LBB1_10-.Ltmp1, $4  }
0x18: {  	s18 =	smov.u32 s13;
	s19 =	smov.u32 s15;
	[sflag:s25] =	ssyncset.done @!p0 $0x0  }
0x19: {  	s12 =	smov.u32 s21;
	s22 =	smov.u32 @p2 s2;
	[sflag:s25] =	ssyncadd.s32 @!p0 $0xFFFFC000  }
0x1a: {  	s13 =	smov.u32 s22;
	s23 =	simm.s32 @p3 $0x0;
	s17 =	smov.u32 s14  }
0x1b: {  	s14 =	smov.u32 s23;
	s16 =	sadd.s32 $0x1, s16;
	s15 =	smov.u32 s24  }
.LBB1_1:
0x1c: {  	p0 =	sge.u32 s16, s6  }
.Ltmp2:
0x1d: {  	_ = 	snop;
	(pc) =	sbr.rel @p0 .LBB1_3-.Ltmp2, $1  }
0x1e: {  	_ =	sdelay $0x3  }
0x1f: {  	s21 =	sshrl.u32 s13, $0x3  }
0x20: {  	s22 =	sshll.u32 s12, $0x3;
	s21 =	smul.u32 $0xC00, s21  }
0x21: {  	s23 =	sshll.u32 s13, $0x7;
	s22 =	sand.u32 $0xFFFFFC00, s22  }
0x22: {  	s25 =	sand.u32 $0x380, s23;
	s21 =	sadd.s32 s21, s22  }
0x23: {  	s26 =	sand.u32 $0x7F, s12;
	s21 =	sor.u32 s25, s21  }
0x24: {  	p0 =	sgt.s32 s15, $0x3;
	s24 =	smov.u32 s15;
	s22 =	sor.u32 s26, s21  }
0x25: {  	s28 =	sshra.s32 s14, $0x1F;
	s25 =	sshra.s32 s15, $0x1F;
	s23 =	smulhi.u32 $0xAAAAAAAB, s22  }
0x26: {  	s31 =	sshra.s32 s12, $0x1F;
	s24 =	simm.s32 @!p0 $0x3;
	s25 =	sand.u32 s25, s15  }
0x27: {  	s26 =	sxor.u32 $0xFFFFFFFF, s16;
	s21 =	smulhi.u32 $0xAAAAAAAB, s21;
	s23 =	sshrl.u32 s23, $0x8  }
0x28: {  	s24 =	ssub.s32 s24, s25;
	s25 =	sshll.u32 s26, $0xE;
	s23 =	smul.u32 $0x180, s23  }
0x29: {  	s26 =	sand.u32 s28, s14;
	s27 =	sadd.s32 $0xFFFFFFFD, s24;
	s21 =	sshrl.u32 s21, $0x8  }
0x2a: {  	p0 =	sgt.s32 s27, $0x0;
	s22 =	ssub.s32 s22, s23;
	s23 =	ssub.s32 $0x4, s24  }
0x2b: {  	s24 =	smov.u32 s14;
	s23 =	simm.s32 @p0 $0x0;
	p0 =	sgt.s32 s14, $0xFFFFFFF0  }
0x2c: {  	s27 =	sshra.s32 s13, $0x1F;
	s29 =	smulhi.u32 $0xAAAAAB, s21;
	s24 =	simm.s32 @!p0 $0xFFFFFFF0  }
0x2d: {  	p0 =	sgt.s32 s13, $0x17E;
	s24 =	ssub.s32 s24, s26;
	s26 =	smov.u32 s13  }
0x2e: {  	s27 =	sand.u32 s27, s13;
	s28 =	sadd.s32 $0x10, s24;
	s26 =	simm.s32 @!p0 $0x17E  }
0x2f: {  	s24 =	ssub.s32 $0x30, s24;
	p0 =	sgt.s32 s28, $0x3F;
	s26 =	ssub.s32 s26, s27  }
0x30: {  	s27 =	smul.u32 $0x180, s29;
	s24 =	simm.s32 @p0 $0x0;
	s30 =	sadd.s32 $0xFFFFFE82, s26  }
0x31: {  	s23 =	smul.u32 s23, s24;
	p0 =	sgt.s32 s30, $0x1;
	s24 =	ssub.s32 $0x180, s26  }
0x32: {  	s26 =	smov.u32 s12;
	s24 =	simm.s32 @p0 $0x0;
	p0 =	sgt.s32 s12, $0x100  }
0x33: {  	s28 =	sand.u32 s31, s12;
	s31 =	smul.u32 $0x4800, s14;
	s26 =	simm.s32 @!p0 $0x100  }
0x34: {  	s30 =	smul.u32 $0xD8000, s15;
	s29 =	ssub.s32 s26, s28  }
0x35: {  	s21 =	ssub.s32 s21, s27;
	s23 =	smul.u32 s24, s23;
	s26 =	sadd.s32 $0xFFFFFF00, s29  }
0x36: {  	s24 =	sand.u32 $0x4000, s25;
	s25 =	ssub.s32 $0x180, s29;
	p0 =	sgt.s32 s26, $0x7F  }
0x37: {  	s21 =	smul.u32 $0x30, s21;
	s27 =	sadd.s32 s3, s30;
	s25 =	simm.s32 @p0 $0x0  }
0x38: {  	s28 =	sadd.s32 s31, s27;
	s29 =	sand.u32 $0x7, s22;
	s23 =	smul.u32 s25, s23  }
0x39: {  	s22 =	sshrl.u32 s22, $0x3;
	s21 =	sadd.s32 s21, s28;
	s30 =	sshll.u32 s29, $0x12  }
0x3a: {  	s21 =	sadd.s32 s22, s21;
	s31 =	sor.u32 $0x100, s30;
	s23 =	sand.u32 $0x3FFFFFFF, s23  }
0x3b: {  	[tilespmem:s24], [sflag:$0x1] =	stream.strided.gather [hbm4b:s21+s31], s23, s10, s31, $0x38;
	[tilespmem:$0x10200] =	vst v63  }
.LBB1_3:
0x3c: {  	s21 =	sadd.s32 $0xFFFFFFFF, s16  }
0x3d: {  	p0 =	sge.u32 s21, s6  }
.Ltmp3:
0x3e: {  	_ = 	snop;
	(pc) =	sbr.rel @p0 .LBB1_9-.Ltmp3, $1  }
0x3f: {  	_ =	sdelay $0x3  }
0x40: {  	p0 =	sgt.s32 s19, $0x3;
	s21 =	smov.u32 s19;
	s22 =	sshra.s32 s19, $0x1F  }
0x41: {  	s23 =	smov.u32 s17;
	s24 =	sshra.s32 s17, $0x1F;
	s27 =	sshra.s32 s18, $0x1F  }
0x42: {  	s21 =	simm.s32 @!p0 $0x3;
	s22 =	sand.u32 s22, s19;
	p0 =	sgt.s32 s17, $0xFFFFFFF0  }
0x43: {  	s25 =	sand.u32 s24, s17;
	s21 =	ssub.s32 s21, s22;
	s23 =	simm.s32 @!p0 $0xFFFFFFF0  }
0x44: {  	s29 =	sshra.s32 s20, $0x1F;
	s26 =	sadd.s32 $0xFFFFFFFD, s21;
	s22 =	ssub.s32 s23, s25  }
0x45: {  	s21 =	ssub.s32 $0x4, s21;
	p0 =	sgt.s32 s26, $0x0;
	s23 =	sadd.s32 $0x10, s22  }
0x46: {  	s22 =	ssub.s32 $0x30, s22;
	s21 =	simm.s32 @p0 $0x0;
	p0 =	sgt.s32 s23, $0x3F  }
0x47: {  	s23 =	smov.u32 s18;
	s22 =	simm.s32 @p0 $0x0;
	p0 =	sgt.s32 s18, $0x17E  }
0x48: {  	s28 =	sand.u32 s27, s18;
	s21 =	smul.u32 s21, s22;
	s23 =	simm.s32 @!p0 $0x17E  }
0x49: {  	p0 =	sgt.s32 s20, $0x100;
	s22 =	ssub.s32 s23, s28;
	s23 =	smov.u32 s20  }
0x4a: {  	s24 =	sand.u32 s29, s20;
	s25 =	sadd.s32 $0xFFFFFE82, s22;
	s23 =	simm.s32 @!p0 $0x100  }
0x4b: {  	s22 =	ssub.s32 $0x180, s22;
	p0 =	sgt.s32 s25, $0x1;
	s23 =	ssub.s32 s23, s24  }
0x4c: {  	s22 =	simm.s32 @p0 $0x0;
	s24 =	sadd.s32 $0xFFFFFF00, s23  }
0x4d: {  	s21 =	smul.u32 s22, s21;
	p0 =	sgt.s32 s24, $0x7F;
	s22 =	ssub.s32 $0x180, s23  }
0x4e: {  	s22 =	simm.s32 @p0 $0x0  }
0x4f: {  	s21 =	smul.u32 s22, s21;
	_ =	sdelay $0x1  }
0x50: {  	s30 =	sand.u32 $0x1, s16;
	s21 =	sand.u32 $0x3FFFFFFF, s21  }
0x51: {  	s31 =	smul.u32 $0x10400, s30;
	_ =	swait.ge [sflag:s5], s21  }
0x52: {  	s21 =	ssub.s32 $0x0, s21;
	[sflag:s5] =	ssyncset.done $0x0  }
0x53: {  	[sflag:s5] =	ssyncadd.s32 s21;
	s21 =	sshrl.u32 s31, $0x2  }
0x54: {  	s23 =	sshll.u32 s30, $0xE;
	s24 =	simm.s32 $0x0;
	s22 =	sor.u32 $0x8000, s21  }
.LBB1_5:
0x55: {  	s25 =	sshll.u32 s24, $0x8  }
0x56: {  	s25 =	sand.u32 $0x3FFFFF00, s25  }
0x57: {  	s25 =	sadd.s32 s25, s23  }
0x58: {  	v0 =	vmov s25;
	_ =	sdelay $0x1  }
0x59: {  	p0 =	por $0x1, $0x1;
	s25 =	simm.s32 $0x0  }
.LBB1_6:
0x5a: {  	s26 =	sshll.u32 s25, $0x7  }
0x5b: {  	s26 =	sand.u32 $0x3FFFFF80, s26  }
0x5c: {  	s31 =	smul.u32 $0x8200, s25;
	v1 =	vld.idx.msk [tilespmem:v0+s26+$0x0 ss:$0x1], $0xffff  }
0x5d: {  	v2 =	vld.idx.msk [tilespmem:v0+s26+$0x10 ss:$0x1], $0xffff  }
0x5e: {  	s25 =	sshra.s32 s31, $0x2;
	v3 =	vld.idx.msk [tilespmem:v0+s26+$0x20 ss:$0x1], $0xffff  }
0x5f: {  	v4 =	vld.idx.msk [tilespmem:v0+s26+$0x30 ss:$0x1], $0xffff;
	s25 =	sadd.s32 s25, s22  }
0x60: {  	v5 =	vld.idx.msk [tilespmem:v0+s26+$0x40 ss:$0x1], $0xffff;
	s25 =	sadd.s32 s24, s25  }
0x61: {  	[tilespmem:s25+$0x0 ss:$0x41] =	vst.msk $0xffff, v1;
	v1 =	vld.idx.msk [tilespmem:v0+s26+$0x50 ss:$0x1], $0xffff  }
0x62: {  	[tilespmem:s25+$0x410 ss:$0x41] =	vst.msk $0xffff, v2;
	v2 =	vld.idx.msk [tilespmem:v0+s26+$0x60 ss:$0x1], $0xffff  }
0x63: {  	p1 =	por p0, p0;
	[tilespmem:s25+$0x820 ss:$0x41] =	vst.msk $0xffff, v3;
	v3 =	vld.idx.msk [tilespmem:v0+s26+$0x70 ss:$0x1], $0xffff  }
.Ltmp4:
0x64: {  	[tilespmem:s25+$0xC30 ss:$0x41] =	vst.msk $0xffff, v4;
	(pc) =	sbr.rel @p1 .LBB1_6-.Ltmp4, $4  }
0x65: {  	[tilespmem:s25+$0x1040 ss:$0x41] =	vst.msk $0xffff, v5  }
0x66: {  	[tilespmem:s25+$0x1450 ss:$0x41] =	vst.msk $0xffff, v1  }
0x67: {  	[tilespmem:s25+$0x1860 ss:$0x41] =	vst.msk $0xffff, v2  }
0x68: {  	p0 =	por $0x0, $0x0;
	[tilespmem:s25+$0x1C70 ss:$0x41] =	vst.msk $0xffff, v3;
	s25 =	simm.s32 $0x1  }
0x69: {  	s24 =	sadd.s32 $0x1, s24  }
0x6a: {  	p0 =	sne.s32 s24, $0x40  }
.Ltmp5:
0x6b: {  	_ = 	snop;
	(pc) =	sbr.rel @p0 .LBB1_5-.Ltmp5, $1  }
0x6c: {  	_ =	sdelay $0x3  }
0x6d: {  	s20 =	sshll.u32 s20, $0x7;
	s23 =	sshll.u32 s17, $0x3  }
0x6e: {  	s24 =	sand.u32 $0xFFFFFC00, s20;
	s23 =	sand.u32 $0xFFFFFC00, s23  }
0x6f: {  	s20 =	sand.u32 $0x380, s20;
	s23 =	sadd.s32 s23, s24  }
0x70: {  	s19 =	smul.u32 $0x240000, s19;
	s20 =	sor.u32 s20, s23  }
0x71: {  	s18 =	smul.u32 $0x1800, s18;
	s20 =	sshrl.u32 s20, $0x7  }
0x72: {  	s27 =	smulhi.u32 $0xAAAAAB, s20  }
0x73: {  	s28 =	sshrl.u32 s17, $0x3  }
0x74: {  	s30 =	sand.u32 $0x7, s17;
	s29 =	sadd.s32 s19, s18;
	s23 =	smul.u32 $0x180, s27  }
0x75: {  	s17 =	sshll.u32 s30, $0x12;
	s19 =	sadd.s32 s19, s8;
	s24 =	sadd.s32 s4, s29  }
0x76: {  	s18 =	sadd.s32 s18, s19;
	s20 =	ssub.s32 s20, s23;
	s23 =	sand.u32 $0xF, s28  }
.Ltmp6:
0x77: {  	s20 =	sshll.u32 s20, $0x4;
	s24 =	sadd.s32 s23, s24;
	(pc) =	sbr.rel .LBB1_9-.Ltmp6, $4  }
0x78: {  	s17 =	sor.u32 $0x40, s17;
	s18 =	sadd.s32 s23, s18;
	s24 =	sadd.s32 s20, s24  }
0x79: {  	[hbm4b:s24+s17] =	stream.strided.scatter [tilespmem:s22], [sflag:$0x2], $0x2000, s11, s17, $0x18;
	[tilespmem:$0x10200] =	vst v63  }
0x7a: {  	s31 =	sadd.s32 $0xA080, s21;
	s18 =	sadd.s32 s20, s18  }
0x7b: {  	[hbm4b:s18+s17] =	stream.strided.scatter [tilespmem:s31], [sflag:$0x2], $0x2000, s11, s17, $0x18;
	[tilespmem:$0x10200] =	vst v63  }
.LBB1_10:
0x7c: {  	_ =	sfence.sel $0x180000  }
0x7d: {  	s2 =	simm.s32 $0x1;
	[bflag:$0x0] =	sbarrier.arrive $0xFFFF  }
0x7e: {  	s31 =	simm.s32 $0x2;
	[sflag:s2] =	ssyncpa.u1 $0x1  }
0x7f: {  	[sflag:s31] =	ssyncpa.u1 $0x1  }
0x80: {  	p0 =	sne.s32 s0, $0x0;
	_ =	strace $0x90000047  }
0x81: {  	s0 =	sadd.s32 @!p0 $0x100000, s1;
	[bflag:$0x2] =	sbarrier.arrive $0xFFFF  }
0x82: {  	[sflag:s0] =	ssyncadd.tile.s32 @!p0 $0x1;
	_ =	shalt  }
.Lfunc_end1:
_tile_overlayer_lowered:
.L_overlay_start_2:
0x83: {  	(tag) =	ssettag $0x2  }
0x84: {  	s0 =	rddreg [dreg:$0x0];
	s2 =	stileid.u32  }
0x85: {  	s1 =	rddreg [dreg:$0x1];
	p0 =	sne.s32 s2, $0x0  }
0x86: {  	s3 =	rddreg [dreg:$0x2];
	[bflag:$0x3] =	sbarrier.arrive $0xFFFF;
	s2 =	simm.s32 @!p0 $0x1C01  }
0x87: {  	[timem:s3], [sflag:s2] =	dma.local @!p0 [hbm:s0], s1  }
0x88: {  	s0 =	simm.s32 @!p0 $0x1  }
0x89: {  	_ =	swait.ge @!p0 [sflag:s0], s1  }
0x8a: {  	s1 =	ssub.s32 @!p0 $0x0, s1;
	[sflag:s0] =	ssyncset.done @!p0 $0x0  }
0x8b: {  	[sflag:s0] =	ssyncadd.s32 @!p0 s1  }
0x8c: {  	[bflag:$0x3] =	sbarrier.arrive $0xFFFF  }
0x8d: {  	_ =	shalt  }

// kernel: sparse-core-data-format-call.cloned.1.call-start
scs
called_computation_lowered:
.L_overlay_start_0:
0x0: {  	s2 =	sld [smem:$0x3FD9]  }
0x1: {  	s3 =	sld [smem:$0x3FFE];
	_ =	sdelay $0x1  }
0x2: {  	s1 =	srdreg.scid  }
0x3: {  	s0 =	sand.u32 $0x1, s1  }
0x4: {  	s18 =	sshll.u32 s0, $0xA;
	s2 =	sadd.s32 s3, s2  }
0x5: {  	s2 =	sadd.s32 s2, s18  }
0x6: {  	[smem:$0x3FC6] =	sst s2  }
0x7: {  	_ = 	snop  }
0x8: {  	s2 =	sld [smem:$0x3FD0];
	(tm) =	ssettm $0x1  }
0x9: {  	s19 =	sld [smem:$0x3FFB];
	_ =	sdelay $0x3  }
0xa: {  	_ =	strace s19  }
0xb: {  	s3 =	sld [smem:$0x3FFC];
	_ =	sdelay $0x3  }
0xc: {  	_ =	strace s3  }
0xd: {  	s3 =	sld [smem:$0x3FFD];
	_ =	sdelay $0x3  }
0xe: {  	_ =	strace s3  }
0xf: {  	_ =	strace $0x8FFFFFFF  }
0x10: {  	s20 =	sld [smem:$0x3FDB];
	_ =	sdelay $0x1  }
0x11: {  	s4 =	simm.s32 $_scs_section_size  }
0x12: {  	s5 =	simm.s32 $_size__tile_overlayer_lowered;
	s6 =	simm.s32 $_tile_overlayer_lowered  }
0x13: {  	s23 =	simm.s32 $0x1BFF;
	s22 =	sshll.u32 s6, $0x1;
	s3 =	sadd.s32 s4, s20  }
0x14: {  	s7 =	simm.s32 $0x0;
	s21 =	sshll.u32 s5, $0x1;
	s5 =	sadd.s32 s22, s3  }
0x15: {  	[timem:s7], [sflag:s23] =	dma.local [hbm:s5], s21  }
0x16: {  	_ =	swait.ge [sflag:s23], s21  }
0x17: {  	s4 =	ssub.s32 $0x0, s21;
	[sflag:s23] =	ssyncset.done $0x0  }
0x18: {  	[sflag:s23] =	ssyncadd.s32 s4;
	_ =	sdelay $0x1  }
0x19: {  	s24 =	simm.s32 $0x1B8B  }
0x1a: {  	_ =	swait.ge [sflag:s24], $0x1  }
0x1b: {  	[sflag:s24] =	ssyncset.done $0x0  }
0x1c: {  	s26 =	simm.s32 $0x1B8E;
	s25 =	sld [smem:$0x3FFE];
	[sflag:s24] =	ssyncadd.s32 $0xFFFFFFFF  }
0x1d: {  	s27 =	simm.s32 $execute0_lowered;
	[smem:$0x3FD2] =	sst s26  }
0x1e: {  	s5 =	sshll.u32 s27, $0x1;
	_ =	strace $0x8000004C;
	[dreg:$0x1] =	wrdreg $0xFFFFFFFF  }
0x1f: {  	s28 =	simm.s32 $_size_execute0_lowered;
	s3 =	sadd.s32 s3, s5;
	[dreg:$0x0] =	wrdreg $0x0  }
0x20: {  	s5 =	sshll.u32 s28, $0x1;
	[dreg:$0x2] =	wrdreg s3  }
0x21: {  	[dreg:$0x3] =	wrdreg s5  }
0x22: {  	[dreg:$0x4] =	wrdreg $0xC0  }
0x23: {  	_ =	task [dreg:s7], $0x5FFFF  }
0x24: {  	[dreg:$0x1] =	wrdreg $0xFFFFFFFF  }
0x25: {  	[dreg:$0x0] =	wrdreg $0x60  }
0x26: {  	[dreg:$0x2] =	wrdreg s25  }
0x27: {  	[dreg:$0x3] =	wrdreg s2  }
0x28: {  	[dreg:$0x4] =	wrdreg $0x9  }
0x29: {  	_ =	task.clear_ibuf [dreg:s7], $0x5FFFF;
	_ =	strace $0x9000004C  }
0x2a: {  	s29 =	simm.s32 $0x9;
	_ =	strace $0x8000004E  }
0x2b: {  	_ =	swait.ge [sflag:s29], $0x1  }
0x2c: {  	[sflag:s29] =	ssyncadd.s32 $0xFFFFFFFF  }
0x2d: {  	_ =	strace $0x9000004E  }
0x2e: {  	_ =	sfence  }
0x2f: {  	s30 =	sld [smem:$0x0];
	_ =	sdelay $0x2  }
0x30: {  	s31 =	sshll.u32 s1, $0xD;
	s1 =	sshrl.u32 s1, $0x2  }
0x31: {  	s3 =	sand.u32 $0x4000, s31;
	s1 =	sadd.s32 s1, s30  }
0x32: {  	s0 =	sor.u32 s3, s0;
	s1 =	sshll.u32 s1, $0x11  }
0x33: {  	s0 =	sor.u32 s1, s0  }
0x34: {  	s0 =	sadd.s32 $0x8F2B, s0  }
0x35: {  	[sflag:s0] =	ssyncadd.remote.s32 $0x1  }
0x36: {  	_ =	sfence.sel $0xFFFF  }
0x37: {  	[dreg:$0x0] =	wrdreg $0xFFFFFFFF;
	(pc) =	sbr.abs _section_cstart, $3  }
0x38: {  	[dreg:$0x1] =	wrdreg $0xFFFFFFFF  }
0x39: {  	_ =	task.clear_ibuf [dreg:s7], $0x2FFFF;
	_ =	strace $0x9FFFFFFF  }
0x3a: {  	(tm) =	ssettm $0x7FFFFFFF  }
0x3b: {  	_ =	shalt  }
tec
execute0_lowered:
.L_overlay_start_1:
0x0: {  	(tag) =	ssettag $0x1  }
0x1: {  	s3 =	rddreg [dreg:$0x0]  }
0x2: {  	s2 =	rddreg [dreg:$0x1]  }
0x3: {  	s1 =	srdreg.scid;
	s0 =	rddreg [dreg:$0x2];
	_ =	strace $0x8000004D  }
0x4: {  	s7 =	simm.s32 $0x2;
	s15 =	simm.s32 $0x0;
	p0 =	por $0x0, $0x0  }
0x5: {  	s16 =	simm.s32 $0x0;
	s17 =	simm.s32 $0x0;
	s8 =	simm.s32 $0x0  }
0x6: {  	s10 =	simm.s32 $0x0;
	s11 =	simm.s32 $0x0;
	s12 =	simm.s32 $0x0  }
.Ltmp0:
0x7: {  	s9 =	simm.s32 $0x0;
	s4 =	sshll.u32 s1, $0x4;
	(pc) =	sbr.rel .LBB1_1-.Ltmp0, $4  }
0x8: {  	s1 =	stileid.u32;
	s3 =	sadd.s32 $0xE00, s3;
	s4 =	sand.u32 $0x10, s4  }
0x9: {  	s5 =	sand.u32 $0x3, s1;
	s6 =	sor.u32 s1, s4;
	s4 =	simm.s32 $0x1  }
0xa: {  	s14 =	smov.u32 s5;
	[sflag:s4] =	ssyncpa.u1 $0x0;
	s6 =	sshrl.u32 s6, $0x2  }
0xb: {  	[sflag:s7] =	ssyncpa.u1 $0x0;
	s7 =	simm.s32 $0xC00;
	s13 =	smov.u32 s6  }
.LBB1_5:
0xc: {  	p1 =	slt.u32 s9, $0x2;
	s18 =	smov.u32 s17  }
0xd: {  	p2 =	sgt.s32 @!p1 s17, $0x3;
	s19 =	sshra.s32 @!p1 s17, $0x1F;
	s20 =	sshra.s32 @!p1 s16, $0x1F  }
0xe: {  	p2 =	por !p2, p1;
	s17 =	sand.u32 @!p1 s19, s17;
	s19 =	smov.u32 s16  }
0xf: {  	s18 =	simm.s32 @p2 $0x3;
	p2 =	sgt.s32 @!p1 s16, $0x17F;
	s16 =	sand.u32 @!p1 s20, s16  }
0x10: {  	s20 =	sshra.s32 @!p1 s15, $0x1F;
	s17 =	ssub.s32 @!p1 s18, s17;
	p3 =	por !p2, p1  }
0x11: {  	s18 =	sadd.s32 @!p1 $0xFFFFFFFD, s17;
	s19 =	simm.s32 @p3 $0x17F;
	s17 =	ssub.s32 @!p1 $0x4, s17  }
0x12: {  	p3 =	sgt.s32 @!p1 s15, $0x100;
	p2 =	sgt.s32 @!p1 s18, $0x0;
	s16 =	ssub.s32 @!p1 s19, s16  }
0x13: {  	p3 =	por !p3, p1;
	s19 =	smov.u32 s15;
	s15 =	sand.u32 @!p1 s20, s15  }
0x14: {  	s17 =	smul.u32 @!p1 $0x60, s17;
	s18 =	sadd.s32 @!p1 $0xFFFFFE81, s16;
	s19 =	simm.s32 @p3 $0x100  }
0x15: {  	s16 =	ssub.s32 @!p1 $0x180, s16;
	p3 =	sgt.s32 @!p1 s18, $0x0;
	s15 =	ssub.s32 @!p1 s19, s15  }
0x16: {  	p2 =	por !p2, p1;
	p3 =	por !p3, p1;
	s18 =	sadd.s32 @!p1 $0xFFFFFF00, s15  }
0x17: {  	s17 =	simm.s32 @!p2 $0x0;
	s16 =	simm.s32 @!p3 $0x0;
	p3 =	sgt.s32 @!p1 s18, $0x7F  }
0x18: {  	s15 =	ssub.s32 @!p1 $0x180, s15;
	p2 =	por !p3, p1;
	s16 =	smul.u32 @!p1 s16, s17  }
0x19: {  	s19 =	smov.u32 s13;
	s18 =	sadd.s32 $0x80, s12;
	s15 =	simm.s32 @!p2 $0x0  }
0x1a: {  	p2 =	sgt.s32 s18, $0x17F;
	s15 =	smul.u32 @!p1 s15, s16;
	s16 =	sadd.s32 $0x8, s13  }
0x1b: {  	s19 =	smov.u32 @p2 s16  }
0x1c: {  	s21 =	smov.u32 s14;
	s16 =	sadd.s32 $0x4, s14;
	p3 =	sgt.s32 s19, $0x17F  }
0x1d: {  	s9 =	sadd.s32 $0x1, s9;
	p0 =	por !p0, !p0;
	s21 =	smov.u32 @p3 s16  }
0x1e: {  	s20 =	simm.s32 @!p1 $0x2;
	s18 =	simm.s32 @p2 $0x0;
	p2 =	sgt.s32 s21, $0x3  }
0x1f: {  	s17 =	smov.u32 s11;
	s21 =	smov.u32 @p2 s5;
	p2 =	sne.s32 s9, $0x92  }
.Ltmp1:
0x20: {  	s11 =	smov.u32 s14;
	s15 =	sand.u32 @!p1 $0x3FFFFFE0, s15;
	(pc) =	sbr.rel @!p2 .LBB1_6-.Ltmp1, $4  }
0x21: {  	_ =	swait.ge @!p1 [sflag:s20], s15;
	s22 =	ssub.s32 @!p1 $0x0, s15;
	s15 =	smov.u32 s8  }
0x22: {  	s16 =	smov.u32 s10;
	s19 =	smov.u32 @p3 s6;
	s8 =	smov.u32 s12  }
0x23: {  	s10 =	smov.u32 s13;
	s12 =	smov.u32 s18;
	[sflag:s20] =	ssyncset.done @!p1 $0x0  }
0x24: {  	s13 =	smov.u32 s19;
	[sflag:s20] =	ssyncadd.s32 @!p1 s22;
	s14 =	smov.u32 s21  }
.LBB1_1:
0x25: {  	p1 =	sgt.u32 s9, $0x8F  }
0x26: {  	s18 =	sand.u32 @!p1 $0x1FFFFFF, s12  }
0x27: {  	s19 =	smulhi.u32 @!p1 $0xAAAAAB, s18  }
0x28: {  	s20 =	smul.u32 @!p1 $0x240000, s14  }
0x29: {  	s19 =	smul.u32 @!p1 $0x180, s19  }
0x2a: {  	s21 =	smul.u32 @!p1 $0x1800, s13  }
0x2b: {  	s20 =	sadd.s32 @!p1 s3, s20;
	s18 =	ssub.s32 @!p1 s18, s19;
	s19 =	sxor.u32 @!p1 $0xFFFFFFFF, s9  }
0x2c: {  	s20 =	sadd.s32 @!p1 s21, s20;
	s19 =	sshll.u32 @!p1 s19, $0xE;
	s18 =	sshll.u32 @!p1 s18, $0x4  }
0x2d: {  	s19 =	sand.u32 @!p1 $0x4000, s19;
	s18 =	sadd.s32 @!p1 s18, s20;
	s20 =	simm.s32 @!p1 $0x0  }
0x2e: {  	[tilespmem:s19], [sflag:$0x1] =	stream.linear.gather @!p1 [hbm4b:s18+s20], $0x4000, $0x38;
	[tilespmem:$0x10100] =	vst v63  }
0x2f: {  	p1 =	seq.s32 s9, $0x0  }
0x30: {  	p2 =	seq.s32 @!p1 s9, $0x91  }
0x31: {  	p1 =	por p1, p2  }
.Ltmp2:
0x32: {  	_ = 	snop;
	(pc) =	sbr.rel @p1 .LBB1_5-.Ltmp2, $1  }
0x33: {  	_ =	sdelay $0x3  }
0x34: {  	s18 =	simm.s32 $0x1  }
0x35: {  	_ =	swait.ge [sflag:s4], $0x4000;
	s18 =	simm.s32 @!p0 $0x0  }
0x36: {  	[sflag:s4] =	ssyncset.done $0x0;
	s19 =	sshll.u32 s18, $0xE  }
0x37: {  	[sflag:s4] =	ssyncadd.s32 $0xFFFFC000;
	s19 =	sor.u32 $0x40, s19  }
0x38: {  	s18 =	smul.u32 $0x10200, s18;
	v0 =	vld [tilespmem:s19+$0x30]  }
0x39: {  	v1 =	vld [tilespmem:s19+$0xFFFFFFD0]  }
0x3a: {  	s18 =	sshrl.u32 s18, $0x2;
	v5 =	vld [tilespmem:s19+$0xFFFFFFE0]  }
0x3b: {  	v6 =	vld [tilespmem:s19+$0xFFFFFFF0];
	s21 =	sor.u32 $0x8000, s18  }
0x3c: {  	s31 =	sand.u32 $0x1, s9;
	v4 =	vld [tilespmem:s19+$0x0];
	s20 =	sadd.s32 $0x0, s21  }
0x3d: {  	v3 =	vld [tilespmem:s19+$0x10];
	s18 =	smul.u32 $0x10200, s31;
	[tilespmem:s20+$0x3870 ss:$0x81] =	vst.msk $0xffff, v0  }
0x3e: {  	v2 =	vld [tilespmem:s19+$0x20];
	[tilespmem:s20+$0x810 ss:$0x81] =	vst.msk $0xffff, v1  }
0x3f: {  	s18 =	sshrl.u32 s18, $0x2;
	v1 =	vld [tilespmem:s19+$0xFFFFFFC0];
	[tilespmem:s20+$0x1020 ss:$0x81] =	vst.msk $0xffff, v5;
	s19 =	sadd.s32 $0x80, s19  }
0x40: {  	s22 =	simm.s32 $0x4;
	s23 =	simm.s32 $0x8;
	s18 =	sor.u32 $0x8000, s18;
	[tilespmem:s20+$0x1830 ss:$0x81] =	vst.msk $0xffff, v6;
	v0 =	vld [tilespmem:s19+$0x30]  }
.LBB1_3:
0x41: {  	p1 =	sne.s32 s23, $0x1FC;
	v5 =	vld [tilespmem:s19+$0xFFFFFFD0];
	[tilespmem:s20+$0x2040 ss:$0x81] =	vst.msk $0xffff, v4  }
0x42: {  	v6 =	vld [tilespmem:s19+$0xFFFFFFE0];
	[tilespmem:s20+$0x2850 ss:$0x81] =	vst.msk $0xffff, v3  }
0x43: {  	s24 =	sshra.s32 s22, $0x2;
	s22 =	smov.u32 s23;
	v7 =	vld [tilespmem:s19+$0xFFFFFFF0];
	[tilespmem:s20+$0x3060 ss:$0x81] =	vst.msk $0xffff, v2  }
.Ltmp3:
0x44: {  	v4 =	vld [tilespmem:s19+$0x0];
	[tilespmem:s20+$0x0 ss:$0x81] =	vst.msk $0xffff, v1;
	s20 =	sadd.s32 s24, s21;
	(pc) =	sbr.rel @p1 .LBB1_3-.Ltmp3, $4  }
0x45: {  	v3 =	vld [tilespmem:s19+$0x10];
	[tilespmem:s20+$0x3870 ss:$0x81] =	vst.msk $0xffff, v0  }
0x46: {  	[tilespmem:s20+$0x810 ss:$0x81] =	vst.msk $0xffff, v5;
	v2 =	vld [tilespmem:s19+$0x20]  }
0x47: {  	v1 =	vld [tilespmem:s19+$0xFFFFFFC0];
	[tilespmem:s20+$0x1020 ss:$0x81] =	vst.msk $0xffff, v6;
	s19 =	sadd.s32 $0x80, s19  }
0x48: {  	s23 =	sadd.s32 $0x4, s23;
	v0 =	vld [tilespmem:s19+$0x30];
	[tilespmem:s20+$0x1830 ss:$0x81] =	vst.msk $0xffff, v7  }
0x49: {  	s23 =	sshll.u32 s8, $0x3  }
0x4a: {  	s24 =	sand.u32 $0x7F, s8;
	s22 =	sshra.s32 s22, $0x2;
	s23 =	sand.u32 $0xFFFFFC00, s23  }
0x4b: {  	p1 =	sgt.s32 s11, $0x3;
	s24 =	sor.u32 s24, s23;
	s23 =	smulhi.u32 $0xAAAAAAAB, s23  }
0x4c: {  	s26 =	sshra.s32 s11, $0x1F;
	s28 =	sshra.s32 s10, $0x1F;
	s25 =	smulhi.u32 $0xAAAAAAAB, s24  }
0x4d: {  	s21 =	sadd.s32 s22, s21;
	s26 =	sand.u32 s26, s11;
	s28 =	sand.u32 s28, s10  }
0x4e: {  	[tilespmem:s20+$0x2040 ss:$0x81] =	vst.msk $0xffff, v4;
	s23 =	sshrl.u32 s23, $0x8;
	s30 =	sshrl.u32 s25, $0x8;
	s25 =	smov.u32 s11  }
0x4f: {  	[tilespmem:s20+$0x2850 ss:$0x81] =	vst.msk $0xffff, v3;
	s27 =	smulhi.u32 $0x2AAAAAB, s23;
	s25 =	simm.s32 @!p1 $0x3;
	p1 =	sgt.s32 s10, $0x17F  }
0x50: {  	[tilespmem:s20+$0x3060 ss:$0x81] =	vst.msk $0xffff, v2;
	s22 =	smul.u32 $0x180, s30;
	s25 =	ssub.s32 s25, s26;
	s26 =	smov.u32 s10  }
0x51: {  	[tilespmem:s20+$0x0 ss:$0x81] =	vst.msk $0xffff, v1;
	s20 =	smov.u32 s8;
	s27 =	smul.u32 $0x60, s27;
	s26 =	simm.s32 @!p1 $0x17F  }
0x52: {  	v5 =	vld [tilespmem:s19+$0xFFFFFFD0];
	s31 =	sadd.s32 $0xFFFFFFFD, s25;
	s25 =	ssub.s32 $0x4, s25;
	s26 =	ssub.s32 s26, s28  }
0x53: {  	v58 =	vld [tilespmem:s19+$0xFFFFFFE0];
	s30 =	sshra.s32 s8, $0x1F;
	s25 =	smul.u32 $0x60, s25;
	s29 =	sadd.s32 $0xFFFFFE81, s26  }
0x54: {  	v59 =	vld [tilespmem:s19+$0xFFFFFFF0];
	p1 =	sgt.s32 s31, $0x0;
	s26 =	ssub.s32 $0x180, s26;
	p2 =	sgt.s32 s29, $0x0  }
0x55: {  	v60 =	vld [tilespmem:s19+$0x0];
	s25 =	simm.s32 @p1 $0x0;
	s26 =	simm.s32 @p2 $0x0;
	p2 =	sgt.s32 s8, $0x100  }
0x56: {  	v61 =	vld [tilespmem:s19+$0x10];
	[tilespmem:s21+$0x3870 ss:$0x81] =	vst.msk $0xffff, v0;
	s28 =	sand.u32 s30, s8;
	s20 =	simm.s32 @!p2 $0x100;
	s31 =	smul.u32 s26, s25  }
0x57: {  	v62 =	vld [tilespmem:s19+$0x20];
	[tilespmem:s21+$0x810 ss:$0x81] =	vst.msk $0xffff, v5;
	s25 =	ssub.s32 s23, s27;
	s27 =	smul.u32 $0x1B0000, s11;
	s20 =	ssub.s32 s20, s28  }
0x58: {  	v63 =	vld [tilespmem:s19+$0xFFFFFFC0];
	[tilespmem:s21+$0x1020 ss:$0x81] =	vst.msk $0xffff, v58;
	s22 =	ssub.s32 s24, s22;
	s28 =	smul.u32 $0x1200, s10;
	s26 =	sadd.s32 $0xFFFFFF00, s20  }
0x59: {  	[tilespmem:s21+$0x1830 ss:$0x81] =	vst.msk $0xffff, v59;
	s19 =	smul.u32 $0x30, s25;
	s20 =	ssub.s32 $0x180, s20;
	p1 =	sgt.s32 s26, $0x7F  }
.Ltmp4:
0x5a: {  	[tilespmem:s21+$0x2040 ss:$0x81] =	vst.msk $0xffff, v60;
	s25 =	sadd.s32 s2, s27;
	s20 =	simm.s32 @p1 $0x0;
	(pc) =	sbr.rel .LBB1_5-.Ltmp4, $4  }
0x5b: {  	[tilespmem:s21+$0x2850 ss:$0x81] =	vst.msk $0xffff, v61;
	s29 =	sand.u32 $0x7, s22;
	s23 =	sadd.s32 s28, s25;
	s20 =	smul.u32 s20, s31  }
0x5c: {  	[tilespmem:s21+$0x3060 ss:$0x81] =	vst.msk $0xffff, v62;
	s22 =	sshrl.u32 s22, $0x3;
	s30 =	sshll.u32 s29, $0x12;
	s19 =	sadd.s32 s19, s23  }
0x5d: {  	[tilespmem:s21+$0x0 ss:$0x81] =	vst.msk $0xffff, v63;
	s19 =	sadd.s32 s22, s19;
	s31 =	sor.u32 $0x400, s30;
	s20 =	sand.u32 $0x3FFFFFE0, s20  }
0x5e: {  	[hbm4b:s19+s31] =	stream.strided.scatter [tilespmem:s18], [sflag:$0x2], s20, s7, s31, $0x20;
	[tilespmem:$0x10100] =	vst v63  }
.LBB1_6:
0x5f: {  	_ =	sfence.sel $0x180000  }
0x60: {  	s2 =	simm.s32 $0x1;
	[bflag:$0x0] =	sbarrier.arrive $0xFFFF  }
0x61: {  	s31 =	simm.s32 $0x2;
	[sflag:s2] =	ssyncpa.u1 $0x1  }
0x62: {  	[sflag:s31] =	ssyncpa.u1 $0x1  }
0x63: {  	p0 =	sne.s32 s1, $0x0;
	_ =	strace $0x9000004D  }
0x64: {  	s0 =	sadd.s32 @!p0 $0x100000, s0;
	[bflag:$0x2] =	sbarrier.arrive $0xFFFF  }
0x65: {  	[sflag:s0] =	ssyncadd.tile.s32 @!p0 $0x1;
	_ =	shalt  }
.Lfunc_end1:
_tile_overlayer_lowered:
.L_overlay_start_2:
0x66: {  	(tag) =	ssettag $0x2  }
0x67: {  	s0 =	rddreg [dreg:$0x0];
	s2 =	stileid.u32  }
0x68: {  	s1 =	rddreg [dreg:$0x1];
	p0 =	sne.s32 s2, $0x0  }
0x69: {  	s3 =	rddreg [dreg:$0x2];
	[bflag:$0x3] =	sbarrier.arrive $0xFFFF;
	s2 =	simm.s32 @!p0 $0x1C01  }
0x6a: {  	[timem:s3], [sflag:s2] =	dma.local @!p0 [hbm:s0], s1  }
0x6b: {  	s0 =	simm.s32 @!p0 $0x1  }
0x6c: {  	_ =	swait.ge @!p0 [sflag:s0], s1  }
0x6d: {  	s1 =	ssub.s32 @!p0 $0x0, s1;
	[sflag:s0] =	ssyncset.done @!p0 $0x0  }
0x6e: {  	[sflag:s0] =	ssyncadd.s32 @!p0 s1  }
0x6f: {  	[bflag:$0x3] =	sbarrier.arrive $0xFFFF  }
0x70: {  	_ =	shalt  }

</sc_bundles>
